<compile_context>
chip_gen: v7x
topology: tpu7x:2x2x1
jax: 0.10.2.dev20260603
libtpu: 0.0.44.dev20260713+nightly
codegen_flags: <defaults>
</compile_context>

<pallas_src>
import functools

import jax
import jax.numpy as jnp
from jax import lax
from jax.experimental import pallas as pl
from jax.experimental.pallas import tpu as pltpu
from jax.experimental.pallas import tpu_sc as plsc

NW = 32
GB = 128


def _pad_up(n, m):
    return (n + m - 1) // m * m



@functools.lru_cache(maxsize=None)
def _make_seg_sum(D, Ep, NdP, ones_mode):
    G = Ep // NW // GB
    RPT = NdP // 16
    mesh = plsc.VectorSubcoreMesh(core_axis_name="c", subcore_axis_name="s")

    @functools.partial(
        pl.kernel,
        mesh=mesh,
        compiler_params=pltpu.CompilerParams(use_tc_tiling_on_sc=False),
        out_type=jax.ShapeDtypeStruct((2, NdP, D), jnp.float32),
        scratch_types=[
            pltpu.VMEM((G, GB), jnp.int32),
            pltpu.VMEM((G, GB), jnp.int32),
            pltpu.VMEM((2, GB, D), jnp.float32),
            pltpu.VMEM_SHARED((NdP, D), jnp.float32),
            pltpu.SemaphoreType.DMA,
        ],
    )
    def k(feat_hbm, src_hbm, dst_hbm, zrow_hbm, out_hbm,
          src_v, dst_v, rows_v, acc_sh, sem):
        c = lax.axis_index("c")
        s = lax.axis_index("s")
        wid = s * 2 + c
        pltpu.sync_copy(zrow_hbm, acc_sh.at[pl.ds(s * RPT, RPT)])
        plsc.subcore_barrier()
        pltpu.sync_copy(src_hbm.at[pl.ds(wid * G, G)], src_v)
        pltpu.sync_copy(dst_hbm.at[pl.ds(wid * G, G)], dst_v)
        if ones_mode:
            pltpu.sync_copy(feat_hbm, rows_v.at[0])

            def body(g, carry):
                pltpu.sync_copy(rows_v.at[0], acc_sh.at[dst_v.at[g]],
                                add=True)
                return carry
        else:
            pltpu.async_copy(feat_hbm.at[src_v.at[0]], rows_v.at[0], sem)

            def body(g, carry):
                @pl.when(g + 1 < G)
                def _():
                    pltpu.async_copy(feat_hbm.at[src_v.at[g + 1]],
                                     rows_v.at[(g + 1) % 2], sem)
                pltpu.make_async_copy(feat_hbm.at[src_v.at[g]],
                                      rows_v.at[g % 2], sem).wait()
                pltpu.sync_copy(rows_v.at[g % 2], acc_sh.at[dst_v.at[g]],
                                add=True)
                return carry

        lax.fori_loop(0, G, body, 0)
        plsc.subcore_barrier()
        pltpu.sync_copy(acc_sh.at[pl.ds(s * RPT, RPT)],
                        out_hbm.at[c].at[pl.ds(s * RPT, RPT)])

    return k


def _pad_edges(src, dst, trash_dst):
    E = src.shape[0]
    Ep = _pad_up(E, NW * GB * 8)
    pad = Ep - E
    src = jnp.concatenate([src, jnp.zeros((pad,), jnp.int32)])
    dst = jnp.concatenate([dst, jnp.full((pad,), trash_dst, jnp.int32)])
    return src.reshape(Ep // GB, GB), dst.reshape(Ep // GB, GB), Ep


def _seg_sum(feat, src2d, dst2d, Ep, NdP):
    D = feat.shape[1]
    zrow = jnp.zeros((NdP // 16, D), jnp.float32)
    out = _make_seg_sum(D, Ep, NdP, False)(feat, src2d, dst2d, zrow)
    return out[0] + out[1]


def _seg_count(dst2d, Ep, NdP):
    ones = jnp.ones((GB, 8), jnp.float32)
    zrow = jnp.zeros((NdP // 16, 8), jnp.float32)
    out = _make_seg_sum(8, Ep, NdP, True)(ones, dst2d, dst2d, zrow)
    return out[0] + out[1]



_BM = 512


def _mm_body(x_ref, w_ref, o_ref):
    o_ref[...] = jnp.dot(x_ref[...], w_ref[...],
                         preferred_element_type=jnp.float32)


def _matmul(x, w):
    M, K = x.shape
    N = w.shape[1]
    grid = (_pad_up(M, _BM) // _BM,)
    return pl.pallas_call(
        _mm_body,
        grid=grid,
        in_specs=[pl.BlockSpec((_BM, K), lambda i: (i, 0)),
                  pl.BlockSpec((K, N), lambda i: (0, 0))],
        out_specs=pl.BlockSpec((_BM, N), lambda i: (i, 0)),
        out_shape=jax.ShapeDtypeStruct((M, N), jnp.float32),
    )(x, w)


def _leaky(h):
    return jnp.where(h > 0, h, 0.01 * h)


def _k2_body(sw_ref, cw_ref, sr_ref, cr_ref, rp_ref, b_ref, w_ref, o_ref):
    cw = jnp.maximum(cw_ref[:, 0:1], 1.0)
    cr = jnp.maximum(cr_ref[:, 0:1], 1.0)
    h = sw_ref[...] / cw + sr_ref[...] / cr + rp_ref[...] + b_ref[...]
    o_ref[...] = jnp.dot(_leaky(h), w_ref[...],
                         preferred_element_type=jnp.float32)


def _k2(sum_w, cnt_w, sum_r, cnt_r, r_paper, bias_p, w2):
    M = sum_w.shape[0]
    grid = (_pad_up(M, _BM) // _BM,)
    row = pl.BlockSpec((_BM, 32), lambda i: (i, 0))
    cntspec = pl.BlockSpec((_BM, 8), lambda i: (i, 0))
    return pl.pallas_call(
        _k2_body,
        grid=grid,
        in_specs=[row, cntspec, row, cntspec, row,
                  pl.BlockSpec((1, 32), lambda i: (0, 0)),
                  pl.BlockSpec((32, 32), lambda i: (0, 0))],
        out_specs=row,
        out_shape=jax.ShapeDtypeStruct((M, 32), jnp.float32),
    )(sum_w, cnt_w, sum_r, cnt_r, r_paper, bias_p.reshape(1, 32), w2)


def _k3_body(s1_ref, cnt_ref, rc_ref, b1_ref, s2_ref, b2_ref,
             wr_ref, wl_ref, bl_ref, o_ref):
    cnt = jnp.maximum(cnt_ref[:, 0:1], 1.0)
    h1 = _leaky(s1_ref[...] / cnt + rc_ref[...] + b1_ref[...])
    h2 = _leaky(s2_ref[...] / cnt + b2_ref[...] +
                jnp.dot(h1, wr_ref[...], preferred_element_type=jnp.float32))
    o_ref[...] = jnp.dot(h2, wl_ref[...],
                         preferred_element_type=jnp.float32) + bl_ref[...]


def _k3(sum1, cnt, r_conf, b1, sum2, b2, w2r, wlin_pad, blin_pad):
    M = sum1.shape[0]
    grid = (_pad_up(M, _BM) // _BM,)
    row = pl.BlockSpec((_BM, 32), lambda i: (i, 0))
    return pl.pallas_call(
        _k3_body,
        grid=grid,
        in_specs=[row, pl.BlockSpec((_BM, 8), lambda i: (i, 0)), row,
                  pl.BlockSpec((1, 32), lambda i: (0, 0)), row,
                  pl.BlockSpec((1, 32), lambda i: (0, 0)),
                  pl.BlockSpec((32, 32), lambda i: (0, 0)),
                  pl.BlockSpec((32, 8), lambda i: (0, 0)),
                  pl.BlockSpec((1, 8), lambda i: (0, 0))],
        out_specs=pl.BlockSpec((_BM, 8), lambda i: (i, 0)),
        out_shape=jax.ShapeDtypeStruct((M, 8), jnp.float32),
    )(sum1, cnt, r_conf, b1.reshape(1, 32), sum2, b2.reshape(1, 32),
      w2r, wlin_pad, blin_pad.reshape(1, 8))



N_AUTHOR, N_PAPER, N_CONF = 50000, 100000, 10000
NDP_P = _pad_up(N_PAPER + 1, 128)
NDP_C = _pad_up(N_CONF + 1, 128)


def kernel(x_author, x_paper, x_conference,
           edge_index_writes, edge_index_rev_writes,
           edge_index_published_in, edge_index_rev_published_in,
           W1_l_writes, W1_r_writes, b1_writes,
           W2_l_writes, W2_r_writes, b2_writes,
           W1_l_rev_writes, W1_r_rev_writes, b1_rev_writes,
           W2_l_rev_writes, W2_r_rev_writes, b2_rev_writes,
           W1_l_published_in, W1_r_published_in, b1_published_in,
           W2_l_published_in, W2_r_published_in, b2_published_in,
           W1_l_rev_published_in, W1_r_rev_published_in, b1_rev_published_in,
           W2_l_rev_published_in, W2_r_rev_published_in, b2_rev_published_in,
           W_lin, b_lin):
    p_writes = _matmul(x_author, W1_l_writes)
    y_conf = _matmul(x_conference,
                     jnp.concatenate([W1_l_rev_published_in,
                                      W1_r_published_in], axis=1))
    p_rpi, r_conf = y_conf[:, :32], y_conf[:, 32:]
    y_paper = _matmul(x_paper,
                      jnp.concatenate([W1_l_published_in,
                                       W1_r_writes + W1_r_rev_published_in],
                                      axis=1))
    p_pi, r_paper = y_paper[:, :32], y_paper[:, 32:]

    sw2, dw2, ep_w = _pad_edges(edge_index_writes[0],
                                edge_index_writes[1], N_PAPER)
    sr2, dr2, ep_r = _pad_edges(edge_index_rev_published_in[0],
                                edge_index_rev_published_in[1], N_PAPER)
    sp2, dp2, ep_p = _pad_edges(edge_index_published_in[0],
                                edge_index_published_in[1], N_CONF)

    cnt_w = _seg_count(dw2, ep_w, NDP_P)
    dall = jnp.concatenate([dr2.reshape(-1), dp2.reshape(-1) + NDP_P])
    cnts = _seg_count(dall.reshape(-1, GB), ep_r + ep_p, NDP_P + NDP_C)
    cnt_r = cnts[:NDP_P]
    cnt_p = cnts[NDP_P:]

    sum_w = jnp.concatenate(
        [_seg_sum(p_writes[:, q * 8:(q + 1) * 8], sw2, dw2, ep_w, NDP_P)
         for q in range(4)], axis=1)
    sum_r = jnp.concatenate(
        [_seg_sum(p_rpi[:, q * 8:(q + 1) * 8], sr2, dr2, ep_r, NDP_P)
         for q in range(4)], axis=1)
    sum_p1 = _seg_sum(p_pi, sp2, dp2, ep_p, NDP_C)

    r_paper_pad = jnp.pad(r_paper, ((0, NDP_P - N_PAPER), (0, 0)))
    feat2 = _k2(sum_w, cnt_w, sum_r, cnt_r, r_paper_pad,
                b1_writes + b1_rev_published_in, W2_l_published_in)

    sum_p2 = _seg_sum(feat2, sp2, dp2, ep_p, NDP_C)

    r_conf_pad = jnp.pad(r_conf, ((0, NDP_C - N_CONF), (0, 0)))
    wlin_pad = jnp.pad(W_lin, ((0, 0), (0, 6)))
    blin_pad = jnp.pad(b_lin, (0, 6))
    out = _k3(sum_p1, cnt_p, r_conf_pad, b1_published_in,
              sum_p2, b2_published_in, W2_r_published_in,
              wlin_pad, blin_pad)
    return out[:N_CONF, :2]

# --- scband reference (transcript-rebuilt; emitter-appended) ---
"""Pipeline reference for scband-gnn-69853348102417 (READ-ONLY COPY).

The authoritative reference and input builder live on the scoring server;
editing this copy changes nothing except your own understanding.
"""

import jax, jax.numpy as jnp
import numpy as np

N = {"author": 50000, "paper": 100000, "conference": 10000}
D_IN = 128
D_H = 32
EDGES = [("author", "writes", "paper", 500000),
         ("paper", "rev_writes", "author", 500000),
         ("paper", "published_in", "conference", 100000),
         ("conference", "rev_published_in", "paper", 100000)]


def _glorot(k, fan_in, fan_out):
    lim = float(np.sqrt(6.0 / (fan_in + fan_out)))
    return jax.random.uniform(k, (fan_in, fan_out), minval=-lim, maxval=lim, dtype=jnp.float32)


def setup_inputs(seed=0):
    key = jax.random.key(seed)
    i = [0]
    def nk():
        i[0] += 1
        return jax.random.fold_in(key, i[0])
    inp = {}
    for nt, n in N.items():
        inp["x_" + nt] = jax.random.normal(nk(), (n, D_IN), dtype=jnp.float32)
    for (s, r, d, e) in EDGES:
        src = jax.random.randint(nk(), (e,), 0, N[s], dtype=jnp.int32)
        dst = jax.random.randint(nk(), (e,), 0, N[d], dtype=jnp.int32)
        inp["edge_index_" + r] = jnp.stack([src, dst])
    for (s, r, d, e) in EDGES:
        inp["W1_l_" + r] = _glorot(nk(), D_IN, D_H)
        inp["W1_r_" + r] = _glorot(nk(), D_IN, D_H)
        inp["b1_" + r] = jnp.zeros((D_H,), jnp.float32)
        inp["W2_l_" + r] = _glorot(nk(), D_H, D_H)
        inp["W2_r_" + r] = _glorot(nk(), D_H, D_H)
        inp["b2_" + r] = jnp.zeros((D_H,), jnp.float32)
    inp["W_lin"] = _glorot(nk(), D_H, 2)
    inp["b_lin"] = jnp.zeros((2,), jnp.float32)
    return inp


def _sage(x_src, x_dst, ei, W_l, b_l, W_r):
    # PyG SAGEConv: out = lin_l(mean_j x_src[j]) + lin_r(x_dst); bias in lin_l
    src, dst = ei[0], ei[1]
    msgs = jnp.take(x_src, src, axis=0)
    n_dst = x_dst.shape[0]
    summed = jax.ops.segment_sum(msgs, dst, num_segments=n_dst)
    cnt = jax.ops.segment_sum(jnp.ones((ei.shape[1],), jnp.float32), dst, num_segments=n_dst)
    agg = summed / jnp.maximum(cnt, 1.0)[:, None]
    return agg @ W_l + b_l + x_dst @ W_r


def _hetero_layer(x, eidx, params, layer):
    # HeteroConv with default aggr='sum' over edge types per dst node type
    out = {}
    for (s, r, d, _) in EDGES:
        y = _sage(x[s], x[d], eidx[r],
                  params["W%d_l_%s" % (layer, r)],
                  params["b%d_%s" % (layer, r)],
                  params["W%d_r_%s" % (layer, r)])
        out[d] = y if d not in out else out[d] + y
    return out


def _forward(kw):
    x = {nt: kw["x_" + nt] for nt in N}
    eidx = {r: kw["edge_index_" + r] for (_, r, _, _) in EDGES}
    h = _hetero_layer(x, eidx, kw, 1)
    h = {k: jax.nn.leaky_relu(v, 0.01) for k, v in h.items()}
    h = _hetero_layer(h, eidx, kw, 2)
    h = {k: jax.nn.leaky_relu(v, 0.01) for k, v in h.items()}
    return h["conference"] @ kw["W_lin"] + kw["b_lin"]


def reference(x_author, x_paper, x_conference,
              edge_index_writes, edge_index_rev_writes,
              edge_index_published_in, edge_index_rev_published_in,
              W1_l_writes, W1_r_writes, b1_writes,
              W2_l_writes, W2_r_writes, b2_writes,
              W1_l_rev_writes, W1_r_rev_writes, b1_rev_writes,
              W2_l_rev_writes, W2_r_rev_writes, b2_rev_writes,
              W1_l_published_in, W1_r_published_in, b1_published_in,
              W2_l_published_in, W2_r_published_in, b2_published_in,
              W1_l_rev_published_in, W1_r_rev_published_in, b1_rev_published_in,
              W2_l_rev_published_in, W2_r_rev_published_in, b2_rev_published_in,
              W_lin, b_lin):
    kw = dict(locals())
    return _forward(kw)

if __name__ == "__main__":
    import jax
    _d = setup_inputs()
    print(jax.jit(kernel)(*tuple(_d.values())))

</pallas_src>

<mosaic_0001>
#map = affine_map<(d0, d1) -> (0, 0)>
#map1 = affine_map<(d0, d1) -> (0, 0, 0)>
module attributes {stable_mosaic.version = 14 : i64} {
  func.func @k(%arg0: i32, %arg1: i32, %arg2: memref<10000x8xf32, #tpu.memory_space<hbm>>, %arg3: memref<1024x128xi32, #tpu.memory_space<hbm>>, %arg4: memref<1024x128xi32, #tpu.memory_space<hbm>>, %arg5: memref<6256x8xf32, #tpu.memory_space<hbm>>, %arg6: memref<2x100096x8xf32, #tpu.memory_space<hbm>>, %arg7: memref<32x128xi32, #tpu.memory_space<vmem>>, %arg8: memref<32x128xi32, #tpu.memory_space<vmem>>, %arg9: memref<2x128x8xf32, #tpu.memory_space<vmem>>, %arg10: memref<100096x8xf32, #tpu.memory_space<vmem_shared>>, %arg11: memref<!tpu.dma_semaphore, #tpu.memory_space<semaphore_mem>>) attributes {dimension_semantics = [#tpu.dimension_semantics<core_parallel>, #tpu.dimension_semantics<subcore_parallel>], iteration_bounds = array<i64: 2, 16>, scalar_prefetch = 0 : i64, scratch_operands = 5 : i64, tpu.core_type = #tpu.core_type<sc_vector_subcore>, window_params = [{transform_indices = #map}, {transform_indices = #map}, {transform_indices = #map}, {transform_indices = #map}, {transform_indices = #map1}]} {
    %mul3A = arith.constant 2 : i32
    %mul3A_0 = arith.muli %arg1, %mul3A : i32
    %add3A = arith.addi %mul3A_0, %arg0 : i32
    %mul3A_1 = arith.constant 6256 : i32
    %mul3A_2 = arith.muli %arg1, %mul3A_1 : i32
    "tpu.region"() ({
      %run_scoped3A = tpu.sem_alloc : memref<!tpu.dma_semaphore, #tpu.memory_space<semaphore_mem>>
      %dma_start3A_28 = arith.constant 0 : i32
      %dma_start3A_29 = tpu.memref_slice %arg10[%mul3A_2, %dma_start3A_28] : memref<100096x8xf32, #tpu.memory_space<vmem_shared>> -> memref<6256x8xf32, #tpu.memory_space<vmem_shared>>
      tpu.enqueue_dma source(%arg5 : memref<6256x8xf32, #tpu.memory_space<hbm>>) target(%dma_start3A_29 : memref<6256x8xf32, #tpu.memory_space<vmem_shared>>) target_semaphore(%run_scoped3A : memref<!tpu.dma_semaphore, #tpu.memory_space<semaphore_mem>>)
      %dma_wait3A = arith.constant 0 : i32
      %dma_wait3A_30 = tpu.memref_slice %arg10[%mul3A_2, %dma_wait3A] : memref<100096x8xf32, #tpu.memory_space<vmem_shared>> -> memref<6256x8xf32, #tpu.memory_space<vmem_shared>>
      tpu.wait_dma2 semaphore(%run_scoped3A : memref<!tpu.dma_semaphore, #tpu.memory_space<semaphore_mem>>) src(%arg5 : memref<6256x8xf32, #tpu.memory_space<hbm>>) dst(%dma_wait3A_30 : memref<6256x8xf32, #tpu.memory_space<vmem_shared>>)
      tpu.yield
    }) : () -> ()
    %barrier3A = arith.constant 0 : index
    tpu.barrier barrier_id(%barrier3A)
    %mul3A_3 = arith.constant 32 : i32
    %mul3A_4 = arith.muli %add3A, %mul3A_3 : i32
    "tpu.region"() ({
      %run_scoped3A = tpu.sem_alloc : memref<!tpu.dma_semaphore, #tpu.memory_space<semaphore_mem>>
      %dma_start3A_28 = arith.constant 0 : i32
      %dma_start3A_29 = tpu.memref_slice %arg3[%mul3A_4, %dma_start3A_28] : memref<1024x128xi32, #tpu.memory_space<hbm>> -> memref<32x128xi32, #tpu.memory_space<hbm>>
      %dma_start3A_30 = arith.constant 0 : i32
      %dma_start3A_31 = tpu.memref_slice %arg3[%mul3A_4, %dma_start3A_30] : memref<1024x128xi32, #tpu.memory_space<hbm>> -> memref<32x128xi32, #tpu.memory_space<hbm>>
      tpu.enqueue_dma source(%dma_start3A_31 : memref<32x128xi32, #tpu.memory_space<hbm>>) target(%arg7 : memref<32x128xi32, #tpu.memory_space<vmem>>) target_semaphore(%run_scoped3A : memref<!tpu.dma_semaphore, #tpu.memory_space<semaphore_mem>>)
      %dma_wait3A = arith.constant 0 : i32
      %dma_wait3A_32 = tpu.memref_slice %arg3[%mul3A_4, %dma_wait3A] : memref<1024x128xi32, #tpu.memory_space<hbm>> -> memref<32x128xi32, #tpu.memory_space<hbm>>
      %dma_wait3A_33 = arith.constant 0 : i32
      %dma_wait3A_34 = tpu.memref_slice %arg3[%mul3A_4, %dma_wait3A_33] : memref<1024x128xi32, #tpu.memory_space<hbm>> -> memref<32x128xi32, #tpu.memory_space<hbm>>
      tpu.wait_dma2 semaphore(%run_scoped3A : memref<!tpu.dma_semaphore, #tpu.memory_space<semaphore_mem>>) src(%dma_wait3A_34 : memref<32x128xi32, #tpu.memory_space<hbm>>) dst(%arg7 : memref<32x128xi32, #tpu.memory_space<vmem>>)
      tpu.yield
    }) : () -> ()
    %mul3A_5 = arith.constant 32 : i32
    %mul3A_6 = arith.muli %add3A, %mul3A_5 : i32
    "tpu.region"() ({
      %run_scoped3A = tpu.sem_alloc : memref<!tpu.dma_semaphore, #tpu.memory_space<semaphore_mem>>
      %dma_start3A_28 = arith.constant 0 : i32
      %dma_start3A_29 = tpu.memref_slice %arg4[%mul3A_6, %dma_start3A_28] : memref<1024x128xi32, #tpu.memory_space<hbm>> -> memref<32x128xi32, #tpu.memory_space<hbm>>
      %dma_start3A_30 = arith.constant 0 : i32
      %dma_start3A_31 = tpu.memref_slice %arg4[%mul3A_6, %dma_start3A_30] : memref<1024x128xi32, #tpu.memory_space<hbm>> -> memref<32x128xi32, #tpu.memory_space<hbm>>
      tpu.enqueue_dma source(%dma_start3A_31 : memref<32x128xi32, #tpu.memory_space<hbm>>) target(%arg8 : memref<32x128xi32, #tpu.memory_space<vmem>>) target_semaphore(%run_scoped3A : memref<!tpu.dma_semaphore, #tpu.memory_space<semaphore_mem>>)
      %dma_wait3A = arith.constant 0 : i32
      %dma_wait3A_32 = tpu.memref_slice %arg4[%mul3A_6, %dma_wait3A] : memref<1024x128xi32, #tpu.memory_space<hbm>> -> memref<32x128xi32, #tpu.memory_space<hbm>>
      %dma_wait3A_33 = arith.constant 0 : i32
      %dma_wait3A_34 = tpu.memref_slice %arg4[%mul3A_6, %dma_wait3A_33] : memref<1024x128xi32, #tpu.memory_space<hbm>> -> memref<32x128xi32, #tpu.memory_space<hbm>>
      tpu.wait_dma2 semaphore(%run_scoped3A : memref<!tpu.dma_semaphore, #tpu.memory_space<semaphore_mem>>) src(%dma_wait3A_34 : memref<32x128xi32, #tpu.memory_space<hbm>>) dst(%arg8 : memref<32x128xi32, #tpu.memory_space<vmem>>)
      tpu.yield
    }) : () -> ()
    %dma_start3A = arith.constant 0 : i32
    %dma_start3A_7 = arith.constant 0 : i32
    %dma_start3A_8 = arith.constant 0 : i32
    %dma_start3A_9 = arith.constant 0 : i32
    %dma_start3A_10 = tpu.memref_slice %arg9[%dma_start3A_7, %dma_start3A_8, %dma_start3A_9] : memref<2x128x8xf32, #tpu.memory_space<vmem>> -> memref<1x128x8xf32, #tpu.memory_space<vmem>>
    %dma_start3A_11 = tpu.memref_squeeze %dma_start3A_10 : memref<1x128x8xf32, #tpu.memory_space<vmem>> -> memref<128x8xf32, #tpu.memory_space<vmem>>
    %dma_start3A_12 = arith.constant 0 : i32
    %dma_start3A_13 = tpu.memref_slice %arg7[%dma_start3A, %dma_start3A_12] : memref<32x128xi32, #tpu.memory_space<vmem>> -> memref<1x128xi32, #tpu.memory_space<vmem>>
    %dma_start3A_14 = tpu.memref_squeeze %dma_start3A_13 : memref<1x128xi32, #tpu.memory_space<vmem>> -> memref<128xi32, #tpu.memory_space<vmem>>
    %dma_start3A_15 = arith.constant 0 : i32
    %dma_start3A_16 = arith.constant 0 : i32
    %dma_start3A_17 = tpu.memref_slice %arg2[%dma_start3A_15, %dma_start3A_16] : memref<10000x8xf32, #tpu.memory_space<hbm>> -> memref<10000x8xf32, #tpu.memory_space<hbm>>
    tpu.enqueue_indirect_dma source(%dma_start3A_17 : memref<10000x8xf32, #tpu.memory_space<hbm>>) target(%dma_start3A_11 : memref<128x8xf32, #tpu.memory_space<vmem>>) offsets(%dma_start3A_14 : memref<128xi32, #tpu.memory_space<vmem>>) semaphore(%arg11 : memref<!tpu.dma_semaphore, #tpu.memory_space<semaphore_mem>>)
    %scan3A = arith.constant 0 : i32
    %scan3A_18 = arith.constant 0 : i32
    %scan3A_19 = arith.constant 32 : i32
    %scan3A_20 = arith.addi %scan3A_18, %scan3A_19 : i32
    %scan3A_21 = arith.constant 1 : i32
    scf.for %scan3A_28 = %scan3A_18 to %scan3A_20 step %scan3A_21  : i32 {
      %add3A_29 = arith.constant 1 : i32
      %add3A_30 = arith.addi %scan3A_28, %add3A_29 : i32
      %lt3A = arith.constant 32 : i32
      %lt3A_31 = arith.cmpi slt, %add3A_30, %lt3A : i32
      %convert_element_type3A = arith.extui %lt3A_31 : i1 to i32
      %cond3A = arith.constant 0 : i32
      %cond3A_32 = arith.cmpi ne, %convert_element_type3A, %cond3A : i32
      scf.if %cond3A_32 {
        %add3A_68 = arith.constant 1 : i32
        %add3A_69 = arith.addi %scan3A_28, %add3A_68 : i32
        %add3A_70 = arith.constant 1 : i32
        %add3A_71 = arith.addi %scan3A_28, %add3A_70 : i32
        %jit3A_72 = arith.constant 2 : i32
        %eq3A_73 = arith.constant 0 : i32
        %eq3A_74 = arith.cmpi eq, %jit3A_72, %eq3A_73 : i32
        %jit3A_75 = arith.constant 1 : i32
        %select_n3A_76 = arith.select %eq3A_74, %jit3A_75, %jit3A_72 : i32
        %rem3A_77 = arith.remsi %add3A_71, %select_n3A_76 : i32
        %ne3A_78 = arith.constant 0 : i32
        %ne3A_79 = arith.cmpi ne, %rem3A_77, %ne3A_78 : i32
        %lt3A_80 = arith.constant 0 : i32
        %lt3A_81 = arith.cmpi slt, %rem3A_77, %lt3A_80 : i32
        %lt3A_82 = arith.constant 0 : i32
        %lt3A_83 = arith.cmpi slt, %select_n3A_76, %lt3A_82 : i32
        %ne3A_84 = arith.xori %lt3A_81, %lt3A_83 : i1
        %and3A_85 = arith.andi %ne3A_84, %ne3A_79 : i1
        %add3A_86 = arith.addi %rem3A_77, %select_n3A_76 : i32
        %select_n3A_87 = arith.select %and3A_85, %add3A_86, %rem3A_77 : i32
        %dma_start3A_88 = arith.constant 0 : i32
        %dma_start3A_89 = arith.constant 0 : i32
        %dma_start3A_90 = tpu.memref_slice %arg9[%select_n3A_87, %dma_start3A_88, %dma_start3A_89] : memref<2x128x8xf32, #tpu.memory_space<vmem>> -> memref<1x128x8xf32, #tpu.memory_space<vmem>>
        %dma_start3A_91 = tpu.memref_squeeze %dma_start3A_90 : memref<1x128x8xf32, #tpu.memory_space<vmem>> -> memref<128x8xf32, #tpu.memory_space<vmem>>
        %dma_start3A_92 = arith.constant 0 : i32
        %dma_start3A_93 = tpu.memref_slice %arg7[%add3A_69, %dma_start3A_92] : memref<32x128xi32, #tpu.memory_space<vmem>> -> memref<1x128xi32, #tpu.memory_space<vmem>>
        %dma_start3A_94 = tpu.memref_squeeze %dma_start3A_93 : memref<1x128xi32, #tpu.memory_space<vmem>> -> memref<128xi32, #tpu.memory_space<vmem>>
        %dma_start3A_95 = arith.constant 0 : i32
        %dma_start3A_96 = arith.constant 0 : i32
        %dma_start3A_97 = tpu.memref_slice %arg2[%dma_start3A_95, %dma_start3A_96] : memref<10000x8xf32, #tpu.memory_space<hbm>> -> memref<10000x8xf32, #tpu.memory_space<hbm>>
        tpu.enqueue_indirect_dma source(%dma_start3A_97 : memref<10000x8xf32, #tpu.memory_space<hbm>>) target(%dma_start3A_91 : memref<128x8xf32, #tpu.memory_space<vmem>>) offsets(%dma_start3A_94 : memref<128xi32, #tpu.memory_space<vmem>>) semaphore(%arg11 : memref<!tpu.dma_semaphore, #tpu.memory_space<semaphore_mem>>)
      } else {
      }
      %jit3A = arith.constant 2 : i32
      %eq3A = arith.constant 0 : i32
      %eq3A_33 = arith.cmpi eq, %jit3A, %eq3A : i32
      %jit3A_34 = arith.constant 1 : i32
      %select_n3A = arith.select %eq3A_33, %jit3A_34, %jit3A : i32
      %rem3A = arith.remsi %scan3A_28, %select_n3A : i32
      %ne3A = arith.constant 0 : i32
      %ne3A_35 = arith.cmpi ne, %rem3A, %ne3A : i32
      %lt3A_36 = arith.constant 0 : i32
      %lt3A_37 = arith.cmpi slt, %rem3A, %lt3A_36 : i32
      %lt3A_38 = arith.constant 0 : i32
      %lt3A_39 = arith.cmpi slt, %select_n3A, %lt3A_38 : i32
      %ne3A_40 = arith.xori %lt3A_37, %lt3A_39 : i1
      %and3A = arith.andi %ne3A_40, %ne3A_35 : i1
      %add3A_41 = arith.addi %rem3A, %select_n3A : i32
      %select_n3A_42 = arith.select %and3A, %add3A_41, %rem3A : i32
      %dma_wait3A = arith.constant 0 : i32
      %dma_wait3A_43 = arith.constant 0 : i32
      %dma_wait3A_44 = tpu.memref_slice %arg9[%select_n3A_42, %dma_wait3A, %dma_wait3A_43] : memref<2x128x8xf32, #tpu.memory_space<vmem>> -> memref<1x128x8xf32, #tpu.memory_space<vmem>>
      %dma_wait3A_45 = tpu.memref_squeeze %dma_wait3A_44 : memref<1x128x8xf32, #tpu.memory_space<vmem>> -> memref<128x8xf32, #tpu.memory_space<vmem>>
      %dma_wait3A_46 = arith.constant 0 : i32
      %dma_wait3A_47 = tpu.memref_slice %arg7[%scan3A_28, %dma_wait3A_46] : memref<32x128xi32, #tpu.memory_space<vmem>> -> memref<1x128xi32, #tpu.memory_space<vmem>>
      %dma_wait3A_48 = tpu.memref_squeeze %dma_wait3A_47 : memref<1x128xi32, #tpu.memory_space<vmem>> -> memref<128xi32, #tpu.memory_space<vmem>>
      %dma_wait3A_49 = arith.constant 0 : i32
      %dma_wait3A_50 = arith.constant 0 : i32
      %dma_wait3A_51 = tpu.memref_slice %arg2[%dma_wait3A_49, %dma_wait3A_50] : memref<10000x8xf32, #tpu.memory_space<hbm>> -> memref<10000x8xf32, #tpu.memory_space<hbm>>
      tpu.wait_indirect_dma semaphore(%arg11 : memref<!tpu.dma_semaphore, #tpu.memory_space<semaphore_mem>>) src(%dma_wait3A_51 : memref<10000x8xf32, #tpu.memory_space<hbm>>) dst(%dma_wait3A_45 : memref<128x8xf32, #tpu.memory_space<vmem>>)
      %jit3A_52 = arith.constant 2 : i32
      %eq3A_53 = arith.constant 0 : i32
      %eq3A_54 = arith.cmpi eq, %jit3A_52, %eq3A_53 : i32
      %jit3A_55 = arith.constant 1 : i32
      %select_n3A_56 = arith.select %eq3A_54, %jit3A_55, %jit3A_52 : i32
      %rem3A_57 = arith.remsi %scan3A_28, %select_n3A_56 : i32
      %ne3A_58 = arith.constant 0 : i32
      %ne3A_59 = arith.cmpi ne, %rem3A_57, %ne3A_58 : i32
      %lt3A_60 = arith.constant 0 : i32
      %lt3A_61 = arith.cmpi slt, %rem3A_57, %lt3A_60 : i32
      %lt3A_62 = arith.constant 0 : i32
      %lt3A_63 = arith.cmpi slt, %select_n3A_56, %lt3A_62 : i32
      %ne3A_64 = arith.xori %lt3A_61, %lt3A_63 : i1
      %and3A_65 = arith.andi %ne3A_64, %ne3A_59 : i1
      %add3A_66 = arith.addi %rem3A_57, %select_n3A_56 : i32
      %select_n3A_67 = arith.select %and3A_65, %add3A_66, %rem3A_57 : i32
      "tpu.region"() ({
        %run_scoped3A = tpu.sem_alloc : memref<!tpu.dma_semaphore, #tpu.memory_space<semaphore_mem>>
        %dma_start3A_68 = arith.constant 0 : i32
        %dma_start3A_69 = arith.constant 0 : i32
        %dma_start3A_70 = tpu.memref_slice %arg9[%select_n3A_67, %dma_start3A_68, %dma_start3A_69] : memref<2x128x8xf32, #tpu.memory_space<vmem>> -> memref<1x128x8xf32, #tpu.memory_space<vmem>>
        %dma_start3A_71 = tpu.memref_squeeze %dma_start3A_70 : memref<1x128x8xf32, #tpu.memory_space<vmem>> -> memref<128x8xf32, #tpu.memory_space<vmem>>
        %dma_start3A_72 = arith.constant 0 : i32
        %dma_start3A_73 = tpu.memref_slice %arg8[%scan3A_28, %dma_start3A_72] : memref<32x128xi32, #tpu.memory_space<vmem>> -> memref<1x128xi32, #tpu.memory_space<vmem>>
        %dma_start3A_74 = tpu.memref_squeeze %dma_start3A_73 : memref<1x128xi32, #tpu.memory_space<vmem>> -> memref<128xi32, #tpu.memory_space<vmem>>
        %dma_start3A_75 = arith.constant 0 : i32
        %dma_start3A_76 = arith.constant 0 : i32
        %dma_start3A_77 = tpu.memref_slice %arg10[%dma_start3A_75, %dma_start3A_76] : memref<100096x8xf32, #tpu.memory_space<vmem_shared>> -> memref<100096x8xf32, #tpu.memory_space<vmem_shared>>
        tpu.enqueue_indirect_dma source(%dma_start3A_71 : memref<128x8xf32, #tpu.memory_space<vmem>>) target(%dma_start3A_77 : memref<100096x8xf32, #tpu.memory_space<vmem_shared>>) offsets(%dma_start3A_74 : memref<128xi32, #tpu.memory_space<vmem>>) semaphore(%run_scoped3A : memref<!tpu.dma_semaphore, #tpu.memory_space<semaphore_mem>>) {add = true}
        %dma_wait3A_78 = arith.constant 0 : i32
        %dma_wait3A_79 = arith.constant 0 : i32
        %dma_wait3A_80 = tpu.memref_slice %arg9[%select_n3A_67, %dma_wait3A_78, %dma_wait3A_79] : memref<2x128x8xf32, #tpu.memory_space<vmem>> -> memref<1x128x8xf32, #tpu.memory_space<vmem>>
        %dma_wait3A_81 = tpu.memref_squeeze %dma_wait3A_80 : memref<1x128x8xf32, #tpu.memory_space<vmem>> -> memref<128x8xf32, #tpu.memory_space<vmem>>
        %dma_wait3A_82 = arith.constant 0 : i32
        %dma_wait3A_83 = tpu.memref_slice %arg8[%scan3A_28, %dma_wait3A_82] : memref<32x128xi32, #tpu.memory_space<vmem>> -> memref<1x128xi32, #tpu.memory_space<vmem>>
        %dma_wait3A_84 = tpu.memref_squeeze %dma_wait3A_83 : memref<1x128xi32, #tpu.memory_space<vmem>> -> memref<128xi32, #tpu.memory_space<vmem>>
        %dma_wait3A_85 = arith.constant 0 : i32
        %dma_wait3A_86 = arith.constant 0 : i32
        %dma_wait3A_87 = tpu.memref_slice %arg10[%dma_wait3A_85, %dma_wait3A_86] : memref<100096x8xf32, #tpu.memory_space<vmem_shared>> -> memref<100096x8xf32, #tpu.memory_space<vmem_shared>>
        tpu.wait_indirect_dma semaphore(%run_scoped3A : memref<!tpu.dma_semaphore, #tpu.memory_space<semaphore_mem>>) src(%dma_wait3A_81 : memref<128x8xf32, #tpu.memory_space<vmem>>) dst(%dma_wait3A_87 : memref<100096x8xf32, #tpu.memory_space<vmem_shared>>)
        tpu.yield
      }) : () -> ()
    }
    %scan3A_22 = arith.constant 32 : i32
    %barrier3A_23 = arith.constant 0 : index
    tpu.barrier barrier_id(%barrier3A_23)
    %mul3A_24 = arith.constant 6256 : i32
    %mul3A_25 = arith.muli %arg1, %mul3A_24 : i32
    %mul3A_26 = arith.constant 6256 : i32
    %mul3A_27 = arith.muli %arg1, %mul3A_26 : i32
    "tpu.region"() ({
      %run_scoped3A = tpu.sem_alloc : memref<!tpu.dma_semaphore, #tpu.memory_space<semaphore_mem>>
      %dma_start3A_28 = arith.constant 0 : i32
      %dma_start3A_29 = arith.constant 0 : i32
      %dma_start3A_30 = tpu.memref_slice %arg6[%arg0, %dma_start3A_28, %dma_start3A_29] : memref<2x100096x8xf32, #tpu.memory_space<hbm>> -> memref<1x100096x8xf32, #tpu.memory_space<hbm>>
      %dma_start3A_31 = tpu.memref_squeeze %dma_start3A_30 : memref<1x100096x8xf32, #tpu.memory_space<hbm>> -> memref<100096x8xf32, #tpu.memory_space<hbm>>
      %dma_start3A_32 = arith.constant 0 : i32
      %dma_start3A_33 = tpu.memref_slice %dma_start3A_31[%mul3A_27, %dma_start3A_32] : memref<100096x8xf32, #tpu.memory_space<hbm>> -> memref<6256x8xf32, #tpu.memory_space<hbm>>
      %dma_start3A_34 = arith.constant 0 : i32
      %dma_start3A_35 = tpu.memref_slice %arg10[%mul3A_25, %dma_start3A_34] : memref<100096x8xf32, #tpu.memory_space<vmem_shared>> -> memref<6256x8xf32, #tpu.memory_space<vmem_shared>>
      tpu.enqueue_dma source(%dma_start3A_35 : memref<6256x8xf32, #tpu.memory_space<vmem_shared>>) target(%dma_start3A_33 : memref<6256x8xf32, #tpu.memory_space<hbm>>) target_semaphore(%run_scoped3A : memref<!tpu.dma_semaphore, #tpu.memory_space<semaphore_mem>>)
      %dma_wait3A = arith.constant 0 : i32
      %dma_wait3A_36 = arith.constant 0 : i32
      %dma_wait3A_37 = tpu.memref_slice %arg6[%arg0, %dma_wait3A, %dma_wait3A_36] : memref<2x100096x8xf32, #tpu.memory_space<hbm>> -> memref<1x100096x8xf32, #tpu.memory_space<hbm>>
      %dma_wait3A_38 = tpu.memref_squeeze %dma_wait3A_37 : memref<1x100096x8xf32, #tpu.memory_space<hbm>> -> memref<100096x8xf32, #tpu.memory_space<hbm>>
      %dma_wait3A_39 = arith.constant 0 : i32
      %dma_wait3A_40 = tpu.memref_slice %dma_wait3A_38[%mul3A_27, %dma_wait3A_39] : memref<100096x8xf32, #tpu.memory_space<hbm>> -> memref<6256x8xf32, #tpu.memory_space<hbm>>
      %dma_wait3A_41 = arith.constant 0 : i32
      %dma_wait3A_42 = tpu.memref_slice %arg10[%mul3A_25, %dma_wait3A_41] : memref<100096x8xf32, #tpu.memory_space<vmem_shared>> -> memref<6256x8xf32, #tpu.memory_space<vmem_shared>>
      tpu.wait_dma2 semaphore(%run_scoped3A : memref<!tpu.dma_semaphore, #tpu.memory_space<semaphore_mem>>) src(%dma_wait3A_42 : memref<6256x8xf32, #tpu.memory_space<vmem_shared>>) dst(%dma_wait3A_40 : memref<6256x8xf32, #tpu.memory_space<hbm>>)
      tpu.yield
    }) : () -> ()
    return
  }
}

#map = affine_map<(d0, d1) -> (0, 0)>
#map1 = affine_map<(d0, d1) -> (0, 0, 0)>
module attributes {stable_mosaic.version = 14 : i64} {
  func.func @k(%arg0: i32, %arg1: i32, %arg2: memref<10000x8xf32, #tpu.memory_space<hbm>>, %arg3: memref<1024x128xi32, #tpu.memory_space<hbm>>, %arg4: memref<1024x128xi32, #tpu.memory_space<hbm>>, %arg5: memref<6256x8xf32, #tpu.memory_space<hbm>>, %arg6: memref<2x100096x8xf32, #tpu.memory_space<hbm>>, %arg7: memref<32x128xi32, #tpu.memory_space<vmem>>, %arg8: memref<32x128xi32, #tpu.memory_space<vmem>>, %arg9: memref<2x128x8xf32, #tpu.memory_space<vmem>>, %arg10: memref<100096x8xf32, #tpu.memory_space<vmem_shared>>, %arg11: memref<!tpu.dma_semaphore, #tpu.memory_space<semaphore_mem>>) attributes {dimension_semantics = [#tpu.dimension_semantics<core_parallel>, #tpu.dimension_semantics<subcore_parallel>], iteration_bounds = array<i64: 2, 16>, scalar_prefetch = 0 : i64, scratch_operands = 5 : i64, tpu.core_type = #tpu.core_type<sc_vector_subcore>, window_params = [{transform_indices = #map}, {transform_indices = #map}, {transform_indices = #map}, {transform_indices = #map}, {transform_indices = #map1}]} {
    %mul3A = arith.constant 2 : i32
    %mul3A_0 = arith.muli %arg1, %mul3A : i32
    %add3A = arith.addi %mul3A_0, %arg0 : i32
    %mul3A_1 = arith.constant 6256 : i32
    %mul3A_2 = arith.muli %arg1, %mul3A_1 : i32
    "tpu.region"() ({
      %run_scoped3A = tpu.sem_alloc : memref<!tpu.dma_semaphore, #tpu.memory_space<semaphore_mem>>
      %dma_start3A_28 = arith.constant 0 : i32
      %dma_start3A_29 = tpu.memref_slice %arg10[%mul3A_2, %dma_start3A_28] : memref<100096x8xf32, #tpu.memory_space<vmem_shared>> -> memref<6256x8xf32, #tpu.memory_space<vmem_shared>>
      tpu.enqueue_dma source(%arg5 : memref<6256x8xf32, #tpu.memory_space<hbm>>) target(%dma_start3A_29 : memref<6256x8xf32, #tpu.memory_space<vmem_shared>>) target_semaphore(%run_scoped3A : memref<!tpu.dma_semaphore, #tpu.memory_space<semaphore_mem>>)
      %dma_wait3A = arith.constant 0 : i32
      %dma_wait3A_30 = tpu.memref_slice %arg10[%mul3A_2, %dma_wait3A] : memref<100096x8xf32, #tpu.memory_space<vmem_shared>> -> memref<6256x8xf32, #tpu.memory_space<vmem_shared>>
      tpu.wait_dma2 semaphore(%run_scoped3A : memref<!tpu.dma_semaphore, #tpu.memory_space<semaphore_mem>>) src(%arg5 : memref<6256x8xf32, #tpu.memory_space<hbm>>) dst(%dma_wait3A_30 : memref<6256x8xf32, #tpu.memory_space<vmem_shared>>)
      tpu.yield
    }) : () -> ()
    %barrier3A = arith.constant 0 : index
    tpu.barrier barrier_id(%barrier3A)
    %mul3A_3 = arith.constant 32 : i32
    %mul3A_4 = arith.muli %add3A, %mul3A_3 : i32
    "tpu.region"() ({
      %run_scoped3A = tpu.sem_alloc : memref<!tpu.dma_semaphore, #tpu.memory_space<semaphore_mem>>
      %dma_start3A_28 = arith.constant 0 : i32
      %dma_start3A_29 = tpu.memref_slice %arg3[%mul3A_4, %dma_start3A_28] : memref<1024x128xi32, #tpu.memory_space<hbm>> -> memref<32x128xi32, #tpu.memory_space<hbm>>
      %dma_start3A_30 = arith.constant 0 : i32
      %dma_start3A_31 = tpu.memref_slice %arg3[%mul3A_4, %dma_start3A_30] : memref<1024x128xi32, #tpu.memory_space<hbm>> -> memref<32x128xi32, #tpu.memory_space<hbm>>
      tpu.enqueue_dma source(%dma_start3A_31 : memref<32x128xi32, #tpu.memory_space<hbm>>) target(%arg7 : memref<32x128xi32, #tpu.memory_space<vmem>>) target_semaphore(%run_scoped3A : memref<!tpu.dma_semaphore, #tpu.memory_space<semaphore_mem>>)
      %dma_wait3A = arith.constant 0 : i32
      %dma_wait3A_32 = tpu.memref_slice %arg3[%mul3A_4, %dma_wait3A] : memref<1024x128xi32, #tpu.memory_space<hbm>> -> memref<32x128xi32, #tpu.memory_space<hbm>>
      %dma_wait3A_33 = arith.constant 0 : i32
      %dma_wait3A_34 = tpu.memref_slice %arg3[%mul3A_4, %dma_wait3A_33] : memref<1024x128xi32, #tpu.memory_space<hbm>> -> memref<32x128xi32, #tpu.memory_space<hbm>>
      tpu.wait_dma2 semaphore(%run_scoped3A : memref<!tpu.dma_semaphore, #tpu.memory_space<semaphore_mem>>) src(%dma_wait3A_34 : memref<32x128xi32, #tpu.memory_space<hbm>>) dst(%arg7 : memref<32x128xi32, #tpu.memory_space<vmem>>)
      tpu.yield
    }) : () -> ()
    %mul3A_5 = arith.constant 32 : i32
    %mul3A_6 = arith.muli %add3A, %mul3A_5 : i32
    "tpu.region"() ({
      %run_scoped3A = tpu.sem_alloc : memref<!tpu.dma_semaphore, #tpu.memory_space<semaphore_mem>>
      %dma_start3A_28 = arith.constant 0 : i32
      %dma_start3A_29 = tpu.memref_slice %arg4[%mul3A_6, %dma_start3A_28] : memref<1024x128xi32, #tpu.memory_space<hbm>> -> memref<32x128xi32, #tpu.memory_space<hbm>>
      %dma_start3A_30 = arith.constant 0 : i32
      %dma_start3A_31 = tpu.memref_slice %arg4[%mul3A_6, %dma_start3A_30] : memref<1024x128xi32, #tpu.memory_space<hbm>> -> memref<32x128xi32, #tpu.memory_space<hbm>>
      tpu.enqueue_dma source(%dma_start3A_31 : memref<32x128xi32, #tpu.memory_space<hbm>>) target(%arg8 : memref<32x128xi32, #tpu.memory_space<vmem>>) target_semaphore(%run_scoped3A : memref<!tpu.dma_semaphore, #tpu.memory_space<semaphore_mem>>)
      %dma_wait3A = arith.constant 0 : i32
      %dma_wait3A_32 = tpu.memref_slice %arg4[%mul3A_6, %dma_wait3A] : memref<1024x128xi32, #tpu.memory_space<hbm>> -> memref<32x128xi32, #tpu.memory_space<hbm>>
      %dma_wait3A_33 = arith.constant 0 : i32
      %dma_wait3A_34 = tpu.memref_slice %arg4[%mul3A_6, %dma_wait3A_33] : memref<1024x128xi32, #tpu.memory_space<hbm>> -> memref<32x128xi32, #tpu.memory_space<hbm>>
      tpu.wait_dma2 semaphore(%run_scoped3A : memref<!tpu.dma_semaphore, #tpu.memory_space<semaphore_mem>>) src(%dma_wait3A_34 : memref<32x128xi32, #tpu.memory_space<hbm>>) dst(%arg8 : memref<32x128xi32, #tpu.memory_space<vmem>>)
      tpu.yield
    }) : () -> ()
    %dma_start3A = arith.constant 0 : i32
    %dma_start3A_7 = arith.constant 0 : i32
    %dma_start3A_8 = arith.constant 0 : i32
    %dma_start3A_9 = arith.constant 0 : i32
    %dma_start3A_10 = tpu.memref_slice %arg9[%dma_start3A_7, %dma_start3A_8, %dma_start3A_9] : memref<2x128x8xf32, #tpu.memory_space<vmem>> -> memref<1x128x8xf32, #tpu.memory_space<vmem>>
    %dma_start3A_11 = tpu.memref_squeeze %dma_start3A_10 : memref<1x128x8xf32, #tpu.memory_space<vmem>> -> memref<128x8xf32, #tpu.memory_space<vmem>>
    %dma_start3A_12 = arith.constant 0 : i32
    %dma_start3A_13 = tpu.memref_slice %arg7[%dma_start3A, %dma_start3A_12] : memref<32x128xi32, #tpu.memory_space<vmem>> -> memref<1x128xi32, #tpu.memory_space<vmem>>
    %dma_start3A_14 = tpu.memref_squeeze %dma_start3A_13 : memref<1x128xi32, #tpu.memory_space<vmem>> -> memref<128xi32, #tpu.memory_space<vmem>>
    %dma_start3A_15 = arith.constant 0 : i32
    %dma_start3A_16 = arith.constant 0 : i32
    %dma_start3A_17 = tpu.memref_slice %arg2[%dma_start3A_15, %dma_start3A_16] : memref<10000x8xf32, #tpu.memory_space<hbm>> -> memref<10000x8xf32, #tpu.memory_space<hbm>>
    tpu.enqueue_indirect_dma source(%dma_start3A_17 : memref<10000x8xf32, #tpu.memory_space<hbm>>) target(%dma_start3A_11 : memref<128x8xf32, #tpu.memory_space<vmem>>) offsets(%dma_start3A_14 : memref<128xi32, #tpu.memory_space<vmem>>) semaphore(%arg11 : memref<!tpu.dma_semaphore, #tpu.memory_space<semaphore_mem>>)
    %scan3A = arith.constant 0 : i32
    %scan3A_18 = arith.constant 0 : i32
    %scan3A_19 = arith.constant 32 : i32
    %scan3A_20 = arith.addi %scan3A_18, %scan3A_19 : i32
    %scan3A_21 = arith.constant 1 : i32
    scf.for %scan3A_28 = %scan3A_18 to %scan3A_20 step %scan3A_21  : i32 {
      %add3A_29 = arith.constant 1 : i32
      %add3A_30 = arith.addi %scan3A_28, %add3A_29 : i32
      %lt3A = arith.constant 32 : i32
      %lt3A_31 = arith.cmpi slt, %add3A_30, %lt3A : i32
      %convert_element_type3A = arith.extui %lt3A_31 : i1 to i32
      %cond3A = arith.constant 0 : i32
      %cond3A_32 = arith.cmpi ne, %convert_element_type3A, %cond3A : i32
      scf.if %cond3A_32 {
        %add3A_68 = arith.constant 1 : i32
        %add3A_69 = arith.addi %scan3A_28, %add3A_68 : i32
        %add3A_70 = arith.constant 1 : i32
        %add3A_71 = arith.addi %scan3A_28, %add3A_70 : i32
        %jit3A_72 = arith.constant 2 : i32
        %eq3A_73 = arith.constant 0 : i32
        %eq3A_74 = arith.cmpi eq, %jit3A_72, %eq3A_73 : i32
        %jit3A_75 = arith.constant 1 : i32
        %select_n3A_76 = arith.select %eq3A_74, %jit3A_75, %jit3A_72 : i32
        %rem3A_77 = arith.remsi %add3A_71, %select_n3A_76 : i32
        %ne3A_78 = arith.constant 0 : i32
        %ne3A_79 = arith.cmpi ne, %rem3A_77, %ne3A_78 : i32
        %lt3A_80 = arith.constant 0 : i32
        %lt3A_81 = arith.cmpi slt, %rem3A_77, %lt3A_80 : i32
        %lt3A_82 = arith.constant 0 : i32
        %lt3A_83 = arith.cmpi slt, %select_n3A_76, %lt3A_82 : i32
        %ne3A_84 = arith.xori %lt3A_81, %lt3A_83 : i1
        %and3A_85 = arith.andi %ne3A_84, %ne3A_79 : i1
        %add3A_86 = arith.addi %rem3A_77, %select_n3A_76 : i32
        %select_n3A_87 = arith.select %and3A_85, %add3A_86, %rem3A_77 : i32
        %dma_start3A_88 = arith.constant 0 : i32
        %dma_start3A_89 = arith.constant 0 : i32
        %dma_start3A_90 = tpu.memref_slice %arg9[%select_n3A_87, %dma_start3A_88, %dma_start3A_89] : memref<2x128x8xf32, #tpu.memory_space<vmem>> -> memref<1x128x8xf32, #tpu.memory_space<vmem>>
        %dma_start3A_91 = tpu.memref_squeeze %dma_start3A_90 : memref<1x128x8xf32, #tpu.memory_space<vmem>> -> memref<128x8xf32, #tpu.memory_space<vmem>>
        %dma_start3A_92 = arith.constant 0 : i32
        %dma_start3A_93 = tpu.memref_slice %arg7[%add3A_69, %dma_start3A_92] : memref<32x128xi32, #tpu.memory_space<vmem>> -> memref<1x128xi32, #tpu.memory_space<vmem>>
        %dma_start3A_94 = tpu.memref_squeeze %dma_start3A_93 : memref<1x128xi32, #tpu.memory_space<vmem>> -> memref<128xi32, #tpu.memory_space<vmem>>
        %dma_start3A_95 = arith.constant 0 : i32
        %dma_start3A_96 = arith.constant 0 : i32
        %dma_start3A_97 = tpu.memref_slice %arg2[%dma_start3A_95, %dma_start3A_96] : memref<10000x8xf32, #tpu.memory_space<hbm>> -> memref<10000x8xf32, #tpu.memory_space<hbm>>
        tpu.enqueue_indirect_dma source(%dma_start3A_97 : memref<10000x8xf32, #tpu.memory_space<hbm>>) target(%dma_start3A_91 : memref<128x8xf32, #tpu.memory_space<vmem>>) offsets(%dma_start3A_94 : memref<128xi32, #tpu.memory_space<vmem>>) semaphore(%arg11 : memref<!tpu.dma_semaphore, #tpu.memory_space<semaphore_mem>>)
      } else {
      }
      %jit3A = arith.constant 2 : i32
      %eq3A = arith.constant 0 : i32
      %eq3A_33 = arith.cmpi eq, %jit3A, %eq3A : i32
      %jit3A_34 = arith.constant 1 : i32
      %select_n3A = arith.select %eq3A_33, %jit3A_34, %jit3A : i32
      %rem3A = arith.remsi %scan3A_28, %select_n3A : i32
      %ne3A = arith.constant 0 : i32
      %ne3A_35 = arith.cmpi ne, %rem3A, %ne3A : i32
      %lt3A_36 = arith.constant 0 : i32
      %lt3A_37 = arith.cmpi slt, %rem3A, %lt3A_36 : i32
      %lt3A_38 = arith.constant 0 : i32
      %lt3A_39 = arith.cmpi slt, %select_n3A, %lt3A_38 : i32
      %ne3A_40 = arith.xori %lt3A_37, %lt3A_39 : i1
      %and3A = arith.andi %ne3A_40, %ne3A_35 : i1
      %add3A_41 = arith.addi %rem3A, %select_n3A : i32
      %select_n3A_42 = arith.select %and3A, %add3A_41, %rem3A : i32
      %dma_wait3A = arith.constant 0 : i32
      %dma_wait3A_43 = arith.constant 0 : i32
      %dma_wait3A_44 = tpu.memref_slice %arg9[%select_n3A_42, %dma_wait3A, %dma_wait3A_43] : memref<2x128x8xf32, #tpu.memory_space<vmem>> -> memref<1x128x8xf32, #tpu.memory_space<vmem>>
      %dma_wait3A_45 = tpu.memref_squeeze %dma_wait3A_44 : memref<1x128x8xf32, #tpu.memory_space<vmem>> -> memref<128x8xf32, #tpu.memory_space<vmem>>
      %dma_wait3A_46 = arith.constant 0 : i32
      %dma_wait3A_47 = tpu.memref_slice %arg7[%scan3A_28, %dma_wait3A_46] : memref<32x128xi32, #tpu.memory_space<vmem>> -> memref<1x128xi32, #tpu.memory_space<vmem>>
      %dma_wait3A_48 = tpu.memref_squeeze %dma_wait3A_47 : memref<1x128xi32, #tpu.memory_space<vmem>> -> memref<128xi32, #tpu.memory_space<vmem>>
      %dma_wait3A_49 = arith.constant 0 : i32
      %dma_wait3A_50 = arith.constant 0 : i32
      %dma_wait3A_51 = tpu.memref_slice %arg2[%dma_wait3A_49, %dma_wait3A_50] : memref<10000x8xf32, #tpu.memory_space<hbm>> -> memref<10000x8xf32, #tpu.memory_space<hbm>>
      tpu.wait_indirect_dma semaphore(%arg11 : memref<!tpu.dma_semaphore, #tpu.memory_space<semaphore_mem>>) src(%dma_wait3A_51 : memref<10000x8xf32, #tpu.memory_space<hbm>>) dst(%dma_wait3A_45 : memref<128x8xf32, #tpu.memory_space<vmem>>)
      %jit3A_52 = arith.constant 2 : i32
      %eq3A_53 = arith.constant 0 : i32
      %eq3A_54 = arith.cmpi eq, %jit3A_52, %eq3A_53 : i32
      %jit3A_55 = arith.constant 1 : i32
      %select_n3A_56 = arith.select %eq3A_54, %jit3A_55, %jit3A_52 : i32
      %rem3A_57 = arith.remsi %scan3A_28, %select_n3A_56 : i32
      %ne3A_58 = arith.constant 0 : i32
      %ne3A_59 = arith.cmpi ne, %rem3A_57, %ne3A_58 : i32
      %lt3A_60 = arith.constant 0 : i32
      %lt3A_61 = arith.cmpi slt, %rem3A_57, %lt3A_60 : i32
      %lt3A_62 = arith.constant 0 : i32
      %lt3A_63 = arith.cmpi slt, %select_n3A_56, %lt3A_62 : i32
      %ne3A_64 = arith.xori %lt3A_61, %lt3A_63 : i1
      %and3A_65 = arith.andi %ne3A_64, %ne3A_59 : i1
      %add3A_66 = arith.addi %rem3A_57, %select_n3A_56 : i32
      %select_n3A_67 = arith.select %and3A_65, %add3A_66, %rem3A_57 : i32
      "tpu.region"() ({
        %run_scoped3A = tpu.sem_alloc : memref<!tpu.dma_semaphore, #tpu.memory_space<semaphore_mem>>
        %dma_start3A_68 = arith.constant 0 : i32
        %dma_start3A_69 = arith.constant 0 : i32
        %dma_start3A_70 = tpu.memref_slice %arg9[%select_n3A_67, %dma_start3A_68, %dma_start3A_69] : memref<2x128x8xf32, #tpu.memory_space<vmem>> -> memref<1x128x8xf32, #tpu.memory_space<vmem>>
        %dma_start3A_71 = tpu.memref_squeeze %dma_start3A_70 : memref<1x128x8xf32, #tpu.memory_space<vmem>> -> memref<128x8xf32, #tpu.memory_space<vmem>>
        %dma_start3A_72 = arith.constant 0 : i32
        %dma_start3A_73 = tpu.memref_slice %arg8[%scan3A_28, %dma_start3A_72] : memref<32x128xi32, #tpu.memory_space<vmem>> -> memref<1x128xi32, #tpu.memory_space<vmem>>
        %dma_start3A_74 = tpu.memref_squeeze %dma_start3A_73 : memref<1x128xi32, #tpu.memory_space<vmem>> -> memref<128xi32, #tpu.memory_space<vmem>>
        %dma_start3A_75 = arith.constant 0 : i32
        %dma_start3A_76 = arith.constant 0 : i32
        %dma_start3A_77 = tpu.memref_slice %arg10[%dma_start3A_75, %dma_start3A_76] : memref<100096x8xf32, #tpu.memory_space<vmem_shared>> -> memref<100096x8xf32, #tpu.memory_space<vmem_shared>>
        tpu.enqueue_indirect_dma source(%dma_start3A_71 : memref<128x8xf32, #tpu.memory_space<vmem>>) target(%dma_start3A_77 : memref<100096x8xf32, #tpu.memory_space<vmem_shared>>) offsets(%dma_start3A_74 : memref<128xi32, #tpu.memory_space<vmem>>) semaphore(%run_scoped3A : memref<!tpu.dma_semaphore, #tpu.memory_space<semaphore_mem>>) {add = true}
        %dma_wait3A_78 = arith.constant 0 : i32
        %dma_wait3A_79 = arith.constant 0 : i32
        %dma_wait3A_80 = tpu.memref_slice %arg9[%select_n3A_67, %dma_wait3A_78, %dma_wait3A_79] : memref<2x128x8xf32, #tpu.memory_space<vmem>> -> memref<1x128x8xf32, #tpu.memory_space<vmem>>
        %dma_wait3A_81 = tpu.memref_squeeze %dma_wait3A_80 : memref<1x128x8xf32, #tpu.memory_space<vmem>> -> memref<128x8xf32, #tpu.memory_space<vmem>>
        %dma_wait3A_82 = arith.constant 0 : i32
        %dma_wait3A_83 = tpu.memref_slice %arg8[%scan3A_28, %dma_wait3A_82] : memref<32x128xi32, #tpu.memory_space<vmem>> -> memref<1x128xi32, #tpu.memory_space<vmem>>
        %dma_wait3A_84 = tpu.memref_squeeze %dma_wait3A_83 : memref<1x128xi32, #tpu.memory_space<vmem>> -> memref<128xi32, #tpu.memory_space<vmem>>
        %dma_wait3A_85 = arith.constant 0 : i32
        %dma_wait3A_86 = arith.constant 0 : i32
        %dma_wait3A_87 = tpu.memref_slice %arg10[%dma_wait3A_85, %dma_wait3A_86] : memref<100096x8xf32, #tpu.memory_space<vmem_shared>> -> memref<100096x8xf32, #tpu.memory_space<vmem_shared>>
        tpu.wait_indirect_dma semaphore(%run_scoped3A : memref<!tpu.dma_semaphore, #tpu.memory_space<semaphore_mem>>) src(%dma_wait3A_81 : memref<128x8xf32, #tpu.memory_space<vmem>>) dst(%dma_wait3A_87 : memref<100096x8xf32, #tpu.memory_space<vmem_shared>>)
        tpu.yield
      }) : () -> ()
    }
    %scan3A_22 = arith.constant 32 : i32
    %barrier3A_23 = arith.constant 0 : index
    tpu.barrier barrier_id(%barrier3A_23)
    %mul3A_24 = arith.constant 6256 : i32
    %mul3A_25 = arith.muli %arg1, %mul3A_24 : i32
    %mul3A_26 = arith.constant 6256 : i32
    %mul3A_27 = arith.muli %arg1, %mul3A_26 : i32
    "tpu.region"() ({
      %run_scoped3A = tpu.sem_alloc : memref<!tpu.dma_semaphore, #tpu.memory_space<semaphore_mem>>
      %dma_start3A_28 = arith.constant 0 : i32
      %dma_start3A_29 = arith.constant 0 : i32
      %dma_start3A_30 = tpu.memref_slice %arg6[%arg0, %dma_start3A_28, %dma_start3A_29] : memref<2x100096x8xf32, #tpu.memory_space<hbm>> -> memref<1x100096x8xf32, #tpu.memory_space<hbm>>
      %dma_start3A_31 = tpu.memref_squeeze %dma_start3A_30 : memref<1x100096x8xf32, #tpu.memory_space<hbm>> -> memref<100096x8xf32, #tpu.memory_space<hbm>>
      %dma_start3A_32 = arith.constant 0 : i32
      %dma_start3A_33 = tpu.memref_slice %dma_start3A_31[%mul3A_27, %dma_start3A_32] : memref<100096x8xf32, #tpu.memory_space<hbm>> -> memref<6256x8xf32, #tpu.memory_space<hbm>>
      %dma_start3A_34 = arith.constant 0 : i32
      %dma_start3A_35 = tpu.memref_slice %arg10[%mul3A_25, %dma_start3A_34] : memref<100096x8xf32, #tpu.memory_space<vmem_shared>> -> memref<6256x8xf32, #tpu.memory_space<vmem_shared>>
      tpu.enqueue_dma source(%dma_start3A_35 : memref<6256x8xf32, #tpu.memory_space<vmem_shared>>) target(%dma_start3A_33 : memref<6256x8xf32, #tpu.memory_space<hbm>>) target_semaphore(%run_scoped3A : memref<!tpu.dma_semaphore, #tpu.memory_space<semaphore_mem>>)
      %dma_wait3A = arith.constant 0 : i32
      %dma_wait3A_36 = arith.constant 0 : i32
      %dma_wait3A_37 = tpu.memref_slice %arg6[%arg0, %dma_wait3A, %dma_wait3A_36] : memref<2x100096x8xf32, #tpu.memory_space<hbm>> -> memref<1x100096x8xf32, #tpu.memory_space<hbm>>
      %dma_wait3A_38 = tpu.memref_squeeze %dma_wait3A_37 : memref<1x100096x8xf32, #tpu.memory_space<hbm>> -> memref<100096x8xf32, #tpu.memory_space<hbm>>
      %dma_wait3A_39 = arith.constant 0 : i32
      %dma_wait3A_40 = tpu.memref_slice %dma_wait3A_38[%mul3A_27, %dma_wait3A_39] : memref<100096x8xf32, #tpu.memory_space<hbm>> -> memref<6256x8xf32, #tpu.memory_space<hbm>>
      %dma_wait3A_41 = arith.constant 0 : i32
      %dma_wait3A_42 = tpu.memref_slice %arg10[%mul3A_25, %dma_wait3A_41] : memref<100096x8xf32, #tpu.memory_space<vmem_shared>> -> memref<6256x8xf32, #tpu.memory_space<vmem_shared>>
      tpu.wait_dma2 semaphore(%run_scoped3A : memref<!tpu.dma_semaphore, #tpu.memory_space<semaphore_mem>>) src(%dma_wait3A_42 : memref<6256x8xf32, #tpu.memory_space<vmem_shared>>) dst(%dma_wait3A_40 : memref<6256x8xf32, #tpu.memory_space<hbm>>)
      tpu.yield
    }) : () -> ()
    return
  }
}

#map = affine_map<(d0, d1) -> (0, 0)>
#map1 = affine_map<(d0, d1) -> (0, 0, 0)>
module attributes {stable_mosaic.version = 14 : i64} {
  func.func @k(%arg0: i32, %arg1: i32, %arg2: memref<10000x8xf32, #tpu.memory_space<hbm>>, %arg3: memref<1024x128xi32, #tpu.memory_space<hbm>>, %arg4: memref<1024x128xi32, #tpu.memory_space<hbm>>, %arg5: memref<6256x8xf32, #tpu.memory_space<hbm>>, %arg6: memref<2x100096x8xf32, #tpu.memory_space<hbm>>, %arg7: memref<32x128xi32, #tpu.memory_space<vmem>>, %arg8: memref<32x128xi32, #tpu.memory_space<vmem>>, %arg9: memref<2x128x8xf32, #tpu.memory_space<vmem>>, %arg10: memref<100096x8xf32, #tpu.memory_space<vmem_shared>>, %arg11: memref<!tpu.dma_semaphore, #tpu.memory_space<semaphore_mem>>) attributes {dimension_semantics = [#tpu.dimension_semantics<core_parallel>, #tpu.dimension_semantics<subcore_parallel>], iteration_bounds = array<i64: 2, 16>, scalar_prefetch = 0 : i64, scratch_operands = 5 : i64, tpu.core_type = #tpu.core_type<sc_vector_subcore>, window_params = [{transform_indices = #map}, {transform_indices = #map}, {transform_indices = #map}, {transform_indices = #map}, {transform_indices = #map1}]} {
    %mul3A = arith.constant 2 : i32
    %mul3A_0 = arith.muli %arg1, %mul3A : i32
    %add3A = arith.addi %mul3A_0, %arg0 : i32
    %mul3A_1 = arith.constant 6256 : i32
    %mul3A_2 = arith.muli %arg1, %mul3A_1 : i32
    "tpu.region"() ({
      %run_scoped3A = tpu.sem_alloc : memref<!tpu.dma_semaphore, #tpu.memory_space<semaphore_mem>>
      %dma_start3A_28 = arith.constant 0 : i32
      %dma_start3A_29 = tpu.memref_slice %arg10[%mul3A_2, %dma_start3A_28] : memref<100096x8xf32, #tpu.memory_space<vmem_shared>> -> memref<6256x8xf32, #tpu.memory_space<vmem_shared>>
      tpu.enqueue_dma source(%arg5 : memref<6256x8xf32, #tpu.memory_space<hbm>>) target(%dma_start3A_29 : memref<6256x8xf32, #tpu.memory_space<vmem_shared>>) target_semaphore(%run_scoped3A : memref<!tpu.dma_semaphore, #tpu.memory_space<semaphore_mem>>)
      %dma_wait3A = arith.constant 0 : i32
      %dma_wait3A_30 = tpu.memref_slice %arg10[%mul3A_2, %dma_wait3A] : memref<100096x8xf32, #tpu.memory_space<vmem_shared>> -> memref<6256x8xf32, #tpu.memory_space<vmem_shared>>
      tpu.wait_dma2 semaphore(%run_scoped3A : memref<!tpu.dma_semaphore, #tpu.memory_space<semaphore_mem>>) src(%arg5 : memref<6256x8xf32, #tpu.memory_space<hbm>>) dst(%dma_wait3A_30 : memref<6256x8xf32, #tpu.memory_space<vmem_shared>>)
      tpu.yield
    }) : () -> ()
    %barrier3A = arith.constant 0 : index
    tpu.barrier barrier_id(%barrier3A)
    %mul3A_3 = arith.constant 32 : i32
    %mul3A_4 = arith.muli %add3A, %mul3A_3 : i32
    "tpu.region"() ({
      %run_scoped3A = tpu.sem_alloc : memref<!tpu.dma_semaphore, #tpu.memory_space<semaphore_mem>>
      %dma_start3A_28 = arith.constant 0 : i32
      %dma_start3A_29 = tpu.memref_slice %arg3[%mul3A_4, %dma_start3A_28] : memref<1024x128xi32, #tpu.memory_space<hbm>> -> memref<32x128xi32, #tpu.memory_space<hbm>>
      %dma_start3A_30 = arith.constant 0 : i32
      %dma_start3A_31 = tpu.memref_slice %arg3[%mul3A_4, %dma_start3A_30] : memref<1024x128xi32, #tpu.memory_space<hbm>> -> memref<32x128xi32, #tpu.memory_space<hbm>>
      tpu.enqueue_dma source(%dma_start3A_31 : memref<32x128xi32, #tpu.memory_space<hbm>>) target(%arg7 : memref<32x128xi32, #tpu.memory_space<vmem>>) target_semaphore(%run_scoped3A : memref<!tpu.dma_semaphore, #tpu.memory_space<semaphore_mem>>)
      %dma_wait3A = arith.constant 0 : i32
      %dma_wait3A_32 = tpu.memref_slice %arg3[%mul3A_4, %dma_wait3A] : memref<1024x128xi32, #tpu.memory_space<hbm>> -> memref<32x128xi32, #tpu.memory_space<hbm>>
      %dma_wait3A_33 = arith.constant 0 : i32
      %dma_wait3A_34 = tpu.memref_slice %arg3[%mul3A_4, %dma_wait3A_33] : memref<1024x128xi32, #tpu.memory_space<hbm>> -> memref<32x128xi32, #tpu.memory_space<hbm>>
      tpu.wait_dma2 semaphore(%run_scoped3A : memref<!tpu.dma_semaphore, #tpu.memory_space<semaphore_mem>>) src(%dma_wait3A_34 : memref<32x128xi32, #tpu.memory_space<hbm>>) dst(%arg7 : memref<32x128xi32, #tpu.memory_space<vmem>>)
      tpu.yield
    }) : () -> ()
    %mul3A_5 = arith.constant 32 : i32
    %mul3A_6 = arith.muli %add3A, %mul3A_5 : i32
    "tpu.region"() ({
      %run_scoped3A = tpu.sem_alloc : memref<!tpu.dma_semaphore, #tpu.memory_space<semaphore_mem>>
      %dma_start3A_28 = arith.constant 0 : i32
      %dma_start3A_29 = tpu.memref_slice %arg4[%mul3A_6, %dma_start3A_28] : memref<1024x128xi32, #tpu.memory_space<hbm>> -> memref<32x128xi32, #tpu.memory_space<hbm>>
      %dma_start3A_30 = arith.constant 0 : i32
      %dma_start3A_31 = tpu.memref_slice %arg4[%mul3A_6, %dma_start3A_30] : memref<1024x128xi32, #tpu.memory_space<hbm>> -> memref<32x128xi32, #tpu.memory_space<hbm>>
      tpu.enqueue_dma source(%dma_start3A_31 : memref<32x128xi32, #tpu.memory_space<hbm>>) target(%arg8 : memref<32x128xi32, #tpu.memory_space<vmem>>) target_semaphore(%run_scoped3A : memref<!tpu.dma_semaphore, #tpu.memory_space<semaphore_mem>>)
      %dma_wait3A = arith.constant 0 : i32
      %dma_wait3A_32 = tpu.memref_slice %arg4[%mul3A_6, %dma_wait3A] : memref<1024x128xi32, #tpu.memory_space<hbm>> -> memref<32x128xi32, #tpu.memory_space<hbm>>
      %dma_wait3A_33 = arith.constant 0 : i32
      %dma_wait3A_34 = tpu.memref_slice %arg4[%mul3A_6, %dma_wait3A_33] : memref<1024x128xi32, #tpu.memory_space<hbm>> -> memref<32x128xi32, #tpu.memory_space<hbm>>
      tpu.wait_dma2 semaphore(%run_scoped3A : memref<!tpu.dma_semaphore, #tpu.memory_space<semaphore_mem>>) src(%dma_wait3A_34 : memref<32x128xi32, #tpu.memory_space<hbm>>) dst(%arg8 : memref<32x128xi32, #tpu.memory_space<vmem>>)
      tpu.yield
    }) : () -> ()
    %dma_start3A = arith.constant 0 : i32
    %dma_start3A_7 = arith.constant 0 : i32
    %dma_start3A_8 = arith.constant 0 : i32
    %dma_start3A_9 = arith.constant 0 : i32
    %dma_start3A_10 = tpu.memref_slice %arg9[%dma_start3A_7, %dma_start3A_8, %dma_start3A_9] : memref<2x128x8xf32, #tpu.memory_space<vmem>> -> memref<1x128x8xf32, #tpu.memory_space<vmem>>
    %dma_start3A_11 = tpu.memref_squeeze %dma_start3A_10 : memref<1x128x8xf32, #tpu.memory_space<vmem>> -> memref<128x8xf32, #tpu.memory_space<vmem>>
    %dma_start3A_12 = arith.constant 0 : i32
    %dma_start3A_13 = tpu.memref_slice %arg7[%dma_start3A, %dma_start3A_12] : memref<32x128xi32, #tpu.memory_space<vmem>> -> memref<1x128xi32, #tpu.memory_space<vmem>>
    %dma_start3A_14 = tpu.memref_squeeze %dma_start3A_13 : memref<1x128xi32, #tpu.memory_space<vmem>> -> memref<128xi32, #tpu.memory_space<vmem>>
    %dma_start3A_15 = arith.constant 0 : i32
    %dma_start3A_16 = arith.constant 0 : i32
    %dma_start3A_17 = tpu.memref_slice %arg2[%dma_start3A_15, %dma_start3A_16] : memref<10000x8xf32, #tpu.memory_space<hbm>> -> memref<10000x8xf32, #tpu.memory_space<hbm>>
    tpu.enqueue_indirect_dma source(%dma_start3A_17 : memref<10000x8xf32, #tpu.memory_space<hbm>>) target(%dma_start3A_11 : memref<128x8xf32, #tpu.memory_space<vmem>>) offsets(%dma_start3A_14 : memref<128xi32, #tpu.memory_space<vmem>>) semaphore(%arg11 : memref<!tpu.dma_semaphore, #tpu.memory_space<semaphore_mem>>)
    %scan3A = arith.constant 0 : i32
    %scan3A_18 = arith.constant 0 : i32
    %scan3A_19 = arith.constant 32 : i32
    %scan3A_20 = arith.addi %scan3A_18, %scan3A_19 : i32
    %scan3A_21 = arith.constant 1 : i32
    scf.for %scan3A_28 = %scan3A_18 to %scan3A_20 step %scan3A_21  : i32 {
      %add3A_29 = arith.constant 1 : i32
      %add3A_30 = arith.addi %scan3A_28, %add3A_29 : i32
      %lt3A = arith.constant 32 : i32
      %lt3A_31 = arith.cmpi slt, %add3A_30, %lt3A : i32
      %convert_element_type3A = arith.extui %lt3A_31 : i1 to i32
      %cond3A = arith.constant 0 : i32
      %cond3A_32 = arith.cmpi ne, %convert_element_type3A, %cond3A : i32
      scf.if %cond3A_32 {
        %add3A_68 = arith.constant 1 : i32
        %add3A_69 = arith.addi %scan3A_28, %add3A_68 : i32
        %add3A_70 = arith.constant 1 : i32
        %add3A_71 = arith.addi %scan3A_28, %add3A_70 : i32
        %jit3A_72 = arith.constant 2 : i32
        %eq3A_73 = arith.constant 0 : i32
        %eq3A_74 = arith.cmpi eq, %jit3A_72, %eq3A_73 : i32
        %jit3A_75 = arith.constant 1 : i32
        %select_n3A_76 = arith.select %eq3A_74, %jit3A_75, %jit3A_72 : i32
        %rem3A_77 = arith.remsi %add3A_71, %select_n3A_76 : i32
        %ne3A_78 = arith.constant 0 : i32
        %ne3A_79 = arith.cmpi ne, %rem3A_77, %ne3A_78 : i32
        %lt3A_80 = arith.constant 0 : i32
        %lt3A_81 = arith.cmpi slt, %rem3A_77, %lt3A_80 : i32
        %lt3A_82 = arith.constant 0 : i32
        %lt3A_83 = arith.cmpi slt, %select_n3A_76, %lt3A_82 : i32
        %ne3A_84 = arith.xori %lt3A_81, %lt3A_83 : i1
        %and3A_85 = arith.andi %ne3A_84, %ne3A_79 : i1
        %add3A_86 = arith.addi %rem3A_77, %select_n3A_76 : i32
        %select_n3A_87 = arith.select %and3A_85, %add3A_86, %rem3A_77 : i32
        %dma_start3A_88 = arith.constant 0 : i32
        %dma_start3A_89 = arith.constant 0 : i32
        %dma_start3A_90 = tpu.memref_slice %arg9[%select_n3A_87, %dma_start3A_88, %dma_start3A_89] : memref<2x128x8xf32, #tpu.memory_space<vmem>> -> memref<1x128x8xf32, #tpu.memory_space<vmem>>
        %dma_start3A_91 = tpu.memref_squeeze %dma_start3A_90 : memref<1x128x8xf32, #tpu.memory_space<vmem>> -> memref<128x8xf32, #tpu.memory_space<vmem>>
        %dma_start3A_92 = arith.constant 0 : i32
        %dma_start3A_93 = tpu.memref_slice %arg7[%add3A_69, %dma_start3A_92] : memref<32x128xi32, #tpu.memory_space<vmem>> -> memref<1x128xi32, #tpu.memory_space<vmem>>
        %dma_start3A_94 = tpu.memref_squeeze %dma_start3A_93 : memref<1x128xi32, #tpu.memory_space<vmem>> -> memref<128xi32, #tpu.memory_space<vmem>>
        %dma_start3A_95 = arith.constant 0 : i32
        %dma_start3A_96 = arith.constant 0 : i32
        %dma_start3A_97 = tpu.memref_slice %arg2[%dma_start3A_95, %dma_start3A_96] : memref<10000x8xf32, #tpu.memory_space<hbm>> -> memref<10000x8xf32, #tpu.memory_space<hbm>>
        tpu.enqueue_indirect_dma source(%dma_start3A_97 : memref<10000x8xf32, #tpu.memory_space<hbm>>) target(%dma_start3A_91 : memref<128x8xf32, #tpu.memory_space<vmem>>) offsets(%dma_start3A_94 : memref<128xi32, #tpu.memory_space<vmem>>) semaphore(%arg11 : memref<!tpu.dma_semaphore, #tpu.memory_space<semaphore_mem>>)
      } else {
      }
      %jit3A = arith.constant 2 : i32
      %eq3A = arith.constant 0 : i32
      %eq3A_33 = arith.cmpi eq, %jit3A, %eq3A : i32
      %jit3A_34 = arith.constant 1 : i32
      %select_n3A = arith.select %eq3A_33, %jit3A_34, %jit3A : i32
      %rem3A = arith.remsi %scan3A_28, %select_n3A : i32
      %ne3A = arith.constant 0 : i32
      %ne3A_35 = arith.cmpi ne, %rem3A, %ne3A : i32
      %lt3A_36 = arith.constant 0 : i32
      %lt3A_37 = arith.cmpi slt, %rem3A, %lt3A_36 : i32
      %lt3A_38 = arith.constant 0 : i32
      %lt3A_39 = arith.cmpi slt, %select_n3A, %lt3A_38 : i32
      %ne3A_40 = arith.xori %lt3A_37, %lt3A_39 : i1
      %and3A = arith.andi %ne3A_40, %ne3A_35 : i1
      %add3A_41 = arith.addi %rem3A, %select_n3A : i32
      %select_n3A_42 = arith.select %and3A, %add3A_41, %rem3A : i32
      %dma_wait3A = arith.constant 0 : i32
      %dma_wait3A_43 = arith.constant 0 : i32
      %dma_wait3A_44 = tpu.memref_slice %arg9[%select_n3A_42, %dma_wait3A, %dma_wait3A_43] : memref<2x128x8xf32, #tpu.memory_space<vmem>> -> memref<1x128x8xf32, #tpu.memory_space<vmem>>
      %dma_wait3A_45 = tpu.memref_squeeze %dma_wait3A_44 : memref<1x128x8xf32, #tpu.memory_space<vmem>> -> memref<128x8xf32, #tpu.memory_space<vmem>>
      %dma_wait3A_46 = arith.constant 0 : i32
      %dma_wait3A_47 = tpu.memref_slice %arg7[%scan3A_28, %dma_wait3A_46] : memref<32x128xi32, #tpu.memory_space<vmem>> -> memref<1x128xi32, #tpu.memory_space<vmem>>
      %dma_wait3A_48 = tpu.memref_squeeze %dma_wait3A_47 : memref<1x128xi32, #tpu.memory_space<vmem>> -> memref<128xi32, #tpu.memory_space<vmem>>
      %dma_wait3A_49 = arith.constant 0 : i32
      %dma_wait3A_50 = arith.constant 0 : i32
      %dma_wait3A_51 = tpu.memref_slice %arg2[%dma_wait3A_49, %dma_wait3A_50] : memref<10000x8xf32, #tpu.memory_space<hbm>> -> memref<10000x8xf32, #tpu.memory_space<hbm>>
      tpu.wait_indirect_dma semaphore(%arg11 : memref<!tpu.dma_semaphore, #tpu.memory_space<semaphore_mem>>) src(%dma_wait3A_51 : memref<10000x8xf32, #tpu.memory_space<hbm>>) dst(%dma_wait3A_45 : memref<128x8xf32, #tpu.memory_space<vmem>>)
      %jit3A_52 = arith.constant 2 : i32
      %eq3A_53 = arith.constant 0 : i32
      %eq3A_54 = arith.cmpi eq, %jit3A_52, %eq3A_53 : i32
      %jit3A_55 = arith.constant 1 : i32
      %select_n3A_56 = arith.select %eq3A_54, %jit3A_55, %jit3A_52 : i32
      %rem3A_57 = arith.remsi %scan3A_28, %select_n3A_56 : i32
      %ne3A_58 = arith.constant 0 : i32
      %ne3A_59 = arith.cmpi ne, %rem3A_57, %ne3A_58 : i32
      %lt3A_60 = arith.constant 0 : i32
      %lt3A_61 = arith.cmpi slt, %rem3A_57, %lt3A_60 : i32
      %lt3A_62 = arith.constant 0 : i32
      %lt3A_63 = arith.cmpi slt, %select_n3A_56, %lt3A_62 : i32
      %ne3A_64 = arith.xori %lt3A_61, %lt3A_63 : i1
      %and3A_65 = arith.andi %ne3A_64, %ne3A_59 : i1
      %add3A_66 = arith.addi %rem3A_57, %select_n3A_56 : i32
      %select_n3A_67 = arith.select %and3A_65, %add3A_66, %rem3A_57 : i32
      "tpu.region"() ({
        %run_scoped3A = tpu.sem_alloc : memref<!tpu.dma_semaphore, #tpu.memory_space<semaphore_mem>>
        %dma_start3A_68 = arith.constant 0 : i32
        %dma_start3A_69 = arith.constant 0 : i32
        %dma_start3A_70 = tpu.memref_slice %arg9[%select_n3A_67, %dma_start3A_68, %dma_start3A_69] : memref<2x128x8xf32, #tpu.memory_space<vmem>> -> memref<1x128x8xf32, #tpu.memory_space<vmem>>
        %dma_start3A_71 = tpu.memref_squeeze %dma_start3A_70 : memref<1x128x8xf32, #tpu.memory_space<vmem>> -> memref<128x8xf32, #tpu.memory_space<vmem>>
        %dma_start3A_72 = arith.constant 0 : i32
        %dma_start3A_73 = tpu.memref_slice %arg8[%scan3A_28, %dma_start3A_72] : memref<32x128xi32, #tpu.memory_space<vmem>> -> memref<1x128xi32, #tpu.memory_space<vmem>>
        %dma_start3A_74 = tpu.memref_squeeze %dma_start3A_73 : memref<1x128xi32, #tpu.memory_space<vmem>> -> memref<128xi32, #tpu.memory_space<vmem>>
        %dma_start3A_75 = arith.constant 0 : i32
        %dma_start3A_76 = arith.constant 0 : i32
        %dma_start3A_77 = tpu.memref_slice %arg10[%dma_start3A_75, %dma_start3A_76] : memref<100096x8xf32, #tpu.memory_space<vmem_shared>> -> memref<100096x8xf32, #tpu.memory_space<vmem_shared>>
        tpu.enqueue_indirect_dma source(%dma_start3A_71 : memref<128x8xf32, #tpu.memory_space<vmem>>) target(%dma_start3A_77 : memref<100096x8xf32, #tpu.memory_space<vmem_shared>>) offsets(%dma_start3A_74 : memref<128xi32, #tpu.memory_space<vmem>>) semaphore(%run_scoped3A : memref<!tpu.dma_semaphore, #tpu.memory_space<semaphore_mem>>) {add = true}
        %dma_wait3A_78 = arith.constant 0 : i32
        %dma_wait3A_79 = arith.constant 0 : i32
        %dma_wait3A_80 = tpu.memref_slice %arg9[%select_n3A_67, %dma_wait3A_78, %dma_wait3A_79] : memref<2x128x8xf32, #tpu.memory_space<vmem>> -> memref<1x128x8xf32, #tpu.memory_space<vmem>>
        %dma_wait3A_81 = tpu.memref_squeeze %dma_wait3A_80 : memref<1x128x8xf32, #tpu.memory_space<vmem>> -> memref<128x8xf32, #tpu.memory_space<vmem>>
        %dma_wait3A_82 = arith.constant 0 : i32
        %dma_wait3A_83 = tpu.memref_slice %arg8[%scan3A_28, %dma_wait3A_82] : memref<32x128xi32, #tpu.memory_space<vmem>> -> memref<1x128xi32, #tpu.memory_space<vmem>>
        %dma_wait3A_84 = tpu.memref_squeeze %dma_wait3A_83 : memref<1x128xi32, #tpu.memory_space<vmem>> -> memref<128xi32, #tpu.memory_space<vmem>>
        %dma_wait3A_85 = arith.constant 0 : i32
        %dma_wait3A_86 = arith.constant 0 : i32
        %dma_wait3A_87 = tpu.memref_slice %arg10[%dma_wait3A_85, %dma_wait3A_86] : memref<100096x8xf32, #tpu.memory_space<vmem_shared>> -> memref<100096x8xf32, #tpu.memory_space<vmem_shared>>
        tpu.wait_indirect_dma semaphore(%run_scoped3A : memref<!tpu.dma_semaphore, #tpu.memory_space<semaphore_mem>>) src(%dma_wait3A_81 : memref<128x8xf32, #tpu.memory_space<vmem>>) dst(%dma_wait3A_87 : memref<100096x8xf32, #tpu.memory_space<vmem_shared>>)
        tpu.yield
      }) : () -> ()
    }
    %scan3A_22 = arith.constant 32 : i32
    %barrier3A_23 = arith.constant 0 : index
    tpu.barrier barrier_id(%barrier3A_23)
    %mul3A_24 = arith.constant 6256 : i32
    %mul3A_25 = arith.muli %arg1, %mul3A_24 : i32
    %mul3A_26 = arith.constant 6256 : i32
    %mul3A_27 = arith.muli %arg1, %mul3A_26 : i32
    "tpu.region"() ({
      %run_scoped3A = tpu.sem_alloc : memref<!tpu.dma_semaphore, #tpu.memory_space<semaphore_mem>>
      %dma_start3A_28 = arith.constant 0 : i32
      %dma_start3A_29 = arith.constant 0 : i32
      %dma_start3A_30 = tpu.memref_slice %arg6[%arg0, %dma_start3A_28, %dma_start3A_29] : memref<2x100096x8xf32, #tpu.memory_space<hbm>> -> memref<1x100096x8xf32, #tpu.memory_space<hbm>>
      %dma_start3A_31 = tpu.memref_squeeze %dma_start3A_30 : memref<1x100096x8xf32, #tpu.memory_space<hbm>> -> memref<100096x8xf32, #tpu.memory_space<hbm>>
      %dma_start3A_32 = arith.constant 0 : i32
      %dma_start3A_33 = tpu.memref_slice %dma_start3A_31[%mul3A_27, %dma_start3A_32] : memref<100096x8xf32, #tpu.memory_space<hbm>> -> memref<6256x8xf32, #tpu.memory_space<hbm>>
      %dma_start3A_34 = arith.constant 0 : i32
      %dma_start3A_35 = tpu.memref_slice %arg10[%mul3A_25, %dma_start3A_34] : memref<100096x8xf32, #tpu.memory_space<vmem_shared>> -> memref<6256x8xf32, #tpu.memory_space<vmem_shared>>
      tpu.enqueue_dma source(%dma_start3A_35 : memref<6256x8xf32, #tpu.memory_space<vmem_shared>>) target(%dma_start3A_33 : memref<6256x8xf32, #tpu.memory_space<hbm>>) target_semaphore(%run_scoped3A : memref<!tpu.dma_semaphore, #tpu.memory_space<semaphore_mem>>)
      %dma_wait3A = arith.constant 0 : i32
      %dma_wait3A_36 = arith.constant 0 : i32
      %dma_wait3A_37 = tpu.memref_slice %arg6[%arg0, %dma_wait3A, %dma_wait3A_36] : memref<2x100096x8xf32, #tpu.memory_space<hbm>> -> memref<1x100096x8xf32, #tpu.memory_space<hbm>>
      %dma_wait3A_38 = tpu.memref_squeeze %dma_wait3A_37 : memref<1x100096x8xf32, #tpu.memory_space<hbm>> -> memref<100096x8xf32, #tpu.memory_space<hbm>>
      %dma_wait3A_39 = arith.constant 0 : i32
      %dma_wait3A_40 = tpu.memref_slice %dma_wait3A_38[%mul3A_27, %dma_wait3A_39] : memref<100096x8xf32, #tpu.memory_space<hbm>> -> memref<6256x8xf32, #tpu.memory_space<hbm>>
      %dma_wait3A_41 = arith.constant 0 : i32
      %dma_wait3A_42 = tpu.memref_slice %arg10[%mul3A_25, %dma_wait3A_41] : memref<100096x8xf32, #tpu.memory_space<vmem_shared>> -> memref<6256x8xf32, #tpu.memory_space<vmem_shared>>
      tpu.wait_dma2 semaphore(%run_scoped3A : memref<!tpu.dma_semaphore, #tpu.memory_space<semaphore_mem>>) src(%dma_wait3A_42 : memref<6256x8xf32, #tpu.memory_space<vmem_shared>>) dst(%dma_wait3A_40 : memref<6256x8xf32, #tpu.memory_space<hbm>>)
      tpu.yield
    }) : () -> ()
    return
  }
}

#map = affine_map<(d0, d1) -> (0, 0)>
#map1 = affine_map<(d0, d1) -> (0, 0, 0)>
module attributes {stable_mosaic.version = 14 : i64} {
  func.func @k(%arg0: i32, %arg1: i32, %arg2: memref<10000x8xf32, #tpu.memory_space<hbm>>, %arg3: memref<1024x128xi32, #tpu.memory_space<hbm>>, %arg4: memref<1024x128xi32, #tpu.memory_space<hbm>>, %arg5: memref<6256x8xf32, #tpu.memory_space<hbm>>, %arg6: memref<2x100096x8xf32, #tpu.memory_space<hbm>>, %arg7: memref<32x128xi32, #tpu.memory_space<vmem>>, %arg8: memref<32x128xi32, #tpu.memory_space<vmem>>, %arg9: memref<2x128x8xf32, #tpu.memory_space<vmem>>, %arg10: memref<100096x8xf32, #tpu.memory_space<vmem_shared>>, %arg11: memref<!tpu.dma_semaphore, #tpu.memory_space<semaphore_mem>>) attributes {dimension_semantics = [#tpu.dimension_semantics<core_parallel>, #tpu.dimension_semantics<subcore_parallel>], iteration_bounds = array<i64: 2, 16>, scalar_prefetch = 0 : i64, scratch_operands = 5 : i64, tpu.core_type = #tpu.core_type<sc_vector_subcore>, window_params = [{transform_indices = #map}, {transform_indices = #map}, {transform_indices = #map}, {transform_indices = #map}, {transform_indices = #map1}]} {
    %mul3A = arith.constant 2 : i32
    %mul3A_0 = arith.muli %arg1, %mul3A : i32
    %add3A = arith.addi %mul3A_0, %arg0 : i32
    %mul3A_1 = arith.constant 6256 : i32
    %mul3A_2 = arith.muli %arg1, %mul3A_1 : i32
    "tpu.region"() ({
      %run_scoped3A = tpu.sem_alloc : memref<!tpu.dma_semaphore, #tpu.memory_space<semaphore_mem>>
      %dma_start3A_28 = arith.constant 0 : i32
      %dma_start3A_29 = tpu.memref_slice %arg10[%mul3A_2, %dma_start3A_28] : memref<100096x8xf32, #tpu.memory_space<vmem_shared>> -> memref<6256x8xf32, #tpu.memory_space<vmem_shared>>
      tpu.enqueue_dma source(%arg5 : memref<6256x8xf32, #tpu.memory_space<hbm>>) target(%dma_start3A_29 : memref<6256x8xf32, #tpu.memory_space<vmem_shared>>) target_semaphore(%run_scoped3A : memref<!tpu.dma_semaphore, #tpu.memory_space<semaphore_mem>>)
      %dma_wait3A = arith.constant 0 : i32
      %dma_wait3A_30 = tpu.memref_slice %arg10[%mul3A_2, %dma_wait3A] : memref<100096x8xf32, #tpu.memory_space<vmem_shared>> -> memref<6256x8xf32, #tpu.memory_space<vmem_shared>>
      tpu.wait_dma2 semaphore(%run_scoped3A : memref<!tpu.dma_semaphore, #tpu.memory_space<semaphore_mem>>) src(%arg5 : memref<6256x8xf32, #tpu.memory_space<hbm>>) dst(%dma_wait3A_30 : memref<6256x8xf32, #tpu.memory_space<vmem_shared>>)
      tpu.yield
    }) : () -> ()
    %barrier3A = arith.constant 0 : index
    tpu.barrier barrier_id(%barrier3A)
    %mul3A_3 = arith.constant 32 : i32
    %mul3A_4 = arith.muli %add3A, %mul3A_3 : i32
    "tpu.region"() ({
      %run_scoped3A = tpu.sem_alloc : memref<!tpu.dma_semaphore, #tpu.memory_space<semaphore_mem>>
      %dma_start3A_28 = arith.constant 0 : i32
      %dma_start3A_29 = tpu.memref_slice %arg3[%mul3A_4, %dma_start3A_28] : memref<1024x128xi32, #tpu.memory_space<hbm>> -> memref<32x128xi32, #tpu.memory_space<hbm>>
      %dma_start3A_30 = arith.constant 0 : i32
      %dma_start3A_31 = tpu.memref_slice %arg3[%mul3A_4, %dma_start3A_30] : memref<1024x128xi32, #tpu.memory_space<hbm>> -> memref<32x128xi32, #tpu.memory_space<hbm>>
      tpu.enqueue_dma source(%dma_start3A_31 : memref<32x128xi32, #tpu.memory_space<hbm>>) target(%arg7 : memref<32x128xi32, #tpu.memory_space<vmem>>) target_semaphore(%run_scoped3A : memref<!tpu.dma_semaphore, #tpu.memory_space<semaphore_mem>>)
      %dma_wait3A = arith.constant 0 : i32
      %dma_wait3A_32 = tpu.memref_slice %arg3[%mul3A_4, %dma_wait3A] : memref<1024x128xi32, #tpu.memory_space<hbm>> -> memref<32x128xi32, #tpu.memory_space<hbm>>
      %dma_wait3A_33 = arith.constant 0 : i32
      %dma_wait3A_34 = tpu.memref_slice %arg3[%mul3A_4, %dma_wait3A_33] : memref<1024x128xi32, #tpu.memory_space<hbm>> -> memref<32x128xi32, #tpu.memory_space<hbm>>
      tpu.wait_dma2 semaphore(%run_scoped3A : memref<!tpu.dma_semaphore, #tpu.memory_space<semaphore_mem>>) src(%dma_wait3A_34 : memref<32x128xi32, #tpu.memory_space<hbm>>) dst(%arg7 : memref<32x128xi32, #tpu.memory_space<vmem>>)
      tpu.yield
    }) : () -> ()
    %mul3A_5 = arith.constant 32 : i32
    %mul3A_6 = arith.muli %add3A, %mul3A_5 : i32
    "tpu.region"() ({
      %run_scoped3A = tpu.sem_alloc : memref<!tpu.dma_semaphore, #tpu.memory_space<semaphore_mem>>
      %dma_start3A_28 = arith.constant 0 : i32
      %dma_start3A_29 = tpu.memref_slice %arg4[%mul3A_6, %dma_start3A_28] : memref<1024x128xi32, #tpu.memory_space<hbm>> -> memref<32x128xi32, #tpu.memory_space<hbm>>
      %dma_start3A_30 = arith.constant 0 : i32
      %dma_start3A_31 = tpu.memref_slice %arg4[%mul3A_6, %dma_start3A_30] : memref<1024x128xi32, #tpu.memory_space<hbm>> -> memref<32x128xi32, #tpu.memory_space<hbm>>
      tpu.enqueue_dma source(%dma_start3A_31 : memref<32x128xi32, #tpu.memory_space<hbm>>) target(%arg8 : memref<32x128xi32, #tpu.memory_space<vmem>>) target_semaphore(%run_scoped3A : memref<!tpu.dma_semaphore, #tpu.memory_space<semaphore_mem>>)
      %dma_wait3A = arith.constant 0 : i32
      %dma_wait3A_32 = tpu.memref_slice %arg4[%mul3A_6, %dma_wait3A] : memref<1024x128xi32, #tpu.memory_space<hbm>> -> memref<32x128xi32, #tpu.memory_space<hbm>>
      %dma_wait3A_33 = arith.constant 0 : i32
      %dma_wait3A_34 = tpu.memref_slice %arg4[%mul3A_6, %dma_wait3A_33] : memref<1024x128xi32, #tpu.memory_space<hbm>> -> memref<32x128xi32, #tpu.memory_space<hbm>>
      tpu.wait_dma2 semaphore(%run_scoped3A : memref<!tpu.dma_semaphore, #tpu.memory_space<semaphore_mem>>) src(%dma_wait3A_34 : memref<32x128xi32, #tpu.memory_space<hbm>>) dst(%arg8 : memref<32x128xi32, #tpu.memory_space<vmem>>)
      tpu.yield
    }) : () -> ()
    %dma_start3A = arith.constant 0 : i32
    %dma_start3A_7 = arith.constant 0 : i32
    %dma_start3A_8 = arith.constant 0 : i32
    %dma_start3A_9 = arith.constant 0 : i32
    %dma_start3A_10 = tpu.memref_slice %arg9[%dma_start3A_7, %dma_start3A_8, %dma_start3A_9] : memref<2x128x8xf32, #tpu.memory_space<vmem>> -> memref<1x128x8xf32, #tpu.memory_space<vmem>>
    %dma_start3A_11 = tpu.memref_squeeze %dma_start3A_10 : memref<1x128x8xf32, #tpu.memory_space<vmem>> -> memref<128x8xf32, #tpu.memory_space<vmem>>
    %dma_start3A_12 = arith.constant 0 : i32
    %dma_start3A_13 = tpu.memref_slice %arg7[%dma_start3A, %dma_start3A_12] : memref<32x128xi32, #tpu.memory_space<vmem>> -> memref<1x128xi32, #tpu.memory_space<vmem>>
    %dma_start3A_14 = tpu.memref_squeeze %dma_start3A_13 : memref<1x128xi32, #tpu.memory_space<vmem>> -> memref<128xi32, #tpu.memory_space<vmem>>
    %dma_start3A_15 = arith.constant 0 : i32
    %dma_start3A_16 = arith.constant 0 : i32
    %dma_start3A_17 = tpu.memref_slice %arg2[%dma_start3A_15, %dma_start3A_16] : memref<10000x8xf32, #tpu.memory_space<hbm>> -> memref<10000x8xf32, #tpu.memory_space<hbm>>
    tpu.enqueue_indirect_dma source(%dma_start3A_17 : memref<10000x8xf32, #tpu.memory_space<hbm>>) target(%dma_start3A_11 : memref<128x8xf32, #tpu.memory_space<vmem>>) offsets(%dma_start3A_14 : memref<128xi32, #tpu.memory_space<vmem>>) semaphore(%arg11 : memref<!tpu.dma_semaphore, #tpu.memory_space<semaphore_mem>>)
    %scan3A = arith.constant 0 : i32
    %scan3A_18 = arith.constant 0 : i32
    %scan3A_19 = arith.constant 32 : i32
    %scan3A_20 = arith.addi %scan3A_18, %scan3A_19 : i32
    %scan3A_21 = arith.constant 1 : i32
    scf.for %scan3A_28 = %scan3A_18 to %scan3A_20 step %scan3A_21  : i32 {
      %add3A_29 = arith.constant 1 : i32
      %add3A_30 = arith.addi %scan3A_28, %add3A_29 : i32
      %lt3A = arith.constant 32 : i32
      %lt3A_31 = arith.cmpi slt, %add3A_30, %lt3A : i32
      %convert_element_type3A = arith.extui %lt3A_31 : i1 to i32
      %cond3A = arith.constant 0 : i32
      %cond3A_32 = arith.cmpi ne, %convert_element_type3A, %cond3A : i32
      scf.if %cond3A_32 {
        %add3A_68 = arith.constant 1 : i32
        %add3A_69 = arith.addi %scan3A_28, %add3A_68 : i32
        %add3A_70 = arith.constant 1 : i32
        %add3A_71 = arith.addi %scan3A_28, %add3A_70 : i32
        %jit3A_72 = arith.constant 2 : i32
        %eq3A_73 = arith.constant 0 : i32
        %eq3A_74 = arith.cmpi eq, %jit3A_72, %eq3A_73 : i32
        %jit3A_75 = arith.constant 1 : i32
        %select_n3A_76 = arith.select %eq3A_74, %jit3A_75, %jit3A_72 : i32
        %rem3A_77 = arith.remsi %add3A_71, %select_n3A_76 : i32
        %ne3A_78 = arith.constant 0 : i32
        %ne3A_79 = arith.cmpi ne, %rem3A_77, %ne3A_78 : i32
        %lt3A_80 = arith.constant 0 : i32
        %lt3A_81 = arith.cmpi slt, %rem3A_77, %lt3A_80 : i32
        %lt3A_82 = arith.constant 0 : i32
        %lt3A_83 = arith.cmpi slt, %select_n3A_76, %lt3A_82 : i32
        %ne3A_84 = arith.xori %lt3A_81, %lt3A_83 : i1
        %and3A_85 = arith.andi %ne3A_84, %ne3A_79 : i1
        %add3A_86 = arith.addi %rem3A_77, %select_n3A_76 : i32
        %select_n3A_87 = arith.select %and3A_85, %add3A_86, %rem3A_77 : i32
        %dma_start3A_88 = arith.constant 0 : i32
        %dma_start3A_89 = arith.constant 0 : i32
        %dma_start3A_90 = tpu.memref_slice %arg9[%select_n3A_87, %dma_start3A_88, %dma_start3A_89] : memref<2x128x8xf32, #tpu.memory_space<vmem>> -> memref<1x128x8xf32, #tpu.memory_space<vmem>>
        %dma_start3A_91 = tpu.memref_squeeze %dma_start3A_90 : memref<1x128x8xf32, #tpu.memory_space<vmem>> -> memref<128x8xf32, #tpu.memory_space<vmem>>
        %dma_start3A_92 = arith.constant 0 : i32
        %dma_start3A_93 = tpu.memref_slice %arg7[%add3A_69, %dma_start3A_92] : memref<32x128xi32, #tpu.memory_space<vmem>> -> memref<1x128xi32, #tpu.memory_space<vmem>>
        %dma_start3A_94 = tpu.memref_squeeze %dma_start3A_93 : memref<1x128xi32, #tpu.memory_space<vmem>> -> memref<128xi32, #tpu.memory_space<vmem>>
        %dma_start3A_95 = arith.constant 0 : i32
        %dma_start3A_96 = arith.constant 0 : i32
        %dma_start3A_97 = tpu.memref_slice %arg2[%dma_start3A_95, %dma_start3A_96] : memref<10000x8xf32, #tpu.memory_space<hbm>> -> memref<10000x8xf32, #tpu.memory_space<hbm>>
        tpu.enqueue_indirect_dma source(%dma_start3A_97 : memref<10000x8xf32, #tpu.memory_space<hbm>>) target(%dma_start3A_91 : memref<128x8xf32, #tpu.memory_space<vmem>>) offsets(%dma_start3A_94 : memref<128xi32, #tpu.memory_space<vmem>>) semaphore(%arg11 : memref<!tpu.dma_semaphore, #tpu.memory_space<semaphore_mem>>)
      } else {
      }
      %jit3A = arith.constant 2 : i32
      %eq3A = arith.constant 0 : i32
      %eq3A_33 = arith.cmpi eq, %jit3A, %eq3A : i32
      %jit3A_34 = arith.constant 1 : i32
      %select_n3A = arith.select %eq3A_33, %jit3A_34, %jit3A : i32
      %rem3A = arith.remsi %scan3A_28, %select_n3A : i32
      %ne3A = arith.constant 0 : i32
      %ne3A_35 = arith.cmpi ne, %rem3A, %ne3A : i32
      %lt3A_36 = arith.constant 0 : i32
      %lt3A_37 = arith.cmpi slt, %rem3A, %lt3A_36 : i32
      %lt3A_38 = arith.constant 0 : i32
      %lt3A_39 = arith.cmpi slt, %select_n3A, %lt3A_38 : i32
      %ne3A_40 = arith.xori %lt3A_37, %lt3A_39 : i1
      %and3A = arith.andi %ne3A_40, %ne3A_35 : i1
      %add3A_41 = arith.addi %rem3A, %select_n3A : i32
      %select_n3A_42 = arith.select %and3A, %add3A_41, %rem3A : i32
      %dma_wait3A = arith.constant 0 : i32
      %dma_wait3A_43 = arith.constant 0 : i32
      %dma_wait3A_44 = tpu.memref_slice %arg9[%select_n3A_42, %dma_wait3A, %dma_wait3A_43] : memref<2x128x8xf32, #tpu.memory_space<vmem>> -> memref<1x128x8xf32, #tpu.memory_space<vmem>>
      %dma_wait3A_45 = tpu.memref_squeeze %dma_wait3A_44 : memref<1x128x8xf32, #tpu.memory_space<vmem>> -> memref<128x8xf32, #tpu.memory_space<vmem>>
      %dma_wait3A_46 = arith.constant 0 : i32
      %dma_wait3A_47 = tpu.memref_slice %arg7[%scan3A_28, %dma_wait3A_46] : memref<32x128xi32, #tpu.memory_space<vmem>> -> memref<1x128xi32, #tpu.memory_space<vmem>>
      %dma_wait3A_48 = tpu.memref_squeeze %dma_wait3A_47 : memref<1x128xi32, #tpu.memory_space<vmem>> -> memref<128xi32, #tpu.memory_space<vmem>>
      %dma_wait3A_49 = arith.constant 0 : i32
      %dma_wait3A_50 = arith.constant 0 : i32
      %dma_wait3A_51 = tpu.memref_slice %arg2[%dma_wait3A_49, %dma_wait3A_50] : memref<10000x8xf32, #tpu.memory_space<hbm>> -> memref<10000x8xf32, #tpu.memory_space<hbm>>
      tpu.wait_indirect_dma semaphore(%arg11 : memref<!tpu.dma_semaphore, #tpu.memory_space<semaphore_mem>>) src(%dma_wait3A_51 : memref<10000x8xf32, #tpu.memory_space<hbm>>) dst(%dma_wait3A_45 : memref<128x8xf32, #tpu.memory_space<vmem>>)
      %jit3A_52 = arith.constant 2 : i32
      %eq3A_53 = arith.constant 0 : i32
      %eq3A_54 = arith.cmpi eq, %jit3A_52, %eq3A_53 : i32
      %jit3A_55 = arith.constant 1 : i32
      %select_n3A_56 = arith.select %eq3A_54, %jit3A_55, %jit3A_52 : i32
      %rem3A_57 = arith.remsi %scan3A_28, %select_n3A_56 : i32
      %ne3A_58 = arith.constant 0 : i32
      %ne3A_59 = arith.cmpi ne, %rem3A_57, %ne3A_58 : i32
      %lt3A_60 = arith.constant 0 : i32
      %lt3A_61 = arith.cmpi slt, %rem3A_57, %lt3A_60 : i32
      %lt3A_62 = arith.constant 0 : i32
      %lt3A_63 = arith.cmpi slt, %select_n3A_56, %lt3A_62 : i32
      %ne3A_64 = arith.xori %lt3A_61, %lt3A_63 : i1
      %and3A_65 = arith.andi %ne3A_64, %ne3A_59 : i1
      %add3A_66 = arith.addi %rem3A_57, %select_n3A_56 : i32
      %select_n3A_67 = arith.select %and3A_65, %add3A_66, %rem3A_57 : i32
      "tpu.region"() ({
        %run_scoped3A = tpu.sem_alloc : memref<!tpu.dma_semaphore, #tpu.memory_space<semaphore_mem>>
        %dma_start3A_68 = arith.constant 0 : i32
        %dma_start3A_69 = arith.constant 0 : i32
        %dma_start3A_70 = tpu.memref_slice %arg9[%select_n3A_67, %dma_start3A_68, %dma_start3A_69] : memref<2x128x8xf32, #tpu.memory_space<vmem>> -> memref<1x128x8xf32, #tpu.memory_space<vmem>>
        %dma_start3A_71 = tpu.memref_squeeze %dma_start3A_70 : memref<1x128x8xf32, #tpu.memory_space<vmem>> -> memref<128x8xf32, #tpu.memory_space<vmem>>
        %dma_start3A_72 = arith.constant 0 : i32
        %dma_start3A_73 = tpu.memref_slice %arg8[%scan3A_28, %dma_start3A_72] : memref<32x128xi32, #tpu.memory_space<vmem>> -> memref<1x128xi32, #tpu.memory_space<vmem>>
        %dma_start3A_74 = tpu.memref_squeeze %dma_start3A_73 : memref<1x128xi32, #tpu.memory_space<vmem>> -> memref<128xi32, #tpu.memory_space<vmem>>
        %dma_start3A_75 = arith.constant 0 : i32
        %dma_start3A_76 = arith.constant 0 : i32
        %dma_start3A_77 = tpu.memref_slice %arg10[%dma_start3A_75, %dma_start3A_76] : memref<100096x8xf32, #tpu.memory_space<vmem_shared>> -> memref<100096x8xf32, #tpu.memory_space<vmem_shared>>
        tpu.enqueue_indirect_dma source(%dma_start3A_71 : memref<128x8xf32, #tpu.memory_space<vmem>>) target(%dma_start3A_77 : memref<100096x8xf32, #tpu.memory_space<vmem_shared>>) offsets(%dma_start3A_74 : memref<128xi32, #tpu.memory_space<vmem>>) semaphore(%run_scoped3A : memref<!tpu.dma_semaphore, #tpu.memory_space<semaphore_mem>>) {add = true}
        %dma_wait3A_78 = arith.constant 0 : i32
        %dma_wait3A_79 = arith.constant 0 : i32
        %dma_wait3A_80 = tpu.memref_slice %arg9[%select_n3A_67, %dma_wait3A_78, %dma_wait3A_79] : memref<2x128x8xf32, #tpu.memory_space<vmem>> -> memref<1x128x8xf32, #tpu.memory_space<vmem>>
        %dma_wait3A_81 = tpu.memref_squeeze %dma_wait3A_80 : memref<1x128x8xf32, #tpu.memory_space<vmem>> -> memref<128x8xf32, #tpu.memory_space<vmem>>
        %dma_wait3A_82 = arith.constant 0 : i32
        %dma_wait3A_83 = tpu.memref_slice %arg8[%scan3A_28, %dma_wait3A_82] : memref<32x128xi32, #tpu.memory_space<vmem>> -> memref<1x128xi32, #tpu.memory_space<vmem>>
        %dma_wait3A_84 = tpu.memref_squeeze %dma_wait3A_83 : memref<1x128xi32, #tpu.memory_space<vmem>> -> memref<128xi32, #tpu.memory_space<vmem>>
        %dma_wait3A_85 = arith.constant 0 : i32
        %dma_wait3A_86 = arith.constant 0 : i32
        %dma_wait3A_87 = tpu.memref_slice %arg10[%dma_wait3A_85, %dma_wait3A_86] : memref<100096x8xf32, #tpu.memory_space<vmem_shared>> -> memref<100096x8xf32, #tpu.memory_space<vmem_shared>>
        tpu.wait_indirect_dma semaphore(%run_scoped3A : memref<!tpu.dma_semaphore, #tpu.memory_space<semaphore_mem>>) src(%dma_wait3A_81 : memref<128x8xf32, #tpu.memory_space<vmem>>) dst(%dma_wait3A_87 : memref<100096x8xf32, #tpu.memory_space<vmem_shared>>)
        tpu.yield
      }) : () -> ()
    }
    %scan3A_22 = arith.constant 32 : i32
    %barrier3A_23 = arith.constant 0 : index
    tpu.barrier barrier_id(%barrier3A_23)
    %mul3A_24 = arith.constant 6256 : i32
    %mul3A_25 = arith.muli %arg1, %mul3A_24 : i32
    %mul3A_26 = arith.constant 6256 : i32
    %mul3A_27 = arith.muli %arg1, %mul3A_26 : i32
    "tpu.region"() ({
      %run_scoped3A = tpu.sem_alloc : memref<!tpu.dma_semaphore, #tpu.memory_space<semaphore_mem>>
      %dma_start3A_28 = arith.constant 0 : i32
      %dma_start3A_29 = arith.constant 0 : i32
      %dma_start3A_30 = tpu.memref_slice %arg6[%arg0, %dma_start3A_28, %dma_start3A_29] : memref<2x100096x8xf32, #tpu.memory_space<hbm>> -> memref<1x100096x8xf32, #tpu.memory_space<hbm>>
      %dma_start3A_31 = tpu.memref_squeeze %dma_start3A_30 : memref<1x100096x8xf32, #tpu.memory_space<hbm>> -> memref<100096x8xf32, #tpu.memory_space<hbm>>
      %dma_start3A_32 = arith.constant 0 : i32
      %dma_start3A_33 = tpu.memref_slice %dma_start3A_31[%mul3A_27, %dma_start3A_32] : memref<100096x8xf32, #tpu.memory_space<hbm>> -> memref<6256x8xf32, #tpu.memory_space<hbm>>
      %dma_start3A_34 = arith.constant 0 : i32
      %dma_start3A_35 = tpu.memref_slice %arg10[%mul3A_25, %dma_start3A_34] : memref<100096x8xf32, #tpu.memory_space<vmem_shared>> -> memref<6256x8xf32, #tpu.memory_space<vmem_shared>>
      tpu.enqueue_dma source(%dma_start3A_35 : memref<6256x8xf32, #tpu.memory_space<vmem_shared>>) target(%dma_start3A_33 : memref<6256x8xf32, #tpu.memory_space<hbm>>) target_semaphore(%run_scoped3A : memref<!tpu.dma_semaphore, #tpu.memory_space<semaphore_mem>>)
      %dma_wait3A = arith.constant 0 : i32
      %dma_wait3A_36 = arith.constant 0 : i32
      %dma_wait3A_37 = tpu.memref_slice %arg6[%arg0, %dma_wait3A, %dma_wait3A_36] : memref<2x100096x8xf32, #tpu.memory_space<hbm>> -> memref<1x100096x8xf32, #tpu.memory_space<hbm>>
      %dma_wait3A_38 = tpu.memref_squeeze %dma_wait3A_37 : memref<1x100096x8xf32, #tpu.memory_space<hbm>> -> memref<100096x8xf32, #tpu.memory_space<hbm>>
      %dma_wait3A_39 = arith.constant 0 : i32
      %dma_wait3A_40 = tpu.memref_slice %dma_wait3A_38[%mul3A_27, %dma_wait3A_39] : memref<100096x8xf32, #tpu.memory_space<hbm>> -> memref<6256x8xf32, #tpu.memory_space<hbm>>
      %dma_wait3A_41 = arith.constant 0 : i32
      %dma_wait3A_42 = tpu.memref_slice %arg10[%mul3A_25, %dma_wait3A_41] : memref<100096x8xf32, #tpu.memory_space<vmem_shared>> -> memref<6256x8xf32, #tpu.memory_space<vmem_shared>>
      tpu.wait_dma2 semaphore(%run_scoped3A : memref<!tpu.dma_semaphore, #tpu.memory_space<semaphore_mem>>) src(%dma_wait3A_42 : memref<6256x8xf32, #tpu.memory_space<vmem_shared>>) dst(%dma_wait3A_40 : memref<6256x8xf32, #tpu.memory_space<hbm>>)
      tpu.yield
    }) : () -> ()
    return
  }
}

#map = affine_map<(d0, d1) -> (0, 0)>
#map1 = affine_map<(d0, d1) -> (0, 0, 0)>
module attributes {stable_mosaic.version = 14 : i64} {
  func.func @k(%arg0: i32, %arg1: i32, %arg2: memref<50000x8xf32, #tpu.memory_space<hbm>>, %arg3: memref<4096x128xi32, #tpu.memory_space<hbm>>, %arg4: memref<4096x128xi32, #tpu.memory_space<hbm>>, %arg5: memref<6256x8xf32, #tpu.memory_space<hbm>>, %arg6: memref<2x100096x8xf32, #tpu.memory_space<hbm>>, %arg7: memref<128x128xi32, #tpu.memory_space<vmem>>, %arg8: memref<128x128xi32, #tpu.memory_space<vmem>>, %arg9: memref<2x128x8xf32, #tpu.memory_space<vmem>>, %arg10: memref<100096x8xf32, #tpu.memory_space<vmem_shared>>, %arg11: memref<!tpu.dma_semaphore, #tpu.memory_space<semaphore_mem>>) attributes {dimension_semantics = [#tpu.dimension_semantics<core_parallel>, #tpu.dimension_semantics<subcore_parallel>], iteration_bounds = array<i64: 2, 16>, scalar_prefetch = 0 : i64, scratch_operands = 5 : i64, tpu.core_type = #tpu.core_type<sc_vector_subcore>, window_params = [{transform_indices = #map}, {transform_indices = #map}, {transform_indices = #map}, {transform_indices = #map}, {transform_indices = #map1}]} {
    %mul3A = arith.constant 2 : i32
    %mul3A_0 = arith.muli %arg1, %mul3A : i32
    %add3A = arith.addi %mul3A_0, %arg0 : i32
    %mul3A_1 = arith.constant 6256 : i32
    %mul3A_2 = arith.muli %arg1, %mul3A_1 : i32
    "tpu.region"() ({
      %run_scoped3A = tpu.sem_alloc : memref<!tpu.dma_semaphore, #tpu.memory_space<semaphore_mem>>
      %dma_start3A_28 = arith.constant 0 : i32
      %dma_start3A_29 = tpu.memref_slice %arg10[%mul3A_2, %dma_start3A_28] : memref<100096x8xf32, #tpu.memory_space<vmem_shared>> -> memref<6256x8xf32, #tpu.memory_space<vmem_shared>>
      tpu.enqueue_dma source(%arg5 : memref<6256x8xf32, #tpu.memory_space<hbm>>) target(%dma_start3A_29 : memref<6256x8xf32, #tpu.memory_space<vmem_shared>>) target_semaphore(%run_scoped3A : memref<!tpu.dma_semaphore, #tpu.memory_space<semaphore_mem>>)
      %dma_wait3A = arith.constant 0 : i32
      %dma_wait3A_30 = tpu.memref_slice %arg10[%mul3A_2, %dma_wait3A] : memref<100096x8xf32, #tpu.memory_space<vmem_shared>> -> memref<6256x8xf32, #tpu.memory_space<vmem_shared>>
      tpu.wait_dma2 semaphore(%run_scoped3A : memref<!tpu.dma_semaphore, #tpu.memory_space<semaphore_mem>>) src(%arg5 : memref<6256x8xf32, #tpu.memory_space<hbm>>) dst(%dma_wait3A_30 : memref<6256x8xf32, #tpu.memory_space<vmem_shared>>)
      tpu.yield
    }) : () -> ()
    %barrier3A = arith.constant 0 : index
    tpu.barrier barrier_id(%barrier3A)
    %mul3A_3 = arith.constant 128 : i32
    %mul3A_4 = arith.muli %add3A, %mul3A_3 : i32
    "tpu.region"() ({
      %run_scoped3A = tpu.sem_alloc : memref<!tpu.dma_semaphore, #tpu.memory_space<semaphore_mem>>
      %dma_start3A_28 = arith.constant 0 : i32
      %dma_start3A_29 = tpu.memref_slice %arg3[%mul3A_4, %dma_start3A_28] : memref<4096x128xi32, #tpu.memory_space<hbm>> -> memref<128x128xi32, #tpu.memory_space<hbm>>
      %dma_start3A_30 = arith.constant 0 : i32
      %dma_start3A_31 = tpu.memref_slice %arg3[%mul3A_4, %dma_start3A_30] : memref<4096x128xi32, #tpu.memory_space<hbm>> -> memref<128x128xi32, #tpu.memory_space<hbm>>
      tpu.enqueue_dma source(%dma_start3A_31 : memref<128x128xi32, #tpu.memory_space<hbm>>) target(%arg7 : memref<128x128xi32, #tpu.memory_space<vmem>>) target_semaphore(%run_scoped3A : memref<!tpu.dma_semaphore, #tpu.memory_space<semaphore_mem>>)
      %dma_wait3A = arith.constant 0 : i32
      %dma_wait3A_32 = tpu.memref_slice %arg3[%mul3A_4, %dma_wait3A] : memref<4096x128xi32, #tpu.memory_space<hbm>> -> memref<128x128xi32, #tpu.memory_space<hbm>>
      %dma_wait3A_33 = arith.constant 0 : i32
      %dma_wait3A_34 = tpu.memref_slice %arg3[%mul3A_4, %dma_wait3A_33] : memref<4096x128xi32, #tpu.memory_space<hbm>> -> memref<128x128xi32, #tpu.memory_space<hbm>>
      tpu.wait_dma2 semaphore(%run_scoped3A : memref<!tpu.dma_semaphore, #tpu.memory_space<semaphore_mem>>) src(%dma_wait3A_34 : memref<128x128xi32, #tpu.memory_space<hbm>>) dst(%arg7 : memref<128x128xi32, #tpu.memory_space<vmem>>)
      tpu.yield
    }) : () -> ()
    %mul3A_5 = arith.constant 128 : i32
    %mul3A_6 = arith.muli %add3A, %mul3A_5 : i32
    "tpu.region"() ({
      %run_scoped3A = tpu.sem_alloc : memref<!tpu.dma_semaphore, #tpu.memory_space<semaphore_mem>>
      %dma_start3A_28 = arith.constant 0 : i32
      %dma_start3A_29 = tpu.memref_slice %arg4[%mul3A_6, %dma_start3A_28] : memref<4096x128xi32, #tpu.memory_space<hbm>> -> memref<128x128xi32, #tpu.memory_space<hbm>>
      %dma_start3A_30 = arith.constant 0 : i32
      %dma_start3A_31 = tpu.memref_slice %arg4[%mul3A_6, %dma_start3A_30] : memref<4096x128xi32, #tpu.memory_space<hbm>> -> memref<128x128xi32, #tpu.memory_space<hbm>>
      tpu.enqueue_dma source(%dma_start3A_31 : memref<128x128xi32, #tpu.memory_space<hbm>>) target(%arg8 : memref<128x128xi32, #tpu.memory_space<vmem>>) target_semaphore(%run_scoped3A : memref<!tpu.dma_semaphore, #tpu.memory_space<semaphore_mem>>)
      %dma_wait3A = arith.constant 0 : i32
      %dma_wait3A_32 = tpu.memref_slice %arg4[%mul3A_6, %dma_wait3A] : memref<4096x128xi32, #tpu.memory_space<hbm>> -> memref<128x128xi32, #tpu.memory_space<hbm>>
      %dma_wait3A_33 = arith.constant 0 : i32
      %dma_wait3A_34 = tpu.memref_slice %arg4[%mul3A_6, %dma_wait3A_33] : memref<4096x128xi32, #tpu.memory_space<hbm>> -> memref<128x128xi32, #tpu.memory_space<hbm>>
      tpu.wait_dma2 semaphore(%run_scoped3A : memref<!tpu.dma_semaphore, #tpu.memory_space<semaphore_mem>>) src(%dma_wait3A_34 : memref<128x128xi32, #tpu.memory_space<hbm>>) dst(%arg8 : memref<128x128xi32, #tpu.memory_space<vmem>>)
      tpu.yield
    }) : () -> ()
    %dma_start3A = arith.constant 0 : i32
    %dma_start3A_7 = arith.constant 0 : i32
    %dma_start3A_8 = arith.constant 0 : i32
    %dma_start3A_9 = arith.constant 0 : i32
    %dma_start3A_10 = tpu.memref_slice %arg9[%dma_start3A_7, %dma_start3A_8, %dma_start3A_9] : memref<2x128x8xf32, #tpu.memory_space<vmem>> -> memref<1x128x8xf32, #tpu.memory_space<vmem>>
    %dma_start3A_11 = tpu.memref_squeeze %dma_start3A_10 : memref<1x128x8xf32, #tpu.memory_space<vmem>> -> memref<128x8xf32, #tpu.memory_space<vmem>>
    %dma_start3A_12 = arith.constant 0 : i32
    %dma_start3A_13 = tpu.memref_slice %arg7[%dma_start3A, %dma_start3A_12] : memref<128x128xi32, #tpu.memory_space<vmem>> -> memref<1x128xi32, #tpu.memory_space<vmem>>
    %dma_start3A_14 = tpu.memref_squeeze %dma_start3A_13 : memref<1x128xi32, #tpu.memory_space<vmem>> -> memref<128xi32, #tpu.memory_space<vmem>>
    %dma_start3A_15 = arith.constant 0 : i32
    %dma_start3A_16 = arith.constant 0 : i32
    %dma_start3A_17 = tpu.memref_slice %arg2[%dma_start3A_15, %dma_start3A_16] : memref<50000x8xf32, #tpu.memory_space<hbm>> -> memref<50000x8xf32, #tpu.memory_space<hbm>>
    tpu.enqueue_indirect_dma source(%dma_start3A_17 : memref<50000x8xf32, #tpu.memory_space<hbm>>) target(%dma_start3A_11 : memref<128x8xf32, #tpu.memory_space<vmem>>) offsets(%dma_start3A_14 : memref<128xi32, #tpu.memory_space<vmem>>) semaphore(%arg11 : memref<!tpu.dma_semaphore, #tpu.memory_space<semaphore_mem>>)
    %scan3A = arith.constant 0 : i32
    %scan3A_18 = arith.constant 0 : i32
    %scan3A_19 = arith.constant 128 : i32
    %scan3A_20 = arith.addi %scan3A_18, %scan3A_19 : i32
    %scan3A_21 = arith.constant 1 : i32
    scf.for %scan3A_28 = %scan3A_18 to %scan3A_20 step %scan3A_21  : i32 {
      %add3A_29 = arith.constant 1 : i32
      %add3A_30 = arith.addi %scan3A_28, %add3A_29 : i32
      %lt3A = arith.constant 128 : i32
      %lt3A_31 = arith.cmpi slt, %add3A_30, %lt3A : i32
      %convert_element_type3A = arith.extui %lt3A_31 : i1 to i32
      %cond3A = arith.constant 0 : i32
      %cond3A_32 = arith.cmpi ne, %convert_element_type3A, %cond3A : i32
      scf.if %cond3A_32 {
        %add3A_68 = arith.constant 1 : i32
        %add3A_69 = arith.addi %scan3A_28, %add3A_68 : i32
        %add3A_70 = arith.constant 1 : i32
        %add3A_71 = arith.addi %scan3A_28, %add3A_70 : i32
        %jit3A_72 = arith.constant 2 : i32
        %eq3A_73 = arith.constant 0 : i32
        %eq3A_74 = arith.cmpi eq, %jit3A_72, %eq3A_73 : i32
        %jit3A_75 = arith.constant 1 : i32
        %select_n3A_76 = arith.select %eq3A_74, %jit3A_75, %jit3A_72 : i32
        %rem3A_77 = arith.remsi %add3A_71, %select_n3A_76 : i32
        %ne3A_78 = arith.constant 0 : i32
        %ne3A_79 = arith.cmpi ne, %rem3A_77, %ne3A_78 : i32
        %lt3A_80 = arith.constant 0 : i32
        %lt3A_81 = arith.cmpi slt, %rem3A_77, %lt3A_80 : i32
        %lt3A_82 = arith.constant 0 : i32
        %lt3A_83 = arith.cmpi slt, %select_n3A_76, %lt3A_82 : i32
        %ne3A_84 = arith.xori %lt3A_81, %lt3A_83 : i1
        %and3A_85 = arith.andi %ne3A_84, %ne3A_79 : i1
        %add3A_86 = arith.addi %rem3A_77, %select_n3A_76 : i32
        %select_n3A_87 = arith.select %and3A_85, %add3A_86, %rem3A_77 : i32
        %dma_start3A_88 = arith.constant 0 : i32
        %dma_start3A_89 = arith.constant 0 : i32
        %dma_start3A_90 = tpu.memref_slice %arg9[%select_n3A_87, %dma_start3A_88, %dma_start3A_89] : memref<2x128x8xf32, #tpu.memory_space<vmem>> -> memref<1x128x8xf32, #tpu.memory_space<vmem>>
        %dma_start3A_91 = tpu.memref_squeeze %dma_start3A_90 : memref<1x128x8xf32, #tpu.memory_space<vmem>> -> memref<128x8xf32, #tpu.memory_space<vmem>>
        %dma_start3A_92 = arith.constant 0 : i32
        %dma_start3A_93 = tpu.memref_slice %arg7[%add3A_69, %dma_start3A_92] : memref<128x128xi32, #tpu.memory_space<vmem>> -> memref<1x128xi32, #tpu.memory_space<vmem>>
        %dma_start3A_94 = tpu.memref_squeeze %dma_start3A_93 : memref<1x128xi32, #tpu.memory_space<vmem>> -> memref<128xi32, #tpu.memory_space<vmem>>
        %dma_start3A_95 = arith.constant 0 : i32
        %dma_start3A_96 = arith.constant 0 : i32
        %dma_start3A_97 = tpu.memref_slice %arg2[%dma_start3A_95, %dma_start3A_96] : memref<50000x8xf32, #tpu.memory_space<hbm>> -> memref<50000x8xf32, #tpu.memory_space<hbm>>
        tpu.enqueue_indirect_dma source(%dma_start3A_97 : memref<50000x8xf32, #tpu.memory_space<hbm>>) target(%dma_start3A_91 : memref<128x8xf32, #tpu.memory_space<vmem>>) offsets(%dma_start3A_94 : memref<128xi32, #tpu.memory_space<vmem>>) semaphore(%arg11 : memref<!tpu.dma_semaphore, #tpu.memory_space<semaphore_mem>>)
      } else {
      }
      %jit3A = arith.constant 2 : i32
      %eq3A = arith.constant 0 : i32
      %eq3A_33 = arith.cmpi eq, %jit3A, %eq3A : i32
      %jit3A_34 = arith.constant 1 : i32
      %select_n3A = arith.select %eq3A_33, %jit3A_34, %jit3A : i32
      %rem3A = arith.remsi %scan3A_28, %select_n3A : i32
      %ne3A = arith.constant 0 : i32
      %ne3A_35 = arith.cmpi ne, %rem3A, %ne3A : i32
      %lt3A_36 = arith.constant 0 : i32
      %lt3A_37 = arith.cmpi slt, %rem3A, %lt3A_36 : i32
      %lt3A_38 = arith.constant 0 : i32
      %lt3A_39 = arith.cmpi slt, %select_n3A, %lt3A_38 : i32
      %ne3A_40 = arith.xori %lt3A_37, %lt3A_39 : i1
      %and3A = arith.andi %ne3A_40, %ne3A_35 : i1
      %add3A_41 = arith.addi %rem3A, %select_n3A : i32
      %select_n3A_42 = arith.select %and3A, %add3A_41, %rem3A : i32
      %dma_wait3A = arith.constant 0 : i32
      %dma_wait3A_43 = arith.constant 0 : i32
      %dma_wait3A_44 = tpu.memref_slice %arg9[%select_n3A_42, %dma_wait3A, %dma_wait3A_43] : memref<2x128x8xf32, #tpu.memory_space<vmem>> -> memref<1x128x8xf32, #tpu.memory_space<vmem>>
      %dma_wait3A_45 = tpu.memref_squeeze %dma_wait3A_44 : memref<1x128x8xf32, #tpu.memory_space<vmem>> -> memref<128x8xf32, #tpu.memory_space<vmem>>
      %dma_wait3A_46 = arith.constant 0 : i32
      %dma_wait3A_47 = tpu.memref_slice %arg7[%scan3A_28, %dma_wait3A_46] : memref<128x128xi32, #tpu.memory_space<vmem>> -> memref<1x128xi32, #tpu.memory_space<vmem>>
      %dma_wait3A_48 = tpu.memref_squeeze %dma_wait3A_47 : memref<1x128xi32, #tpu.memory_space<vmem>> -> memref<128xi32, #tpu.memory_space<vmem>>
      %dma_wait3A_49 = arith.constant 0 : i32
      %dma_wait3A_50 = arith.constant 0 : i32
      %dma_wait3A_51 = tpu.memref_slice %arg2[%dma_wait3A_49, %dma_wait3A_50] : memref<50000x8xf32, #tpu.memory_space<hbm>> -> memref<50000x8xf32, #tpu.memory_space<hbm>>
      tpu.wait_indirect_dma semaphore(%arg11 : memref<!tpu.dma_semaphore, #tpu.memory_space<semaphore_mem>>) src(%dma_wait3A_51 : memref<50000x8xf32, #tpu.memory_space<hbm>>) dst(%dma_wait3A_45 : memref<128x8xf32, #tpu.memory_space<vmem>>)
      %jit3A_52 = arith.constant 2 : i32
      %eq3A_53 = arith.constant 0 : i32
      %eq3A_54 = arith.cmpi eq, %jit3A_52, %eq3A_53 : i32
      %jit3A_55 = arith.constant 1 : i32
      %select_n3A_56 = arith.select %eq3A_54, %jit3A_55, %jit3A_52 : i32
      %rem3A_57 = arith.remsi %scan3A_28, %select_n3A_56 : i32
      %ne3A_58 = arith.constant 0 : i32
      %ne3A_59 = arith.cmpi ne, %rem3A_57, %ne3A_58 : i32
      %lt3A_60 = arith.constant 0 : i32
      %lt3A_61 = arith.cmpi slt, %rem3A_57, %lt3A_60 : i32
      %lt3A_62 = arith.constant 0 : i32
      %lt3A_63 = arith.cmpi slt, %select_n3A_56, %lt3A_62 : i32
      %ne3A_64 = arith.xori %lt3A_61, %lt3A_63 : i1
      %and3A_65 = arith.andi %ne3A_64, %ne3A_59 : i1
      %add3A_66 = arith.addi %rem3A_57, %select_n3A_56 : i32
      %select_n3A_67 = arith.select %and3A_65, %add3A_66, %rem3A_57 : i32
      "tpu.region"() ({
        %run_scoped3A = tpu.sem_alloc : memref<!tpu.dma_semaphore, #tpu.memory_space<semaphore_mem>>
        %dma_start3A_68 = arith.constant 0 : i32
        %dma_start3A_69 = arith.constant 0 : i32
        %dma_start3A_70 = tpu.memref_slice %arg9[%select_n3A_67, %dma_start3A_68, %dma_start3A_69] : memref<2x128x8xf32, #tpu.memory_space<vmem>> -> memref<1x128x8xf32, #tpu.memory_space<vmem>>
        %dma_start3A_71 = tpu.memref_squeeze %dma_start3A_70 : memref<1x128x8xf32, #tpu.memory_space<vmem>> -> memref<128x8xf32, #tpu.memory_space<vmem>>
        %dma_start3A_72 = arith.constant 0 : i32
        %dma_start3A_73 = tpu.memref_slice %arg8[%scan3A_28, %dma_start3A_72] : memref<128x128xi32, #tpu.memory_space<vmem>> -> memref<1x128xi32, #tpu.memory_space<vmem>>
        %dma_start3A_74 = tpu.memref_squeeze %dma_start3A_73 : memref<1x128xi32, #tpu.memory_space<vmem>> -> memref<128xi32, #tpu.memory_space<vmem>>
        %dma_start3A_75 = arith.constant 0 : i32
        %dma_start3A_76 = arith.constant 0 : i32
        %dma_start3A_77 = tpu.memref_slice %arg10[%dma_start3A_75, %dma_start3A_76] : memref<100096x8xf32, #tpu.memory_space<vmem_shared>> -> memref<100096x8xf32, #tpu.memory_space<vmem_shared>>
        tpu.enqueue_indirect_dma source(%dma_start3A_71 : memref<128x8xf32, #tpu.memory_space<vmem>>) target(%dma_start3A_77 : memref<100096x8xf32, #tpu.memory_space<vmem_shared>>) offsets(%dma_start3A_74 : memref<128xi32, #tpu.memory_space<vmem>>) semaphore(%run_scoped3A : memref<!tpu.dma_semaphore, #tpu.memory_space<semaphore_mem>>) {add = true}
        %dma_wait3A_78 = arith.constant 0 : i32
        %dma_wait3A_79 = arith.constant 0 : i32
        %dma_wait3A_80 = tpu.memref_slice %arg9[%select_n3A_67, %dma_wait3A_78, %dma_wait3A_79] : memref<2x128x8xf32, #tpu.memory_space<vmem>> -> memref<1x128x8xf32, #tpu.memory_space<vmem>>
        %dma_wait3A_81 = tpu.memref_squeeze %dma_wait3A_80 : memref<1x128x8xf32, #tpu.memory_space<vmem>> -> memref<128x8xf32, #tpu.memory_space<vmem>>
        %dma_wait3A_82 = arith.constant 0 : i32
        %dma_wait3A_83 = tpu.memref_slice %arg8[%scan3A_28, %dma_wait3A_82] : memref<128x128xi32, #tpu.memory_space<vmem>> -> memref<1x128xi32, #tpu.memory_space<vmem>>
        %dma_wait3A_84 = tpu.memref_squeeze %dma_wait3A_83 : memref<1x128xi32, #tpu.memory_space<vmem>> -> memref<128xi32, #tpu.memory_space<vmem>>
        %dma_wait3A_85 = arith.constant 0 : i32
        %dma_wait3A_86 = arith.constant 0 : i32
        %dma_wait3A_87 = tpu.memref_slice %arg10[%dma_wait3A_85, %dma_wait3A_86] : memref<100096x8xf32, #tpu.memory_space<vmem_shared>> -> memref<100096x8xf32, #tpu.memory_space<vmem_shared>>
        tpu.wait_indirect_dma semaphore(%run_scoped3A : memref<!tpu.dma_semaphore, #tpu.memory_space<semaphore_mem>>) src(%dma_wait3A_81 : memref<128x8xf32, #tpu.memory_space<vmem>>) dst(%dma_wait3A_87 : memref<100096x8xf32, #tpu.memory_space<vmem_shared>>)
        tpu.yield
      }) : () -> ()
    }
    %scan3A_22 = arith.constant 128 : i32
    %barrier3A_23 = arith.constant 0 : index
    tpu.barrier barrier_id(%barrier3A_23)
    %mul3A_24 = arith.constant 6256 : i32
    %mul3A_25 = arith.muli %arg1, %mul3A_24 : i32
    %mul3A_26 = arith.constant 6256 : i32
    %mul3A_27 = arith.muli %arg1, %mul3A_26 : i32
    "tpu.region"() ({
      %run_scoped3A = tpu.sem_alloc : memref<!tpu.dma_semaphore, #tpu.memory_space<semaphore_mem>>
      %dma_start3A_28 = arith.constant 0 : i32
      %dma_start3A_29 = arith.constant 0 : i32
      %dma_start3A_30 = tpu.memref_slice %arg6[%arg0, %dma_start3A_28, %dma_start3A_29] : memref<2x100096x8xf32, #tpu.memory_space<hbm>> -> memref<1x100096x8xf32, #tpu.memory_space<hbm>>
      %dma_start3A_31 = tpu.memref_squeeze %dma_start3A_30 : memref<1x100096x8xf32, #tpu.memory_space<hbm>> -> memref<100096x8xf32, #tpu.memory_space<hbm>>
      %dma_start3A_32 = arith.constant 0 : i32
      %dma_start3A_33 = tpu.memref_slice %dma_start3A_31[%mul3A_27, %dma_start3A_32] : memref<100096x8xf32, #tpu.memory_space<hbm>> -> memref<6256x8xf32, #tpu.memory_space<hbm>>
      %dma_start3A_34 = arith.constant 0 : i32
      %dma_start3A_35 = tpu.memref_slice %arg10[%mul3A_25, %dma_start3A_34] : memref<100096x8xf32, #tpu.memory_space<vmem_shared>> -> memref<6256x8xf32, #tpu.memory_space<vmem_shared>>
      tpu.enqueue_dma source(%dma_start3A_35 : memref<6256x8xf32, #tpu.memory_space<vmem_shared>>) target(%dma_start3A_33 : memref<6256x8xf32, #tpu.memory_space<hbm>>) target_semaphore(%run_scoped3A : memref<!tpu.dma_semaphore, #tpu.memory_space<semaphore_mem>>)
      %dma_wait3A = arith.constant 0 : i32
      %dma_wait3A_36 = arith.constant 0 : i32
      %dma_wait3A_37 = tpu.memref_slice %arg6[%arg0, %dma_wait3A, %dma_wait3A_36] : memref<2x100096x8xf32, #tpu.memory_space<hbm>> -> memref<1x100096x8xf32, #tpu.memory_space<hbm>>
      %dma_wait3A_38 = tpu.memref_squeeze %dma_wait3A_37 : memref<1x100096x8xf32, #tpu.memory_space<hbm>> -> memref<100096x8xf32, #tpu.memory_space<hbm>>
      %dma_wait3A_39 = arith.constant 0 : i32
      %dma_wait3A_40 = tpu.memref_slice %dma_wait3A_38[%mul3A_27, %dma_wait3A_39] : memref<100096x8xf32, #tpu.memory_space<hbm>> -> memref<6256x8xf32, #tpu.memory_space<hbm>>
      %dma_wait3A_41 = arith.constant 0 : i32
      %dma_wait3A_42 = tpu.memref_slice %arg10[%mul3A_25, %dma_wait3A_41] : memref<100096x8xf32, #tpu.memory_space<vmem_shared>> -> memref<6256x8xf32, #tpu.memory_space<vmem_shared>>
      tpu.wait_dma2 semaphore(%run_scoped3A : memref<!tpu.dma_semaphore, #tpu.memory_space<semaphore_mem>>) src(%dma_wait3A_42 : memref<6256x8xf32, #tpu.memory_space<vmem_shared>>) dst(%dma_wait3A_40 : memref<6256x8xf32, #tpu.memory_space<hbm>>)
      tpu.yield
    }) : () -> ()
    return
  }
}

#map = affine_map<(d0, d1) -> (0, 0)>
#map1 = affine_map<(d0, d1) -> (0, 0, 0)>
module attributes {stable_mosaic.version = 14 : i64} {
  func.func @k(%arg0: i32, %arg1: i32, %arg2: memref<50000x8xf32, #tpu.memory_space<hbm>>, %arg3: memref<4096x128xi32, #tpu.memory_space<hbm>>, %arg4: memref<4096x128xi32, #tpu.memory_space<hbm>>, %arg5: memref<6256x8xf32, #tpu.memory_space<hbm>>, %arg6: memref<2x100096x8xf32, #tpu.memory_space<hbm>>, %arg7: memref<128x128xi32, #tpu.memory_space<vmem>>, %arg8: memref<128x128xi32, #tpu.memory_space<vmem>>, %arg9: memref<2x128x8xf32, #tpu.memory_space<vmem>>, %arg10: memref<100096x8xf32, #tpu.memory_space<vmem_shared>>, %arg11: memref<!tpu.dma_semaphore, #tpu.memory_space<semaphore_mem>>) attributes {dimension_semantics = [#tpu.dimension_semantics<core_parallel>, #tpu.dimension_semantics<subcore_parallel>], iteration_bounds = array<i64: 2, 16>, scalar_prefetch = 0 : i64, scratch_operands = 5 : i64, tpu.core_type = #tpu.core_type<sc_vector_subcore>, window_params = [{transform_indices = #map}, {transform_indices = #map}, {transform_indices = #map}, {transform_indices = #map}, {transform_indices = #map1}]} {
    %mul3A = arith.constant 2 : i32
    %mul3A_0 = arith.muli %arg1, %mul3A : i32
    %add3A = arith.addi %mul3A_0, %arg0 : i32
    %mul3A_1 = arith.constant 6256 : i32
    %mul3A_2 = arith.muli %arg1, %mul3A_1 : i32
    "tpu.region"() ({
      %run_scoped3A = tpu.sem_alloc : memref<!tpu.dma_semaphore, #tpu.memory_space<semaphore_mem>>
      %dma_start3A_28 = arith.constant 0 : i32
      %dma_start3A_29 = tpu.memref_slice %arg10[%mul3A_2, %dma_start3A_28] : memref<100096x8xf32, #tpu.memory_space<vmem_shared>> -> memref<6256x8xf32, #tpu.memory_space<vmem_shared>>
      tpu.enqueue_dma source(%arg5 : memref<6256x8xf32, #tpu.memory_space<hbm>>) target(%dma_start3A_29 : memref<6256x8xf32, #tpu.memory_space<vmem_shared>>) target_semaphore(%run_scoped3A : memref<!tpu.dma_semaphore, #tpu.memory_space<semaphore_mem>>)
      %dma_wait3A = arith.constant 0 : i32
      %dma_wait3A_30 = tpu.memref_slice %arg10[%mul3A_2, %dma_wait3A] : memref<100096x8xf32, #tpu.memory_space<vmem_shared>> -> memref<6256x8xf32, #tpu.memory_space<vmem_shared>>
      tpu.wait_dma2 semaphore(%run_scoped3A : memref<!tpu.dma_semaphore, #tpu.memory_space<semaphore_mem>>) src(%arg5 : memref<6256x8xf32, #tpu.memory_space<hbm>>) dst(%dma_wait3A_30 : memref<6256x8xf32, #tpu.memory_space<vmem_shared>>)
      tpu.yield
    }) : () -> ()
    %barrier3A = arith.constant 0 : index
    tpu.barrier barrier_id(%barrier3A)
    %mul3A_3 = arith.constant 128 : i32
    %mul3A_4 = arith.muli %add3A, %mul3A_3 : i32
    "tpu.region"() ({
      %run_scoped3A = tpu.sem_alloc : memref<!tpu.dma_semaphore, #tpu.memory_space<semaphore_mem>>
      %dma_start3A_28 = arith.constant 0 : i32
      %dma_start3A_29 = tpu.memref_slice %arg3[%mul3A_4, %dma_start3A_28] : memref<4096x128xi32, #tpu.memory_space<hbm>> -> memref<128x128xi32, #tpu.memory_space<hbm>>
      %dma_start3A_30 = arith.constant 0 : i32
      %dma_start3A_31 = tpu.memref_slice %arg3[%mul3A_4, %dma_start3A_30] : memref<4096x128xi32, #tpu.memory_space<hbm>> -> memref<128x128xi32, #tpu.memory_space<hbm>>
      tpu.enqueue_dma source(%dma_start3A_31 : memref<128x128xi32, #tpu.memory_space<hbm>>) target(%arg7 : memref<128x128xi32, #tpu.memory_space<vmem>>) target_semaphore(%run_scoped3A : memref<!tpu.dma_semaphore, #tpu.memory_space<semaphore_mem>>)
      %dma_wait3A = arith.constant 0 : i32
      %dma_wait3A_32 = tpu.memref_slice %arg3[%mul3A_4, %dma_wait3A] : memref<4096x128xi32, #tpu.memory_space<hbm>> -> memref<128x128xi32, #tpu.memory_space<hbm>>
      %dma_wait3A_33 = arith.constant 0 : i32
      %dma_wait3A_34 = tpu.memref_slice %arg3[%mul3A_4, %dma_wait3A_33] : memref<4096x128xi32, #tpu.memory_space<hbm>> -> memref<128x128xi32, #tpu.memory_space<hbm>>
      tpu.wait_dma2 semaphore(%run_scoped3A : memref<!tpu.dma_semaphore, #tpu.memory_space<semaphore_mem>>) src(%dma_wait3A_34 : memref<128x128xi32, #tpu.memory_space<hbm>>) dst(%arg7 : memref<128x128xi32, #tpu.memory_space<vmem>>)
      tpu.yield
    }) : () -> ()
    %mul3A_5 = arith.constant 128 : i32
    %mul3A_6 = arith.muli %add3A, %mul3A_5 : i32
    "tpu.region"() ({
      %run_scoped3A = tpu.sem_alloc : memref<!tpu.dma_semaphore, #tpu.memory_space<semaphore_mem>>
      %dma_start3A_28 = arith.constant 0 : i32
      %dma_start3A_29 = tpu.memref_slice %arg4[%mul3A_6, %dma_start3A_28] : memref<4096x128xi32, #tpu.memory_space<hbm>> -> memref<128x128xi32, #tpu.memory_space<hbm>>
      %dma_start3A_30 = arith.constant 0 : i32
      %dma_start3A_31 = tpu.memref_slice %arg4[%mul3A_6, %dma_start3A_30] : memref<4096x128xi32, #tpu.memory_space<hbm>> -> memref<128x128xi32, #tpu.memory_space<hbm>>
      tpu.enqueue_dma source(%dma_start3A_31 : memref<128x128xi32, #tpu.memory_space<hbm>>) target(%arg8 : memref<128x128xi32, #tpu.memory_space<vmem>>) target_semaphore(%run_scoped3A : memref<!tpu.dma_semaphore, #tpu.memory_space<semaphore_mem>>)
      %dma_wait3A = arith.constant 0 : i32
      %dma_wait3A_32 = tpu.memref_slice %arg4[%mul3A_6, %dma_wait3A] : memref<4096x128xi32, #tpu.memory_space<hbm>> -> memref<128x128xi32, #tpu.memory_space<hbm>>
      %dma_wait3A_33 = arith.constant 0 : i32
      %dma_wait3A_34 = tpu.memref_slice %arg4[%mul3A_6, %dma_wait3A_33] : memref<4096x128xi32, #tpu.memory_space<hbm>> -> memref<128x128xi32, #tpu.memory_space<hbm>>
      tpu.wait_dma2 semaphore(%run_scoped3A : memref<!tpu.dma_semaphore, #tpu.memory_space<semaphore_mem>>) src(%dma_wait3A_34 : memref<128x128xi32, #tpu.memory_space<hbm>>) dst(%arg8 : memref<128x128xi32, #tpu.memory_space<vmem>>)
      tpu.yield
    }) : () -> ()
    %dma_start3A = arith.constant 0 : i32
    %dma_start3A_7 = arith.constant 0 : i32
    %dma_start3A_8 = arith.constant 0 : i32
    %dma_start3A_9 = arith.constant 0 : i32
    %dma_start3A_10 = tpu.memref_slice %arg9[%dma_start3A_7, %dma_start3A_8, %dma_start3A_9] : memref<2x128x8xf32, #tpu.memory_space<vmem>> -> memref<1x128x8xf32, #tpu.memory_space<vmem>>
    %dma_start3A_11 = tpu.memref_squeeze %dma_start3A_10 : memref<1x128x8xf32, #tpu.memory_space<vmem>> -> memref<128x8xf32, #tpu.memory_space<vmem>>
    %dma_start3A_12 = arith.constant 0 : i32
    %dma_start3A_13 = tpu.memref_slice %arg7[%dma_start3A, %dma_start3A_12] : memref<128x128xi32, #tpu.memory_space<vmem>> -> memref<1x128xi32, #tpu.memory_space<vmem>>
    %dma_start3A_14 = tpu.memref_squeeze %dma_start3A_13 : memref<1x128xi32, #tpu.memory_space<vmem>> -> memref<128xi32, #tpu.memory_space<vmem>>
    %dma_start3A_15 = arith.constant 0 : i32
    %dma_start3A_16 = arith.constant 0 : i32
    %dma_start3A_17 = tpu.memref_slice %arg2[%dma_start3A_15, %dma_start3A_16] : memref<50000x8xf32, #tpu.memory_space<hbm>> -> memref<50000x8xf32, #tpu.memory_space<hbm>>
    tpu.enqueue_indirect_dma source(%dma_start3A_17 : memref<50000x8xf32, #tpu.memory_space<hbm>>) target(%dma_start3A_11 : memref<128x8xf32, #tpu.memory_space<vmem>>) offsets(%dma_start3A_14 : memref<128xi32, #tpu.memory_space<vmem>>) semaphore(%arg11 : memref<!tpu.dma_semaphore, #tpu.memory_space<semaphore_mem>>)
    %scan3A = arith.constant 0 : i32
    %scan3A_18 = arith.constant 0 : i32
    %scan3A_19 = arith.constant 128 : i32
    %scan3A_20 = arith.addi %scan3A_18, %scan3A_19 : i32
    %scan3A_21 = arith.constant 1 : i32
    scf.for %scan3A_28 = %scan3A_18 to %scan3A_20 step %scan3A_21  : i32 {
      %add3A_29 = arith.constant 1 : i32
      %add3A_30 = arith.addi %scan3A_28, %add3A_29 : i32
      %lt3A = arith.constant 128 : i32
      %lt3A_31 = arith.cmpi slt, %add3A_30, %lt3A : i32
      %convert_element_type3A = arith.extui %lt3A_31 : i1 to i32
      %cond3A = arith.constant 0 : i32
      %cond3A_32 = arith.cmpi ne, %convert_element_type3A, %cond3A : i32
      scf.if %cond3A_32 {
        %add3A_68 = arith.constant 1 : i32
        %add3A_69 = arith.addi %scan3A_28, %add3A_68 : i32
        %add3A_70 = arith.constant 1 : i32
        %add3A_71 = arith.addi %scan3A_28, %add3A_70 : i32
        %jit3A_72 = arith.constant 2 : i32
        %eq3A_73 = arith.constant 0 : i32
        %eq3A_74 = arith.cmpi eq, %jit3A_72, %eq3A_73 : i32
        %jit3A_75 = arith.constant 1 : i32
        %select_n3A_76 = arith.select %eq3A_74, %jit3A_75, %jit3A_72 : i32
        %rem3A_77 = arith.remsi %add3A_71, %select_n3A_76 : i32
        %ne3A_78 = arith.constant 0 : i32
        %ne3A_79 = arith.cmpi ne, %rem3A_77, %ne3A_78 : i32
        %lt3A_80 = arith.constant 0 : i32
        %lt3A_81 = arith.cmpi slt, %rem3A_77, %lt3A_80 : i32
        %lt3A_82 = arith.constant 0 : i32
        %lt3A_83 = arith.cmpi slt, %select_n3A_76, %lt3A_82 : i32
        %ne3A_84 = arith.xori %lt3A_81, %lt3A_83 : i1
        %and3A_85 = arith.andi %ne3A_84, %ne3A_79 : i1
        %add3A_86 = arith.addi %rem3A_77, %select_n3A_76 : i32
        %select_n3A_87 = arith.select %and3A_85, %add3A_86, %rem3A_77 : i32
        %dma_start3A_88 = arith.constant 0 : i32
        %dma_start3A_89 = arith.constant 0 : i32
        %dma_start3A_90 = tpu.memref_slice %arg9[%select_n3A_87, %dma_start3A_88, %dma_start3A_89] : memref<2x128x8xf32, #tpu.memory_space<vmem>> -> memref<1x128x8xf32, #tpu.memory_space<vmem>>
        %dma_start3A_91 = tpu.memref_squeeze %dma_start3A_90 : memref<1x128x8xf32, #tpu.memory_space<vmem>> -> memref<128x8xf32, #tpu.memory_space<vmem>>
        %dma_start3A_92 = arith.constant 0 : i32
        %dma_start3A_93 = tpu.memref_slice %arg7[%add3A_69, %dma_start3A_92] : memref<128x128xi32, #tpu.memory_space<vmem>> -> memref<1x128xi32, #tpu.memory_space<vmem>>
        %dma_start3A_94 = tpu.memref_squeeze %dma_start3A_93 : memref<1x128xi32, #tpu.memory_space<vmem>> -> memref<128xi32, #tpu.memory_space<vmem>>
        %dma_start3A_95 = arith.constant 0 : i32
        %dma_start3A_96 = arith.constant 0 : i32
        %dma_start3A_97 = tpu.memref_slice %arg2[%dma_start3A_95, %dma_start3A_96] : memref<50000x8xf32, #tpu.memory_space<hbm>> -> memref<50000x8xf32, #tpu.memory_space<hbm>>
        tpu.enqueue_indirect_dma source(%dma_start3A_97 : memref<50000x8xf32, #tpu.memory_space<hbm>>) target(%dma_start3A_91 : memref<128x8xf32, #tpu.memory_space<vmem>>) offsets(%dma_start3A_94 : memref<128xi32, #tpu.memory_space<vmem>>) semaphore(%arg11 : memref<!tpu.dma_semaphore, #tpu.memory_space<semaphore_mem>>)
      } else {
      }
      %jit3A = arith.constant 2 : i32
      %eq3A = arith.constant 0 : i32
      %eq3A_33 = arith.cmpi eq, %jit3A, %eq3A : i32
      %jit3A_34 = arith.constant 1 : i32
      %select_n3A = arith.select %eq3A_33, %jit3A_34, %jit3A : i32
      %rem3A = arith.remsi %scan3A_28, %select_n3A : i32
      %ne3A = arith.constant 0 : i32
      %ne3A_35 = arith.cmpi ne, %rem3A, %ne3A : i32
      %lt3A_36 = arith.constant 0 : i32
      %lt3A_37 = arith.cmpi slt, %rem3A, %lt3A_36 : i32
      %lt3A_38 = arith.constant 0 : i32
      %lt3A_39 = arith.cmpi slt, %select_n3A, %lt3A_38 : i32
      %ne3A_40 = arith.xori %lt3A_37, %lt3A_39 : i1
      %and3A = arith.andi %ne3A_40, %ne3A_35 : i1
      %add3A_41 = arith.addi %rem3A, %select_n3A : i32
      %select_n3A_42 = arith.select %and3A, %add3A_41, %rem3A : i32
      %dma_wait3A = arith.constant 0 : i32
      %dma_wait3A_43 = arith.constant 0 : i32
      %dma_wait3A_44 = tpu.memref_slice %arg9[%select_n3A_42, %dma_wait3A, %dma_wait3A_43] : memref<2x128x8xf32, #tpu.memory_space<vmem>> -> memref<1x128x8xf32, #tpu.memory_space<vmem>>
      %dma_wait3A_45 = tpu.memref_squeeze %dma_wait3A_44 : memref<1x128x8xf32, #tpu.memory_space<vmem>> -> memref<128x8xf32, #tpu.memory_space<vmem>>
      %dma_wait3A_46 = arith.constant 0 : i32
      %dma_wait3A_47 = tpu.memref_slice %arg7[%scan3A_28, %dma_wait3A_46] : memref<128x128xi32, #tpu.memory_space<vmem>> -> memref<1x128xi32, #tpu.memory_space<vmem>>
      %dma_wait3A_48 = tpu.memref_squeeze %dma_wait3A_47 : memref<1x128xi32, #tpu.memory_space<vmem>> -> memref<128xi32, #tpu.memory_space<vmem>>
      %dma_wait3A_49 = arith.constant 0 : i32
      %dma_wait3A_50 = arith.constant 0 : i32
      %dma_wait3A_51 = tpu.memref_slice %arg2[%dma_wait3A_49, %dma_wait3A_50] : memref<50000x8xf32, #tpu.memory_space<hbm>> -> memref<50000x8xf32, #tpu.memory_space<hbm>>
      tpu.wait_indirect_dma semaphore(%arg11 : memref<!tpu.dma_semaphore, #tpu.memory_space<semaphore_mem>>) src(%dma_wait3A_51 : memref<50000x8xf32, #tpu.memory_space<hbm>>) dst(%dma_wait3A_45 : memref<128x8xf32, #tpu.memory_space<vmem>>)
      %jit3A_52 = arith.constant 2 : i32
      %eq3A_53 = arith.constant 0 : i32
      %eq3A_54 = arith.cmpi eq, %jit3A_52, %eq3A_53 : i32
      %jit3A_55 = arith.constant 1 : i32
      %select_n3A_56 = arith.select %eq3A_54, %jit3A_55, %jit3A_52 : i32
      %rem3A_57 = arith.remsi %scan3A_28, %select_n3A_56 : i32
      %ne3A_58 = arith.constant 0 : i32
      %ne3A_59 = arith.cmpi ne, %rem3A_57, %ne3A_58 : i32
      %lt3A_60 = arith.constant 0 : i32
      %lt3A_61 = arith.cmpi slt, %rem3A_57, %lt3A_60 : i32
      %lt3A_62 = arith.constant 0 : i32
      %lt3A_63 = arith.cmpi slt, %select_n3A_56, %lt3A_62 : i32
      %ne3A_64 = arith.xori %lt3A_61, %lt3A_63 : i1
      %and3A_65 = arith.andi %ne3A_64, %ne3A_59 : i1
      %add3A_66 = arith.addi %rem3A_57, %select_n3A_56 : i32
      %select_n3A_67 = arith.select %and3A_65, %add3A_66, %rem3A_57 : i32
      "tpu.region"() ({
        %run_scoped3A = tpu.sem_alloc : memref<!tpu.dma_semaphore, #tpu.memory_space<semaphore_mem>>
        %dma_start3A_68 = arith.constant 0 : i32
        %dma_start3A_69 = arith.constant 0 : i32
        %dma_start3A_70 = tpu.memref_slice %arg9[%select_n3A_67, %dma_start3A_68, %dma_start3A_69] : memref<2x128x8xf32, #tpu.memory_space<vmem>> -> memref<1x128x8xf32, #tpu.memory_space<vmem>>
        %dma_start3A_71 = tpu.memref_squeeze %dma_start3A_70 : memref<1x128x8xf32, #tpu.memory_space<vmem>> -> memref<128x8xf32, #tpu.memory_space<vmem>>
        %dma_start3A_72 = arith.constant 0 : i32
        %dma_start3A_73 = tpu.memref_slice %arg8[%scan3A_28, %dma_start3A_72] : memref<128x128xi32, #tpu.memory_space<vmem>> -> memref<1x128xi32, #tpu.memory_space<vmem>>
        %dma_start3A_74 = tpu.memref_squeeze %dma_start3A_73 : memref<1x128xi32, #tpu.memory_space<vmem>> -> memref<128xi32, #tpu.memory_space<vmem>>
        %dma_start3A_75 = arith.constant 0 : i32
        %dma_start3A_76 = arith.constant 0 : i32
        %dma_start3A_77 = tpu.memref_slice %arg10[%dma_start3A_75, %dma_start3A_76] : memref<100096x8xf32, #tpu.memory_space<vmem_shared>> -> memref<100096x8xf32, #tpu.memory_space<vmem_shared>>
        tpu.enqueue_indirect_dma source(%dma_start3A_71 : memref<128x8xf32, #tpu.memory_space<vmem>>) target(%dma_start3A_77 : memref<100096x8xf32, #tpu.memory_space<vmem_shared>>) offsets(%dma_start3A_74 : memref<128xi32, #tpu.memory_space<vmem>>) semaphore(%run_scoped3A : memref<!tpu.dma_semaphore, #tpu.memory_space<semaphore_mem>>) {add = true}
        %dma_wait3A_78 = arith.constant 0 : i32
        %dma_wait3A_79 = arith.constant 0 : i32
        %dma_wait3A_80 = tpu.memref_slice %arg9[%select_n3A_67, %dma_wait3A_78, %dma_wait3A_79] : memref<2x128x8xf32, #tpu.memory_space<vmem>> -> memref<1x128x8xf32, #tpu.memory_space<vmem>>
        %dma_wait3A_81 = tpu.memref_squeeze %dma_wait3A_80 : memref<1x128x8xf32, #tpu.memory_space<vmem>> -> memref<128x8xf32, #tpu.memory_space<vmem>>
        %dma_wait3A_82 = arith.constant 0 : i32
        %dma_wait3A_83 = tpu.memref_slice %arg8[%scan3A_28, %dma_wait3A_82] : memref<128x128xi32, #tpu.memory_space<vmem>> -> memref<1x128xi32, #tpu.memory_space<vmem>>
        %dma_wait3A_84 = tpu.memref_squeeze %dma_wait3A_83 : memref<1x128xi32, #tpu.memory_space<vmem>> -> memref<128xi32, #tpu.memory_space<vmem>>
        %dma_wait3A_85 = arith.constant 0 : i32
        %dma_wait3A_86 = arith.constant 0 : i32
        %dma_wait3A_87 = tpu.memref_slice %arg10[%dma_wait3A_85, %dma_wait3A_86] : memref<100096x8xf32, #tpu.memory_space<vmem_shared>> -> memref<100096x8xf32, #tpu.memory_space<vmem_shared>>
        tpu.wait_indirect_dma semaphore(%run_scoped3A : memref<!tpu.dma_semaphore, #tpu.memory_space<semaphore_mem>>) src(%dma_wait3A_81 : memref<128x8xf32, #tpu.memory_space<vmem>>) dst(%dma_wait3A_87 : memref<100096x8xf32, #tpu.memory_space<vmem_shared>>)
        tpu.yield
      }) : () -> ()
    }
    %scan3A_22 = arith.constant 128 : i32
    %barrier3A_23 = arith.constant 0 : index
    tpu.barrier barrier_id(%barrier3A_23)
    %mul3A_24 = arith.constant 6256 : i32
    %mul3A_25 = arith.muli %arg1, %mul3A_24 : i32
    %mul3A_26 = arith.constant 6256 : i32
    %mul3A_27 = arith.muli %arg1, %mul3A_26 : i32
    "tpu.region"() ({
      %run_scoped3A = tpu.sem_alloc : memref<!tpu.dma_semaphore, #tpu.memory_space<semaphore_mem>>
      %dma_start3A_28 = arith.constant 0 : i32
      %dma_start3A_29 = arith.constant 0 : i32
      %dma_start3A_30 = tpu.memref_slice %arg6[%arg0, %dma_start3A_28, %dma_start3A_29] : memref<2x100096x8xf32, #tpu.memory_space<hbm>> -> memref<1x100096x8xf32, #tpu.memory_space<hbm>>
      %dma_start3A_31 = tpu.memref_squeeze %dma_start3A_30 : memref<1x100096x8xf32, #tpu.memory_space<hbm>> -> memref<100096x8xf32, #tpu.memory_space<hbm>>
      %dma_start3A_32 = arith.constant 0 : i32
      %dma_start3A_33 = tpu.memref_slice %dma_start3A_31[%mul3A_27, %dma_start3A_32] : memref<100096x8xf32, #tpu.memory_space<hbm>> -> memref<6256x8xf32, #tpu.memory_space<hbm>>
      %dma_start3A_34 = arith.constant 0 : i32
      %dma_start3A_35 = tpu.memref_slice %arg10[%mul3A_25, %dma_start3A_34] : memref<100096x8xf32, #tpu.memory_space<vmem_shared>> -> memref<6256x8xf32, #tpu.memory_space<vmem_shared>>
      tpu.enqueue_dma source(%dma_start3A_35 : memref<6256x8xf32, #tpu.memory_space<vmem_shared>>) target(%dma_start3A_33 : memref<6256x8xf32, #tpu.memory_space<hbm>>) target_semaphore(%run_scoped3A : memref<!tpu.dma_semaphore, #tpu.memory_space<semaphore_mem>>)
      %dma_wait3A = arith.constant 0 : i32
      %dma_wait3A_36 = arith.constant 0 : i32
      %dma_wait3A_37 = tpu.memref_slice %arg6[%arg0, %dma_wait3A, %dma_wait3A_36] : memref<2x100096x8xf32, #tpu.memory_space<hbm>> -> memref<1x100096x8xf32, #tpu.memory_space<hbm>>
      %dma_wait3A_38 = tpu.memref_squeeze %dma_wait3A_37 : memref<1x100096x8xf32, #tpu.memory_space<hbm>> -> memref<100096x8xf32, #tpu.memory_space<hbm>>
      %dma_wait3A_39 = arith.constant 0 : i32
      %dma_wait3A_40 = tpu.memref_slice %dma_wait3A_38[%mul3A_27, %dma_wait3A_39] : memref<100096x8xf32, #tpu.memory_space<hbm>> -> memref<6256x8xf32, #tpu.memory_space<hbm>>
      %dma_wait3A_41 = arith.constant 0 : i32
      %dma_wait3A_42 = tpu.memref_slice %arg10[%mul3A_25, %dma_wait3A_41] : memref<100096x8xf32, #tpu.memory_space<vmem_shared>> -> memref<6256x8xf32, #tpu.memory_space<vmem_shared>>
      tpu.wait_dma2 semaphore(%run_scoped3A : memref<!tpu.dma_semaphore, #tpu.memory_space<semaphore_mem>>) src(%dma_wait3A_42 : memref<6256x8xf32, #tpu.memory_space<vmem_shared>>) dst(%dma_wait3A_40 : memref<6256x8xf32, #tpu.memory_space<hbm>>)
      tpu.yield
    }) : () -> ()
    return
  }
}

#map = affine_map<(d0, d1) -> (0, 0)>
#map1 = affine_map<(d0, d1) -> (0, 0, 0)>
module attributes {stable_mosaic.version = 14 : i64} {
  func.func @k(%arg0: i32, %arg1: i32, %arg2: memref<50000x8xf32, #tpu.memory_space<hbm>>, %arg3: memref<4096x128xi32, #tpu.memory_space<hbm>>, %arg4: memref<4096x128xi32, #tpu.memory_space<hbm>>, %arg5: memref<6256x8xf32, #tpu.memory_space<hbm>>, %arg6: memref<2x100096x8xf32, #tpu.memory_space<hbm>>, %arg7: memref<128x128xi32, #tpu.memory_space<vmem>>, %arg8: memref<128x128xi32, #tpu.memory_space<vmem>>, %arg9: memref<2x128x8xf32, #tpu.memory_space<vmem>>, %arg10: memref<100096x8xf32, #tpu.memory_space<vmem_shared>>, %arg11: memref<!tpu.dma_semaphore, #tpu.memory_space<semaphore_mem>>) attributes {dimension_semantics = [#tpu.dimension_semantics<core_parallel>, #tpu.dimension_semantics<subcore_parallel>], iteration_bounds = array<i64: 2, 16>, scalar_prefetch = 0 : i64, scratch_operands = 5 : i64, tpu.core_type = #tpu.core_type<sc_vector_subcore>, window_params = [{transform_indices = #map}, {transform_indices = #map}, {transform_indices = #map}, {transform_indices = #map}, {transform_indices = #map1}]} {
    %mul3A = arith.constant 2 : i32
    %mul3A_0 = arith.muli %arg1, %mul3A : i32
    %add3A = arith.addi %mul3A_0, %arg0 : i32
    %mul3A_1 = arith.constant 6256 : i32
    %mul3A_2 = arith.muli %arg1, %mul3A_1 : i32
    "tpu.region"() ({
      %run_scoped3A = tpu.sem_alloc : memref<!tpu.dma_semaphore, #tpu.memory_space<semaphore_mem>>
      %dma_start3A_28 = arith.constant 0 : i32
      %dma_start3A_29 = tpu.memref_slice %arg10[%mul3A_2, %dma_start3A_28] : memref<100096x8xf32, #tpu.memory_space<vmem_shared>> -> memref<6256x8xf32, #tpu.memory_space<vmem_shared>>
      tpu.enqueue_dma source(%arg5 : memref<6256x8xf32, #tpu.memory_space<hbm>>) target(%dma_start3A_29 : memref<6256x8xf32, #tpu.memory_space<vmem_shared>>) target_semaphore(%run_scoped3A : memref<!tpu.dma_semaphore, #tpu.memory_space<semaphore_mem>>)
      %dma_wait3A = arith.constant 0 : i32
      %dma_wait3A_30 = tpu.memref_slice %arg10[%mul3A_2, %dma_wait3A] : memref<100096x8xf32, #tpu.memory_space<vmem_shared>> -> memref<6256x8xf32, #tpu.memory_space<vmem_shared>>
      tpu.wait_dma2 semaphore(%run_scoped3A : memref<!tpu.dma_semaphore, #tpu.memory_space<semaphore_mem>>) src(%arg5 : memref<6256x8xf32, #tpu.memory_space<hbm>>) dst(%dma_wait3A_30 : memref<6256x8xf32, #tpu.memory_space<vmem_shared>>)
      tpu.yield
    }) : () -> ()
    %barrier3A = arith.constant 0 : index
    tpu.barrier barrier_id(%barrier3A)
    %mul3A_3 = arith.constant 128 : i32
    %mul3A_4 = arith.muli %add3A, %mul3A_3 : i32
    "tpu.region"() ({
      %run_scoped3A = tpu.sem_alloc : memref<!tpu.dma_semaphore, #tpu.memory_space<semaphore_mem>>
      %dma_start3A_28 = arith.constant 0 : i32
      %dma_start3A_29 = tpu.memref_slice %arg3[%mul3A_4, %dma_start3A_28] : memref<4096x128xi32, #tpu.memory_space<hbm>> -> memref<128x128xi32, #tpu.memory_space<hbm>>
      %dma_start3A_30 = arith.constant 0 : i32
      %dma_start3A_31 = tpu.memref_slice %arg3[%mul3A_4, %dma_start3A_30] : memref<4096x128xi32, #tpu.memory_space<hbm>> -> memref<128x128xi32, #tpu.memory_space<hbm>>
      tpu.enqueue_dma source(%dma_start3A_31 : memref<128x128xi32, #tpu.memory_space<hbm>>) target(%arg7 : memref<128x128xi32, #tpu.memory_space<vmem>>) target_semaphore(%run_scoped3A : memref<!tpu.dma_semaphore, #tpu.memory_space<semaphore_mem>>)
      %dma_wait3A = arith.constant 0 : i32
      %dma_wait3A_32 = tpu.memref_slice %arg3[%mul3A_4, %dma_wait3A] : memref<4096x128xi32, #tpu.memory_space<hbm>> -> memref<128x128xi32, #tpu.memory_space<hbm>>
      %dma_wait3A_33 = arith.constant 0 : i32
      %dma_wait3A_34 = tpu.memref_slice %arg3[%mul3A_4, %dma_wait3A_33] : memref<4096x128xi32, #tpu.memory_space<hbm>> -> memref<128x128xi32, #tpu.memory_space<hbm>>
      tpu.wait_dma2 semaphore(%run_scoped3A : memref<!tpu.dma_semaphore, #tpu.memory_space<semaphore_mem>>) src(%dma_wait3A_34 : memref<128x128xi32, #tpu.memory_space<hbm>>) dst(%arg7 : memref<128x128xi32, #tpu.memory_space<vmem>>)
      tpu.yield
    }) : () -> ()
    %mul3A_5 = arith.constant 128 : i32
    %mul3A_6 = arith.muli %add3A, %mul3A_5 : i32
    "tpu.region"() ({
      %run_scoped3A = tpu.sem_alloc : memref<!tpu.dma_semaphore, #tpu.memory_space<semaphore_mem>>
      %dma_start3A_28 = arith.constant 0 : i32
      %dma_start3A_29 = tpu.memref_slice %arg4[%mul3A_6, %dma_start3A_28] : memref<4096x128xi32, #tpu.memory_space<hbm>> -> memref<128x128xi32, #tpu.memory_space<hbm>>
      %dma_start3A_30 = arith.constant 0 : i32
      %dma_start3A_31 = tpu.memref_slice %arg4[%mul3A_6, %dma_start3A_30] : memref<4096x128xi32, #tpu.memory_space<hbm>> -> memref<128x128xi32, #tpu.memory_space<hbm>>
      tpu.enqueue_dma source(%dma_start3A_31 : memref<128x128xi32, #tpu.memory_space<hbm>>) target(%arg8 : memref<128x128xi32, #tpu.memory_space<vmem>>) target_semaphore(%run_scoped3A : memref<!tpu.dma_semaphore, #tpu.memory_space<semaphore_mem>>)
      %dma_wait3A = arith.constant 0 : i32
      %dma_wait3A_32 = tpu.memref_slice %arg4[%mul3A_6, %dma_wait3A] : memref<4096x128xi32, #tpu.memory_space<hbm>> -> memref<128x128xi32, #tpu.memory_space<hbm>>
      %dma_wait3A_33 = arith.constant 0 : i32
      %dma_wait3A_34 = tpu.memref_slice %arg4[%mul3A_6, %dma_wait3A_33] : memref<4096x128xi32, #tpu.memory_space<hbm>> -> memref<128x128xi32, #tpu.memory_space<hbm>>
      tpu.wait_dma2 semaphore(%run_scoped3A : memref<!tpu.dma_semaphore, #tpu.memory_space<semaphore_mem>>) src(%dma_wait3A_34 : memref<128x128xi32, #tpu.memory_space<hbm>>) dst(%arg8 : memref<128x128xi32, #tpu.memory_space<vmem>>)
      tpu.yield
    }) : () -> ()
    %dma_start3A = arith.constant 0 : i32
    %dma_start3A_7 = arith.constant 0 : i32
    %dma_start3A_8 = arith.constant 0 : i32
    %dma_start3A_9 = arith.constant 0 : i32
    %dma_start3A_10 = tpu.memref_slice %arg9[%dma_start3A_7, %dma_start3A_8, %dma_start3A_9] : memref<2x128x8xf32, #tpu.memory_space<vmem>> -> memref<1x128x8xf32, #tpu.memory_space<vmem>>
    %dma_start3A_11 = tpu.memref_squeeze %dma_start3A_10 : memref<1x128x8xf32, #tpu.memory_space<vmem>> -> memref<128x8xf32, #tpu.memory_space<vmem>>
    %dma_start3A_12 = arith.constant 0 : i32
    %dma_start3A_13 = tpu.memref_slice %arg7[%dma_start3A, %dma_start3A_12] : memref<128x128xi32, #tpu.memory_space<vmem>> -> memref<1x128xi32, #tpu.memory_space<vmem>>
    %dma_start3A_14 = tpu.memref_squeeze %dma_start3A_13 : memref<1x128xi32, #tpu.memory_space<vmem>> -> memref<128xi32, #tpu.memory_space<vmem>>
    %dma_start3A_15 = arith.constant 0 : i32
    %dma_start3A_16 = arith.constant 0 : i32
    %dma_start3A_17 = tpu.memref_slice %arg2[%dma_start3A_15, %dma_start3A_16] : memref<50000x8xf32, #tpu.memory_space<hbm>> -> memref<50000x8xf32, #tpu.memory_space<hbm>>
    tpu.enqueue_indirect_dma source(%dma_start3A_17 : memref<50000x8xf32, #tpu.memory_space<hbm>>) target(%dma_start3A_11 : memref<128x8xf32, #tpu.memory_space<vmem>>) offsets(%dma_start3A_14 : memref<128xi32, #tpu.memory_space<vmem>>) semaphore(%arg11 : memref<!tpu.dma_semaphore, #tpu.memory_space<semaphore_mem>>)
    %scan3A = arith.constant 0 : i32
    %scan3A_18 = arith.constant 0 : i32
    %scan3A_19 = arith.constant 128 : i32
    %scan3A_20 = arith.addi %scan3A_18, %scan3A_19 : i32
    %scan3A_21 = arith.constant 1 : i32
    scf.for %scan3A_28 = %scan3A_18 to %scan3A_20 step %scan3A_21  : i32 {
      %add3A_29 = arith.constant 1 : i32
      %add3A_30 = arith.addi %scan3A_28, %add3A_29 : i32
      %lt3A = arith.constant 128 : i32
      %lt3A_31 = arith.cmpi slt, %add3A_30, %lt3A : i32
      %convert_element_type3A = arith.extui %lt3A_31 : i1 to i32
      %cond3A = arith.constant 0 : i32
      %cond3A_32 = arith.cmpi ne, %convert_element_type3A, %cond3A : i32
      scf.if %cond3A_32 {
        %add3A_68 = arith.constant 1 : i32
        %add3A_69 = arith.addi %scan3A_28, %add3A_68 : i32
        %add3A_70 = arith.constant 1 : i32
        %add3A_71 = arith.addi %scan3A_28, %add3A_70 : i32
        %jit3A_72 = arith.constant 2 : i32
        %eq3A_73 = arith.constant 0 : i32
        %eq3A_74 = arith.cmpi eq, %jit3A_72, %eq3A_73 : i32
        %jit3A_75 = arith.constant 1 : i32
        %select_n3A_76 = arith.select %eq3A_74, %jit3A_75, %jit3A_72 : i32
        %rem3A_77 = arith.remsi %add3A_71, %select_n3A_76 : i32
        %ne3A_78 = arith.constant 0 : i32
        %ne3A_79 = arith.cmpi ne, %rem3A_77, %ne3A_78 : i32
        %lt3A_80 = arith.constant 0 : i32
        %lt3A_81 = arith.cmpi slt, %rem3A_77, %lt3A_80 : i32
        %lt3A_82 = arith.constant 0 : i32
        %lt3A_83 = arith.cmpi slt, %select_n3A_76, %lt3A_82 : i32
        %ne3A_84 = arith.xori %lt3A_81, %lt3A_83 : i1
        %and3A_85 = arith.andi %ne3A_84, %ne3A_79 : i1
        %add3A_86 = arith.addi %rem3A_77, %select_n3A_76 : i32
        %select_n3A_87 = arith.select %and3A_85, %add3A_86, %rem3A_77 : i32
        %dma_start3A_88 = arith.constant 0 : i32
        %dma_start3A_89 = arith.constant 0 : i32
        %dma_start3A_90 = tpu.memref_slice %arg9[%select_n3A_87, %dma_start3A_88, %dma_start3A_89] : memref<2x128x8xf32, #tpu.memory_space<vmem>> -> memref<1x128x8xf32, #tpu.memory_space<vmem>>
        %dma_start3A_91 = tpu.memref_squeeze %dma_start3A_90 : memref<1x128x8xf32, #tpu.memory_space<vmem>> -> memref<128x8xf32, #tpu.memory_space<vmem>>
        %dma_start3A_92 = arith.constant 0 : i32
        %dma_start3A_93 = tpu.memref_slice %arg7[%add3A_69, %dma_start3A_92] : memref<128x128xi32, #tpu.memory_space<vmem>> -> memref<1x128xi32, #tpu.memory_space<vmem>>
        %dma_start3A_94 = tpu.memref_squeeze %dma_start3A_93 : memref<1x128xi32, #tpu.memory_space<vmem>> -> memref<128xi32, #tpu.memory_space<vmem>>
        %dma_start3A_95 = arith.constant 0 : i32
        %dma_start3A_96 = arith.constant 0 : i32
        %dma_start3A_97 = tpu.memref_slice %arg2[%dma_start3A_95, %dma_start3A_96] : memref<50000x8xf32, #tpu.memory_space<hbm>> -> memref<50000x8xf32, #tpu.memory_space<hbm>>
        tpu.enqueue_indirect_dma source(%dma_start3A_97 : memref<50000x8xf32, #tpu.memory_space<hbm>>) target(%dma_start3A_91 : memref<128x8xf32, #tpu.memory_space<vmem>>) offsets(%dma_start3A_94 : memref<128xi32, #tpu.memory_space<vmem>>) semaphore(%arg11 : memref<!tpu.dma_semaphore, #tpu.memory_space<semaphore_mem>>)
      } else {
      }
      %jit3A = arith.constant 2 : i32
      %eq3A = arith.constant 0 : i32
      %eq3A_33 = arith.cmpi eq, %jit3A, %eq3A : i32
      %jit3A_34 = arith.constant 1 : i32
      %select_n3A = arith.select %eq3A_33, %jit3A_34, %jit3A : i32
      %rem3A = arith.remsi %scan3A_28, %select_n3A : i32
      %ne3A = arith.constant 0 : i32
      %ne3A_35 = arith.cmpi ne, %rem3A, %ne3A : i32
      %lt3A_36 = arith.constant 0 : i32
      %lt3A_37 = arith.cmpi slt, %rem3A, %lt3A_36 : i32
      %lt3A_38 = arith.constant 0 : i32
      %lt3A_39 = arith.cmpi slt, %select_n3A, %lt3A_38 : i32
      %ne3A_40 = arith.xori %lt3A_37, %lt3A_39 : i1
      %and3A = arith.andi %ne3A_40, %ne3A_35 : i1
      %add3A_41 = arith.addi %rem3A, %select_n3A : i32
      %select_n3A_42 = arith.select %and3A, %add3A_41, %rem3A : i32
      %dma_wait3A = arith.constant 0 : i32
      %dma_wait3A_43 = arith.constant 0 : i32
      %dma_wait3A_44 = tpu.memref_slice %arg9[%select_n3A_42, %dma_wait3A, %dma_wait3A_43] : memref<2x128x8xf32, #tpu.memory_space<vmem>> -> memref<1x128x8xf32, #tpu.memory_space<vmem>>
      %dma_wait3A_45 = tpu.memref_squeeze %dma_wait3A_44 : memref<1x128x8xf32, #tpu.memory_space<vmem>> -> memref<128x8xf32, #tpu.memory_space<vmem>>
      %dma_wait3A_46 = arith.constant 0 : i32
      %dma_wait3A_47 = tpu.memref_slice %arg7[%scan3A_28, %dma_wait3A_46] : memref<128x128xi32, #tpu.memory_space<vmem>> -> memref<1x128xi32, #tpu.memory_space<vmem>>
      %dma_wait3A_48 = tpu.memref_squeeze %dma_wait3A_47 : memref<1x128xi32, #tpu.memory_space<vmem>> -> memref<128xi32, #tpu.memory_space<vmem>>
      %dma_wait3A_49 = arith.constant 0 : i32
      %dma_wait3A_50 = arith.constant 0 : i32
      %dma_wait3A_51 = tpu.memref_slice %arg2[%dma_wait3A_49, %dma_wait3A_50] : memref<50000x8xf32, #tpu.memory_space<hbm>> -> memref<50000x8xf32, #tpu.memory_space<hbm>>
      tpu.wait_indirect_dma semaphore(%arg11 : memref<!tpu.dma_semaphore, #tpu.memory_space<semaphore_mem>>) src(%dma_wait3A_51 : memref<50000x8xf32, #tpu.memory_space<hbm>>) dst(%dma_wait3A_45 : memref<128x8xf32, #tpu.memory_space<vmem>>)
      %jit3A_52 = arith.constant 2 : i32
      %eq3A_53 = arith.constant 0 : i32
      %eq3A_54 = arith.cmpi eq, %jit3A_52, %eq3A_53 : i32
      %jit3A_55 = arith.constant 1 : i32
      %select_n3A_56 = arith.select %eq3A_54, %jit3A_55, %jit3A_52 : i32
      %rem3A_57 = arith.remsi %scan3A_28, %select_n3A_56 : i32
      %ne3A_58 = arith.constant 0 : i32
      %ne3A_59 = arith.cmpi ne, %rem3A_57, %ne3A_58 : i32
      %lt3A_60 = arith.constant 0 : i32
      %lt3A_61 = arith.cmpi slt, %rem3A_57, %lt3A_60 : i32
      %lt3A_62 = arith.constant 0 : i32
      %lt3A_63 = arith.cmpi slt, %select_n3A_56, %lt3A_62 : i32
      %ne3A_64 = arith.xori %lt3A_61, %lt3A_63 : i1
      %and3A_65 = arith.andi %ne3A_64, %ne3A_59 : i1
      %add3A_66 = arith.addi %rem3A_57, %select_n3A_56 : i32
      %select_n3A_67 = arith.select %and3A_65, %add3A_66, %rem3A_57 : i32
      "tpu.region"() ({
        %run_scoped3A = tpu.sem_alloc : memref<!tpu.dma_semaphore, #tpu.memory_space<semaphore_mem>>
        %dma_start3A_68 = arith.constant 0 : i32
        %dma_start3A_69 = arith.constant 0 : i32
        %dma_start3A_70 = tpu.memref_slice %arg9[%select_n3A_67, %dma_start3A_68, %dma_start3A_69] : memref<2x128x8xf32, #tpu.memory_space<vmem>> -> memref<1x128x8xf32, #tpu.memory_space<vmem>>
        %dma_start3A_71 = tpu.memref_squeeze %dma_start3A_70 : memref<1x128x8xf32, #tpu.memory_space<vmem>> -> memref<128x8xf32, #tpu.memory_space<vmem>>
        %dma_start3A_72 = arith.constant 0 : i32
        %dma_start3A_73 = tpu.memref_slice %arg8[%scan3A_28, %dma_start3A_72] : memref<128x128xi32, #tpu.memory_space<vmem>> -> memref<1x128xi32, #tpu.memory_space<vmem>>
        %dma_start3A_74 = tpu.memref_squeeze %dma_start3A_73 : memref<1x128xi32, #tpu.memory_space<vmem>> -> memref<128xi32, #tpu.memory_space<vmem>>
        %dma_start3A_75 = arith.constant 0 : i32
        %dma_start3A_76 = arith.constant 0 : i32
        %dma_start3A_77 = tpu.memref_slice %arg10[%dma_start3A_75, %dma_start3A_76] : memref<100096x8xf32, #tpu.memory_space<vmem_shared>> -> memref<100096x8xf32, #tpu.memory_space<vmem_shared>>
        tpu.enqueue_indirect_dma source(%dma_start3A_71 : memref<128x8xf32, #tpu.memory_space<vmem>>) target(%dma_start3A_77 : memref<100096x8xf32, #tpu.memory_space<vmem_shared>>) offsets(%dma_start3A_74 : memref<128xi32, #tpu.memory_space<vmem>>) semaphore(%run_scoped3A : memref<!tpu.dma_semaphore, #tpu.memory_space<semaphore_mem>>) {add = true}
        %dma_wait3A_78 = arith.constant 0 : i32
        %dma_wait3A_79 = arith.constant 0 : i32
        %dma_wait3A_80 = tpu.memref_slice %arg9[%select_n3A_67, %dma_wait3A_78, %dma_wait3A_79] : memref<2x128x8xf32, #tpu.memory_space<vmem>> -> memref<1x128x8xf32, #tpu.memory_space<vmem>>
        %dma_wait3A_81 = tpu.memref_squeeze %dma_wait3A_80 : memref<1x128x8xf32, #tpu.memory_space<vmem>> -> memref<128x8xf32, #tpu.memory_space<vmem>>
        %dma_wait3A_82 = arith.constant 0 : i32
        %dma_wait3A_83 = tpu.memref_slice %arg8[%scan3A_28, %dma_wait3A_82] : memref<128x128xi32, #tpu.memory_space<vmem>> -> memref<1x128xi32, #tpu.memory_space<vmem>>
        %dma_wait3A_84 = tpu.memref_squeeze %dma_wait3A_83 : memref<1x128xi32, #tpu.memory_space<vmem>> -> memref<128xi32, #tpu.memory_space<vmem>>
        %dma_wait3A_85 = arith.constant 0 : i32
        %dma_wait3A_86 = arith.constant 0 : i32
        %dma_wait3A_87 = tpu.memref_slice %arg10[%dma_wait3A_85, %dma_wait3A_86] : memref<100096x8xf32, #tpu.memory_space<vmem_shared>> -> memref<100096x8xf32, #tpu.memory_space<vmem_shared>>
        tpu.wait_indirect_dma semaphore(%run_scoped3A : memref<!tpu.dma_semaphore, #tpu.memory_space<semaphore_mem>>) src(%dma_wait3A_81 : memref<128x8xf32, #tpu.memory_space<vmem>>) dst(%dma_wait3A_87 : memref<100096x8xf32, #tpu.memory_space<vmem_shared>>)
        tpu.yield
      }) : () -> ()
    }
    %scan3A_22 = arith.constant 128 : i32
    %barrier3A_23 = arith.constant 0 : index
    tpu.barrier barrier_id(%barrier3A_23)
    %mul3A_24 = arith.constant 6256 : i32
    %mul3A_25 = arith.muli %arg1, %mul3A_24 : i32
    %mul3A_26 = arith.constant 6256 : i32
    %mul3A_27 = arith.muli %arg1, %mul3A_26 : i32
    "tpu.region"() ({
      %run_scoped3A = tpu.sem_alloc : memref<!tpu.dma_semaphore, #tpu.memory_space<semaphore_mem>>
      %dma_start3A_28 = arith.constant 0 : i32
      %dma_start3A_29 = arith.constant 0 : i32
      %dma_start3A_30 = tpu.memref_slice %arg6[%arg0, %dma_start3A_28, %dma_start3A_29] : memref<2x100096x8xf32, #tpu.memory_space<hbm>> -> memref<1x100096x8xf32, #tpu.memory_space<hbm>>
      %dma_start3A_31 = tpu.memref_squeeze %dma_start3A_30 : memref<1x100096x8xf32, #tpu.memory_space<hbm>> -> memref<100096x8xf32, #tpu.memory_space<hbm>>
      %dma_start3A_32 = arith.constant 0 : i32
      %dma_start3A_33 = tpu.memref_slice %dma_start3A_31[%mul3A_27, %dma_start3A_32] : memref<100096x8xf32, #tpu.memory_space<hbm>> -> memref<6256x8xf32, #tpu.memory_space<hbm>>
      %dma_start3A_34 = arith.constant 0 : i32
      %dma_start3A_35 = tpu.memref_slice %arg10[%mul3A_25, %dma_start3A_34] : memref<100096x8xf32, #tpu.memory_space<vmem_shared>> -> memref<6256x8xf32, #tpu.memory_space<vmem_shared>>
      tpu.enqueue_dma source(%dma_start3A_35 : memref<6256x8xf32, #tpu.memory_space<vmem_shared>>) target(%dma_start3A_33 : memref<6256x8xf32, #tpu.memory_space<hbm>>) target_semaphore(%run_scoped3A : memref<!tpu.dma_semaphore, #tpu.memory_space<semaphore_mem>>)
      %dma_wait3A = arith.constant 0 : i32
      %dma_wait3A_36 = arith.constant 0 : i32
      %dma_wait3A_37 = tpu.memref_slice %arg6[%arg0, %dma_wait3A, %dma_wait3A_36] : memref<2x100096x8xf32, #tpu.memory_space<hbm>> -> memref<1x100096x8xf32, #tpu.memory_space<hbm>>
      %dma_wait3A_38 = tpu.memref_squeeze %dma_wait3A_37 : memref<1x100096x8xf32, #tpu.memory_space<hbm>> -> memref<100096x8xf32, #tpu.memory_space<hbm>>
      %dma_wait3A_39 = arith.constant 0 : i32
      %dma_wait3A_40 = tpu.memref_slice %dma_wait3A_38[%mul3A_27, %dma_wait3A_39] : memref<100096x8xf32, #tpu.memory_space<hbm>> -> memref<6256x8xf32, #tpu.memory_space<hbm>>
      %dma_wait3A_41 = arith.constant 0 : i32
      %dma_wait3A_42 = tpu.memref_slice %arg10[%mul3A_25, %dma_wait3A_41] : memref<100096x8xf32, #tpu.memory_space<vmem_shared>> -> memref<6256x8xf32, #tpu.memory_space<vmem_shared>>
      tpu.wait_dma2 semaphore(%run_scoped3A : memref<!tpu.dma_semaphore, #tpu.memory_space<semaphore_mem>>) src(%dma_wait3A_42 : memref<6256x8xf32, #tpu.memory_space<vmem_shared>>) dst(%dma_wait3A_40 : memref<6256x8xf32, #tpu.memory_space<hbm>>)
      tpu.yield
    }) : () -> ()
    return
  }
}

#map = affine_map<(d0, d1) -> (0, 0)>
#map1 = affine_map<(d0, d1) -> (0, 0, 0)>
module attributes {stable_mosaic.version = 14 : i64} {
  func.func @k(%arg0: i32, %arg1: i32, %arg2: memref<50000x8xf32, #tpu.memory_space<hbm>>, %arg3: memref<4096x128xi32, #tpu.memory_space<hbm>>, %arg4: memref<4096x128xi32, #tpu.memory_space<hbm>>, %arg5: memref<6256x8xf32, #tpu.memory_space<hbm>>, %arg6: memref<2x100096x8xf32, #tpu.memory_space<hbm>>, %arg7: memref<128x128xi32, #tpu.memory_space<vmem>>, %arg8: memref<128x128xi32, #tpu.memory_space<vmem>>, %arg9: memref<2x128x8xf32, #tpu.memory_space<vmem>>, %arg10: memref<100096x8xf32, #tpu.memory_space<vmem_shared>>, %arg11: memref<!tpu.dma_semaphore, #tpu.memory_space<semaphore_mem>>) attributes {dimension_semantics = [#tpu.dimension_semantics<core_parallel>, #tpu.dimension_semantics<subcore_parallel>], iteration_bounds = array<i64: 2, 16>, scalar_prefetch = 0 : i64, scratch_operands = 5 : i64, tpu.core_type = #tpu.core_type<sc_vector_subcore>, window_params = [{transform_indices = #map}, {transform_indices = #map}, {transform_indices = #map}, {transform_indices = #map}, {transform_indices = #map1}]} {
    %mul3A = arith.constant 2 : i32
    %mul3A_0 = arith.muli %arg1, %mul3A : i32
    %add3A = arith.addi %mul3A_0, %arg0 : i32
    %mul3A_1 = arith.constant 6256 : i32
    %mul3A_2 = arith.muli %arg1, %mul3A_1 : i32
    "tpu.region"() ({
      %run_scoped3A = tpu.sem_alloc : memref<!tpu.dma_semaphore, #tpu.memory_space<semaphore_mem>>
      %dma_start3A_28 = arith.constant 0 : i32
      %dma_start3A_29 = tpu.memref_slice %arg10[%mul3A_2, %dma_start3A_28] : memref<100096x8xf32, #tpu.memory_space<vmem_shared>> -> memref<6256x8xf32, #tpu.memory_space<vmem_shared>>
      tpu.enqueue_dma source(%arg5 : memref<6256x8xf32, #tpu.memory_space<hbm>>) target(%dma_start3A_29 : memref<6256x8xf32, #tpu.memory_space<vmem_shared>>) target_semaphore(%run_scoped3A : memref<!tpu.dma_semaphore, #tpu.memory_space<semaphore_mem>>)
      %dma_wait3A = arith.constant 0 : i32
      %dma_wait3A_30 = tpu.memref_slice %arg10[%mul3A_2, %dma_wait3A] : memref<100096x8xf32, #tpu.memory_space<vmem_shared>> -> memref<6256x8xf32, #tpu.memory_space<vmem_shared>>
      tpu.wait_dma2 semaphore(%run_scoped3A : memref<!tpu.dma_semaphore, #tpu.memory_space<semaphore_mem>>) src(%arg5 : memref<6256x8xf32, #tpu.memory_space<hbm>>) dst(%dma_wait3A_30 : memref<6256x8xf32, #tpu.memory_space<vmem_shared>>)
      tpu.yield
    }) : () -> ()
    %barrier3A = arith.constant 0 : index
    tpu.barrier barrier_id(%barrier3A)
    %mul3A_3 = arith.constant 128 : i32
    %mul3A_4 = arith.muli %add3A, %mul3A_3 : i32
    "tpu.region"() ({
      %run_scoped3A = tpu.sem_alloc : memref<!tpu.dma_semaphore, #tpu.memory_space<semaphore_mem>>
      %dma_start3A_28 = arith.constant 0 : i32
      %dma_start3A_29 = tpu.memref_slice %arg3[%mul3A_4, %dma_start3A_28] : memref<4096x128xi32, #tpu.memory_space<hbm>> -> memref<128x128xi32, #tpu.memory_space<hbm>>
      %dma_start3A_30 = arith.constant 0 : i32
      %dma_start3A_31 = tpu.memref_slice %arg3[%mul3A_4, %dma_start3A_30] : memref<4096x128xi32, #tpu.memory_space<hbm>> -> memref<128x128xi32, #tpu.memory_space<hbm>>
      tpu.enqueue_dma source(%dma_start3A_31 : memref<128x128xi32, #tpu.memory_space<hbm>>) target(%arg7 : memref<128x128xi32, #tpu.memory_space<vmem>>) target_semaphore(%run_scoped3A : memref<!tpu.dma_semaphore, #tpu.memory_space<semaphore_mem>>)
      %dma_wait3A = arith.constant 0 : i32
      %dma_wait3A_32 = tpu.memref_slice %arg3[%mul3A_4, %dma_wait3A] : memref<4096x128xi32, #tpu.memory_space<hbm>> -> memref<128x128xi32, #tpu.memory_space<hbm>>
      %dma_wait3A_33 = arith.constant 0 : i32
      %dma_wait3A_34 = tpu.memref_slice %arg3[%mul3A_4, %dma_wait3A_33] : memref<4096x128xi32, #tpu.memory_space<hbm>> -> memref<128x128xi32, #tpu.memory_space<hbm>>
      tpu.wait_dma2 semaphore(%run_scoped3A : memref<!tpu.dma_semaphore, #tpu.memory_space<semaphore_mem>>) src(%dma_wait3A_34 : memref<128x128xi32, #tpu.memory_space<hbm>>) dst(%arg7 : memref<128x128xi32, #tpu.memory_space<vmem>>)
      tpu.yield
    }) : () -> ()
    %mul3A_5 = arith.constant 128 : i32
    %mul3A_6 = arith.muli %add3A, %mul3A_5 : i32
    "tpu.region"() ({
      %run_scoped3A = tpu.sem_alloc : memref<!tpu.dma_semaphore, #tpu.memory_space<semaphore_mem>>
      %dma_start3A_28 = arith.constant 0 : i32
      %dma_start3A_29 = tpu.memref_slice %arg4[%mul3A_6, %dma_start3A_28] : memref<4096x128xi32, #tpu.memory_space<hbm>> -> memref<128x128xi32, #tpu.memory_space<hbm>>
      %dma_start3A_30 = arith.constant 0 : i32
      %dma_start3A_31 = tpu.memref_slice %arg4[%mul3A_6, %dma_start3A_30] : memref<4096x128xi32, #tpu.memory_space<hbm>> -> memref<128x128xi32, #tpu.memory_space<hbm>>
      tpu.enqueue_dma source(%dma_start3A_31 : memref<128x128xi32, #tpu.memory_space<hbm>>) target(%arg8 : memref<128x128xi32, #tpu.memory_space<vmem>>) target_semaphore(%run_scoped3A : memref<!tpu.dma_semaphore, #tpu.memory_space<semaphore_mem>>)
      %dma_wait3A = arith.constant 0 : i32
      %dma_wait3A_32 = tpu.memref_slice %arg4[%mul3A_6, %dma_wait3A] : memref<4096x128xi32, #tpu.memory_space<hbm>> -> memref<128x128xi32, #tpu.memory_space<hbm>>
      %dma_wait3A_33 = arith.constant 0 : i32
      %dma_wait3A_34 = tpu.memref_slice %arg4[%mul3A_6, %dma_wait3A_33] : memref<4096x128xi32, #tpu.memory_space<hbm>> -> memref<128x128xi32, #tpu.memory_space<hbm>>
      tpu.wait_dma2 semaphore(%run_scoped3A : memref<!tpu.dma_semaphore, #tpu.memory_space<semaphore_mem>>) src(%dma_wait3A_34 : memref<128x128xi32, #tpu.memory_space<hbm>>) dst(%arg8 : memref<128x128xi32, #tpu.memory_space<vmem>>)
      tpu.yield
    }) : () -> ()
    %dma_start3A = arith.constant 0 : i32
    %dma_start3A_7 = arith.constant 0 : i32
    %dma_start3A_8 = arith.constant 0 : i32
    %dma_start3A_9 = arith.constant 0 : i32
    %dma_start3A_10 = tpu.memref_slice %arg9[%dma_start3A_7, %dma_start3A_8, %dma_start3A_9] : memref<2x128x8xf32, #tpu.memory_space<vmem>> -> memref<1x128x8xf32, #tpu.memory_space<vmem>>
    %dma_start3A_11 = tpu.memref_squeeze %dma_start3A_10 : memref<1x128x8xf32, #tpu.memory_space<vmem>> -> memref<128x8xf32, #tpu.memory_space<vmem>>
    %dma_start3A_12 = arith.constant 0 : i32
    %dma_start3A_13 = tpu.memref_slice %arg7[%dma_start3A, %dma_start3A_12] : memref<128x128xi32, #tpu.memory_space<vmem>> -> memref<1x128xi32, #tpu.memory_space<vmem>>
    %dma_start3A_14 = tpu.memref_squeeze %dma_start3A_13 : memref<1x128xi32, #tpu.memory_space<vmem>> -> memref<128xi32, #tpu.memory_space<vmem>>
    %dma_start3A_15 = arith.constant 0 : i32
    %dma_start3A_16 = arith.constant 0 : i32
    %dma_start3A_17 = tpu.memref_slice %arg2[%dma_start3A_15, %dma_start3A_16] : memref<50000x8xf32, #tpu.memory_space<hbm>> -> memref<50000x8xf32, #tpu.memory_space<hbm>>
    tpu.enqueue_indirect_dma source(%dma_start3A_17 : memref<50000x8xf32, #tpu.memory_space<hbm>>) target(%dma_start3A_11 : memref<128x8xf32, #tpu.memory_space<vmem>>) offsets(%dma_start3A_14 : memref<128xi32, #tpu.memory_space<vmem>>) semaphore(%arg11 : memref<!tpu.dma_semaphore, #tpu.memory_space<semaphore_mem>>)
    %scan3A = arith.constant 0 : i32
    %scan3A_18 = arith.constant 0 : i32
    %scan3A_19 = arith.constant 128 : i32
    %scan3A_20 = arith.addi %scan3A_18, %scan3A_19 : i32
    %scan3A_21 = arith.constant 1 : i32
    scf.for %scan3A_28 = %scan3A_18 to %scan3A_20 step %scan3A_21  : i32 {
      %add3A_29 = arith.constant 1 : i32
      %add3A_30 = arith.addi %scan3A_28, %add3A_29 : i32
      %lt3A = arith.constant 128 : i32
      %lt3A_31 = arith.cmpi slt, %add3A_30, %lt3A : i32
      %convert_element_type3A = arith.extui %lt3A_31 : i1 to i32
      %cond3A = arith.constant 0 : i32
      %cond3A_32 = arith.cmpi ne, %convert_element_type3A, %cond3A : i32
      scf.if %cond3A_32 {
        %add3A_68 = arith.constant 1 : i32
        %add3A_69 = arith.addi %scan3A_28, %add3A_68 : i32
        %add3A_70 = arith.constant 1 : i32
        %add3A_71 = arith.addi %scan3A_28, %add3A_70 : i32
        %jit3A_72 = arith.constant 2 : i32
        %eq3A_73 = arith.constant 0 : i32
        %eq3A_74 = arith.cmpi eq, %jit3A_72, %eq3A_73 : i32
        %jit3A_75 = arith.constant 1 : i32
        %select_n3A_76 = arith.select %eq3A_74, %jit3A_75, %jit3A_72 : i32
        %rem3A_77 = arith.remsi %add3A_71, %select_n3A_76 : i32
        %ne3A_78 = arith.constant 0 : i32
        %ne3A_79 = arith.cmpi ne, %rem3A_77, %ne3A_78 : i32
        %lt3A_80 = arith.constant 0 : i32
        %lt3A_81 = arith.cmpi slt, %rem3A_77, %lt3A_80 : i32
        %lt3A_82 = arith.constant 0 : i32
        %lt3A_83 = arith.cmpi slt, %select_n3A_76, %lt3A_82 : i32
        %ne3A_84 = arith.xori %lt3A_81, %lt3A_83 : i1
        %and3A_85 = arith.andi %ne3A_84, %ne3A_79 : i1
        %add3A_86 = arith.addi %rem3A_77, %select_n3A_76 : i32
        %select_n3A_87 = arith.select %and3A_85, %add3A_86, %rem3A_77 : i32
        %dma_start3A_88 = arith.constant 0 : i32
        %dma_start3A_89 = arith.constant 0 : i32
        %dma_start3A_90 = tpu.memref_slice %arg9[%select_n3A_87, %dma_start3A_88, %dma_start3A_89] : memref<2x128x8xf32, #tpu.memory_space<vmem>> -> memref<1x128x8xf32, #tpu.memory_space<vmem>>
        %dma_start3A_91 = tpu.memref_squeeze %dma_start3A_90 : memref<1x128x8xf32, #tpu.memory_space<vmem>> -> memref<128x8xf32, #tpu.memory_space<vmem>>
        %dma_start3A_92 = arith.constant 0 : i32
        %dma_start3A_93 = tpu.memref_slice %arg7[%add3A_69, %dma_start3A_92] : memref<128x128xi32, #tpu.memory_space<vmem>> -> memref<1x128xi32, #tpu.memory_space<vmem>>
        %dma_start3A_94 = tpu.memref_squeeze %dma_start3A_93 : memref<1x128xi32, #tpu.memory_space<vmem>> -> memref<128xi32, #tpu.memory_space<vmem>>
        %dma_start3A_95 = arith.constant 0 : i32
        %dma_start3A_96 = arith.constant 0 : i32
        %dma_start3A_97 = tpu.memref_slice %arg2[%dma_start3A_95, %dma_start3A_96] : memref<50000x8xf32, #tpu.memory_space<hbm>> -> memref<50000x8xf32, #tpu.memory_space<hbm>>
        tpu.enqueue_indirect_dma source(%dma_start3A_97 : memref<50000x8xf32, #tpu.memory_space<hbm>>) target(%dma_start3A_91 : memref<128x8xf32, #tpu.memory_space<vmem>>) offsets(%dma_start3A_94 : memref<128xi32, #tpu.memory_space<vmem>>) semaphore(%arg11 : memref<!tpu.dma_semaphore, #tpu.memory_space<semaphore_mem>>)
      } else {
      }
      %jit3A = arith.constant 2 : i32
      %eq3A = arith.constant 0 : i32
      %eq3A_33 = arith.cmpi eq, %jit3A, %eq3A : i32
      %jit3A_34 = arith.constant 1 : i32
      %select_n3A = arith.select %eq3A_33, %jit3A_34, %jit3A : i32
      %rem3A = arith.remsi %scan3A_28, %select_n3A : i32
      %ne3A = arith.constant 0 : i32
      %ne3A_35 = arith.cmpi ne, %rem3A, %ne3A : i32
      %lt3A_36 = arith.constant 0 : i32
      %lt3A_37 = arith.cmpi slt, %rem3A, %lt3A_36 : i32
      %lt3A_38 = arith.constant 0 : i32
      %lt3A_39 = arith.cmpi slt, %select_n3A, %lt3A_38 : i32
      %ne3A_40 = arith.xori %lt3A_37, %lt3A_39 : i1
      %and3A = arith.andi %ne3A_40, %ne3A_35 : i1
      %add3A_41 = arith.addi %rem3A, %select_n3A : i32
      %select_n3A_42 = arith.select %and3A, %add3A_41, %rem3A : i32
      %dma_wait3A = arith.constant 0 : i32
      %dma_wait3A_43 = arith.constant 0 : i32
      %dma_wait3A_44 = tpu.memref_slice %arg9[%select_n3A_42, %dma_wait3A, %dma_wait3A_43] : memref<2x128x8xf32, #tpu.memory_space<vmem>> -> memref<1x128x8xf32, #tpu.memory_space<vmem>>
      %dma_wait3A_45 = tpu.memref_squeeze %dma_wait3A_44 : memref<1x128x8xf32, #tpu.memory_space<vmem>> -> memref<128x8xf32, #tpu.memory_space<vmem>>
      %dma_wait3A_46 = arith.constant 0 : i32
      %dma_wait3A_47 = tpu.memref_slice %arg7[%scan3A_28, %dma_wait3A_46] : memref<128x128xi32, #tpu.memory_space<vmem>> -> memref<1x128xi32, #tpu.memory_space<vmem>>
      %dma_wait3A_48 = tpu.memref_squeeze %dma_wait3A_47 : memref<1x128xi32, #tpu.memory_space<vmem>> -> memref<128xi32, #tpu.memory_space<vmem>>
      %dma_wait3A_49 = arith.constant 0 : i32
      %dma_wait3A_50 = arith.constant 0 : i32
      %dma_wait3A_51 = tpu.memref_slice %arg2[%dma_wait3A_49, %dma_wait3A_50] : memref<50000x8xf32, #tpu.memory_space<hbm>> -> memref<50000x8xf32, #tpu.memory_space<hbm>>
      tpu.wait_indirect_dma semaphore(%arg11 : memref<!tpu.dma_semaphore, #tpu.memory_space<semaphore_mem>>) src(%dma_wait3A_51 : memref<50000x8xf32, #tpu.memory_space<hbm>>) dst(%dma_wait3A_45 : memref<128x8xf32, #tpu.memory_space<vmem>>)
      %jit3A_52 = arith.constant 2 : i32
      %eq3A_53 = arith.constant 0 : i32
      %eq3A_54 = arith.cmpi eq, %jit3A_52, %eq3A_53 : i32
      %jit3A_55 = arith.constant 1 : i32
      %select_n3A_56 = arith.select %eq3A_54, %jit3A_55, %jit3A_52 : i32
      %rem3A_57 = arith.remsi %scan3A_28, %select_n3A_56 : i32
      %ne3A_58 = arith.constant 0 : i32
      %ne3A_59 = arith.cmpi ne, %rem3A_57, %ne3A_58 : i32
      %lt3A_60 = arith.constant 0 : i32
      %lt3A_61 = arith.cmpi slt, %rem3A_57, %lt3A_60 : i32
      %lt3A_62 = arith.constant 0 : i32
      %lt3A_63 = arith.cmpi slt, %select_n3A_56, %lt3A_62 : i32
      %ne3A_64 = arith.xori %lt3A_61, %lt3A_63 : i1
      %and3A_65 = arith.andi %ne3A_64, %ne3A_59 : i1
      %add3A_66 = arith.addi %rem3A_57, %select_n3A_56 : i32
      %select_n3A_67 = arith.select %and3A_65, %add3A_66, %rem3A_57 : i32
      "tpu.region"() ({
        %run_scoped3A = tpu.sem_alloc : memref<!tpu.dma_semaphore, #tpu.memory_space<semaphore_mem>>
        %dma_start3A_68 = arith.constant 0 : i32
        %dma_start3A_69 = arith.constant 0 : i32
        %dma_start3A_70 = tpu.memref_slice %arg9[%select_n3A_67, %dma_start3A_68, %dma_start3A_69] : memref<2x128x8xf32, #tpu.memory_space<vmem>> -> memref<1x128x8xf32, #tpu.memory_space<vmem>>
        %dma_start3A_71 = tpu.memref_squeeze %dma_start3A_70 : memref<1x128x8xf32, #tpu.memory_space<vmem>> -> memref<128x8xf32, #tpu.memory_space<vmem>>
        %dma_start3A_72 = arith.constant 0 : i32
        %dma_start3A_73 = tpu.memref_slice %arg8[%scan3A_28, %dma_start3A_72] : memref<128x128xi32, #tpu.memory_space<vmem>> -> memref<1x128xi32, #tpu.memory_space<vmem>>
        %dma_start3A_74 = tpu.memref_squeeze %dma_start3A_73 : memref<1x128xi32, #tpu.memory_space<vmem>> -> memref<128xi32, #tpu.memory_space<vmem>>
        %dma_start3A_75 = arith.constant 0 : i32
        %dma_start3A_76 = arith.constant 0 : i32
        %dma_start3A_77 = tpu.memref_slice %arg10[%dma_start3A_75, %dma_start3A_76] : memref<100096x8xf32, #tpu.memory_space<vmem_shared>> -> memref<100096x8xf32, #tpu.memory_space<vmem_shared>>
        tpu.enqueue_indirect_dma source(%dma_start3A_71 : memref<128x8xf32, #tpu.memory_space<vmem>>) target(%dma_start3A_77 : memref<100096x8xf32, #tpu.memory_space<vmem_shared>>) offsets(%dma_start3A_74 : memref<128xi32, #tpu.memory_space<vmem>>) semaphore(%run_scoped3A : memref<!tpu.dma_semaphore, #tpu.memory_space<semaphore_mem>>) {add = true}
        %dma_wait3A_78 = arith.constant 0 : i32
        %dma_wait3A_79 = arith.constant 0 : i32
        %dma_wait3A_80 = tpu.memref_slice %arg9[%select_n3A_67, %dma_wait3A_78, %dma_wait3A_79] : memref<2x128x8xf32, #tpu.memory_space<vmem>> -> memref<1x128x8xf32, #tpu.memory_space<vmem>>
        %dma_wait3A_81 = tpu.memref_squeeze %dma_wait3A_80 : memref<1x128x8xf32, #tpu.memory_space<vmem>> -> memref<128x8xf32, #tpu.memory_space<vmem>>
        %dma_wait3A_82 = arith.constant 0 : i32
        %dma_wait3A_83 = tpu.memref_slice %arg8[%scan3A_28, %dma_wait3A_82] : memref<128x128xi32, #tpu.memory_space<vmem>> -> memref<1x128xi32, #tpu.memory_space<vmem>>
        %dma_wait3A_84 = tpu.memref_squeeze %dma_wait3A_83 : memref<1x128xi32, #tpu.memory_space<vmem>> -> memref<128xi32, #tpu.memory_space<vmem>>
        %dma_wait3A_85 = arith.constant 0 : i32
        %dma_wait3A_86 = arith.constant 0 : i32
        %dma_wait3A_87 = tpu.memref_slice %arg10[%dma_wait3A_85, %dma_wait3A_86] : memref<100096x8xf32, #tpu.memory_space<vmem_shared>> -> memref<100096x8xf32, #tpu.memory_space<vmem_shared>>
        tpu.wait_indirect_dma semaphore(%run_scoped3A : memref<!tpu.dma_semaphore, #tpu.memory_space<semaphore_mem>>) src(%dma_wait3A_81 : memref<128x8xf32, #tpu.memory_space<vmem>>) dst(%dma_wait3A_87 : memref<100096x8xf32, #tpu.memory_space<vmem_shared>>)
        tpu.yield
      }) : () -> ()
    }
    %scan3A_22 = arith.constant 128 : i32
    %barrier3A_23 = arith.constant 0 : index
    tpu.barrier barrier_id(%barrier3A_23)
    %mul3A_24 = arith.constant 6256 : i32
    %mul3A_25 = arith.muli %arg1, %mul3A_24 : i32
    %mul3A_26 = arith.constant 6256 : i32
    %mul3A_27 = arith.muli %arg1, %mul3A_26 : i32
    "tpu.region"() ({
      %run_scoped3A = tpu.sem_alloc : memref<!tpu.dma_semaphore, #tpu.memory_space<semaphore_mem>>
      %dma_start3A_28 = arith.constant 0 : i32
      %dma_start3A_29 = arith.constant 0 : i32
      %dma_start3A_30 = tpu.memref_slice %arg6[%arg0, %dma_start3A_28, %dma_start3A_29] : memref<2x100096x8xf32, #tpu.memory_space<hbm>> -> memref<1x100096x8xf32, #tpu.memory_space<hbm>>
      %dma_start3A_31 = tpu.memref_squeeze %dma_start3A_30 : memref<1x100096x8xf32, #tpu.memory_space<hbm>> -> memref<100096x8xf32, #tpu.memory_space<hbm>>
      %dma_start3A_32 = arith.constant 0 : i32
      %dma_start3A_33 = tpu.memref_slice %dma_start3A_31[%mul3A_27, %dma_start3A_32] : memref<100096x8xf32, #tpu.memory_space<hbm>> -> memref<6256x8xf32, #tpu.memory_space<hbm>>
      %dma_start3A_34 = arith.constant 0 : i32
      %dma_start3A_35 = tpu.memref_slice %arg10[%mul3A_25, %dma_start3A_34] : memref<100096x8xf32, #tpu.memory_space<vmem_shared>> -> memref<6256x8xf32, #tpu.memory_space<vmem_shared>>
      tpu.enqueue_dma source(%dma_start3A_35 : memref<6256x8xf32, #tpu.memory_space<vmem_shared>>) target(%dma_start3A_33 : memref<6256x8xf32, #tpu.memory_space<hbm>>) target_semaphore(%run_scoped3A : memref<!tpu.dma_semaphore, #tpu.memory_space<semaphore_mem>>)
      %dma_wait3A = arith.constant 0 : i32
      %dma_wait3A_36 = arith.constant 0 : i32
      %dma_wait3A_37 = tpu.memref_slice %arg6[%arg0, %dma_wait3A, %dma_wait3A_36] : memref<2x100096x8xf32, #tpu.memory_space<hbm>> -> memref<1x100096x8xf32, #tpu.memory_space<hbm>>
      %dma_wait3A_38 = tpu.memref_squeeze %dma_wait3A_37 : memref<1x100096x8xf32, #tpu.memory_space<hbm>> -> memref<100096x8xf32, #tpu.memory_space<hbm>>
      %dma_wait3A_39 = arith.constant 0 : i32
      %dma_wait3A_40 = tpu.memref_slice %dma_wait3A_38[%mul3A_27, %dma_wait3A_39] : memref<100096x8xf32, #tpu.memory_space<hbm>> -> memref<6256x8xf32, #tpu.memory_space<hbm>>
      %dma_wait3A_41 = arith.constant 0 : i32
      %dma_wait3A_42 = tpu.memref_slice %arg10[%mul3A_25, %dma_wait3A_41] : memref<100096x8xf32, #tpu.memory_space<vmem_shared>> -> memref<6256x8xf32, #tpu.memory_space<vmem_shared>>
      tpu.wait_dma2 semaphore(%run_scoped3A : memref<!tpu.dma_semaphore, #tpu.memory_space<semaphore_mem>>) src(%dma_wait3A_42 : memref<6256x8xf32, #tpu.memory_space<vmem_shared>>) dst(%dma_wait3A_40 : memref<6256x8xf32, #tpu.memory_space<hbm>>)
      tpu.yield
    }) : () -> ()
    return
  }
}

#map = affine_map<(d0, d1) -> (0, 0)>
#map1 = affine_map<(d0, d1) -> (0, 0, 0)>
module attributes {stable_mosaic.version = 14 : i64} {
  func.func @k(%arg0: i32, %arg1: i32, %arg2: memref<128x8xf32, #tpu.memory_space<hbm>>, %arg3: memref<4096x128xi32, #tpu.memory_space<hbm>>, %arg4: memref<4096x128xi32, #tpu.memory_space<hbm>>, %arg5: memref<6256x8xf32, #tpu.memory_space<hbm>>, %arg6: memref<2x100096x8xf32, #tpu.memory_space<hbm>>, %arg7: memref<128x128xi32, #tpu.memory_space<vmem>>, %arg8: memref<128x128xi32, #tpu.memory_space<vmem>>, %arg9: memref<2x128x8xf32, #tpu.memory_space<vmem>>, %arg10: memref<100096x8xf32, #tpu.memory_space<vmem_shared>>, %arg11: memref<!tpu.dma_semaphore, #tpu.memory_space<semaphore_mem>>) attributes {dimension_semantics = [#tpu.dimension_semantics<core_parallel>, #tpu.dimension_semantics<subcore_parallel>], iteration_bounds = array<i64: 2, 16>, scalar_prefetch = 0 : i64, scratch_operands = 5 : i64, tpu.core_type = #tpu.core_type<sc_vector_subcore>, window_params = [{transform_indices = #map}, {transform_indices = #map}, {transform_indices = #map}, {transform_indices = #map}, {transform_indices = #map1}]} {
    %mul3A = arith.constant 2 : i32
    %mul3A_0 = arith.muli %arg1, %mul3A : i32
    %add3A = arith.addi %mul3A_0, %arg0 : i32
    %mul3A_1 = arith.constant 6256 : i32
    %mul3A_2 = arith.muli %arg1, %mul3A_1 : i32
    "tpu.region"() ({
      %run_scoped3A_17 = tpu.sem_alloc : memref<!tpu.dma_semaphore, #tpu.memory_space<semaphore_mem>>
      %dma_start3A = arith.constant 0 : i32
      %dma_start3A_18 = tpu.memref_slice %arg10[%mul3A_2, %dma_start3A] : memref<100096x8xf32, #tpu.memory_space<vmem_shared>> -> memref<6256x8xf32, #tpu.memory_space<vmem_shared>>
      tpu.enqueue_dma source(%arg5 : memref<6256x8xf32, #tpu.memory_space<hbm>>) target(%dma_start3A_18 : memref<6256x8xf32, #tpu.memory_space<vmem_shared>>) target_semaphore(%run_scoped3A_17 : memref<!tpu.dma_semaphore, #tpu.memory_space<semaphore_mem>>)
      %dma_wait3A = arith.constant 0 : i32
      %dma_wait3A_19 = tpu.memref_slice %arg10[%mul3A_2, %dma_wait3A] : memref<100096x8xf32, #tpu.memory_space<vmem_shared>> -> memref<6256x8xf32, #tpu.memory_space<vmem_shared>>
      tpu.wait_dma2 semaphore(%run_scoped3A_17 : memref<!tpu.dma_semaphore, #tpu.memory_space<semaphore_mem>>) src(%arg5 : memref<6256x8xf32, #tpu.memory_space<hbm>>) dst(%dma_wait3A_19 : memref<6256x8xf32, #tpu.memory_space<vmem_shared>>)
      tpu.yield
    }) : () -> ()
    %barrier3A = arith.constant 0 : index
    tpu.barrier barrier_id(%barrier3A)
    %mul3A_3 = arith.constant 128 : i32
    %mul3A_4 = arith.muli %add3A, %mul3A_3 : i32
    "tpu.region"() ({
      %run_scoped3A_17 = tpu.sem_alloc : memref<!tpu.dma_semaphore, #tpu.memory_space<semaphore_mem>>
      %dma_start3A = arith.constant 0 : i32
      %dma_start3A_18 = tpu.memref_slice %arg3[%mul3A_4, %dma_start3A] : memref<4096x128xi32, #tpu.memory_space<hbm>> -> memref<128x128xi32, #tpu.memory_space<hbm>>
      %dma_start3A_19 = arith.constant 0 : i32
      %dma_start3A_20 = tpu.memref_slice %arg3[%mul3A_4, %dma_start3A_19] : memref<4096x128xi32, #tpu.memory_space<hbm>> -> memref<128x128xi32, #tpu.memory_space<hbm>>
      tpu.enqueue_dma source(%dma_start3A_20 : memref<128x128xi32, #tpu.memory_space<hbm>>) target(%arg7 : memref<128x128xi32, #tpu.memory_space<vmem>>) target_semaphore(%run_scoped3A_17 : memref<!tpu.dma_semaphore, #tpu.memory_space<semaphore_mem>>)
      %dma_wait3A = arith.constant 0 : i32
      %dma_wait3A_21 = tpu.memref_slice %arg3[%mul3A_4, %dma_wait3A] : memref<4096x128xi32, #tpu.memory_space<hbm>> -> memref<128x128xi32, #tpu.memory_space<hbm>>
      %dma_wait3A_22 = arith.constant 0 : i32
      %dma_wait3A_23 = tpu.memref_slice %arg3[%mul3A_4, %dma_wait3A_22] : memref<4096x128xi32, #tpu.memory_space<hbm>> -> memref<128x128xi32, #tpu.memory_space<hbm>>
      tpu.wait_dma2 semaphore(%run_scoped3A_17 : memref<!tpu.dma_semaphore, #tpu.memory_space<semaphore_mem>>) src(%dma_wait3A_23 : memref<128x128xi32, #tpu.memory_space<hbm>>) dst(%arg7 : memref<128x128xi32, #tpu.memory_space<vmem>>)
      tpu.yield
    }) : () -> ()
    %mul3A_5 = arith.constant 128 : i32
    %mul3A_6 = arith.muli %add3A, %mul3A_5 : i32
    "tpu.region"() ({
      %run_scoped3A_17 = tpu.sem_alloc : memref<!tpu.dma_semaphore, #tpu.memory_space<semaphore_mem>>
      %dma_start3A = arith.constant 0 : i32
      %dma_start3A_18 = tpu.memref_slice %arg4[%mul3A_6, %dma_start3A] : memref<4096x128xi32, #tpu.memory_space<hbm>> -> memref<128x128xi32, #tpu.memory_space<hbm>>
      %dma_start3A_19 = arith.constant 0 : i32
      %dma_start3A_20 = tpu.memref_slice %arg4[%mul3A_6, %dma_start3A_19] : memref<4096x128xi32, #tpu.memory_space<hbm>> -> memref<128x128xi32, #tpu.memory_space<hbm>>
      tpu.enqueue_dma source(%dma_start3A_20 : memref<128x128xi32, #tpu.memory_space<hbm>>) target(%arg8 : memref<128x128xi32, #tpu.memory_space<vmem>>) target_semaphore(%run_scoped3A_17 : memref<!tpu.dma_semaphore, #tpu.memory_space<semaphore_mem>>)
      %dma_wait3A = arith.constant 0 : i32
      %dma_wait3A_21 = tpu.memref_slice %arg4[%mul3A_6, %dma_wait3A] : memref<4096x128xi32, #tpu.memory_space<hbm>> -> memref<128x128xi32, #tpu.memory_space<hbm>>
      %dma_wait3A_22 = arith.constant 0 : i32
      %dma_wait3A_23 = tpu.memref_slice %arg4[%mul3A_6, %dma_wait3A_22] : memref<4096x128xi32, #tpu.memory_space<hbm>> -> memref<128x128xi32, #tpu.memory_space<hbm>>
      tpu.wait_dma2 semaphore(%run_scoped3A_17 : memref<!tpu.dma_semaphore, #tpu.memory_space<semaphore_mem>>) src(%dma_wait3A_23 : memref<128x128xi32, #tpu.memory_space<hbm>>) dst(%arg8 : memref<128x128xi32, #tpu.memory_space<vmem>>)
      tpu.yield
    }) : () -> ()
    %run_scoped3A = arith.constant 0 : i32
    "tpu.region"() ({
      %run_scoped3A_17 = tpu.sem_alloc : memref<!tpu.dma_semaphore, #tpu.memory_space<semaphore_mem>>
      %dma_start3A = arith.constant 0 : i32
      %dma_start3A_18 = arith.constant 0 : i32
      %dma_start3A_19 = tpu.memref_slice %arg9[%run_scoped3A, %dma_start3A, %dma_start3A_18] : memref<2x128x8xf32, #tpu.memory_space<vmem>> -> memref<1x128x8xf32, #tpu.memory_space<vmem>>
      %dma_start3A_20 = tpu.memref_squeeze %dma_start3A_19 : memref<1x128x8xf32, #tpu.memory_space<vmem>> -> memref<128x8xf32, #tpu.memory_space<vmem>>
      %dma_start3A_21 = arith.constant 0 : i32
      %dma_start3A_22 = arith.constant 0 : i32
      %dma_start3A_23 = tpu.memref_slice %arg9[%run_scoped3A, %dma_start3A_21, %dma_start3A_22] : memref<2x128x8xf32, #tpu.memory_space<vmem>> -> memref<1x128x8xf32, #tpu.memory_space<vmem>>
      %dma_start3A_24 = tpu.memref_squeeze %dma_start3A_23 : memref<1x128x8xf32, #tpu.memory_space<vmem>> -> memref<128x8xf32, #tpu.memory_space<vmem>>
      tpu.enqueue_dma source(%arg2 : memref<128x8xf32, #tpu.memory_space<hbm>>) target(%dma_start3A_24 : memref<128x8xf32, #tpu.memory_space<vmem>>) target_semaphore(%run_scoped3A_17 : memref<!tpu.dma_semaphore, #tpu.memory_space<semaphore_mem>>)
      %dma_wait3A = arith.constant 0 : i32
      %dma_wait3A_25 = arith.constant 0 : i32
      %dma_wait3A_26 = tpu.memref_slice %arg9[%run_scoped3A, %dma_wait3A, %dma_wait3A_25] : memref<2x128x8xf32, #tpu.memory_space<vmem>> -> memref<1x128x8xf32, #tpu.memory_space<vmem>>
      %dma_wait3A_27 = tpu.memref_squeeze %dma_wait3A_26 : memref<1x128x8xf32, #tpu.memory_space<vmem>> -> memref<128x8xf32, #tpu.memory_space<vmem>>
      %dma_wait3A_28 = arith.constant 0 : i32
      %dma_wait3A_29 = arith.constant 0 : i32
      %dma_wait3A_30 = tpu.memref_slice %arg9[%run_scoped3A, %dma_wait3A_28, %dma_wait3A_29] : memref<2x128x8xf32, #tpu.memory_space<vmem>> -> memref<1x128x8xf32, #tpu.memory_space<vmem>>
      %dma_wait3A_31 = tpu.memref_squeeze %dma_wait3A_30 : memref<1x128x8xf32, #tpu.memory_space<vmem>> -> memref<128x8xf32, #tpu.memory_space<vmem>>
      tpu.wait_dma2 semaphore(%run_scoped3A_17 : memref<!tpu.dma_semaphore, #tpu.memory_space<semaphore_mem>>) src(%arg2 : memref<128x8xf32, #tpu.memory_space<hbm>>) dst(%dma_wait3A_31 : memref<128x8xf32, #tpu.memory_space<vmem>>)
      tpu.yield
    }) : () -> ()
    %scan3A = arith.constant 0 : i32
    %scan3A_7 = arith.constant 0 : i32
    %scan3A_8 = arith.constant 128 : i32
    %scan3A_9 = arith.addi %scan3A_7, %scan3A_8 : i32
    %scan3A_10 = arith.constant 1 : i32
    scf.for %scan3A_17 = %scan3A_7 to %scan3A_9 step %scan3A_10  : i32 {
      %run_scoped3A_18 = arith.constant 0 : i32
      "tpu.region"() ({
        %run_scoped3A_19 = tpu.sem_alloc : memref<!tpu.dma_semaphore, #tpu.memory_space<semaphore_mem>>
        %dma_start3A = arith.constant 0 : i32
        %dma_start3A_20 = arith.constant 0 : i32
        %dma_start3A_21 = tpu.memref_slice %arg9[%run_scoped3A_18, %dma_start3A, %dma_start3A_20] : memref<2x128x8xf32, #tpu.memory_space<vmem>> -> memref<1x128x8xf32, #tpu.memory_space<vmem>>
        %dma_start3A_22 = tpu.memref_squeeze %dma_start3A_21 : memref<1x128x8xf32, #tpu.memory_space<vmem>> -> memref<128x8xf32, #tpu.memory_space<vmem>>
        %dma_start3A_23 = arith.constant 0 : i32
        %dma_start3A_24 = tpu.memref_slice %arg8[%scan3A_17, %dma_start3A_23] : memref<128x128xi32, #tpu.memory_space<vmem>> -> memref<1x128xi32, #tpu.memory_space<vmem>>
        %dma_start3A_25 = tpu.memref_squeeze %dma_start3A_24 : memref<1x128xi32, #tpu.memory_space<vmem>> -> memref<128xi32, #tpu.memory_space<vmem>>
        %dma_start3A_26 = arith.constant 0 : i32
        %dma_start3A_27 = arith.constant 0 : i32
        %dma_start3A_28 = tpu.memref_slice %arg10[%dma_start3A_26, %dma_start3A_27] : memref<100096x8xf32, #tpu.memory_space<vmem_shared>> -> memref<100096x8xf32, #tpu.memory_space<vmem_shared>>
        tpu.enqueue_indirect_dma source(%dma_start3A_22 : memref<128x8xf32, #tpu.memory_space<vmem>>) target(%dma_start3A_28 : memref<100096x8xf32, #tpu.memory_space<vmem_shared>>) offsets(%dma_start3A_25 : memref<128xi32, #tpu.memory_space<vmem>>) semaphore(%run_scoped3A_19 : memref<!tpu.dma_semaphore, #tpu.memory_space<semaphore_mem>>) {add = true}
        %dma_wait3A = arith.constant 0 : i32
        %dma_wait3A_29 = arith.constant 0 : i32
        %dma_wait3A_30 = tpu.memref_slice %arg9[%run_scoped3A_18, %dma_wait3A, %dma_wait3A_29] : memref<2x128x8xf32, #tpu.memory_space<vmem>> -> memref<1x128x8xf32, #tpu.memory_space<vmem>>
        %dma_wait3A_31 = tpu.memref_squeeze %dma_wait3A_30 : memref<1x128x8xf32, #tpu.memory_space<vmem>> -> memref<128x8xf32, #tpu.memory_space<vmem>>
        %dma_wait3A_32 = arith.constant 0 : i32
        %dma_wait3A_33 = tpu.memref_slice %arg8[%scan3A_17, %dma_wait3A_32] : memref<128x128xi32, #tpu.memory_space<vmem>> -> memref<1x128xi32, #tpu.memory_space<vmem>>
        %dma_wait3A_34 = tpu.memref_squeeze %dma_wait3A_33 : memref<1x128xi32, #tpu.memory_space<vmem>> -> memref<128xi32, #tpu.memory_space<vmem>>
        %dma_wait3A_35 = arith.constant 0 : i32
        %dma_wait3A_36 = arith.constant 0 : i32
        %dma_wait3A_37 = tpu.memref_slice %arg10[%dma_wait3A_35, %dma_wait3A_36] : memref<100096x8xf32, #tpu.memory_space<vmem_shared>> -> memref<100096x8xf32, #tpu.memory_space<vmem_shared>>
        tpu.wait_indirect_dma semaphore(%run_scoped3A_19 : memref<!tpu.dma_semaphore, #tpu.memory_space<semaphore_mem>>) src(%dma_wait3A_31 : memref<128x8xf32, #tpu.memory_space<vmem>>) dst(%dma_wait3A_37 : memref<100096x8xf32, #tpu.memory_space<vmem_shared>>)
        tpu.yield
      }) : () -> ()
    }
    %scan3A_11 = arith.constant 128 : i32
    %barrier3A_12 = arith.constant 0 : index
    tpu.barrier barrier_id(%barrier3A_12)
    %mul3A_13 = arith.constant 6256 : i32
    %mul3A_14 = arith.muli %arg1, %mul3A_13 : i32
    %mul3A_15 = arith.constant 6256 : i32
    %mul3A_16 = arith.muli %arg1, %mul3A_15 : i32
    "tpu.region"() ({
      %run_scoped3A_17 = tpu.sem_alloc : memref<!tpu.dma_semaphore, #tpu.memory_space<semaphore_mem>>
      %dma_start3A = arith.constant 0 : i32
      %dma_start3A_18 = arith.constant 0 : i32
      %dma_start3A_19 = tpu.memref_slice %arg6[%arg0, %dma_start3A, %dma_start3A_18] : memref<2x100096x8xf32, #tpu.memory_space<hbm>> -> memref<1x100096x8xf32, #tpu.memory_space<hbm>>
      %dma_start3A_20 = tpu.memref_squeeze %dma_start3A_19 : memref<1x100096x8xf32, #tpu.memory_space<hbm>> -> memref<100096x8xf32, #tpu.memory_space<hbm>>
      %dma_start3A_21 = arith.constant 0 : i32
      %dma_start3A_22 = tpu.memref_slice %dma_start3A_20[%mul3A_16, %dma_start3A_21] : memref<100096x8xf32, #tpu.memory_space<hbm>> -> memref<6256x8xf32, #tpu.memory_space<hbm>>
      %dma_start3A_23 = arith.constant 0 : i32
      %dma_start3A_24 = tpu.memref_slice %arg10[%mul3A_14, %dma_start3A_23] : memref<100096x8xf32, #tpu.memory_space<vmem_shared>> -> memref<6256x8xf32, #tpu.memory_space<vmem_shared>>
      tpu.enqueue_dma source(%dma_start3A_24 : memref<6256x8xf32, #tpu.memory_space<vmem_shared>>) target(%dma_start3A_22 : memref<6256x8xf32, #tpu.memory_space<hbm>>) target_semaphore(%run_scoped3A_17 : memref<!tpu.dma_semaphore, #tpu.memory_space<semaphore_mem>>)
      %dma_wait3A = arith.constant 0 : i32
      %dma_wait3A_25 = arith.constant 0 : i32
      %dma_wait3A_26 = tpu.memref_slice %arg6[%arg0, %dma_wait3A, %dma_wait3A_25] : memref<2x100096x8xf32, #tpu.memory_space<hbm>> -> memref<1x100096x8xf32, #tpu.memory_space<hbm>>
      %dma_wait3A_27 = tpu.memref_squeeze %dma_wait3A_26 : memref<1x100096x8xf32, #tpu.memory_space<hbm>> -> memref<100096x8xf32, #tpu.memory_space<hbm>>
      %dma_wait3A_28 = arith.constant 0 : i32
      %dma_wait3A_29 = tpu.memref_slice %dma_wait3A_27[%mul3A_16, %dma_wait3A_28] : memref<100096x8xf32, #tpu.memory_space<hbm>> -> memref<6256x8xf32, #tpu.memory_space<hbm>>
      %dma_wait3A_30 = arith.constant 0 : i32
      %dma_wait3A_31 = tpu.memref_slice %arg10[%mul3A_14, %dma_wait3A_30] : memref<100096x8xf32, #tpu.memory_space<vmem_shared>> -> memref<6256x8xf32, #tpu.memory_space<vmem_shared>>
      tpu.wait_dma2 semaphore(%run_scoped3A_17 : memref<!tpu.dma_semaphore, #tpu.memory_space<semaphore_mem>>) src(%dma_wait3A_31 : memref<6256x8xf32, #tpu.memory_space<vmem_shared>>) dst(%dma_wait3A_29 : memref<6256x8xf32, #tpu.memory_space<hbm>>)
      tpu.yield
    }) : () -> ()
    return
  }
}

#map = affine_map<(d0, d1) -> (0, 0)>
#map1 = affine_map<(d0, d1) -> (0, 0, 0)>
module attributes {stable_mosaic.version = 14 : i64} {
  func.func @k(%arg0: i32, %arg1: i32, %arg2: memref<128x8xf32, #tpu.memory_space<hbm>>, %arg3: memref<2048x128xi32, #tpu.memory_space<hbm>>, %arg4: memref<2048x128xi32, #tpu.memory_space<hbm>>, %arg5: memref<6888x8xf32, #tpu.memory_space<hbm>>, %arg6: memref<2x110208x8xf32, #tpu.memory_space<hbm>>, %arg7: memref<64x128xi32, #tpu.memory_space<vmem>>, %arg8: memref<64x128xi32, #tpu.memory_space<vmem>>, %arg9: memref<2x128x8xf32, #tpu.memory_space<vmem>>, %arg10: memref<110208x8xf32, #tpu.memory_space<vmem_shared>>, %arg11: memref<!tpu.dma_semaphore, #tpu.memory_space<semaphore_mem>>) attributes {dimension_semantics = [#tpu.dimension_semantics<core_parallel>, #tpu.dimension_semantics<subcore_parallel>], iteration_bounds = array<i64: 2, 16>, scalar_prefetch = 0 : i64, scratch_operands = 5 : i64, tpu.core_type = #tpu.core_type<sc_vector_subcore>, window_params = [{transform_indices = #map}, {transform_indices = #map}, {transform_indices = #map}, {transform_indices = #map}, {transform_indices = #map1}]} {
    %mul3A = arith.constant 2 : i32
    %mul3A_0 = arith.muli %arg1, %mul3A : i32
    %add3A = arith.addi %mul3A_0, %arg0 : i32
    %mul3A_1 = arith.constant 6888 : i32
    %mul3A_2 = arith.muli %arg1, %mul3A_1 : i32
    "tpu.region"() ({
      %run_scoped3A_17 = tpu.sem_alloc : memref<!tpu.dma_semaphore, #tpu.memory_space<semaphore_mem>>
      %dma_start3A = arith.constant 0 : i32
      %dma_start3A_18 = tpu.memref_slice %arg10[%mul3A_2, %dma_start3A] : memref<110208x8xf32, #tpu.memory_space<vmem_shared>> -> memref<6888x8xf32, #tpu.memory_space<vmem_shared>>
      tpu.enqueue_dma source(%arg5 : memref<6888x8xf32, #tpu.memory_space<hbm>>) target(%dma_start3A_18 : memref<6888x8xf32, #tpu.memory_space<vmem_shared>>) target_semaphore(%run_scoped3A_17 : memref<!tpu.dma_semaphore, #tpu.memory_space<semaphore_mem>>)
      %dma_wait3A = arith.constant 0 : i32
      %dma_wait3A_19 = tpu.memref_slice %arg10[%mul3A_2, %dma_wait3A] : memref<110208x8xf32, #tpu.memory_space<vmem_shared>> -> memref<6888x8xf32, #tpu.memory_space<vmem_shared>>
      tpu.wait_dma2 semaphore(%run_scoped3A_17 : memref<!tpu.dma_semaphore, #tpu.memory_space<semaphore_mem>>) src(%arg5 : memref<6888x8xf32, #tpu.memory_space<hbm>>) dst(%dma_wait3A_19 : memref<6888x8xf32, #tpu.memory_space<vmem_shared>>)
      tpu.yield
    }) : () -> ()
    %barrier3A = arith.constant 0 : index
    tpu.barrier barrier_id(%barrier3A)
    %mul3A_3 = arith.constant 64 : i32
    %mul3A_4 = arith.muli %add3A, %mul3A_3 : i32
    "tpu.region"() ({
      %run_scoped3A_17 = tpu.sem_alloc : memref<!tpu.dma_semaphore, #tpu.memory_space<semaphore_mem>>
      %dma_start3A = arith.constant 0 : i32
      %dma_start3A_18 = tpu.memref_slice %arg3[%mul3A_4, %dma_start3A] : memref<2048x128xi32, #tpu.memory_space<hbm>> -> memref<64x128xi32, #tpu.memory_space<hbm>>
      %dma_start3A_19 = arith.constant 0 : i32
      %dma_start3A_20 = tpu.memref_slice %arg3[%mul3A_4, %dma_start3A_19] : memref<2048x128xi32, #tpu.memory_space<hbm>> -> memref<64x128xi32, #tpu.memory_space<hbm>>
      tpu.enqueue_dma source(%dma_start3A_20 : memref<64x128xi32, #tpu.memory_space<hbm>>) target(%arg7 : memref<64x128xi32, #tpu.memory_space<vmem>>) target_semaphore(%run_scoped3A_17 : memref<!tpu.dma_semaphore, #tpu.memory_space<semaphore_mem>>)
      %dma_wait3A = arith.constant 0 : i32
      %dma_wait3A_21 = tpu.memref_slice %arg3[%mul3A_4, %dma_wait3A] : memref<2048x128xi32, #tpu.memory_space<hbm>> -> memref<64x128xi32, #tpu.memory_space<hbm>>
      %dma_wait3A_22 = arith.constant 0 : i32
      %dma_wait3A_23 = tpu.memref_slice %arg3[%mul3A_4, %dma_wait3A_22] : memref<2048x128xi32, #tpu.memory_space<hbm>> -> memref<64x128xi32, #tpu.memory_space<hbm>>
      tpu.wait_dma2 semaphore(%run_scoped3A_17 : memref<!tpu.dma_semaphore, #tpu.memory_space<semaphore_mem>>) src(%dma_wait3A_23 : memref<64x128xi32, #tpu.memory_space<hbm>>) dst(%arg7 : memref<64x128xi32, #tpu.memory_space<vmem>>)
      tpu.yield
    }) : () -> ()
    %mul3A_5 = arith.constant 64 : i32
    %mul3A_6 = arith.muli %add3A, %mul3A_5 : i32
    "tpu.region"() ({
      %run_scoped3A_17 = tpu.sem_alloc : memref<!tpu.dma_semaphore, #tpu.memory_space<semaphore_mem>>
      %dma_start3A = arith.constant 0 : i32
      %dma_start3A_18 = tpu.memref_slice %arg4[%mul3A_6, %dma_start3A] : memref<2048x128xi32, #tpu.memory_space<hbm>> -> memref<64x128xi32, #tpu.memory_space<hbm>>
      %dma_start3A_19 = arith.constant 0 : i32
      %dma_start3A_20 = tpu.memref_slice %arg4[%mul3A_6, %dma_start3A_19] : memref<2048x128xi32, #tpu.memory_space<hbm>> -> memref<64x128xi32, #tpu.memory_space<hbm>>
      tpu.enqueue_dma source(%dma_start3A_20 : memref<64x128xi32, #tpu.memory_space<hbm>>) target(%arg8 : memref<64x128xi32, #tpu.memory_space<vmem>>) target_semaphore(%run_scoped3A_17 : memref<!tpu.dma_semaphore, #tpu.memory_space<semaphore_mem>>)
      %dma_wait3A = arith.constant 0 : i32
      %dma_wait3A_21 = tpu.memref_slice %arg4[%mul3A_6, %dma_wait3A] : memref<2048x128xi32, #tpu.memory_space<hbm>> -> memref<64x128xi32, #tpu.memory_space<hbm>>
      %dma_wait3A_22 = arith.constant 0 : i32
      %dma_wait3A_23 = tpu.memref_slice %arg4[%mul3A_6, %dma_wait3A_22] : memref<2048x128xi32, #tpu.memory_space<hbm>> -> memref<64x128xi32, #tpu.memory_space<hbm>>
      tpu.wait_dma2 semaphore(%run_scoped3A_17 : memref<!tpu.dma_semaphore, #tpu.memory_space<semaphore_mem>>) src(%dma_wait3A_23 : memref<64x128xi32, #tpu.memory_space<hbm>>) dst(%arg8 : memref<64x128xi32, #tpu.memory_space<vmem>>)
      tpu.yield
    }) : () -> ()
    %run_scoped3A = arith.constant 0 : i32
    "tpu.region"() ({
      %run_scoped3A_17 = tpu.sem_alloc : memref<!tpu.dma_semaphore, #tpu.memory_space<semaphore_mem>>
      %dma_start3A = arith.constant 0 : i32
      %dma_start3A_18 = arith.constant 0 : i32
      %dma_start3A_19 = tpu.memref_slice %arg9[%run_scoped3A, %dma_start3A, %dma_start3A_18] : memref<2x128x8xf32, #tpu.memory_space<vmem>> -> memref<1x128x8xf32, #tpu.memory_space<vmem>>
      %dma_start3A_20 = tpu.memref_squeeze %dma_start3A_19 : memref<1x128x8xf32, #tpu.memory_space<vmem>> -> memref<128x8xf32, #tpu.memory_space<vmem>>
      %dma_start3A_21 = arith.constant 0 : i32
      %dma_start3A_22 = arith.constant 0 : i32
      %dma_start3A_23 = tpu.memref_slice %arg9[%run_scoped3A, %dma_start3A_21, %dma_start3A_22] : memref<2x128x8xf32, #tpu.memory_space<vmem>> -> memref<1x128x8xf32, #tpu.memory_space<vmem>>
      %dma_start3A_24 = tpu.memref_squeeze %dma_start3A_23 : memref<1x128x8xf32, #tpu.memory_space<vmem>> -> memref<128x8xf32, #tpu.memory_space<vmem>>
      tpu.enqueue_dma source(%arg2 : memref<128x8xf32, #tpu.memory_space<hbm>>) target(%dma_start3A_24 : memref<128x8xf32, #tpu.memory_space<vmem>>) target_semaphore(%run_scoped3A_17 : memref<!tpu.dma_semaphore, #tpu.memory_space<semaphore_mem>>)
      %dma_wait3A = arith.constant 0 : i32
      %dma_wait3A_25 = arith.constant 0 : i32
      %dma_wait3A_26 = tpu.memref_slice %arg9[%run_scoped3A, %dma_wait3A, %dma_wait3A_25] : memref<2x128x8xf32, #tpu.memory_space<vmem>> -> memref<1x128x8xf32, #tpu.memory_space<vmem>>
      %dma_wait3A_27 = tpu.memref_squeeze %dma_wait3A_26 : memref<1x128x8xf32, #tpu.memory_space<vmem>> -> memref<128x8xf32, #tpu.memory_space<vmem>>
      %dma_wait3A_28 = arith.constant 0 : i32
      %dma_wait3A_29 = arith.constant 0 : i32
      %dma_wait3A_30 = tpu.memref_slice %arg9[%run_scoped3A, %dma_wait3A_28, %dma_wait3A_29] : memref<2x128x8xf32, #tpu.memory_space<vmem>> -> memref<1x128x8xf32, #tpu.memory_space<vmem>>
      %dma_wait3A_31 = tpu.memref_squeeze %dma_wait3A_30 : memref<1x128x8xf32, #tpu.memory_space<vmem>> -> memref<128x8xf32, #tpu.memory_space<vmem>>
      tpu.wait_dma2 semaphore(%run_scoped3A_17 : memref<!tpu.dma_semaphore, #tpu.memory_space<semaphore_mem>>) src(%arg2 : memref<128x8xf32, #tpu.memory_space<hbm>>) dst(%dma_wait3A_31 : memref<128x8xf32, #tpu.memory_space<vmem>>)
      tpu.yield
    }) : () -> ()
    %scan3A = arith.constant 0 : i32
    %scan3A_7 = arith.constant 0 : i32
    %scan3A_8 = arith.constant 64 : i32
    %scan3A_9 = arith.addi %scan3A_7, %scan3A_8 : i32
    %scan3A_10 = arith.constant 1 : i32
    scf.for %scan3A_17 = %scan3A_7 to %scan3A_9 step %scan3A_10  : i32 {
      %run_scoped3A_18 = arith.constant 0 : i32
      "tpu.region"() ({
        %run_scoped3A_19 = tpu.sem_alloc : memref<!tpu.dma_semaphore, #tpu.memory_space<semaphore_mem>>
        %dma_start3A = arith.constant 0 : i32
        %dma_start3A_20 = arith.constant 0 : i32
        %dma_start3A_21 = tpu.memref_slice %arg9[%run_scoped3A_18, %dma_start3A, %dma_start3A_20] : memref<2x128x8xf32, #tpu.memory_space<vmem>> -> memref<1x128x8xf32, #tpu.memory_space<vmem>>
        %dma_start3A_22 = tpu.memref_squeeze %dma_start3A_21 : memref<1x128x8xf32, #tpu.memory_space<vmem>> -> memref<128x8xf32, #tpu.memory_space<vmem>>
        %dma_start3A_23 = arith.constant 0 : i32
        %dma_start3A_24 = tpu.memref_slice %arg8[%scan3A_17, %dma_start3A_23] : memref<64x128xi32, #tpu.memory_space<vmem>> -> memref<1x128xi32, #tpu.memory_space<vmem>>
        %dma_start3A_25 = tpu.memref_squeeze %dma_start3A_24 : memref<1x128xi32, #tpu.memory_space<vmem>> -> memref<128xi32, #tpu.memory_space<vmem>>
        %dma_start3A_26 = arith.constant 0 : i32
        %dma_start3A_27 = arith.constant 0 : i32
        %dma_start3A_28 = tpu.memref_slice %arg10[%dma_start3A_26, %dma_start3A_27] : memref<110208x8xf32, #tpu.memory_space<vmem_shared>> -> memref<110208x8xf32, #tpu.memory_space<vmem_shared>>
        tpu.enqueue_indirect_dma source(%dma_start3A_22 : memref<128x8xf32, #tpu.memory_space<vmem>>) target(%dma_start3A_28 : memref<110208x8xf32, #tpu.memory_space<vmem_shared>>) offsets(%dma_start3A_25 : memref<128xi32, #tpu.memory_space<vmem>>) semaphore(%run_scoped3A_19 : memref<!tpu.dma_semaphore, #tpu.memory_space<semaphore_mem>>) {add = true}
        %dma_wait3A = arith.constant 0 : i32
        %dma_wait3A_29 = arith.constant 0 : i32
        %dma_wait3A_30 = tpu.memref_slice %arg9[%run_scoped3A_18, %dma_wait3A, %dma_wait3A_29] : memref<2x128x8xf32, #tpu.memory_space<vmem>> -> memref<1x128x8xf32, #tpu.memory_space<vmem>>
        %dma_wait3A_31 = tpu.memref_squeeze %dma_wait3A_30 : memref<1x128x8xf32, #tpu.memory_space<vmem>> -> memref<128x8xf32, #tpu.memory_space<vmem>>
        %dma_wait3A_32 = arith.constant 0 : i32
        %dma_wait3A_33 = tpu.memref_slice %arg8[%scan3A_17, %dma_wait3A_32] : memref<64x128xi32, #tpu.memory_space<vmem>> -> memref<1x128xi32, #tpu.memory_space<vmem>>
        %dma_wait3A_34 = tpu.memref_squeeze %dma_wait3A_33 : memref<1x128xi32, #tpu.memory_space<vmem>> -> memref<128xi32, #tpu.memory_space<vmem>>
        %dma_wait3A_35 = arith.constant 0 : i32
        %dma_wait3A_36 = arith.constant 0 : i32
        %dma_wait3A_37 = tpu.memref_slice %arg10[%dma_wait3A_35, %dma_wait3A_36] : memref<110208x8xf32, #tpu.memory_space<vmem_shared>> -> memref<110208x8xf32, #tpu.memory_space<vmem_shared>>
        tpu.wait_indirect_dma semaphore(%run_scoped3A_19 : memref<!tpu.dma_semaphore, #tpu.memory_space<semaphore_mem>>) src(%dma_wait3A_31 : memref<128x8xf32, #tpu.memory_space<vmem>>) dst(%dma_wait3A_37 : memref<110208x8xf32, #tpu.memory_space<vmem_shared>>)
        tpu.yield
      }) : () -> ()
    }
    %scan3A_11 = arith.constant 64 : i32
    %barrier3A_12 = arith.constant 0 : index
    tpu.barrier barrier_id(%barrier3A_12)
    %mul3A_13 = arith.constant 6888 : i32
    %mul3A_14 = arith.muli %arg1, %mul3A_13 : i32
    %mul3A_15 = arith.constant 6888 : i32
    %mul3A_16 = arith.muli %arg1, %mul3A_15 : i32
    "tpu.region"() ({
      %run_scoped3A_17 = tpu.sem_alloc : memref<!tpu.dma_semaphore, #tpu.memory_space<semaphore_mem>>
      %dma_start3A = arith.constant 0 : i32
      %dma_start3A_18 = arith.constant 0 : i32
      %dma_start3A_19 = tpu.memref_slice %arg6[%arg0, %dma_start3A, %dma_start3A_18] : memref<2x110208x8xf32, #tpu.memory_space<hbm>> -> memref<1x110208x8xf32, #tpu.memory_space<hbm>>
      %dma_start3A_20 = tpu.memref_squeeze %dma_start3A_19 : memref<1x110208x8xf32, #tpu.memory_space<hbm>> -> memref<110208x8xf32, #tpu.memory_space<hbm>>
      %dma_start3A_21 = arith.constant 0 : i32
      %dma_start3A_22 = tpu.memref_slice %dma_start3A_20[%mul3A_16, %dma_start3A_21] : memref<110208x8xf32, #tpu.memory_space<hbm>> -> memref<6888x8xf32, #tpu.memory_space<hbm>>
      %dma_start3A_23 = arith.constant 0 : i32
      %dma_start3A_24 = tpu.memref_slice %arg10[%mul3A_14, %dma_start3A_23] : memref<110208x8xf32, #tpu.memory_space<vmem_shared>> -> memref<6888x8xf32, #tpu.memory_space<vmem_shared>>
      tpu.enqueue_dma source(%dma_start3A_24 : memref<6888x8xf32, #tpu.memory_space<vmem_shared>>) target(%dma_start3A_22 : memref<6888x8xf32, #tpu.memory_space<hbm>>) target_semaphore(%run_scoped3A_17 : memref<!tpu.dma_semaphore, #tpu.memory_space<semaphore_mem>>)
      %dma_wait3A = arith.constant 0 : i32
      %dma_wait3A_25 = arith.constant 0 : i32
      %dma_wait3A_26 = tpu.memref_slice %arg6[%arg0, %dma_wait3A, %dma_wait3A_25] : memref<2x110208x8xf32, #tpu.memory_space<hbm>> -> memref<1x110208x8xf32, #tpu.memory_space<hbm>>
      %dma_wait3A_27 = tpu.memref_squeeze %dma_wait3A_26 : memref<1x110208x8xf32, #tpu.memory_space<hbm>> -> memref<110208x8xf32, #tpu.memory_space<hbm>>
      %dma_wait3A_28 = arith.constant 0 : i32
      %dma_wait3A_29 = tpu.memref_slice %dma_wait3A_27[%mul3A_16, %dma_wait3A_28] : memref<110208x8xf32, #tpu.memory_space<hbm>> -> memref<6888x8xf32, #tpu.memory_space<hbm>>
      %dma_wait3A_30 = arith.constant 0 : i32
      %dma_wait3A_31 = tpu.memref_slice %arg10[%mul3A_14, %dma_wait3A_30] : memref<110208x8xf32, #tpu.memory_space<vmem_shared>> -> memref<6888x8xf32, #tpu.memory_space<vmem_shared>>
      tpu.wait_dma2 semaphore(%run_scoped3A_17 : memref<!tpu.dma_semaphore, #tpu.memory_space<semaphore_mem>>) src(%dma_wait3A_31 : memref<6888x8xf32, #tpu.memory_space<vmem_shared>>) dst(%dma_wait3A_29 : memref<6888x8xf32, #tpu.memory_space<hbm>>)
      tpu.yield
    }) : () -> ()
    return
  }
}

#map = affine_map<(d0, d1) -> (0, 0)>
#map1 = affine_map<(d0, d1) -> (0, 0, 0)>
module attributes {stable_mosaic.version = 14 : i64} {
  func.func @k(%arg0: i32, %arg1: i32, %arg2: memref<100000x32xf32, #tpu.memory_space<hbm>>, %arg3: memref<1024x128xi32, #tpu.memory_space<hbm>>, %arg4: memref<1024x128xi32, #tpu.memory_space<hbm>>, %arg5: memref<632x32xf32, #tpu.memory_space<hbm>>, %arg6: memref<2x10112x32xf32, #tpu.memory_space<hbm>>, %arg7: memref<32x128xi32, #tpu.memory_space<vmem>>, %arg8: memref<32x128xi32, #tpu.memory_space<vmem>>, %arg9: memref<2x128x32xf32, #tpu.memory_space<vmem>>, %arg10: memref<10112x32xf32, #tpu.memory_space<vmem_shared>>, %arg11: memref<!tpu.dma_semaphore, #tpu.memory_space<semaphore_mem>>) attributes {dimension_semantics = [#tpu.dimension_semantics<core_parallel>, #tpu.dimension_semantics<subcore_parallel>], iteration_bounds = array<i64: 2, 16>, scalar_prefetch = 0 : i64, scratch_operands = 5 : i64, tpu.core_type = #tpu.core_type<sc_vector_subcore>, window_params = [{transform_indices = #map}, {transform_indices = #map}, {transform_indices = #map}, {transform_indices = #map}, {transform_indices = #map1}]} {
    %mul3A = arith.constant 2 : i32
    %mul3A_0 = arith.muli %arg1, %mul3A : i32
    %add3A = arith.addi %mul3A_0, %arg0 : i32
    %mul3A_1 = arith.constant 632 : i32
    %mul3A_2 = arith.muli %arg1, %mul3A_1 : i32
    "tpu.region"() ({
      %run_scoped3A = tpu.sem_alloc : memref<!tpu.dma_semaphore, #tpu.memory_space<semaphore_mem>>
      %dma_start3A_28 = arith.constant 0 : i32
      %dma_start3A_29 = tpu.memref_slice %arg10[%mul3A_2, %dma_start3A_28] : memref<10112x32xf32, #tpu.memory_space<vmem_shared>> -> memref<632x32xf32, #tpu.memory_space<vmem_shared>>
      tpu.enqueue_dma source(%arg5 : memref<632x32xf32, #tpu.memory_space<hbm>>) target(%dma_start3A_29 : memref<632x32xf32, #tpu.memory_space<vmem_shared>>) target_semaphore(%run_scoped3A : memref<!tpu.dma_semaphore, #tpu.memory_space<semaphore_mem>>)
      %dma_wait3A = arith.constant 0 : i32
      %dma_wait3A_30 = tpu.memref_slice %arg10[%mul3A_2, %dma_wait3A] : memref<10112x32xf32, #tpu.memory_space<vmem_shared>> -> memref<632x32xf32, #tpu.memory_space<vmem_shared>>
      tpu.wait_dma2 semaphore(%run_scoped3A : memref<!tpu.dma_semaphore, #tpu.memory_space<semaphore_mem>>) src(%arg5 : memref<632x32xf32, #tpu.memory_space<hbm>>) dst(%dma_wait3A_30 : memref<632x32xf32, #tpu.memory_space<vmem_shared>>)
      tpu.yield
    }) : () -> ()
    %barrier3A = arith.constant 0 : index
    tpu.barrier barrier_id(%barrier3A)
    %mul3A_3 = arith.constant 32 : i32
    %mul3A_4 = arith.muli %add3A, %mul3A_3 : i32
    "tpu.region"() ({
      %run_scoped3A = tpu.sem_alloc : memref<!tpu.dma_semaphore, #tpu.memory_space<semaphore_mem>>
      %dma_start3A_28 = arith.constant 0 : i32
      %dma_start3A_29 = tpu.memref_slice %arg3[%mul3A_4, %dma_start3A_28] : memref<1024x128xi32, #tpu.memory_space<hbm>> -> memref<32x128xi32, #tpu.memory_space<hbm>>
      %dma_start3A_30 = arith.constant 0 : i32
      %dma_start3A_31 = tpu.memref_slice %arg3[%mul3A_4, %dma_start3A_30] : memref<1024x128xi32, #tpu.memory_space<hbm>> -> memref<32x128xi32, #tpu.memory_space<hbm>>
      tpu.enqueue_dma source(%dma_start3A_31 : memref<32x128xi32, #tpu.memory_space<hbm>>) target(%arg7 : memref<32x128xi32, #tpu.memory_space<vmem>>) target_semaphore(%run_scoped3A : memref<!tpu.dma_semaphore, #tpu.memory_space<semaphore_mem>>)
      %dma_wait3A = arith.constant 0 : i32
      %dma_wait3A_32 = tpu.memref_slice %arg3[%mul3A_4, %dma_wait3A] : memref<1024x128xi32, #tpu.memory_space<hbm>> -> memref<32x128xi32, #tpu.memory_space<hbm>>
      %dma_wait3A_33 = arith.constant 0 : i32
      %dma_wait3A_34 = tpu.memref_slice %arg3[%mul3A_4, %dma_wait3A_33] : memref<1024x128xi32, #tpu.memory_space<hbm>> -> memref<32x128xi32, #tpu.memory_space<hbm>>
      tpu.wait_dma2 semaphore(%run_scoped3A : memref<!tpu.dma_semaphore, #tpu.memory_space<semaphore_mem>>) src(%dma_wait3A_34 : memref<32x128xi32, #tpu.memory_space<hbm>>) dst(%arg7 : memref<32x128xi32, #tpu.memory_space<vmem>>)
      tpu.yield
    }) : () -> ()
    %mul3A_5 = arith.constant 32 : i32
    %mul3A_6 = arith.muli %add3A, %mul3A_5 : i32
    "tpu.region"() ({
      %run_scoped3A = tpu.sem_alloc : memref<!tpu.dma_semaphore, #tpu.memory_space<semaphore_mem>>
      %dma_start3A_28 = arith.constant 0 : i32
      %dma_start3A_29 = tpu.memref_slice %arg4[%mul3A_6, %dma_start3A_28] : memref<1024x128xi32, #tpu.memory_space<hbm>> -> memref<32x128xi32, #tpu.memory_space<hbm>>
      %dma_start3A_30 = arith.constant 0 : i32
      %dma_start3A_31 = tpu.memref_slice %arg4[%mul3A_6, %dma_start3A_30] : memref<1024x128xi32, #tpu.memory_space<hbm>> -> memref<32x128xi32, #tpu.memory_space<hbm>>
      tpu.enqueue_dma source(%dma_start3A_31 : memref<32x128xi32, #tpu.memory_space<hbm>>) target(%arg8 : memref<32x128xi32, #tpu.memory_space<vmem>>) target_semaphore(%run_scoped3A : memref<!tpu.dma_semaphore, #tpu.memory_space<semaphore_mem>>)
      %dma_wait3A = arith.constant 0 : i32
      %dma_wait3A_32 = tpu.memref_slice %arg4[%mul3A_6, %dma_wait3A] : memref<1024x128xi32, #tpu.memory_space<hbm>> -> memref<32x128xi32, #tpu.memory_space<hbm>>
      %dma_wait3A_33 = arith.constant 0 : i32
      %dma_wait3A_34 = tpu.memref_slice %arg4[%mul3A_6, %dma_wait3A_33] : memref<1024x128xi32, #tpu.memory_space<hbm>> -> memref<32x128xi32, #tpu.memory_space<hbm>>
      tpu.wait_dma2 semaphore(%run_scoped3A : memref<!tpu.dma_semaphore, #tpu.memory_space<semaphore_mem>>) src(%dma_wait3A_34 : memref<32x128xi32, #tpu.memory_space<hbm>>) dst(%arg8 : memref<32x128xi32, #tpu.memory_space<vmem>>)
      tpu.yield
    }) : () -> ()
    %dma_start3A = arith.constant 0 : i32
    %dma_start3A_7 = arith.constant 0 : i32
    %dma_start3A_8 = arith.constant 0 : i32
    %dma_start3A_9 = arith.constant 0 : i32
    %dma_start3A_10 = tpu.memref_slice %arg9[%dma_start3A_7, %dma_start3A_8, %dma_start3A_9] : memref<2x128x32xf32, #tpu.memory_space<vmem>> -> memref<1x128x32xf32, #tpu.memory_space<vmem>>
    %dma_start3A_11 = tpu.memref_squeeze %dma_start3A_10 : memref<1x128x32xf32, #tpu.memory_space<vmem>> -> memref<128x32xf32, #tpu.memory_space<vmem>>
    %dma_start3A_12 = arith.constant 0 : i32
    %dma_start3A_13 = tpu.memref_slice %arg7[%dma_start3A, %dma_start3A_12] : memref<32x128xi32, #tpu.memory_space<vmem>> -> memref<1x128xi32, #tpu.memory_space<vmem>>
    %dma_start3A_14 = tpu.memref_squeeze %dma_start3A_13 : memref<1x128xi32, #tpu.memory_space<vmem>> -> memref<128xi32, #tpu.memory_space<vmem>>
    %dma_start3A_15 = arith.constant 0 : i32
    %dma_start3A_16 = arith.constant 0 : i32
    %dma_start3A_17 = tpu.memref_slice %arg2[%dma_start3A_15, %dma_start3A_16] : memref<100000x32xf32, #tpu.memory_space<hbm>> -> memref<100000x32xf32, #tpu.memory_space<hbm>>
    tpu.enqueue_indirect_dma source(%dma_start3A_17 : memref<100000x32xf32, #tpu.memory_space<hbm>>) target(%dma_start3A_11 : memref<128x32xf32, #tpu.memory_space<vmem>>) offsets(%dma_start3A_14 : memref<128xi32, #tpu.memory_space<vmem>>) semaphore(%arg11 : memref<!tpu.dma_semaphore, #tpu.memory_space<semaphore_mem>>)
    %scan3A = arith.constant 0 : i32
    %scan3A_18 = arith.constant 0 : i32
    %scan3A_19 = arith.constant 32 : i32
    %scan3A_20 = arith.addi %scan3A_18, %scan3A_19 : i32
    %scan3A_21 = arith.constant 1 : i32
    scf.for %scan3A_28 = %scan3A_18 to %scan3A_20 step %scan3A_21  : i32 {
      %add3A_29 = arith.constant 1 : i32
      %add3A_30 = arith.addi %scan3A_28, %add3A_29 : i32
      %lt3A = arith.constant 32 : i32
      %lt3A_31 = arith.cmpi slt, %add3A_30, %lt3A : i32
      %convert_element_type3A = arith.extui %lt3A_31 : i1 to i32
      %cond3A = arith.constant 0 : i32
      %cond3A_32 = arith.cmpi ne, %convert_element_type3A, %cond3A : i32
      scf.if %cond3A_32 {
        %add3A_68 = arith.constant 1 : i32
        %add3A_69 = arith.addi %scan3A_28, %add3A_68 : i32
        %add3A_70 = arith.constant 1 : i32
        %add3A_71 = arith.addi %scan3A_28, %add3A_70 : i32
        %jit3A_72 = arith.constant 2 : i32
        %eq3A_73 = arith.constant 0 : i32
        %eq3A_74 = arith.cmpi eq, %jit3A_72, %eq3A_73 : i32
        %jit3A_75 = arith.constant 1 : i32
        %select_n3A_76 = arith.select %eq3A_74, %jit3A_75, %jit3A_72 : i32
        %rem3A_77 = arith.remsi %add3A_71, %select_n3A_76 : i32
        %ne3A_78 = arith.constant 0 : i32
        %ne3A_79 = arith.cmpi ne, %rem3A_77, %ne3A_78 : i32
        %lt3A_80 = arith.constant 0 : i32
        %lt3A_81 = arith.cmpi slt, %rem3A_77, %lt3A_80 : i32
        %lt3A_82 = arith.constant 0 : i32
        %lt3A_83 = arith.cmpi slt, %select_n3A_76, %lt3A_82 : i32
        %ne3A_84 = arith.xori %lt3A_81, %lt3A_83 : i1
        %and3A_85 = arith.andi %ne3A_84, %ne3A_79 : i1
        %add3A_86 = arith.addi %rem3A_77, %select_n3A_76 : i32
        %select_n3A_87 = arith.select %and3A_85, %add3A_86, %rem3A_77 : i32
        %dma_start3A_88 = arith.constant 0 : i32
        %dma_start3A_89 = arith.constant 0 : i32
        %dma_start3A_90 = tpu.memref_slice %arg9[%select_n3A_87, %dma_start3A_88, %dma_start3A_89] : memref<2x128x32xf32, #tpu.memory_space<vmem>> -> memref<1x128x32xf32, #tpu.memory_space<vmem>>
        %dma_start3A_91 = tpu.memref_squeeze %dma_start3A_90 : memref<1x128x32xf32, #tpu.memory_space<vmem>> -> memref<128x32xf32, #tpu.memory_space<vmem>>
        %dma_start3A_92 = arith.constant 0 : i32
        %dma_start3A_93 = tpu.memref_slice %arg7[%add3A_69, %dma_start3A_92] : memref<32x128xi32, #tpu.memory_space<vmem>> -> memref<1x128xi32, #tpu.memory_space<vmem>>
        %dma_start3A_94 = tpu.memref_squeeze %dma_start3A_93 : memref<1x128xi32, #tpu.memory_space<vmem>> -> memref<128xi32, #tpu.memory_space<vmem>>
        %dma_start3A_95 = arith.constant 0 : i32
        %dma_start3A_96 = arith.constant 0 : i32
        %dma_start3A_97 = tpu.memref_slice %arg2[%dma_start3A_95, %dma_start3A_96] : memref<100000x32xf32, #tpu.memory_space<hbm>> -> memref<100000x32xf32, #tpu.memory_space<hbm>>
        tpu.enqueue_indirect_dma source(%dma_start3A_97 : memref<100000x32xf32, #tpu.memory_space<hbm>>) target(%dma_start3A_91 : memref<128x32xf32, #tpu.memory_space<vmem>>) offsets(%dma_start3A_94 : memref<128xi32, #tpu.memory_space<vmem>>) semaphore(%arg11 : memref<!tpu.dma_semaphore, #tpu.memory_space<semaphore_mem>>)
      } else {
      }
      %jit3A = arith.constant 2 : i32
      %eq3A = arith.constant 0 : i32
      %eq3A_33 = arith.cmpi eq, %jit3A, %eq3A : i32
      %jit3A_34 = arith.constant 1 : i32
      %select_n3A = arith.select %eq3A_33, %jit3A_34, %jit3A : i32
      %rem3A = arith.remsi %scan3A_28, %select_n3A : i32
      %ne3A = arith.constant 0 : i32
      %ne3A_35 = arith.cmpi ne, %rem3A, %ne3A : i32
      %lt3A_36 = arith.constant 0 : i32
      %lt3A_37 = arith.cmpi slt, %rem3A, %lt3A_36 : i32
      %lt3A_38 = arith.constant 0 : i32
      %lt3A_39 = arith.cmpi slt, %select_n3A, %lt3A_38 : i32
      %ne3A_40 = arith.xori %lt3A_37, %lt3A_39 : i1
      %and3A = arith.andi %ne3A_40, %ne3A_35 : i1
      %add3A_41 = arith.addi %rem3A, %select_n3A : i32
      %select_n3A_42 = arith.select %and3A, %add3A_41, %rem3A : i32
      %dma_wait3A = arith.constant 0 : i32
      %dma_wait3A_43 = arith.constant 0 : i32
      %dma_wait3A_44 = tpu.memref_slice %arg9[%select_n3A_42, %dma_wait3A, %dma_wait3A_43] : memref<2x128x32xf32, #tpu.memory_space<vmem>> -> memref<1x128x32xf32, #tpu.memory_space<vmem>>
      %dma_wait3A_45 = tpu.memref_squeeze %dma_wait3A_44 : memref<1x128x32xf32, #tpu.memory_space<vmem>> -> memref<128x32xf32, #tpu.memory_space<vmem>>
      %dma_wait3A_46 = arith.constant 0 : i32
      %dma_wait3A_47 = tpu.memref_slice %arg7[%scan3A_28, %dma_wait3A_46] : memref<32x128xi32, #tpu.memory_space<vmem>> -> memref<1x128xi32, #tpu.memory_space<vmem>>
      %dma_wait3A_48 = tpu.memref_squeeze %dma_wait3A_47 : memref<1x128xi32, #tpu.memory_space<vmem>> -> memref<128xi32, #tpu.memory_space<vmem>>
      %dma_wait3A_49 = arith.constant 0 : i32
      %dma_wait3A_50 = arith.constant 0 : i32
      %dma_wait3A_51 = tpu.memref_slice %arg2[%dma_wait3A_49, %dma_wait3A_50] : memref<100000x32xf32, #tpu.memory_space<hbm>> -> memref<100000x32xf32, #tpu.memory_space<hbm>>
      tpu.wait_indirect_dma semaphore(%arg11 : memref<!tpu.dma_semaphore, #tpu.memory_space<semaphore_mem>>) src(%dma_wait3A_51 : memref<100000x32xf32, #tpu.memory_space<hbm>>) dst(%dma_wait3A_45 : memref<128x32xf32, #tpu.memory_space<vmem>>)
      %jit3A_52 = arith.constant 2 : i32
      %eq3A_53 = arith.constant 0 : i32
      %eq3A_54 = arith.cmpi eq, %jit3A_52, %eq3A_53 : i32
      %jit3A_55 = arith.constant 1 : i32
      %select_n3A_56 = arith.select %eq3A_54, %jit3A_55, %jit3A_52 : i32
      %rem3A_57 = arith.remsi %scan3A_28, %select_n3A_56 : i32
      %ne3A_58 = arith.constant 0 : i32
      %ne3A_59 = arith.cmpi ne, %rem3A_57, %ne3A_58 : i32
      %lt3A_60 = arith.constant 0 : i32
      %lt3A_61 = arith.cmpi slt, %rem3A_57, %lt3A_60 : i32
      %lt3A_62 = arith.constant 0 : i32
      %lt3A_63 = arith.cmpi slt, %select_n3A_56, %lt3A_62 : i32
      %ne3A_64 = arith.xori %lt3A_61, %lt3A_63 : i1
      %and3A_65 = arith.andi %ne3A_64, %ne3A_59 : i1
      %add3A_66 = arith.addi %rem3A_57, %select_n3A_56 : i32
      %select_n3A_67 = arith.select %and3A_65, %add3A_66, %rem3A_57 : i32
      "tpu.region"() ({
        %run_scoped3A = tpu.sem_alloc : memref<!tpu.dma_semaphore, #tpu.memory_space<semaphore_mem>>
        %dma_start3A_68 = arith.constant 0 : i32
        %dma_start3A_69 = arith.constant 0 : i32
        %dma_start3A_70 = tpu.memref_slice %arg9[%select_n3A_67, %dma_start3A_68, %dma_start3A_69] : memref<2x128x32xf32, #tpu.memory_space<vmem>> -> memref<1x128x32xf32, #tpu.memory_space<vmem>>
        %dma_start3A_71 = tpu.memref_squeeze %dma_start3A_70 : memref<1x128x32xf32, #tpu.memory_space<vmem>> -> memref<128x32xf32, #tpu.memory_space<vmem>>
        %dma_start3A_72 = arith.constant 0 : i32
        %dma_start3A_73 = tpu.memref_slice %arg8[%scan3A_28, %dma_start3A_72] : memref<32x128xi32, #tpu.memory_space<vmem>> -> memref<1x128xi32, #tpu.memory_space<vmem>>
        %dma_start3A_74 = tpu.memref_squeeze %dma_start3A_73 : memref<1x128xi32, #tpu.memory_space<vmem>> -> memref<128xi32, #tpu.memory_space<vmem>>
        %dma_start3A_75 = arith.constant 0 : i32
        %dma_start3A_76 = arith.constant 0 : i32
        %dma_start3A_77 = tpu.memref_slice %arg10[%dma_start3A_75, %dma_start3A_76] : memref<10112x32xf32, #tpu.memory_space<vmem_shared>> -> memref<10112x32xf32, #tpu.memory_space<vmem_shared>>
        tpu.enqueue_indirect_dma source(%dma_start3A_71 : memref<128x32xf32, #tpu.memory_space<vmem>>) target(%dma_start3A_77 : memref<10112x32xf32, #tpu.memory_space<vmem_shared>>) offsets(%dma_start3A_74 : memref<128xi32, #tpu.memory_space<vmem>>) semaphore(%run_scoped3A : memref<!tpu.dma_semaphore, #tpu.memory_space<semaphore_mem>>) {add = true}
        %dma_wait3A_78 = arith.constant 0 : i32
        %dma_wait3A_79 = arith.constant 0 : i32
        %dma_wait3A_80 = tpu.memref_slice %arg9[%select_n3A_67, %dma_wait3A_78, %dma_wait3A_79] : memref<2x128x32xf32, #tpu.memory_space<vmem>> -> memref<1x128x32xf32, #tpu.memory_space<vmem>>
        %dma_wait3A_81 = tpu.memref_squeeze %dma_wait3A_80 : memref<1x128x32xf32, #tpu.memory_space<vmem>> -> memref<128x32xf32, #tpu.memory_space<vmem>>
        %dma_wait3A_82 = arith.constant 0 : i32
        %dma_wait3A_83 = tpu.memref_slice %arg8[%scan3A_28, %dma_wait3A_82] : memref<32x128xi32, #tpu.memory_space<vmem>> -> memref<1x128xi32, #tpu.memory_space<vmem>>
        %dma_wait3A_84 = tpu.memref_squeeze %dma_wait3A_83 : memref<1x128xi32, #tpu.memory_space<vmem>> -> memref<128xi32, #tpu.memory_space<vmem>>
        %dma_wait3A_85 = arith.constant 0 : i32
        %dma_wait3A_86 = arith.constant 0 : i32
        %dma_wait3A_87 = tpu.memref_slice %arg10[%dma_wait3A_85, %dma_wait3A_86] : memref<10112x32xf32, #tpu.memory_space<vmem_shared>> -> memref<10112x32xf32, #tpu.memory_space<vmem_shared>>
        tpu.wait_indirect_dma semaphore(%run_scoped3A : memref<!tpu.dma_semaphore, #tpu.memory_space<semaphore_mem>>) src(%dma_wait3A_81 : memref<128x32xf32, #tpu.memory_space<vmem>>) dst(%dma_wait3A_87 : memref<10112x32xf32, #tpu.memory_space<vmem_shared>>)
        tpu.yield
      }) : () -> ()
    }
    %scan3A_22 = arith.constant 32 : i32
    %barrier3A_23 = arith.constant 0 : index
    tpu.barrier barrier_id(%barrier3A_23)
    %mul3A_24 = arith.constant 632 : i32
    %mul3A_25 = arith.muli %arg1, %mul3A_24 : i32
    %mul3A_26 = arith.constant 632 : i32
    %mul3A_27 = arith.muli %arg1, %mul3A_26 : i32
    "tpu.region"() ({
      %run_scoped3A = tpu.sem_alloc : memref<!tpu.dma_semaphore, #tpu.memory_space<semaphore_mem>>
      %dma_start3A_28 = arith.constant 0 : i32
      %dma_start3A_29 = arith.constant 0 : i32
      %dma_start3A_30 = tpu.memref_slice %arg6[%arg0, %dma_start3A_28, %dma_start3A_29] : memref<2x10112x32xf32, #tpu.memory_space<hbm>> -> memref<1x10112x32xf32, #tpu.memory_space<hbm>>
      %dma_start3A_31 = tpu.memref_squeeze %dma_start3A_30 : memref<1x10112x32xf32, #tpu.memory_space<hbm>> -> memref<10112x32xf32, #tpu.memory_space<hbm>>
      %dma_start3A_32 = arith.constant 0 : i32
      %dma_start3A_33 = tpu.memref_slice %dma_start3A_31[%mul3A_27, %dma_start3A_32] : memref<10112x32xf32, #tpu.memory_space<hbm>> -> memref<632x32xf32, #tpu.memory_space<hbm>>
      %dma_start3A_34 = arith.constant 0 : i32
      %dma_start3A_35 = tpu.memref_slice %arg10[%mul3A_25, %dma_start3A_34] : memref<10112x32xf32, #tpu.memory_space<vmem_shared>> -> memref<632x32xf32, #tpu.memory_space<vmem_shared>>
      tpu.enqueue_dma source(%dma_start3A_35 : memref<632x32xf32, #tpu.memory_space<vmem_shared>>) target(%dma_start3A_33 : memref<632x32xf32, #tpu.memory_space<hbm>>) target_semaphore(%run_scoped3A : memref<!tpu.dma_semaphore, #tpu.memory_space<semaphore_mem>>)
      %dma_wait3A = arith.constant 0 : i32
      %dma_wait3A_36 = arith.constant 0 : i32
      %dma_wait3A_37 = tpu.memref_slice %arg6[%arg0, %dma_wait3A, %dma_wait3A_36] : memref<2x10112x32xf32, #tpu.memory_space<hbm>> -> memref<1x10112x32xf32, #tpu.memory_space<hbm>>
      %dma_wait3A_38 = tpu.memref_squeeze %dma_wait3A_37 : memref<1x10112x32xf32, #tpu.memory_space<hbm>> -> memref<10112x32xf32, #tpu.memory_space<hbm>>
      %dma_wait3A_39 = arith.constant 0 : i32
      %dma_wait3A_40 = tpu.memref_slice %dma_wait3A_38[%mul3A_27, %dma_wait3A_39] : memref<10112x32xf32, #tpu.memory_space<hbm>> -> memref<632x32xf32, #tpu.memory_space<hbm>>
      %dma_wait3A_41 = arith.constant 0 : i32
      %dma_wait3A_42 = tpu.memref_slice %arg10[%mul3A_25, %dma_wait3A_41] : memref<10112x32xf32, #tpu.memory_space<vmem_shared>> -> memref<632x32xf32, #tpu.memory_space<vmem_shared>>
      tpu.wait_dma2 semaphore(%run_scoped3A : memref<!tpu.dma_semaphore, #tpu.memory_space<semaphore_mem>>) src(%dma_wait3A_42 : memref<632x32xf32, #tpu.memory_space<vmem_shared>>) dst(%dma_wait3A_40 : memref<632x32xf32, #tpu.memory_space<hbm>>)
      tpu.yield
    }) : () -> ()
    return
  }
}

#map = affine_map<(d0, d1) -> (0, 0)>
#map1 = affine_map<(d0, d1) -> (0, 0, 0)>
module attributes {stable_mosaic.version = 14 : i64} {
  func.func @k(%arg0: i32, %arg1: i32, %arg2: memref<100096x32xf32, #tpu.memory_space<hbm>>, %arg3: memref<1024x128xi32, #tpu.memory_space<hbm>>, %arg4: memref<1024x128xi32, #tpu.memory_space<hbm>>, %arg5: memref<632x32xf32, #tpu.memory_space<hbm>>, %arg6: memref<2x10112x32xf32, #tpu.memory_space<hbm>>, %arg7: memref<32x128xi32, #tpu.memory_space<vmem>>, %arg8: memref<32x128xi32, #tpu.memory_space<vmem>>, %arg9: memref<2x128x32xf32, #tpu.memory_space<vmem>>, %arg10: memref<10112x32xf32, #tpu.memory_space<vmem_shared>>, %arg11: memref<!tpu.dma_semaphore, #tpu.memory_space<semaphore_mem>>) attributes {dimension_semantics = [#tpu.dimension_semantics<core_parallel>, #tpu.dimension_semantics<subcore_parallel>], iteration_bounds = array<i64: 2, 16>, scalar_prefetch = 0 : i64, scratch_operands = 5 : i64, tpu.core_type = #tpu.core_type<sc_vector_subcore>, window_params = [{transform_indices = #map}, {transform_indices = #map}, {transform_indices = #map}, {transform_indices = #map}, {transform_indices = #map1}]} {
    %mul3A = arith.constant 2 : i32
    %mul3A_0 = arith.muli %arg1, %mul3A : i32
    %add3A = arith.addi %mul3A_0, %arg0 : i32
    %mul3A_1 = arith.constant 632 : i32
    %mul3A_2 = arith.muli %arg1, %mul3A_1 : i32
    "tpu.region"() ({
      %run_scoped3A = tpu.sem_alloc : memref<!tpu.dma_semaphore, #tpu.memory_space<semaphore_mem>>
      %dma_start3A_28 = arith.constant 0 : i32
      %dma_start3A_29 = tpu.memref_slice %arg10[%mul3A_2, %dma_start3A_28] : memref<10112x32xf32, #tpu.memory_space<vmem_shared>> -> memref<632x32xf32, #tpu.memory_space<vmem_shared>>
      tpu.enqueue_dma source(%arg5 : memref<632x32xf32, #tpu.memory_space<hbm>>) target(%dma_start3A_29 : memref<632x32xf32, #tpu.memory_space<vmem_shared>>) target_semaphore(%run_scoped3A : memref<!tpu.dma_semaphore, #tpu.memory_space<semaphore_mem>>)
      %dma_wait3A = arith.constant 0 : i32
      %dma_wait3A_30 = tpu.memref_slice %arg10[%mul3A_2, %dma_wait3A] : memref<10112x32xf32, #tpu.memory_space<vmem_shared>> -> memref<632x32xf32, #tpu.memory_space<vmem_shared>>
      tpu.wait_dma2 semaphore(%run_scoped3A : memref<!tpu.dma_semaphore, #tpu.memory_space<semaphore_mem>>) src(%arg5 : memref<632x32xf32, #tpu.memory_space<hbm>>) dst(%dma_wait3A_30 : memref<632x32xf32, #tpu.memory_space<vmem_shared>>)
      tpu.yield
    }) : () -> ()
    %barrier3A = arith.constant 0 : index
    tpu.barrier barrier_id(%barrier3A)
    %mul3A_3 = arith.constant 32 : i32
    %mul3A_4 = arith.muli %add3A, %mul3A_3 : i32
    "tpu.region"() ({
      %run_scoped3A = tpu.sem_alloc : memref<!tpu.dma_semaphore, #tpu.memory_space<semaphore_mem>>
      %dma_start3A_28 = arith.constant 0 : i32
      %dma_start3A_29 = tpu.memref_slice %arg3[%mul3A_4, %dma_start3A_28] : memref<1024x128xi32, #tpu.memory_space<hbm>> -> memref<32x128xi32, #tpu.memory_space<hbm>>
      %dma_start3A_30 = arith.constant 0 : i32
      %dma_start3A_31 = tpu.memref_slice %arg3[%mul3A_4, %dma_start3A_30] : memref<1024x128xi32, #tpu.memory_space<hbm>> -> memref<32x128xi32, #tpu.memory_space<hbm>>
      tpu.enqueue_dma source(%dma_start3A_31 : memref<32x128xi32, #tpu.memory_space<hbm>>) target(%arg7 : memref<32x128xi32, #tpu.memory_space<vmem>>) target_semaphore(%run_scoped3A : memref<!tpu.dma_semaphore, #tpu.memory_space<semaphore_mem>>)
      %dma_wait3A = arith.constant 0 : i32
      %dma_wait3A_32 = tpu.memref_slice %arg3[%mul3A_4, %dma_wait3A] : memref<1024x128xi32, #tpu.memory_space<hbm>> -> memref<32x128xi32, #tpu.memory_space<hbm>>
      %dma_wait3A_33 = arith.constant 0 : i32
      %dma_wait3A_34 = tpu.memref_slice %arg3[%mul3A_4, %dma_wait3A_33] : memref<1024x128xi32, #tpu.memory_space<hbm>> -> memref<32x128xi32, #tpu.memory_space<hbm>>
      tpu.wait_dma2 semaphore(%run_scoped3A : memref<!tpu.dma_semaphore, #tpu.memory_space<semaphore_mem>>) src(%dma_wait3A_34 : memref<32x128xi32, #tpu.memory_space<hbm>>) dst(%arg7 : memref<32x128xi32, #tpu.memory_space<vmem>>)
      tpu.yield
    }) : () -> ()
    %mul3A_5 = arith.constant 32 : i32
    %mul3A_6 = arith.muli %add3A, %mul3A_5 : i32
    "tpu.region"() ({
      %run_scoped3A = tpu.sem_alloc : memref<!tpu.dma_semaphore, #tpu.memory_space<semaphore_mem>>
      %dma_start3A_28 = arith.constant 0 : i32
      %dma_start3A_29 = tpu.memref_slice %arg4[%mul3A_6, %dma_start3A_28] : memref<1024x128xi32, #tpu.memory_space<hbm>> -> memref<32x128xi32, #tpu.memory_space<hbm>>
      %dma_start3A_30 = arith.constant 0 : i32
      %dma_start3A_31 = tpu.memref_slice %arg4[%mul3A_6, %dma_start3A_30] : memref<1024x128xi32, #tpu.memory_space<hbm>> -> memref<32x128xi32, #tpu.memory_space<hbm>>
      tpu.enqueue_dma source(%dma_start3A_31 : memref<32x128xi32, #tpu.memory_space<hbm>>) target(%arg8 : memref<32x128xi32, #tpu.memory_space<vmem>>) target_semaphore(%run_scoped3A : memref<!tpu.dma_semaphore, #tpu.memory_space<semaphore_mem>>)
      %dma_wait3A = arith.constant 0 : i32
      %dma_wait3A_32 = tpu.memref_slice %arg4[%mul3A_6, %dma_wait3A] : memref<1024x128xi32, #tpu.memory_space<hbm>> -> memref<32x128xi32, #tpu.memory_space<hbm>>
      %dma_wait3A_33 = arith.constant 0 : i32
      %dma_wait3A_34 = tpu.memref_slice %arg4[%mul3A_6, %dma_wait3A_33] : memref<1024x128xi32, #tpu.memory_space<hbm>> -> memref<32x128xi32, #tpu.memory_space<hbm>>
      tpu.wait_dma2 semaphore(%run_scoped3A : memref<!tpu.dma_semaphore, #tpu.memory_space<semaphore_mem>>) src(%dma_wait3A_34 : memref<32x128xi32, #tpu.memory_space<hbm>>) dst(%arg8 : memref<32x128xi32, #tpu.memory_space<vmem>>)
      tpu.yield
    }) : () -> ()
    %dma_start3A = arith.constant 0 : i32
    %dma_start3A_7 = arith.constant 0 : i32
    %dma_start3A_8 = arith.constant 0 : i32
    %dma_start3A_9 = arith.constant 0 : i32
    %dma_start3A_10 = tpu.memref_slice %arg9[%dma_start3A_7, %dma_start3A_8, %dma_start3A_9] : memref<2x128x32xf32, #tpu.memory_space<vmem>> -> memref<1x128x32xf32, #tpu.memory_space<vmem>>
    %dma_start3A_11 = tpu.memref_squeeze %dma_start3A_10 : memref<1x128x32xf32, #tpu.memory_space<vmem>> -> memref<128x32xf32, #tpu.memory_space<vmem>>
    %dma_start3A_12 = arith.constant 0 : i32
    %dma_start3A_13 = tpu.memref_slice %arg7[%dma_start3A, %dma_start3A_12] : memref<32x128xi32, #tpu.memory_space<vmem>> -> memref<1x128xi32, #tpu.memory_space<vmem>>
    %dma_start3A_14 = tpu.memref_squeeze %dma_start3A_13 : memref<1x128xi32, #tpu.memory_space<vmem>> -> memref<128xi32, #tpu.memory_space<vmem>>
    %dma_start3A_15 = arith.constant 0 : i32
    %dma_start3A_16 = arith.constant 0 : i32
    %dma_start3A_17 = tpu.memref_slice %arg2[%dma_start3A_15, %dma_start3A_16] : memref<100096x32xf32, #tpu.memory_space<hbm>> -> memref<100096x32xf32, #tpu.memory_space<hbm>>
    tpu.enqueue_indirect_dma source(%dma_start3A_17 : memref<100096x32xf32, #tpu.memory_space<hbm>>) target(%dma_start3A_11 : memref<128x32xf32, #tpu.memory_space<vmem>>) offsets(%dma_start3A_14 : memref<128xi32, #tpu.memory_space<vmem>>) semaphore(%arg11 : memref<!tpu.dma_semaphore, #tpu.memory_space<semaphore_mem>>)
    %scan3A = arith.constant 0 : i32
    %scan3A_18 = arith.constant 0 : i32
    %scan3A_19 = arith.constant 32 : i32
    %scan3A_20 = arith.addi %scan3A_18, %scan3A_19 : i32
    %scan3A_21 = arith.constant 1 : i32
    scf.for %scan3A_28 = %scan3A_18 to %scan3A_20 step %scan3A_21  : i32 {
      %add3A_29 = arith.constant 1 : i32
      %add3A_30 = arith.addi %scan3A_28, %add3A_29 : i32
      %lt3A = arith.constant 32 : i32
      %lt3A_31 = arith.cmpi slt, %add3A_30, %lt3A : i32
      %convert_element_type3A = arith.extui %lt3A_31 : i1 to i32
      %cond3A = arith.constant 0 : i32
      %cond3A_32 = arith.cmpi ne, %convert_element_type3A, %cond3A : i32
      scf.if %cond3A_32 {
        %add3A_68 = arith.constant 1 : i32
        %add3A_69 = arith.addi %scan3A_28, %add3A_68 : i32
        %add3A_70 = arith.constant 1 : i32
        %add3A_71 = arith.addi %scan3A_28, %add3A_70 : i32
        %jit3A_72 = arith.constant 2 : i32
        %eq3A_73 = arith.constant 0 : i32
        %eq3A_74 = arith.cmpi eq, %jit3A_72, %eq3A_73 : i32
        %jit3A_75 = arith.constant 1 : i32
        %select_n3A_76 = arith.select %eq3A_74, %jit3A_75, %jit3A_72 : i32
        %rem3A_77 = arith.remsi %add3A_71, %select_n3A_76 : i32
        %ne3A_78 = arith.constant 0 : i32
        %ne3A_79 = arith.cmpi ne, %rem3A_77, %ne3A_78 : i32
        %lt3A_80 = arith.constant 0 : i32
        %lt3A_81 = arith.cmpi slt, %rem3A_77, %lt3A_80 : i32
        %lt3A_82 = arith.constant 0 : i32
        %lt3A_83 = arith.cmpi slt, %select_n3A_76, %lt3A_82 : i32
        %ne3A_84 = arith.xori %lt3A_81, %lt3A_83 : i1
        %and3A_85 = arith.andi %ne3A_84, %ne3A_79 : i1
        %add3A_86 = arith.addi %rem3A_77, %select_n3A_76 : i32
        %select_n3A_87 = arith.select %and3A_85, %add3A_86, %rem3A_77 : i32
        %dma_start3A_88 = arith.constant 0 : i32
        %dma_start3A_89 = arith.constant 0 : i32
        %dma_start3A_90 = tpu.memref_slice %arg9[%select_n3A_87, %dma_start3A_88, %dma_start3A_89] : memref<2x128x32xf32, #tpu.memory_space<vmem>> -> memref<1x128x32xf32, #tpu.memory_space<vmem>>
        %dma_start3A_91 = tpu.memref_squeeze %dma_start3A_90 : memref<1x128x32xf32, #tpu.memory_space<vmem>> -> memref<128x32xf32, #tpu.memory_space<vmem>>
        %dma_start3A_92 = arith.constant 0 : i32
        %dma_start3A_93 = tpu.memref_slice %arg7[%add3A_69, %dma_start3A_92] : memref<32x128xi32, #tpu.memory_space<vmem>> -> memref<1x128xi32, #tpu.memory_space<vmem>>
        %dma_start3A_94 = tpu.memref_squeeze %dma_start3A_93 : memref<1x128xi32, #tpu.memory_space<vmem>> -> memref<128xi32, #tpu.memory_space<vmem>>
        %dma_start3A_95 = arith.constant 0 : i32
        %dma_start3A_96 = arith.constant 0 : i32
        %dma_start3A_97 = tpu.memref_slice %arg2[%dma_start3A_95, %dma_start3A_96] : memref<100096x32xf32, #tpu.memory_space<hbm>> -> memref<100096x32xf32, #tpu.memory_space<hbm>>
        tpu.enqueue_indirect_dma source(%dma_start3A_97 : memref<100096x32xf32, #tpu.memory_space<hbm>>) target(%dma_start3A_91 : memref<128x32xf32, #tpu.memory_space<vmem>>) offsets(%dma_start3A_94 : memref<128xi32, #tpu.memory_space<vmem>>) semaphore(%arg11 : memref<!tpu.dma_semaphore, #tpu.memory_space<semaphore_mem>>)
      } else {
      }
      %jit3A = arith.constant 2 : i32
      %eq3A = arith.constant 0 : i32
      %eq3A_33 = arith.cmpi eq, %jit3A, %eq3A : i32
      %jit3A_34 = arith.constant 1 : i32
      %select_n3A = arith.select %eq3A_33, %jit3A_34, %jit3A : i32
      %rem3A = arith.remsi %scan3A_28, %select_n3A : i32
      %ne3A = arith.constant 0 : i32
      %ne3A_35 = arith.cmpi ne, %rem3A, %ne3A : i32
      %lt3A_36 = arith.constant 0 : i32
      %lt3A_37 = arith.cmpi slt, %rem3A, %lt3A_36 : i32
      %lt3A_38 = arith.constant 0 : i32
      %lt3A_39 = arith.cmpi slt, %select_n3A, %lt3A_38 : i32
      %ne3A_40 = arith.xori %lt3A_37, %lt3A_39 : i1
      %and3A = arith.andi %ne3A_40, %ne3A_35 : i1
      %add3A_41 = arith.addi %rem3A, %select_n3A : i32
      %select_n3A_42 = arith.select %and3A, %add3A_41, %rem3A : i32
      %dma_wait3A = arith.constant 0 : i32
      %dma_wait3A_43 = arith.constant 0 : i32
      %dma_wait3A_44 = tpu.memref_slice %arg9[%select_n3A_42, %dma_wait3A, %dma_wait3A_43] : memref<2x128x32xf32, #tpu.memory_space<vmem>> -> memref<1x128x32xf32, #tpu.memory_space<vmem>>
      %dma_wait3A_45 = tpu.memref_squeeze %dma_wait3A_44 : memref<1x128x32xf32, #tpu.memory_space<vmem>> -> memref<128x32xf32, #tpu.memory_space<vmem>>
      %dma_wait3A_46 = arith.constant 0 : i32
      %dma_wait3A_47 = tpu.memref_slice %arg7[%scan3A_28, %dma_wait3A_46] : memref<32x128xi32, #tpu.memory_space<vmem>> -> memref<1x128xi32, #tpu.memory_space<vmem>>
      %dma_wait3A_48 = tpu.memref_squeeze %dma_wait3A_47 : memref<1x128xi32, #tpu.memory_space<vmem>> -> memref<128xi32, #tpu.memory_space<vmem>>
      %dma_wait3A_49 = arith.constant 0 : i32
      %dma_wait3A_50 = arith.constant 0 : i32
      %dma_wait3A_51 = tpu.memref_slice %arg2[%dma_wait3A_49, %dma_wait3A_50] : memref<100096x32xf32, #tpu.memory_space<hbm>> -> memref<100096x32xf32, #tpu.memory_space<hbm>>
      tpu.wait_indirect_dma semaphore(%arg11 : memref<!tpu.dma_semaphore, #tpu.memory_space<semaphore_mem>>) src(%dma_wait3A_51 : memref<100096x32xf32, #tpu.memory_space<hbm>>) dst(%dma_wait3A_45 : memref<128x32xf32, #tpu.memory_space<vmem>>)
      %jit3A_52 = arith.constant 2 : i32
      %eq3A_53 = arith.constant 0 : i32
      %eq3A_54 = arith.cmpi eq, %jit3A_52, %eq3A_53 : i32
      %jit3A_55 = arith.constant 1 : i32
      %select_n3A_56 = arith.select %eq3A_54, %jit3A_55, %jit3A_52 : i32
      %rem3A_57 = arith.remsi %scan3A_28, %select_n3A_56 : i32
      %ne3A_58 = arith.constant 0 : i32
      %ne3A_59 = arith.cmpi ne, %rem3A_57, %ne3A_58 : i32
      %lt3A_60 = arith.constant 0 : i32
      %lt3A_61 = arith.cmpi slt, %rem3A_57, %lt3A_60 : i32
      %lt3A_62 = arith.constant 0 : i32
      %lt3A_63 = arith.cmpi slt, %select_n3A_56, %lt3A_62 : i32
      %ne3A_64 = arith.xori %lt3A_61, %lt3A_63 : i1
      %and3A_65 = arith.andi %ne3A_64, %ne3A_59 : i1
      %add3A_66 = arith.addi %rem3A_57, %select_n3A_56 : i32
      %select_n3A_67 = arith.select %and3A_65, %add3A_66, %rem3A_57 : i32
      "tpu.region"() ({
        %run_scoped3A = tpu.sem_alloc : memref<!tpu.dma_semaphore, #tpu.memory_space<semaphore_mem>>
        %dma_start3A_68 = arith.constant 0 : i32
        %dma_start3A_69 = arith.constant 0 : i32
        %dma_start3A_70 = tpu.memref_slice %arg9[%select_n3A_67, %dma_start3A_68, %dma_start3A_69] : memref<2x128x32xf32, #tpu.memory_space<vmem>> -> memref<1x128x32xf32, #tpu.memory_space<vmem>>
        %dma_start3A_71 = tpu.memref_squeeze %dma_start3A_70 : memref<1x128x32xf32, #tpu.memory_space<vmem>> -> memref<128x32xf32, #tpu.memory_space<vmem>>
        %dma_start3A_72 = arith.constant 0 : i32
        %dma_start3A_73 = tpu.memref_slice %arg8[%scan3A_28, %dma_start3A_72] : memref<32x128xi32, #tpu.memory_space<vmem>> -> memref<1x128xi32, #tpu.memory_space<vmem>>
        %dma_start3A_74 = tpu.memref_squeeze %dma_start3A_73 : memref<1x128xi32, #tpu.memory_space<vmem>> -> memref<128xi32, #tpu.memory_space<vmem>>
        %dma_start3A_75 = arith.constant 0 : i32
        %dma_start3A_76 = arith.constant 0 : i32
        %dma_start3A_77 = tpu.memref_slice %arg10[%dma_start3A_75, %dma_start3A_76] : memref<10112x32xf32, #tpu.memory_space<vmem_shared>> -> memref<10112x32xf32, #tpu.memory_space<vmem_shared>>
        tpu.enqueue_indirect_dma source(%dma_start3A_71 : memref<128x32xf32, #tpu.memory_space<vmem>>) target(%dma_start3A_77 : memref<10112x32xf32, #tpu.memory_space<vmem_shared>>) offsets(%dma_start3A_74 : memref<128xi32, #tpu.memory_space<vmem>>) semaphore(%run_scoped3A : memref<!tpu.dma_semaphore, #tpu.memory_space<semaphore_mem>>) {add = true}
        %dma_wait3A_78 = arith.constant 0 : i32
        %dma_wait3A_79 = arith.constant 0 : i32
        %dma_wait3A_80 = tpu.memref_slice %arg9[%select_n3A_67, %dma_wait3A_78, %dma_wait3A_79] : memref<2x128x32xf32, #tpu.memory_space<vmem>> -> memref<1x128x32xf32, #tpu.memory_space<vmem>>
        %dma_wait3A_81 = tpu.memref_squeeze %dma_wait3A_80 : memref<1x128x32xf32, #tpu.memory_space<vmem>> -> memref<128x32xf32, #tpu.memory_space<vmem>>
        %dma_wait3A_82 = arith.constant 0 : i32
        %dma_wait3A_83 = tpu.memref_slice %arg8[%scan3A_28, %dma_wait3A_82] : memref<32x128xi32, #tpu.memory_space<vmem>> -> memref<1x128xi32, #tpu.memory_space<vmem>>
        %dma_wait3A_84 = tpu.memref_squeeze %dma_wait3A_83 : memref<1x128xi32, #tpu.memory_space<vmem>> -> memref<128xi32, #tpu.memory_space<vmem>>
        %dma_wait3A_85 = arith.constant 0 : i32
        %dma_wait3A_86 = arith.constant 0 : i32
        %dma_wait3A_87 = tpu.memref_slice %arg10[%dma_wait3A_85, %dma_wait3A_86] : memref<10112x32xf32, #tpu.memory_space<vmem_shared>> -> memref<10112x32xf32, #tpu.memory_space<vmem_shared>>
        tpu.wait_indirect_dma semaphore(%run_scoped3A : memref<!tpu.dma_semaphore, #tpu.memory_space<semaphore_mem>>) src(%dma_wait3A_81 : memref<128x32xf32, #tpu.memory_space<vmem>>) dst(%dma_wait3A_87 : memref<10112x32xf32, #tpu.memory_space<vmem_shared>>)
        tpu.yield
      }) : () -> ()
    }
    %scan3A_22 = arith.constant 32 : i32
    %barrier3A_23 = arith.constant 0 : index
    tpu.barrier barrier_id(%barrier3A_23)
    %mul3A_24 = arith.constant 632 : i32
    %mul3A_25 = arith.muli %arg1, %mul3A_24 : i32
    %mul3A_26 = arith.constant 632 : i32
    %mul3A_27 = arith.muli %arg1, %mul3A_26 : i32
    "tpu.region"() ({
      %run_scoped3A = tpu.sem_alloc : memref<!tpu.dma_semaphore, #tpu.memory_space<semaphore_mem>>
      %dma_start3A_28 = arith.constant 0 : i32
      %dma_start3A_29 = arith.constant 0 : i32
      %dma_start3A_30 = tpu.memref_slice %arg6[%arg0, %dma_start3A_28, %dma_start3A_29] : memref<2x10112x32xf32, #tpu.memory_space<hbm>> -> memref<1x10112x32xf32, #tpu.memory_space<hbm>>
      %dma_start3A_31 = tpu.memref_squeeze %dma_start3A_30 : memref<1x10112x32xf32, #tpu.memory_space<hbm>> -> memref<10112x32xf32, #tpu.memory_space<hbm>>
      %dma_start3A_32 = arith.constant 0 : i32
      %dma_start3A_33 = tpu.memref_slice %dma_start3A_31[%mul3A_27, %dma_start3A_32] : memref<10112x32xf32, #tpu.memory_space<hbm>> -> memref<632x32xf32, #tpu.memory_space<hbm>>
      %dma_start3A_34 = arith.constant 0 : i32
      %dma_start3A_35 = tpu.memref_slice %arg10[%mul3A_25, %dma_start3A_34] : memref<10112x32xf32, #tpu.memory_space<vmem_shared>> -> memref<632x32xf32, #tpu.memory_space<vmem_shared>>
      tpu.enqueue_dma source(%dma_start3A_35 : memref<632x32xf32, #tpu.memory_space<vmem_shared>>) target(%dma_start3A_33 : memref<632x32xf32, #tpu.memory_space<hbm>>) target_semaphore(%run_scoped3A : memref<!tpu.dma_semaphore, #tpu.memory_space<semaphore_mem>>)
      %dma_wait3A = arith.constant 0 : i32
      %dma_wait3A_36 = arith.constant 0 : i32
      %dma_wait3A_37 = tpu.memref_slice %arg6[%arg0, %dma_wait3A, %dma_wait3A_36] : memref<2x10112x32xf32, #tpu.memory_space<hbm>> -> memref<1x10112x32xf32, #tpu.memory_space<hbm>>
      %dma_wait3A_38 = tpu.memref_squeeze %dma_wait3A_37 : memref<1x10112x32xf32, #tpu.memory_space<hbm>> -> memref<10112x32xf32, #tpu.memory_space<hbm>>
      %dma_wait3A_39 = arith.constant 0 : i32
      %dma_wait3A_40 = tpu.memref_slice %dma_wait3A_38[%mul3A_27, %dma_wait3A_39] : memref<10112x32xf32, #tpu.memory_space<hbm>> -> memref<632x32xf32, #tpu.memory_space<hbm>>
      %dma_wait3A_41 = arith.constant 0 : i32
      %dma_wait3A_42 = tpu.memref_slice %arg10[%mul3A_25, %dma_wait3A_41] : memref<10112x32xf32, #tpu.memory_space<vmem_shared>> -> memref<632x32xf32, #tpu.memory_space<vmem_shared>>
      tpu.wait_dma2 semaphore(%run_scoped3A : memref<!tpu.dma_semaphore, #tpu.memory_space<semaphore_mem>>) src(%dma_wait3A_42 : memref<632x32xf32, #tpu.memory_space<vmem_shared>>) dst(%dma_wait3A_40 : memref<632x32xf32, #tpu.memory_space<hbm>>)
      tpu.yield
    }) : () -> ()
    return
  }
}

module attributes {stable_mosaic.version = 14 : i64} {
  func.func @_mm_body(%arg0: i32, %arg1: memref<512x128xf32, #tpu.memory_space<vmem>>, %arg2: memref<128x64xf32, #tpu.memory_space<vmem>>, %arg3: memref<512x64xf32, #tpu.memory_space<vmem>>) attributes {dimension_semantics = [#tpu.dimension_semantics<arbitrary>], iteration_bounds = array<i64: 20>, scalar_prefetch = 0 : i64, scratch_operands = 0 : i64, tpu.core_type = #tpu.core_type<tc>, window_params = [{transform_indices = @transform_0, window_bounds = array<i64: 512, 128>}, {pipeline_mode = #tpu.pipeline_mode<synchronous>, transform_indices = @transform_1, window_bounds = array<i64: 128, 64>}, {transform_indices = @transform_2, window_bounds = array<i64: 512, 64>}]} {
    %get3A = arith.constant 0 : index
    %get3A_0 = arith.constant 0 : index
    %get3A_1 = vector.load %arg1[%get3A, %get3A_0] : memref<512x128xf32, #tpu.memory_space<vmem>>, vector<512x128xf32>
    %get3A_2 = arith.constant 0 : index
    %get3A_3 = arith.constant 0 : index
    %get3A_4 = vector.load %arg2[%get3A_2, %get3A_3] : memref<128x64xf32, #tpu.memory_space<vmem>>, vector<128x64xf32>
    %dot_general3A = arith.constant dense<0.000000e+00> : vector<512x64xf32>
    %dot_general3A_5 = tpu.matmul %get3A_1, %get3A_4, %dot_general3A {dimension_numbers = #tpu.dot_dimension_numbers<[1], [0], [0], [1], [0, 0, 1, 1], [], []>, transpose_lhs_hint = false} : vector<512x128xf32>, vector<128x64xf32>, vector<512x64xf32> -> vector<512x64xf32>
    %swap3A = arith.constant 0 : index
    %swap3A_6 = arith.constant 0 : index
    %swap3A_7 = vector.load %arg3[%swap3A, %swap3A_6] : memref<512x64xf32, #tpu.memory_space<vmem>>, vector<512x64xf32>
    tpu.vector_store %arg3[%swap3A, %swap3A_6], %dot_general3A_5 {strides = array<i32>} : memref<512x64xf32, #tpu.memory_space<vmem>>, vector<512x64xf32>,
    return
  }
  func.func @transform_0(%arg0: i32) -> (i32, i32) {
    %c0_i32 = arith.constant 0 : i32
    %c0_i32_0 = arith.constant 0 : i32
    return %arg0, %c0_i32 : i32, i32
  }
  func.func @transform_1(%arg0: i32) -> (i32, i32) {
    %c0_i32 = arith.constant 0 : i32
    %c0_i32_0 = arith.constant 0 : i32
    %c0_i32_1 = arith.constant 0 : i32
    return %c0_i32, %c0_i32_0 : i32, i32
  }
  func.func @transform_2(%arg0: i32) -> (i32, i32) {
    %c0_i32 = arith.constant 0 : i32
    %c0_i32_0 = arith.constant 0 : i32
    return %arg0, %c0_i32 : i32, i32
  }
}

module attributes {stable_mosaic.version = 14 : i64} {
  func.func @_mm_body(%arg0: i32, %arg1: memref<512x128xf32, #tpu.memory_space<vmem>>, %arg2: memref<128x32xf32, #tpu.memory_space<vmem>>, %arg3: memref<512x32xf32, #tpu.memory_space<vmem>>) attributes {dimension_semantics = [#tpu.dimension_semantics<arbitrary>], iteration_bounds = array<i64: 98>, scalar_prefetch = 0 : i64, scratch_operands = 0 : i64, tpu.core_type = #tpu.core_type<tc>, window_params = [{transform_indices = @transform_0, window_bounds = array<i64: 512, 128>}, {pipeline_mode = #tpu.pipeline_mode<synchronous>, transform_indices = @transform_1, window_bounds = array<i64: 128, 32>}, {transform_indices = @transform_2, window_bounds = array<i64: 512, 32>}]} {
    %get3A = arith.constant 0 : index
    %get3A_0 = arith.constant 0 : index
    %get3A_1 = vector.load %arg1[%get3A, %get3A_0] : memref<512x128xf32, #tpu.memory_space<vmem>>, vector<512x128xf32>
    %get3A_2 = arith.constant 0 : index
    %get3A_3 = arith.constant 0 : index
    %get3A_4 = vector.load %arg2[%get3A_2, %get3A_3] : memref<128x32xf32, #tpu.memory_space<vmem>>, vector<128x32xf32>
    %dot_general3A = arith.constant dense<0.000000e+00> : vector<512x32xf32>
    %dot_general3A_5 = tpu.matmul %get3A_1, %get3A_4, %dot_general3A {dimension_numbers = #tpu.dot_dimension_numbers<[1], [0], [0], [1], [0, 0, 1, 1], [], []>, transpose_lhs_hint = false} : vector<512x128xf32>, vector<128x32xf32>, vector<512x32xf32> -> vector<512x32xf32>
    %swap3A = arith.constant 0 : index
    %swap3A_6 = arith.constant 0 : index
    %swap3A_7 = vector.load %arg3[%swap3A, %swap3A_6] : memref<512x32xf32, #tpu.memory_space<vmem>>, vector<512x32xf32>
    tpu.vector_store %arg3[%swap3A, %swap3A_6], %dot_general3A_5 {strides = array<i32>} : memref<512x32xf32, #tpu.memory_space<vmem>>, vector<512x32xf32>,
    return
  }
  func.func @transform_0(%arg0: i32) -> (i32, i32) {
    %c0_i32 = arith.constant 0 : i32
    %c0_i32_0 = arith.constant 0 : i32
    return %arg0, %c0_i32 : i32, i32
  }
  func.func @transform_1(%arg0: i32) -> (i32, i32) {
    %c0_i32 = arith.constant 0 : i32
    %c0_i32_0 = arith.constant 0 : i32
    %c0_i32_1 = arith.constant 0 : i32
    return %c0_i32, %c0_i32_0 : i32, i32
  }
  func.func @transform_2(%arg0: i32) -> (i32, i32) {
    %c0_i32 = arith.constant 0 : i32
    %c0_i32_0 = arith.constant 0 : i32
    return %arg0, %c0_i32 : i32, i32
  }
}

module attributes {stable_mosaic.version = 14 : i64} {
  func.func @_mm_body(%arg0: i32, %arg1: memref<512x128xf32, #tpu.memory_space<vmem>>, %arg2: memref<128x64xf32, #tpu.memory_space<vmem>>, %arg3: memref<512x64xf32, #tpu.memory_space<vmem>>) attributes {dimension_semantics = [#tpu.dimension_semantics<arbitrary>], iteration_bounds = array<i64: 196>, scalar_prefetch = 0 : i64, scratch_operands = 0 : i64, tpu.core_type = #tpu.core_type<tc>, window_params = [{transform_indices = @transform_0, window_bounds = array<i64: 512, 128>}, {pipeline_mode = #tpu.pipeline_mode<synchronous>, transform_indices = @transform_1, window_bounds = array<i64: 128, 64>}, {transform_indices = @transform_2, window_bounds = array<i64: 512, 64>}]} {
    %get3A = arith.constant 0 : index
    %get3A_0 = arith.constant 0 : index
    %get3A_1 = vector.load %arg1[%get3A, %get3A_0] : memref<512x128xf32, #tpu.memory_space<vmem>>, vector<512x128xf32>
    %get3A_2 = arith.constant 0 : index
    %get3A_3 = arith.constant 0 : index
    %get3A_4 = vector.load %arg2[%get3A_2, %get3A_3] : memref<128x64xf32, #tpu.memory_space<vmem>>, vector<128x64xf32>
    %dot_general3A = arith.constant dense<0.000000e+00> : vector<512x64xf32>
    %dot_general3A_5 = tpu.matmul %get3A_1, %get3A_4, %dot_general3A {dimension_numbers = #tpu.dot_dimension_numbers<[1], [0], [0], [1], [0, 0, 1, 1], [], []>, transpose_lhs_hint = false} : vector<512x128xf32>, vector<128x64xf32>, vector<512x64xf32> -> vector<512x64xf32>
    %swap3A = arith.constant 0 : index
    %swap3A_6 = arith.constant 0 : index
    %swap3A_7 = vector.load %arg3[%swap3A, %swap3A_6] : memref<512x64xf32, #tpu.memory_space<vmem>>, vector<512x64xf32>
    tpu.vector_store %arg3[%swap3A, %swap3A_6], %dot_general3A_5 {strides = array<i32>} : memref<512x64xf32, #tpu.memory_space<vmem>>, vector<512x64xf32>,
    return
  }
  func.func @transform_0(%arg0: i32) -> (i32, i32) {
    %c0_i32 = arith.constant 0 : i32
    %c0_i32_0 = arith.constant 0 : i32
    return %arg0, %c0_i32 : i32, i32
  }
  func.func @transform_1(%arg0: i32) -> (i32, i32) {
    %c0_i32 = arith.constant 0 : i32
    %c0_i32_0 = arith.constant 0 : i32
    %c0_i32_1 = arith.constant 0 : i32
    return %c0_i32, %c0_i32_0 : i32, i32
  }
  func.func @transform_2(%arg0: i32) -> (i32, i32) {
    %c0_i32 = arith.constant 0 : i32
    %c0_i32_0 = arith.constant 0 : i32
    return %arg0, %c0_i32 : i32, i32
  }
}

module attributes {stable_mosaic.version = 14 : i64} {
  func.func @_k2_body(%arg0: i32, %arg1: memref<512x32xf32, #tpu.memory_space<vmem>>, %arg2: memref<512x8xf32, #tpu.memory_space<vmem>>, %arg3: memref<512x32xf32, #tpu.memory_space<vmem>>, %arg4: memref<512x8xf32, #tpu.memory_space<vmem>>, %arg5: memref<512x32xf32, #tpu.memory_space<vmem>>, %arg6: memref<1x32xf32, #tpu.memory_space<vmem>>, %arg7: memref<32x32xf32, #tpu.memory_space<vmem>>, %arg8: memref<512x32xf32, #tpu.memory_space<vmem>>) attributes {dimension_semantics = [#tpu.dimension_semantics<arbitrary>], iteration_bounds = array<i64: 196>, scalar_prefetch = 0 : i64, scratch_operands = 0 : i64, tpu.core_type = #tpu.core_type<tc>, window_params = [{transform_indices = @transform_0, window_bounds = array<i64: 512, 32>}, {transform_indices = @transform_1, window_bounds = array<i64: 512, 8>}, {transform_indices = @transform_2, window_bounds = array<i64: 512, 32>}, {transform_indices = @transform_3, window_bounds = array<i64: 512, 8>}, {transform_indices = @transform_4, window_bounds = array<i64: 512, 32>}, {pipeline_mode = #tpu.pipeline_mode<synchronous>, transform_indices = @transform_5, window_bounds = array<i64: 1, 32>}, {pipeline_mode = #tpu.pipeline_mode<synchronous>, transform_indices = @transform_6, window_bounds = array<i64: 32, 32>}, {transform_indices = @transform_7, window_bounds = array<i64: 512, 32>}]} {
    %get3A = arith.constant 0 : index
    %get3A_0 = arith.constant 0 : index
    %get3A_1 = vector.load %arg2[%get3A, %get3A_0] : memref<512x8xf32, #tpu.memory_space<vmem>>, vector<512x1xf32>
    %max3A = arith.constant 1.000000e+00 : f32
    %max3A_2 = vector.broadcast %max3A : f32 to vector<512x1xf32>
    %max3A_3 = arith.maximumf %get3A_1, %max3A_2 : vector<512x1xf32>
    %get3A_4 = arith.constant 0 : index
    %get3A_5 = arith.constant 0 : index
    %get3A_6 = vector.load %arg4[%get3A_4, %get3A_5] : memref<512x8xf32, #tpu.memory_space<vmem>>, vector<512x1xf32>
    %max3A_7 = arith.constant 1.000000e+00 : f32
    %max3A_8 = vector.broadcast %max3A_7 : f32 to vector<512x1xf32>
    %max3A_9 = arith.maximumf %get3A_6, %max3A_8 : vector<512x1xf32>
    %get3A_10 = arith.constant 0 : index
    %get3A_11 = arith.constant 0 : index
    %get3A_12 = vector.load %arg1[%get3A_10, %get3A_11] : memref<512x32xf32, #tpu.memory_space<vmem>>, vector<512x32xf32>
    %div3A = vector.broadcast %max3A_3 : vector<512x1xf32> to vector<512x32xf32>
    %div3A_13 = arith.divf %get3A_12, %div3A : vector<512x32xf32>
    %get3A_14 = arith.constant 0 : index
    %get3A_15 = arith.constant 0 : index
    %get3A_16 = vector.load %arg3[%get3A_14, %get3A_15] : memref<512x32xf32, #tpu.memory_space<vmem>>, vector<512x32xf32>
    %div3A_17 = vector.broadcast %max3A_9 : vector<512x1xf32> to vector<512x32xf32>
    %div3A_18 = arith.divf %get3A_16, %div3A_17 : vector<512x32xf32>
    %add3A = arith.addf %div3A_13, %div3A_18 : vector<512x32xf32>
    %get3A_19 = arith.constant 0 : index
    %get3A_20 = arith.constant 0 : index
    %get3A_21 = vector.load %arg5[%get3A_19, %get3A_20] : memref<512x32xf32, #tpu.memory_space<vmem>>, vector<512x32xf32>
    %add3A_22 = arith.addf %add3A, %get3A_21 : vector<512x32xf32>
    %get3A_23 = arith.constant 0 : index
    %get3A_24 = arith.constant 0 : index
    %get3A_25 = vector.load %arg6[%get3A_23, %get3A_24] : memref<1x32xf32, #tpu.memory_space<vmem>>, vector<1x32xf32>
    %add3A_26 = vector.broadcast %get3A_25 : vector<1x32xf32> to vector<512x32xf32>
    %add3A_27 = arith.addf %add3A_22, %add3A_26 : vector<512x32xf32>
    %gt3A = arith.constant 0.000000e+00 : f32
    %gt3A_28 = vector.broadcast %gt3A : f32 to vector<512x32xf32>
    %gt3A_29 = arith.cmpf ogt, %add3A_27, %gt3A_28 : vector<512x32xf32>
    %mul3A = arith.constant 0.00999999977 : f32
    %mul3A_30 = vector.broadcast %mul3A : f32 to vector<512x32xf32>
    %mul3A_31 = arith.mulf %mul3A_30, %add3A_27 : vector<512x32xf32>
    %select_n3A = arith.select %gt3A_29, %add3A_27, %mul3A_31 : vector<512x32xi1>, vector<512x32xf32>
    %get3A_32 = arith.constant 0 : index
    %get3A_33 = arith.constant 0 : index
    %get3A_34 = vector.load %arg7[%get3A_32, %get3A_33] : memref<32x32xf32, #tpu.memory_space<vmem>>, vector<32x32xf32>
    %dot_general3A = arith.constant dense<0.000000e+00> : vector<512x32xf32>
    %dot_general3A_35 = tpu.matmul %select_n3A, %get3A_34, %dot_general3A {dimension_numbers = #tpu.dot_dimension_numbers<[1], [0], [0], [1], [0, 0, 1, 1], [], []>, transpose_lhs_hint = false} : vector<512x32xf32>, vector<32x32xf32>, vector<512x32xf32> -> vector<512x32xf32>
    %swap3A = arith.constant 0 : index
    %swap3A_36 = arith.constant 0 : index
    %swap3A_37 = vector.load %arg8[%swap3A, %swap3A_36] : memref<512x32xf32, #tpu.memory_space<vmem>>, vector<512x32xf32>
    tpu.vector_store %arg8[%swap3A, %swap3A_36], %dot_general3A_35 {strides = array<i32>} : memref<512x32xf32, #tpu.memory_space<vmem>>, vector<512x32xf32>,
    return
  }
  func.func @transform_0(%arg0: i32) -> (i32, i32) {
    %c0_i32 = arith.constant 0 : i32
    %c0_i32_0 = arith.constant 0 : i32
    return %arg0, %c0_i32 : i32, i32
  }
  func.func @transform_1(%arg0: i32) -> (i32, i32) {
    %c0_i32 = arith.constant 0 : i32
    %c0_i32_0 = arith.constant 0 : i32
    return %arg0, %c0_i32 : i32, i32
  }
  func.func @transform_2(%arg0: i32) -> (i32, i32) {
    %c0_i32 = arith.constant 0 : i32
    %c0_i32_0 = arith.constant 0 : i32
    return %arg0, %c0_i32 : i32, i32
  }
  func.func @transform_3(%arg0: i32) -> (i32, i32) {
    %c0_i32 = arith.constant 0 : i32
    %c0_i32_0 = arith.constant 0 : i32
    return %arg0, %c0_i32 : i32, i32
  }
  func.func @transform_4(%arg0: i32) -> (i32, i32) {
    %c0_i32 = arith.constant 0 : i32
    %c0_i32_0 = arith.constant 0 : i32
    return %arg0, %c0_i32 : i32, i32
  }
  func.func @transform_5(%arg0: i32) -> (i32, i32) {
    %c0_i32 = arith.constant 0 : i32
    %c0_i32_0 = arith.constant 0 : i32
    %c0_i32_1 = arith.constant 0 : i32
    return %c0_i32, %c0_i32_0 : i32, i32
  }
  func.func @transform_6(%arg0: i32) -> (i32, i32) {
    %c0_i32 = arith.constant 0 : i32
    %c0_i32_0 = arith.constant 0 : i32
    %c0_i32_1 = arith.constant 0 : i32
    return %c0_i32, %c0_i32_0 : i32, i32
  }
  func.func @transform_7(%arg0: i32) -> (i32, i32) {
    %c0_i32 = arith.constant 0 : i32
    %c0_i32_0 = arith.constant 0 : i32
    return %arg0, %c0_i32 : i32, i32
  }
}

module attributes {stable_mosaic.version = 14 : i64} {
  func.func @_k3_body(%arg0: i32, %arg1: memref<512x32xf32, #tpu.memory_space<vmem>>, %arg2: memref<512x8xf32, #tpu.memory_space<vmem>>, %arg3: memref<512x32xf32, #tpu.memory_space<vmem>>, %arg4: memref<1x32xf32, #tpu.memory_space<vmem>>, %arg5: memref<512x32xf32, #tpu.memory_space<vmem>>, %arg6: memref<1x32xf32, #tpu.memory_space<vmem>>, %arg7: memref<32x32xf32, #tpu.memory_space<vmem>>, %arg8: memref<32x8xf32, #tpu.memory_space<vmem>>, %arg9: memref<1x8xf32, #tpu.memory_space<vmem>>, %arg10: memref<512x8xf32, #tpu.memory_space<vmem>>) attributes {dimension_semantics = [#tpu.dimension_semantics<arbitrary>], iteration_bounds = array<i64: 20>, scalar_prefetch = 0 : i64, scratch_operands = 0 : i64, tpu.core_type = #tpu.core_type<tc>, window_params = [{transform_indices = @transform_0, window_bounds = array<i64: 512, 32>}, {transform_indices = @transform_1, window_bounds = array<i64: 512, 8>}, {transform_indices = @transform_2, window_bounds = array<i64: 512, 32>}, {pipeline_mode = #tpu.pipeline_mode<synchronous>, transform_indices = @transform_3, window_bounds = array<i64: 1, 32>}, {transform_indices = @transform_4, window_bounds = array<i64: 512, 32>}, {pipeline_mode = #tpu.pipeline_mode<synchronous>, transform_indices = @transform_5, window_bounds = array<i64: 1, 32>}, {pipeline_mode = #tpu.pipeline_mode<synchronous>, transform_indices = @transform_6, window_bounds = array<i64: 32, 32>}, {pipeline_mode = #tpu.pipeline_mode<synchronous>, transform_indices = @transform_7, window_bounds = array<i64: 32, 8>}, {pipeline_mode = #tpu.pipeline_mode<synchronous>, transform_indices = @transform_8, window_bounds = array<i64: 1, 8>}, {transform_indices = @transform_9, window_bounds = array<i64: 512, 8>}]} {
    %get3A = arith.constant 0 : index
    %get3A_0 = arith.constant 0 : index
    %get3A_1 = vector.load %arg2[%get3A, %get3A_0] : memref<512x8xf32, #tpu.memory_space<vmem>>, vector<512x1xf32>
    %max3A = arith.constant 1.000000e+00 : f32
    %max3A_2 = vector.broadcast %max3A : f32 to vector<512x1xf32>
    %max3A_3 = arith.maximumf %get3A_1, %max3A_2 : vector<512x1xf32>
    %get3A_4 = arith.constant 0 : index
    %get3A_5 = arith.constant 0 : index
    %get3A_6 = vector.load %arg1[%get3A_4, %get3A_5] : memref<512x32xf32, #tpu.memory_space<vmem>>, vector<512x32xf32>
    %div3A = vector.broadcast %max3A_3 : vector<512x1xf32> to vector<512x32xf32>
    %div3A_7 = arith.divf %get3A_6, %div3A : vector<512x32xf32>
    %get3A_8 = arith.constant 0 : index
    %get3A_9 = arith.constant 0 : index
    %get3A_10 = vector.load %arg3[%get3A_8, %get3A_9] : memref<512x32xf32, #tpu.memory_space<vmem>>, vector<512x32xf32>
    %add3A = arith.addf %div3A_7, %get3A_10 : vector<512x32xf32>
    %get3A_11 = arith.constant 0 : index
    %get3A_12 = arith.constant 0 : index
    %get3A_13 = vector.load %arg4[%get3A_11, %get3A_12] : memref<1x32xf32, #tpu.memory_space<vmem>>, vector<1x32xf32>
    %add3A_14 = vector.broadcast %get3A_13 : vector<1x32xf32> to vector<512x32xf32>
    %add3A_15 = arith.addf %add3A, %add3A_14 : vector<512x32xf32>
    %gt3A = arith.constant 0.000000e+00 : f32
    %gt3A_16 = vector.broadcast %gt3A : f32 to vector<512x32xf32>
    %gt3A_17 = arith.cmpf ogt, %add3A_15, %gt3A_16 : vector<512x32xf32>
    %mul3A = arith.constant 0.00999999977 : f32
    %mul3A_18 = vector.broadcast %mul3A : f32 to vector<512x32xf32>
    %mul3A_19 = arith.mulf %mul3A_18, %add3A_15 : vector<512x32xf32>
    %select_n3A = arith.select %gt3A_17, %add3A_15, %mul3A_19 : vector<512x32xi1>, vector<512x32xf32>
    %get3A_20 = arith.constant 0 : index
    %get3A_21 = arith.constant 0 : index
    %get3A_22 = vector.load %arg5[%get3A_20, %get3A_21] : memref<512x32xf32, #tpu.memory_space<vmem>>, vector<512x32xf32>
    %div3A_23 = vector.broadcast %max3A_3 : vector<512x1xf32> to vector<512x32xf32>
    %div3A_24 = arith.divf %get3A_22, %div3A_23 : vector<512x32xf32>
    %get3A_25 = arith.constant 0 : index
    %get3A_26 = arith.constant 0 : index
    %get3A_27 = vector.load %arg6[%get3A_25, %get3A_26] : memref<1x32xf32, #tpu.memory_space<vmem>>, vector<1x32xf32>
    %add3A_28 = vector.broadcast %get3A_27 : vector<1x32xf32> to vector<512x32xf32>
    %add3A_29 = arith.addf %div3A_24, %add3A_28 : vector<512x32xf32>
    %get3A_30 = arith.constant 0 : index
    %get3A_31 = arith.constant 0 : index
    %get3A_32 = vector.load %arg7[%get3A_30, %get3A_31] : memref<32x32xf32, #tpu.memory_space<vmem>>, vector<32x32xf32>
    %dot_general3A = arith.constant dense<0.000000e+00> : vector<512x32xf32>
    %dot_general3A_33 = tpu.matmul %select_n3A, %get3A_32, %dot_general3A {dimension_numbers = #tpu.dot_dimension_numbers<[1], [0], [0], [1], [0, 0, 1, 1], [], []>, transpose_lhs_hint = false} : vector<512x32xf32>, vector<32x32xf32>, vector<512x32xf32> -> vector<512x32xf32>
    %add3A_34 = arith.addf %add3A_29, %dot_general3A_33 : vector<512x32xf32>
    %gt3A_35 = arith.constant 0.000000e+00 : f32
    %gt3A_36 = vector.broadcast %gt3A_35 : f32 to vector<512x32xf32>
    %gt3A_37 = arith.cmpf ogt, %add3A_34, %gt3A_36 : vector<512x32xf32>
    %mul3A_38 = arith.constant 0.00999999977 : f32
    %mul3A_39 = vector.broadcast %mul3A_38 : f32 to vector<512x32xf32>
    %mul3A_40 = arith.mulf %mul3A_39, %add3A_34 : vector<512x32xf32>
    %select_n3A_41 = arith.select %gt3A_37, %add3A_34, %mul3A_40 : vector<512x32xi1>, vector<512x32xf32>
    %get3A_42 = arith.constant 0 : index
    %get3A_43 = arith.constant 0 : index
    %get3A_44 = vector.load %arg8[%get3A_42, %get3A_43] : memref<32x8xf32, #tpu.memory_space<vmem>>, vector<32x8xf32>
    %dot_general3A_45 = arith.constant dense<0.000000e+00> : vector<512x8xf32>
    %dot_general3A_46 = tpu.matmul %select_n3A_41, %get3A_44, %dot_general3A_45 {dimension_numbers = #tpu.dot_dimension_numbers<[1], [0], [0], [1], [0, 0, 1, 1], [], []>, transpose_lhs_hint = false} : vector<512x32xf32>, vector<32x8xf32>, vector<512x8xf32> -> vector<512x8xf32>
    %get3A_47 = arith.constant 0 : index
    %get3A_48 = arith.constant 0 : index
    %get3A_49 = vector.load %arg9[%get3A_47, %get3A_48] : memref<1x8xf32, #tpu.memory_space<vmem>>, vector<1x8xf32>
    %add3A_50 = vector.broadcast %get3A_49 : vector<1x8xf32> to vector<512x8xf32>
    %add3A_51 = arith.addf %dot_general3A_46, %add3A_50 : vector<512x8xf32>
    %swap3A = arith.constant 0 : index
    %swap3A_52 = arith.constant 0 : index
    %swap3A_53 = vector.load %arg10[%swap3A, %swap3A_52] : memref<512x8xf32, #tpu.memory_space<vmem>>, vector<512x8xf32>
    tpu.vector_store %arg10[%swap3A, %swap3A_52], %add3A_51 {strides = array<i32>} : memref<512x8xf32, #tpu.memory_space<vmem>>, vector<512x8xf32>,
    return
  }
  func.func @transform_0(%arg0: i32) -> (i32, i32) {
    %c0_i32 = arith.constant 0 : i32
    %c0_i32_0 = arith.constant 0 : i32
    return %arg0, %c0_i32 : i32, i32
  }
  func.func @transform_1(%arg0: i32) -> (i32, i32) {
    %c0_i32 = arith.constant 0 : i32
    %c0_i32_0 = arith.constant 0 : i32
    return %arg0, %c0_i32 : i32, i32
  }
  func.func @transform_2(%arg0: i32) -> (i32, i32) {
    %c0_i32 = arith.constant 0 : i32
    %c0_i32_0 = arith.constant 0 : i32
    return %arg0, %c0_i32 : i32, i32
  }
  func.func @transform_3(%arg0: i32) -> (i32, i32) {
    %c0_i32 = arith.constant 0 : i32
    %c0_i32_0 = arith.constant 0 : i32
    %c0_i32_1 = arith.constant 0 : i32
    return %c0_i32, %c0_i32_0 : i32, i32
  }
  func.func @transform_4(%arg0: i32) -> (i32, i32) {
    %c0_i32 = arith.constant 0 : i32
    %c0_i32_0 = arith.constant 0 : i32
    return %arg0, %c0_i32 : i32, i32
  }
  func.func @transform_5(%arg0: i32) -> (i32, i32) {
    %c0_i32 = arith.constant 0 : i32
    %c0_i32_0 = arith.constant 0 : i32
    %c0_i32_1 = arith.constant 0 : i32
    return %c0_i32, %c0_i32_0 : i32, i32
  }
  func.func @transform_6(%arg0: i32) -> (i32, i32) {
    %c0_i32 = arith.constant 0 : i32
    %c0_i32_0 = arith.constant 0 : i32
    %c0_i32_1 = arith.constant 0 : i32
    return %c0_i32, %c0_i32_0 : i32, i32
  }
  func.func @transform_7(%arg0: i32) -> (i32, i32) {
    %c0_i32 = arith.constant 0 : i32
    %c0_i32_0 = arith.constant 0 : i32
    %c0_i32_1 = arith.constant 0 : i32
    return %c0_i32, %c0_i32_0 : i32, i32
  }
  func.func @transform_8(%arg0: i32) -> (i32, i32) {
    %c0_i32 = arith.constant 0 : i32
    %c0_i32_0 = arith.constant 0 : i32
    %c0_i32_1 = arith.constant 0 : i32
    return %c0_i32, %c0_i32_0 : i32, i32
  }
  func.func @transform_9(%arg0: i32) -> (i32, i32) {
    %c0_i32 = arith.constant 0 : i32
    %c0_i32_0 = arith.constant 0 : i32
    return %arg0, %c0_i32 : i32, i32
  }
}

</mosaic_0001>

<sc_bundles>
// kernel: kernel.19.cloned.1.call-start
scs
__scs_entry_jumppad:
0x0: {  	(pc) =	sbr.rel $0x88, $3  }
0x1: {  	(tag) =	ssettag $0x0;
	lr =	simm.s32 $0x1  }
0x2: {  	[smem:$0x3F8D] =	sst lr;
	_ =	strace $0xD0000000  }
0x3: {  	_ = 	snop  }
0x4: {  	_ = 	snop  }
0x5: {  	_ = 	snop  }
0x6: {  	_ = 	snop  }
0x7: {  	_ = 	snop  }
__scs_overlays_trampoline_lowered:
0x8: {  	[smem:$0x3F9C] =	sst s0  }
0x9: {  	[smem:$0x3F9D] =	sst s1  }
0xa: {  	[smem:$0x3F9E] =	sst s2  }
0xb: {  	[smem:$0x3F9F] =	sst s3  }
0xc: {  	[smem:$0x3FA0] =	sst s4  }
0xd: {  	[smem:$0x3FA1] =	sst s5  }
0xe: {  	[smem:$0x3FA2] =	sst s6  }
0xf: {  	[smem:$0x3FA3] =	sst s7  }
0x10: {  	[smem:$0x3FA4] =	sst s8  }
0x11: {  	[smem:$0x3FA5] =	sst s9;
	s0 =	simm.s32 @!p0 $0x0  }
0x12: {  	s1 =	sld [smem:$0x3F8B];
	s0 =	simm.s32 @p0 $0x1  }
0x13: {  	[smem:$0x3FA6] =	sst s0;
	s0 =	simm.s32 @!p1 $0x0  }
0x14: {  	s2 =	sld [smem:$0x3F8A];
	s0 =	simm.s32 @p1 $0x1  }
0x15: {  	[smem:$0x3FA7] =	sst s0;
	s0 =	simm.s32 @!p2 $0x0  }
0x16: {  	s3 =	sld [smem:$0x3FDB];
	s0 =	simm.s32 @p2 $0x1  }
0x17: {  	s4 =	simm.s32 $0x1BF5;
	[smem:$0x3FA9] =	sst s0  }
0x18: {  	s0 =	sld [smem:$0x3F8C];
	_ =	swait.ge [sflag:s4], $0x0  }
0x19: {  	s7 =	sld [smem:$0x3F8D]  }
0x1a: {  	s8 =	sadd.s32 $0xFFFFE003, lr  }
0x1b: {  	s9 =	sadd.s32 $0xFFFFFEF7, lr;
	s5 =	simm.s32 $0xFFFFFFFF;
	p2 =	slt.u32 s8, $0xFFFFF086  }
0x1c: {  	p1 =	slt.u32 s9, $0xF7A;
	s5 =	simm.s32 @!p2 $0x0  }
0x1d: {  	s5 =	simm.s32 @p1 $0x1;
	p0 =	seq.s32 s7, s2  }
0x1e: {  	s7 =	smul.u32 @!p0 $0xF7A, s2;
	p2 =	seq.s32 @!p0 s5, $0x0  }
0x1f: {  	s9 =	smul.u32 $0xF7A, s1;
	s8 =	simm.s32 @!p0 $0x1BF5;
	p2 =	por !p2, p0  }
0x20: {  	[sflag:s8] =	ssyncset.s32 @!p0 $0xFFFFF086;
	s6 =	sadd.s32 @!p0 s3, s7;
	s7 =	simm.s32 @!p0 $0x108  }
0x21: {  	s3 =	sadd.s32 s3, s9;
	s6 =	sadd.s32 @!p0 $0x88, s6;
	s7 =	simm.s32 @p2 $0x1082  }
0x22: {  	[simem:s7], [sflag:s8] =	dma.local @!p0 [hbm:s6], $0xF7A  }
0x23: {  	s9 =	sor.u32 $0xD0000000, s2;
	s6 =	simm.s32 $0x108;
	_ =	swait.ge @!p0 [sflag:s8], $0x0  }
0x24: {  	s3 =	sadd.s32 $0x88, s3;
	s6 =	simm.s32 @!p1 $0x1082;
	[sflag:s4] =	ssyncset.s32 $0xFFFFF086  }
0x25: {  	[simem:s6], [sflag:s4] =	dma.local [hbm:s3], $0xF7A  }
0x26: {  	[smem:$0x3F8D] =	sst s1;
	(tag) =	ssettag s2;
	_ =	strace s9  }
0x27: {  	s1 =	sld [smem:$0x3F9D]  }
0x28: {  	s2 =	sld [smem:$0x3F9E]  }
0x29: {  	s4 =	sld [smem:$0x3FA0]  }
0x2a: {  	p0 =	seq.s32 s5, $0x0;
	s5 =	sld [smem:$0x3FA1]  }
0x2b: {  	s6 =	sld [smem:$0x3FA2]  }
0x2c: {  	s7 =	sld [smem:$0x3FA3]  }
0x2d: {  	s3 =	simm.s32 $0x108;
	s8 =	sld [smem:$0x3FA4]  }
0x2e: {  	s3 =	simm.s32 @!p0 $0x1082;
	s9 =	sld [smem:$0x3FA5]  }
0x2f: {  	lr =	sadd.s32 s0, s3;
	s0 =	sld [smem:$0x3F9C]  }
0x30: {  	s3 =	sld [smem:$0x3F9F]  }
0x31: {  	[smem:$0x3FA8] =	sst s10  }
0x32: {  	s10 =	sld [smem:$0x3FA6];
	_ =	sdelay $0x3  }
0x33: {  	p0 =	seq.s32 s10, $0x1;
	s10 =	sld [smem:$0x3FA8];
	_ =	sdelay $0x3  }
0x34: {  	[smem:$0x3FA8] =	sst s10  }
0x35: {  	s10 =	sld [smem:$0x3FA7];
	_ =	sdelay $0x3  }
0x36: {  	p1 =	seq.s32 s10, $0x1;
	s10 =	sld [smem:$0x3FA8];
	_ =	sdelay $0x3  }
0x37: {  	[smem:$0x3FA8] =	sst s10  }
0x38: {  	s10 =	sld [smem:$0x3FA9]  }
0x39: {  	_ = 	snop;
	(pc) =	sbr.ind lr, $3  }
0x3a: {  	_ = 	snop  }
0x3b: {  	_ = 	snop  }
0x3c: {  	p2 =	seq.s32 s10, $0x1;
	s10 =	sld [smem:$0x3FA8]  }
0x3d: {  	_ =	shalt  }
0x3e: {  	_ =	shalt  }
0x3f: {  	_ =	shalt  }
0x40: {  	_ =	shalt  }
0x41: {  	_ =	shalt  }
0x42: {  	_ =	shalt  }
0x43: {  	_ =	shalt  }
0x44: {  	_ =	shalt  }
0x45: {  	_ =	shalt  }
0x46: {  	_ =	shalt  }
0x47: {  	_ =	shalt  }
0x48: {  	_ =	shalt  }
0x49: {  	_ =	shalt  }
0x4a: {  	_ =	shalt  }
0x4b: {  	_ =	shalt  }
0x4c: {  	_ =	shalt  }
0x4d: {  	_ =	shalt  }
0x4e: {  	_ =	shalt  }
0x4f: {  	_ =	shalt  }
0x50: {  	_ =	shalt  }
0x51: {  	_ =	shalt  }
0x52: {  	_ =	shalt  }
0x53: {  	_ =	shalt  }
0x54: {  	_ =	shalt  }
0x55: {  	_ =	shalt  }
0x56: {  	_ =	shalt  }
0x57: {  	_ =	shalt  }
0x58: {  	_ =	shalt  }
0x59: {  	_ =	shalt  }
0x5a: {  	_ =	shalt  }
0x5b: {  	_ =	shalt  }
0x5c: {  	_ =	shalt  }
0x5d: {  	_ =	shalt  }
0x5e: {  	_ =	shalt  }
0x5f: {  	_ =	shalt  }
0x60: {  	_ =	shalt  }
0x61: {  	_ =	shalt  }
0x62: {  	_ =	shalt  }
0x63: {  	_ =	shalt  }
0x64: {  	_ =	shalt  }
0x65: {  	_ =	shalt  }
0x66: {  	_ =	shalt  }
0x67: {  	_ =	shalt  }
0x68: {  	_ =	shalt  }
0x69: {  	_ =	shalt  }
0x6a: {  	_ =	shalt  }
0x6b: {  	_ =	shalt  }
0x6c: {  	_ =	shalt  }
0x6d: {  	_ =	shalt  }
0x6e: {  	_ =	shalt  }
0x6f: {  	_ =	shalt  }
0x70: {  	_ =	shalt  }
0x71: {  	_ =	shalt  }
0x72: {  	_ =	shalt  }
0x73: {  	_ =	shalt  }
0x74: {  	_ =	shalt  }
0x75: {  	_ =	shalt  }
0x76: {  	_ =	shalt  }
0x77: {  	_ =	shalt  }
0x78: {  	_ =	shalt  }
0x79: {  	_ =	shalt  }
0x7a: {  	_ =	shalt  }
0x7b: {  	_ =	shalt  }
0x7c: {  	_ =	shalt  }
0x7d: {  	_ =	shalt  }
0x7e: {  	_ =	shalt  }
0x7f: {  	_ =	shalt  }
0x80: {  	_ =	shalt  }
0x81: {  	_ =	shalt  }
0x82: {  	_ =	shalt  }
0x83: {  	_ =	shalt  }
0x84: {  	_ =	shalt  }
0x85: {  	_ =	shalt  }
0x86: {  	_ =	shalt  }
0x87: {  	_ =	shalt  }
.Lfunc_end0:
.L_simem_size_0:
called_computation_lowered:
.L_overlay_start_0:
0x88: {  	s2 =	sld [smem:$0x3FD9]  }
0x89: {  	s3 =	sld [smem:$0x3FFE];
	_ =	sdelay $0x1  }
0x8a: {  	s1 =	srdreg.scid  }
0x8b: {  	s0 =	sand.u32 $0x1, s1  }
0x8c: {  	s17 =	sshll.u32 s0, $0xA;
	s2 =	sadd.s32 s3, s2  }
0x8d: {  	s2 =	sadd.s32 s2, s17  }
0x8e: {  	[smem:$0x3FB4] =	sst s2  }
0x8f: {  	_ = 	snop  }
0x90: {  	s18 =	sld [smem:$0x3FD0];
	(tm) =	ssettm $0x1  }
0x91: {  	s19 =	sld [smem:$0x3FFB];
	_ =	sdelay $0x3  }
0x92: {  	_ =	strace s19  }
0x93: {  	s2 =	sld [smem:$0x3FFC];
	_ =	sdelay $0x3  }
0x94: {  	_ =	strace s2  }
0x95: {  	s2 =	sld [smem:$0x3FFD];
	_ =	sdelay $0x3  }
0x96: {  	_ =	strace s2  }
0x97: {  	_ =	strace $0x8FFFFFFF  }
0x98: {  	s20 =	sld [smem:$0x3FDB];
	_ =	sdelay $0x1  }
0x99: {  	s4 =	simm.s32 $_scs_section_size  }
0x9a: {  	s5 =	simm.s32 $_size__tile_overlayer_lowered;
	s6 =	simm.s32 $_tile_overlayer_lowered  }
0x9b: {  	s7 =	simm.s32 $0x1BFF;
	s21 =	sshll.u32 s6, $0x1;
	s4 =	sadd.s32 s4, s20  }
0x9c: {  	s22 =	simm.s32 $0x0;
	s5 =	sshll.u32 s5, $0x1;
	s6 =	sadd.s32 s21, s4  }
0x9d: {  	[timem:s22], [sflag:s7] =	dma.local [hbm:s6], s5  }
0x9e: {  	_ =	swait.ge [sflag:s7], s5  }
0x9f: {  	s5 =	ssub.s32 $0x0, s5;
	[sflag:s7] =	ssyncset.done $0x0  }
0xa0: {  	[sflag:s7] =	ssyncadd.s32 s5;
	_ =	sdelay $0x1  }
0xa1: {  	s23 =	simm.s32 $0x1B8B  }
0xa2: {  	_ =	swait.ge [sflag:s23], $0x1  }
0xa3: {  	[sflag:s23] =	ssyncset.done $0x0  }
0xa4: {  	[sflag:s23] =	ssyncadd.s32 $0xFFFFFFFF  }
0xa5: {  	s5 =	sld [smem:$0x0]  }
0xa6: {  	s6 =	sand.u32 $0xFFFFFFFE, s1  }
0xa7: {  	p0 =	sne.s32 s1, s6  }
0xa8: {  	s6 =	sshll.u32 @p0 s6, $0xE  }
0xa9: {  	s6 =	sadd.s32 @p0 $0x11B8D, s6;
	s7 =	sshll.u32 @p0 s5, $0x11  }
0xaa: {  	s6 =	sor.u32 @p0 s7, s6  }
0xab: {  	[sflag:s6] =	ssyncadd.remote.s32 @p0 $0x1;
	_ =	sdelay $0x1  }
0xac: {  	s6 =	simm.s32 @p0 $0x1B8D  }
0xad: {  	_ =	swait.eq @p0 [sflag:s6], $0x1  }
0xae: {  	[sflag:s6] =	ssyncadd.s32 @p0 $0xFFFFFFFF  }
0xaf: {  	s7 =	sshll.u32 @!p0 s1, $0xE  }
0xb0: {  	s7 =	sor.u32 @!p0 $0x4000, s7;
	s6 =	simm.s32 @!p0 $0x1B8D  }
0xb1: {  	s5 =	sshll.u32 @!p0 s5, $0x11;
	s7 =	sadd.s32 @!p0 $0x11B8D, s7;
	_ =	swait.eq @!p0 [sflag:s6], $0x1  }
0xb2: {  	s5 =	sor.u32 @!p0 s5, s7;
	[sflag:s6] =	ssyncadd.s32 @!p0 $0xFFFFFFFF  }
0xb3: {  	s25 =	simm.s32 $0x1B8E;
	s24 =	sld [smem:$0x3FFE];
	[sflag:s5] =	ssyncadd.remote.s32 @!p0 $0x1  }
0xb4: {  	s26 =	simm.s32 $execute0_lowered;
	[smem:$0x3FD2] =	sst s25  }
0xb5: {  	s6 =	sshll.u32 s26, $0x1;
	_ =	strace $0x8000005E;
	[dreg:$0x1] =	wrdreg $0xFFFFFFFF  }
0xb6: {  	s28 =	simm.s32 $_size_execute0_lowered;
	s4 =	sadd.s32 s4, s6;
	[dreg:$0x0] =	wrdreg $0x0  }
0xb7: {  	s6 =	sshll.u32 s28, $0x1;
	[dreg:$0x2] =	wrdreg s4  }
0xb8: {  	[dreg:$0x3] =	wrdreg s6  }
0xb9: {  	[dreg:$0x4] =	wrdreg $0xC0  }
0xba: {  	_ =	task [dreg:s22], $0x5FFFF  }
0xbb: {  	[dreg:$0x1] =	wrdreg $0xFFFFFFFF  }
0xbc: {  	[dreg:$0x0] =	wrdreg $0x60  }
0xbd: {  	[dreg:$0x2] =	wrdreg s18  }
0xbe: {  	[dreg:$0x3] =	wrdreg s24  }
0xbf: {  	[dreg:$0x4] =	wrdreg $0x88000  }
0xc0: {  	[dreg:$0x5] =	wrdreg $0xA  }
0xc1: {  	_ =	task.clear_ibuf [dreg:s22], $0x6FFFF;
	_ =	strace $0x9000005E  }
0xc2: {  	s29 =	simm.s32 $0xA;
	_ =	strace $0x80000060  }
0xc3: {  	_ =	swait.ge [sflag:s29], $0x1  }
0xc4: {  	[sflag:s29] =	ssyncadd.s32 $0xFFFFFFFF  }
0xc5: {  	_ =	strace $0x90000060  }
0xc6: {  	_ =	sfence  }
0xc7: {  	s30 =	sld [smem:$0x0];
	_ =	sdelay $0x2  }
0xc8: {  	s31 =	sshll.u32 s1, $0xD;
	s1 =	sshrl.u32 s1, $0x2  }
0xc9: {  	s4 =	sand.u32 $0x4000, s31;
	s1 =	sadd.s32 s1, s30  }
0xca: {  	s0 =	sor.u32 s4, s0;
	s1 =	sshll.u32 s1, $0x11  }
0xcb: {  	s0 =	sor.u32 s1, s0  }
0xcc: {  	s0 =	sadd.s32 $0x8F2B, s0  }
0xcd: {  	[sflag:s0] =	ssyncadd.remote.s32 $0x1  }
0xce: {  	_ =	sfence.sel $0xFFFF  }
0xcf: {  	[dreg:$0x0] =	wrdreg $0xFFFFFFFF;
	(pc) =	sbr.abs _section_cstart, $3  }
0xd0: {  	[dreg:$0x1] =	wrdreg $0xFFFFFFFF  }
0xd1: {  	_ =	task.clear_ibuf [dreg:s22], $0x2FFFF;
	_ =	strace $0x9FFFFFFF  }
0xd2: {  	(tm) =	ssettm $0x7FFFFFFF  }
0xd3: {  	_ =	shalt  }
tec
execute0_lowered:
.L_overlay_start_1:
0x0: {  	(tag) =	ssettag $0x1  }
0x1: {  	s1 =	rddreg [dreg:$0x0]  }
0x2: {  	s6 =	rddreg [dreg:$0x1]  }
0x3: {  	s2 =	rddreg [dreg:$0x2]  }
0x4: {  	s4 =	srdreg.scid;
	s0 =	rddreg [dreg:$0x3];
	s3 =	simm.s32 $0x0  }
0x5: {  	s5 =	sand.u32 $0x1, s4;
	[smem:$0x7FF] =	sst s3  }
0x6: {  	s13 =	simm.s32 $0x80;
	s4 =	sshll.u32 s5, $0xB;
	_ =	strace $0x8000005F  }
0x7: {  	s8 =	smul.u32 $0x18700, s5;
	s9 =	ssub.s32 $0x2, s5;
	s5 =	sadd.s32 $0x39E00, s6  }
0x8: {  	s7 =	sadd.s32 s4, s6;
	s4 =	stileid.u32;
	s10 =	sshrl.u32 s9, $0x1  }
0x9: {  	s11 =	smul.u32 $0xC380, s4;
	s8 =	sadd.s32 s8, s6;
	s9 =	ssub.s32 s9, s10  }
0xa: {  	s30 =	sshll.u32 s4, $0xC;
	s12 =	sshll.u32 s4, $0x6;
	s10 =	simm.s32 $0x1  }
0xb: {  	s7 =	sadd.s32 s30, s7;
	s6 =	sor.u32 $0x1C01, s12;
	s14 =	sadd.s32 $0x21B000, s8  }
0xc: {  	s8 =	smax.u32 s9, $0x1;
	s12 =	simm.s32 $0x8000;
	s31 =	sadd.s32 s11, s2  }
0xd: {  	s7 =	sadd.s32 $0x106800, s7;
	s15 =	sshrl.u32 s11, $0x3;
	s11 =	simm.s32 $0x4000  }
0xe: {  	s9 =	sshrl.u32 s31, $0x3;
	s14 =	sadd.s32 s15, s14;
	s15 =	simm.s32 $0x0  }
.LBB2_1:
0xf: {  	[spmem:s9], [sflag:s6] =	dma.local [hbm:s5], $0x1870  }
0x10: {  	_ =	swait.ge [sflag:s10], $0x1870  }
0x11: {  	[sflag:s10] =	ssyncset.done $0x0  }
0x12: {  	[sflag:s10] =	ssyncadd.s32 $0xFFFFE790  }
0x13: {  	[bflag:$0x0] =	sbarrier.arrive $0xFFFF  }
0x14: {  	[tilespmem:s3], [sflag:$0x1] =	stream.linear.gather [hbm4b:s7+s3], $0x4000, $0x38;
	[tilespmem:$0x14B80] =	vst v63  }
0x15: {  	_ =	swait.ge [sflag:s10], $0x4000  }
0x16: {  	[sflag:s10] =	ssyncset.done $0x0  }
0x17: {  	[sflag:s10] =	ssyncadd.s32 $0xFFFFC000  }
0x18: {  	[tilespmem:s11], [sflag:$0x1] =	stream.linear.gather [hbm4b:s7+s3], $0x4000, $0x38;
	[tilespmem:$0x14B80] =	vst v63  }
0x19: {  	_ =	swait.ge [sflag:s10], $0x4000  }
0x1a: {  	[sflag:s10] =	ssyncset.done $0x0  }
0x1b: {  	[sflag:s10] =	ssyncadd.s32 $0xFFFFC000  }
0x1c: {  	[tilespmem:s12], [sflag:$0x1] =	stream.linear.gather [hbm4b:s1+s3], $0x400, $0x38;
	[tilespmem:$0x14B80] =	vst v63  }
0x1d: {  	_ =	swait.ge [sflag:s10], $0x400  }
0x1e: {  	[sflag:s10] =	ssyncset.done $0x0  }
0x1f: {  	s16 =	simm.s32 $0x4000;
	[sflag:s10] =	ssyncadd.s32 $0xFFFFFC00  }
0x20: {  	[spmem:s2] =	stream.indirect.scatter.add.f32 [tilespmem:s12], [sflag:$0x1], $0x8, s16, s13, $0xb8;
	[tilespmem:$0x14B80] =	vst v63  }
0x21: {  	s16 =	simm.s32 $0x200;
	_ =	swait.ge [sflag:s10], $0x400  }
.LBB2_2:
0x22: {  	s17 =	sshra.s32 s16, $0x2;
	[sflag:s10] =	ssyncset.done $0x0;
	p0 =	sne.s32 s16, $0xFE00  }
.Ltmp0:
0x23: {  	s17 =	sadd.s32 $0x4000, s17;
	[sflag:s10] =	ssyncadd.s32 $0xFFFFFC00;
	(pc) =	sbr.rel @p0 .LBB2_2-.Ltmp0, $3  }
0x24: {  	[spmem:s2] =	stream.indirect.scatter.add.f32 [tilespmem:s12], [sflag:$0x1], $0x8, s17, s13, $0xb8;
	[tilespmem:$0x14B80] =	vst v63  }
0x25: {  	s16 =	sadd.s32 $0x200, s16;
	_ =	sdelay $0x1  }
0x26: {  	_ =	swait.ge [sflag:s10], $0x400  }
0x27: {  	[sflag:s10] =	ssyncset.done $0x0;
	s15 =	sadd.s32 $0x1, s15  }
0x28: {  	[sflag:s10] =	ssyncadd.s32 $0xFFFFFC00;
	p0 =	sne.s32 s15, s8  }
.Ltmp1:
0x29: {  	[bflag:$0x0] =	sbarrier.arrive $0xFFFF;
	(pc) =	sbr.rel @p0 .LBB2_1-.Ltmp1, $4  }
0x2a: {  	[hbm:s14], [sflag:s6] =	dma.local [spmem:s9], $0x1870  }
0x2b: {  	_ =	swait.ge [sflag:s10], $0x1870  }
0x2c: {  	[sflag:s10] =	ssyncset.done $0x0  }
0x2d: {  	[sflag:s10] =	ssyncadd.s32 $0xFFFFE790  }
0x2e: {  	_ =	sfence.sel $0x180000  }
0x2f: {  	[bflag:$0x0] =	sbarrier.arrive $0xFFFF  }
0x30: {  	p0 =	sne.s32 s4, $0x0;
	_ =	strace $0x9000005F  }
0x31: {  	s0 =	sadd.s32 @!p0 $0x100000, s0;
	[bflag:$0x2] =	sbarrier.arrive $0xFFFF  }
0x32: {  	[sflag:s0] =	ssyncadd.tile.s32 @!p0 $0x1;
	_ =	shalt  }
.Lfunc_end2:
_tile_overlayer_lowered:
.L_overlay_start_2:
0x33: {  	(tag) =	ssettag $0x2  }
0x34: {  	s0 =	rddreg [dreg:$0x0];
	s2 =	stileid.u32  }
0x35: {  	s1 =	rddreg [dreg:$0x1];
	p0 =	sne.s32 s2, $0x0  }
0x36: {  	s3 =	rddreg [dreg:$0x2];
	[bflag:$0x3] =	sbarrier.arrive $0xFFFF;
	s2 =	simm.s32 @!p0 $0x1C01  }
0x37: {  	[timem:s3], [sflag:s2] =	dma.local @!p0 [hbm:s0], s1  }
0x38: {  	s0 =	simm.s32 @!p0 $0x1  }
0x39: {  	_ =	swait.ge @!p0 [sflag:s0], s1  }
0x3a: {  	s1 =	ssub.s32 @!p0 $0x0, s1;
	[sflag:s0] =	ssyncset.done @!p0 $0x0  }
0x3b: {  	[sflag:s0] =	ssyncadd.s32 @!p0 s1  }
0x3c: {  	[bflag:$0x3] =	sbarrier.arrive $0xFFFF  }
0x3d: {  	_ =	shalt  }

// kernel: kernel.22.cloned.1.call-start
scs
__scs_entry_jumppad:
0x0: {  	(pc) =	sbr.rel $0x88, $3  }
0x1: {  	(tag) =	ssettag $0x0;
	lr =	simm.s32 $0x1  }
0x2: {  	[smem:$0x3F8D] =	sst lr;
	_ =	strace $0xD0000000  }
0x3: {  	_ = 	snop  }
0x4: {  	_ = 	snop  }
0x5: {  	_ = 	snop  }
0x6: {  	_ = 	snop  }
0x7: {  	_ = 	snop  }
__scs_overlays_trampoline_lowered:
0x8: {  	[smem:$0x3F9C] =	sst s0  }
0x9: {  	[smem:$0x3F9D] =	sst s1  }
0xa: {  	[smem:$0x3F9E] =	sst s2  }
0xb: {  	[smem:$0x3F9F] =	sst s3  }
0xc: {  	[smem:$0x3FA0] =	sst s4  }
0xd: {  	[smem:$0x3FA1] =	sst s5  }
0xe: {  	[smem:$0x3FA2] =	sst s6  }
0xf: {  	[smem:$0x3FA3] =	sst s7  }
0x10: {  	[smem:$0x3FA4] =	sst s8  }
0x11: {  	[smem:$0x3FA5] =	sst s9;
	s0 =	simm.s32 @!p0 $0x0  }
0x12: {  	s1 =	sld [smem:$0x3F8B];
	s0 =	simm.s32 @p0 $0x1  }
0x13: {  	[smem:$0x3FA6] =	sst s0;
	s0 =	simm.s32 @!p1 $0x0  }
0x14: {  	s2 =	sld [smem:$0x3F8A];
	s0 =	simm.s32 @p1 $0x1  }
0x15: {  	[smem:$0x3FA7] =	sst s0;
	s0 =	simm.s32 @!p2 $0x0  }
0x16: {  	s3 =	sld [smem:$0x3FDB];
	s0 =	simm.s32 @p2 $0x1  }
0x17: {  	s4 =	simm.s32 $0x1BF5;
	[smem:$0x3FA9] =	sst s0  }
0x18: {  	s0 =	sld [smem:$0x3F8C];
	_ =	swait.ge [sflag:s4], $0x0  }
0x19: {  	s7 =	sld [smem:$0x3F8D]  }
0x1a: {  	s8 =	sadd.s32 $0xFFFFE003, lr  }
0x1b: {  	s9 =	sadd.s32 $0xFFFFFEF7, lr;
	s5 =	simm.s32 $0xFFFFFFFF;
	p2 =	slt.u32 s8, $0xFFFFF086  }
0x1c: {  	p1 =	slt.u32 s9, $0xF7A;
	s5 =	simm.s32 @!p2 $0x0  }
0x1d: {  	s5 =	simm.s32 @p1 $0x1;
	p0 =	seq.s32 s7, s2  }
0x1e: {  	s7 =	smul.u32 @!p0 $0xF7A, s2;
	p2 =	seq.s32 @!p0 s5, $0x0  }
0x1f: {  	s9 =	smul.u32 $0xF7A, s1;
	s8 =	simm.s32 @!p0 $0x1BF5;
	p2 =	por !p2, p0  }
0x20: {  	[sflag:s8] =	ssyncset.s32 @!p0 $0xFFFFF086;
	s6 =	sadd.s32 @!p0 s3, s7;
	s7 =	simm.s32 @!p0 $0x108  }
0x21: {  	s3 =	sadd.s32 s3, s9;
	s6 =	sadd.s32 @!p0 $0x88, s6;
	s7 =	simm.s32 @p2 $0x1082  }
0x22: {  	[simem:s7], [sflag:s8] =	dma.local @!p0 [hbm:s6], $0xF7A  }
0x23: {  	s9 =	sor.u32 $0xD0000000, s2;
	s6 =	simm.s32 $0x108;
	_ =	swait.ge @!p0 [sflag:s8], $0x0  }
0x24: {  	s3 =	sadd.s32 $0x88, s3;
	s6 =	simm.s32 @!p1 $0x1082;
	[sflag:s4] =	ssyncset.s32 $0xFFFFF086  }
0x25: {  	[simem:s6], [sflag:s4] =	dma.local [hbm:s3], $0xF7A  }
0x26: {  	[smem:$0x3F8D] =	sst s1;
	(tag) =	ssettag s2;
	_ =	strace s9  }
0x27: {  	s1 =	sld [smem:$0x3F9D]  }
0x28: {  	s2 =	sld [smem:$0x3F9E]  }
0x29: {  	s4 =	sld [smem:$0x3FA0]  }
0x2a: {  	p0 =	seq.s32 s5, $0x0;
	s5 =	sld [smem:$0x3FA1]  }
0x2b: {  	s6 =	sld [smem:$0x3FA2]  }
0x2c: {  	s7 =	sld [smem:$0x3FA3]  }
0x2d: {  	s3 =	simm.s32 $0x108;
	s8 =	sld [smem:$0x3FA4]  }
0x2e: {  	s3 =	simm.s32 @!p0 $0x1082;
	s9 =	sld [smem:$0x3FA5]  }
0x2f: {  	lr =	sadd.s32 s0, s3;
	s0 =	sld [smem:$0x3F9C]  }
0x30: {  	s3 =	sld [smem:$0x3F9F]  }
0x31: {  	[smem:$0x3FA8] =	sst s10  }
0x32: {  	s10 =	sld [smem:$0x3FA6];
	_ =	sdelay $0x3  }
0x33: {  	p0 =	seq.s32 s10, $0x1;
	s10 =	sld [smem:$0x3FA8];
	_ =	sdelay $0x3  }
0x34: {  	[smem:$0x3FA8] =	sst s10  }
0x35: {  	s10 =	sld [smem:$0x3FA7];
	_ =	sdelay $0x3  }
0x36: {  	p1 =	seq.s32 s10, $0x1;
	s10 =	sld [smem:$0x3FA8];
	_ =	sdelay $0x3  }
0x37: {  	[smem:$0x3FA8] =	sst s10  }
0x38: {  	s10 =	sld [smem:$0x3FA9]  }
0x39: {  	_ = 	snop;
	(pc) =	sbr.ind lr, $3  }
0x3a: {  	_ = 	snop  }
0x3b: {  	_ = 	snop  }
0x3c: {  	p2 =	seq.s32 s10, $0x1;
	s10 =	sld [smem:$0x3FA8]  }
0x3d: {  	_ =	shalt  }
0x3e: {  	_ =	shalt  }
0x3f: {  	_ =	shalt  }
0x40: {  	_ =	shalt  }
0x41: {  	_ =	shalt  }
0x42: {  	_ =	shalt  }
0x43: {  	_ =	shalt  }
0x44: {  	_ =	shalt  }
0x45: {  	_ =	shalt  }
0x46: {  	_ =	shalt  }
0x47: {  	_ =	shalt  }
0x48: {  	_ =	shalt  }
0x49: {  	_ =	shalt  }
0x4a: {  	_ =	shalt  }
0x4b: {  	_ =	shalt  }
0x4c: {  	_ =	shalt  }
0x4d: {  	_ =	shalt  }
0x4e: {  	_ =	shalt  }
0x4f: {  	_ =	shalt  }
0x50: {  	_ =	shalt  }
0x51: {  	_ =	shalt  }
0x52: {  	_ =	shalt  }
0x53: {  	_ =	shalt  }
0x54: {  	_ =	shalt  }
0x55: {  	_ =	shalt  }
0x56: {  	_ =	shalt  }
0x57: {  	_ =	shalt  }
0x58: {  	_ =	shalt  }
0x59: {  	_ =	shalt  }
0x5a: {  	_ =	shalt  }
0x5b: {  	_ =	shalt  }
0x5c: {  	_ =	shalt  }
0x5d: {  	_ =	shalt  }
0x5e: {  	_ =	shalt  }
0x5f: {  	_ =	shalt  }
0x60: {  	_ =	shalt  }
0x61: {  	_ =	shalt  }
0x62: {  	_ =	shalt  }
0x63: {  	_ =	shalt  }
0x64: {  	_ =	shalt  }
0x65: {  	_ =	shalt  }
0x66: {  	_ =	shalt  }
0x67: {  	_ =	shalt  }
0x68: {  	_ =	shalt  }
0x69: {  	_ =	shalt  }
0x6a: {  	_ =	shalt  }
0x6b: {  	_ =	shalt  }
0x6c: {  	_ =	shalt  }
0x6d: {  	_ =	shalt  }
0x6e: {  	_ =	shalt  }
0x6f: {  	_ =	shalt  }
0x70: {  	_ =	shalt  }
0x71: {  	_ =	shalt  }
0x72: {  	_ =	shalt  }
0x73: {  	_ =	shalt  }
0x74: {  	_ =	shalt  }
0x75: {  	_ =	shalt  }
0x76: {  	_ =	shalt  }
0x77: {  	_ =	shalt  }
0x78: {  	_ =	shalt  }
0x79: {  	_ =	shalt  }
0x7a: {  	_ =	shalt  }
0x7b: {  	_ =	shalt  }
0x7c: {  	_ =	shalt  }
0x7d: {  	_ =	shalt  }
0x7e: {  	_ =	shalt  }
0x7f: {  	_ =	shalt  }
0x80: {  	_ =	shalt  }
0x81: {  	_ =	shalt  }
0x82: {  	_ =	shalt  }
0x83: {  	_ =	shalt  }
0x84: {  	_ =	shalt  }
0x85: {  	_ =	shalt  }
0x86: {  	_ =	shalt  }
0x87: {  	_ =	shalt  }
.Lfunc_end0:
.L_simem_size_0:
called_computation.1_lowered:
.L_overlay_start_0:
0x88: {  	s2 =	sld [smem:$0x3FD9]  }
0x89: {  	s3 =	sld [smem:$0x3FFE];
	_ =	sdelay $0x1  }
0x8a: {  	s1 =	srdreg.scid  }
0x8b: {  	s0 =	sand.u32 $0x1, s1  }
0x8c: {  	s17 =	sshll.u32 s0, $0xA;
	s2 =	sadd.s32 s3, s2  }
0x8d: {  	s2 =	sadd.s32 s2, s17  }
0x8e: {  	[smem:$0x3FB4] =	sst s2  }
0x8f: {  	_ = 	snop  }
0x90: {  	s18 =	sld [smem:$0x3FD0];
	(tm) =	ssettm $0x1  }
0x91: {  	s19 =	sld [smem:$0x3FFB];
	_ =	sdelay $0x3  }
0x92: {  	_ =	strace s19  }
0x93: {  	s2 =	sld [smem:$0x3FFC];
	_ =	sdelay $0x3  }
0x94: {  	_ =	strace s2  }
0x95: {  	s2 =	sld [smem:$0x3FFD];
	_ =	sdelay $0x3  }
0x96: {  	_ =	strace s2  }
0x97: {  	_ =	strace $0x8FFFFFFF  }
0x98: {  	s20 =	sld [smem:$0x3FDB];
	_ =	sdelay $0x1  }
0x99: {  	s4 =	simm.s32 $_scs_section_size  }
0x9a: {  	s5 =	simm.s32 $_size__tile_overlayer_lowered;
	s6 =	simm.s32 $_tile_overlayer_lowered  }
0x9b: {  	s7 =	simm.s32 $0x1BFF;
	s21 =	sshll.u32 s6, $0x1;
	s4 =	sadd.s32 s4, s20  }
0x9c: {  	s22 =	simm.s32 $0x0;
	s5 =	sshll.u32 s5, $0x1;
	s6 =	sadd.s32 s21, s4  }
0x9d: {  	[timem:s22], [sflag:s7] =	dma.local [hbm:s6], s5  }
0x9e: {  	_ =	swait.ge [sflag:s7], s5  }
0x9f: {  	s5 =	ssub.s32 $0x0, s5;
	[sflag:s7] =	ssyncset.done $0x0  }
0xa0: {  	[sflag:s7] =	ssyncadd.s32 s5;
	_ =	sdelay $0x1  }
0xa1: {  	s23 =	simm.s32 $0x1B8B  }
0xa2: {  	_ =	swait.ge [sflag:s23], $0x1  }
0xa3: {  	[sflag:s23] =	ssyncset.done $0x0  }
0xa4: {  	[sflag:s23] =	ssyncadd.s32 $0xFFFFFFFF  }
0xa5: {  	s5 =	sld [smem:$0x0]  }
0xa6: {  	s6 =	sand.u32 $0xFFFFFFFE, s1  }
0xa7: {  	p0 =	sne.s32 s1, s6  }
0xa8: {  	s6 =	sshll.u32 @p0 s6, $0xE  }
0xa9: {  	s6 =	sadd.s32 @p0 $0x11B8D, s6;
	s7 =	sshll.u32 @p0 s5, $0x11  }
0xaa: {  	s6 =	sor.u32 @p0 s7, s6  }
0xab: {  	[sflag:s6] =	ssyncadd.remote.s32 @p0 $0x1;
	_ =	sdelay $0x1  }
0xac: {  	s6 =	simm.s32 @p0 $0x1B8D  }
0xad: {  	_ =	swait.eq @p0 [sflag:s6], $0x1  }
0xae: {  	[sflag:s6] =	ssyncadd.s32 @p0 $0xFFFFFFFF  }
0xaf: {  	s7 =	sshll.u32 @!p0 s1, $0xE  }
0xb0: {  	s7 =	sor.u32 @!p0 $0x4000, s7;
	s6 =	simm.s32 @!p0 $0x1B8D  }
0xb1: {  	s5 =	sshll.u32 @!p0 s5, $0x11;
	s7 =	sadd.s32 @!p0 $0x11B8D, s7;
	_ =	swait.eq @!p0 [sflag:s6], $0x1  }
0xb2: {  	s5 =	sor.u32 @!p0 s5, s7;
	[sflag:s6] =	ssyncadd.s32 @!p0 $0xFFFFFFFF  }
0xb3: {  	s25 =	simm.s32 $0x1B8E;
	s24 =	sld [smem:$0x3FFE];
	[sflag:s5] =	ssyncadd.remote.s32 @!p0 $0x1  }
0xb4: {  	s26 =	simm.s32 $execute0_lowered;
	[smem:$0x3FD2] =	sst s25  }
0xb5: {  	s6 =	sshll.u32 s26, $0x1;
	_ =	strace $0x80000061;
	[dreg:$0x1] =	wrdreg $0xFFFFFFFF  }
0xb6: {  	s28 =	simm.s32 $_size_execute0_lowered;
	s4 =	sadd.s32 s4, s6;
	[dreg:$0x0] =	wrdreg $0x0  }
0xb7: {  	s6 =	sshll.u32 s28, $0x1;
	[dreg:$0x2] =	wrdreg s4  }
0xb8: {  	[dreg:$0x3] =	wrdreg s6  }
0xb9: {  	[dreg:$0x4] =	wrdreg $0xC0  }
0xba: {  	_ =	task [dreg:s22], $0x5FFFF  }
0xbb: {  	[dreg:$0x1] =	wrdreg $0xFFFFFFFF  }
0xbc: {  	[dreg:$0x0] =	wrdreg $0x60  }
0xbd: {  	[dreg:$0x2] =	wrdreg s18  }
0xbe: {  	[dreg:$0x3] =	wrdreg s24  }
0xbf: {  	[dreg:$0x4] =	wrdreg $0x48000  }
0xc0: {  	[dreg:$0x5] =	wrdreg $0xB  }
0xc1: {  	_ =	task.clear_ibuf [dreg:s22], $0x6FFFF;
	_ =	strace $0x90000061  }
0xc2: {  	s29 =	simm.s32 $0xB;
	_ =	strace $0x80000063  }
0xc3: {  	_ =	swait.ge [sflag:s29], $0x1  }
0xc4: {  	[sflag:s29] =	ssyncadd.s32 $0xFFFFFFFF  }
0xc5: {  	_ =	strace $0x90000063  }
0xc6: {  	_ =	sfence  }
0xc7: {  	s30 =	sld [smem:$0x0];
	_ =	sdelay $0x2  }
0xc8: {  	s31 =	sshll.u32 s1, $0xD;
	s1 =	sshrl.u32 s1, $0x2  }
0xc9: {  	s4 =	sand.u32 $0x4000, s31;
	s1 =	sadd.s32 s1, s30  }
0xca: {  	s0 =	sor.u32 s4, s0;
	s1 =	sshll.u32 s1, $0x11  }
0xcb: {  	s0 =	sor.u32 s1, s0  }
0xcc: {  	s0 =	sadd.s32 $0x8F2B, s0  }
0xcd: {  	[sflag:s0] =	ssyncadd.remote.s32 $0x1  }
0xce: {  	_ =	sfence.sel $0xFFFF  }
0xcf: {  	[dreg:$0x0] =	wrdreg $0xFFFFFFFF;
	(pc) =	sbr.abs _section_cstart, $3  }
0xd0: {  	[dreg:$0x1] =	wrdreg $0xFFFFFFFF  }
0xd1: {  	_ =	task.clear_ibuf [dreg:s22], $0x2FFFF;
	_ =	strace $0x9FFFFFFF  }
0xd2: {  	(tm) =	ssettm $0x7FFFFFFF  }
0xd3: {  	_ =	shalt  }
tec
execute0_lowered:
.L_overlay_start_1:
0x0: {  	(tag) =	ssettag $0x1  }
0x1: {  	s1 =	rddreg [dreg:$0x0]  }
0x2: {  	s4 =	rddreg [dreg:$0x1]  }
0x3: {  	s2 =	rddreg [dreg:$0x2]  }
0x4: {  	s0 =	rddreg [dreg:$0x3];
	s3 =	simm.s32 $0x0;
	s5 =	srdreg.scid  }
0x5: {  	[smem:$0x7FF] =	sst s3;
	s6 =	sand.u32 $0x1, s5  }
0x6: {  	_ =	strace $0x80000062;
	s5 =	sshll.u32 s6, $0xA;
	s7 =	smul.u32 $0x1AE80, s6  }
0x7: {  	s6 =	ssub.s32 $0x2, s6;
	s8 =	sadd.s32 s5, s4;
	s5 =	sadd.s32 $0x5200, s4  }
0x8: {  	s29 =	sshrl.u32 s6, $0x1;
	s9 =	sadd.s32 s7, s4;
	s4 =	stileid.u32  }
0x9: {  	s13 =	ssub.s32 s6, s29;
	s10 =	smul.u32 $0xD740, s4;
	s11 =	sshll.u32 s4, $0x6  }
0xa: {  	s12 =	sshll.u32 s4, $0xB;
	s14 =	sadd.s32 $0x257E00, s9;
	s6 =	sor.u32 $0x1C01, s11  }
0xb: {  	s30 =	sadd.s32 s12, s8;
	s8 =	smax.u32 s13, $0x1;
	s11 =	simm.s32 $0x2000  }
0xc: {  	s12 =	simm.s32 $0x4000;
	s13 =	simm.s32 $0x80;
	s31 =	sadd.s32 s10, s2  }
0xd: {  	s7 =	sadd.s32 $0x24FE00, s30;
	s15 =	sshrl.u32 s10, $0x3;
	s10 =	simm.s32 $0x1  }
0xe: {  	s9 =	sshrl.u32 s31, $0x3;
	s14 =	sadd.s32 s15, s14;
	s15 =	simm.s32 $0x0  }
.LBB2_1:
0xf: {  	[spmem:s9], [sflag:s6] =	dma.local [hbm:s5], $0x1AE8  }
0x10: {  	_ =	swait.ge [sflag:s10], $0x1AE8  }
0x11: {  	[sflag:s10] =	ssyncset.done $0x0  }
0x12: {  	[sflag:s10] =	ssyncadd.s32 $0xFFFFE518  }
0x13: {  	[bflag:$0x0] =	sbarrier.arrive $0xFFFF  }
0x14: {  	[tilespmem:s3], [sflag:$0x1] =	stream.linear.gather [hbm4b:s7+s3], $0x2000, $0x38;
	[tilespmem:$0x11F40] =	vst v63  }
0x15: {  	_ =	swait.ge [sflag:s10], $0x2000  }
0x16: {  	[sflag:s10] =	ssyncset.done $0x0  }
0x17: {  	[sflag:s10] =	ssyncadd.s32 $0xFFFFE000  }
0x18: {  	[tilespmem:s11], [sflag:$0x1] =	stream.linear.gather [hbm4b:s7+s3], $0x2000, $0x38;
	[tilespmem:$0x11F40] =	vst v63  }
0x19: {  	_ =	swait.ge [sflag:s10], $0x2000  }
0x1a: {  	[sflag:s10] =	ssyncset.done $0x0  }
0x1b: {  	[sflag:s10] =	ssyncadd.s32 $0xFFFFE000  }
0x1c: {  	[tilespmem:s12], [sflag:$0x1] =	stream.linear.gather [hbm4b:s1+s3], $0x400, $0x38;
	[tilespmem:$0x11F40] =	vst v63  }
0x1d: {  	_ =	swait.ge [sflag:s10], $0x400  }
0x1e: {  	[sflag:s10] =	ssyncset.done $0x0  }
0x1f: {  	s16 =	simm.s32 $0x2000;
	[sflag:s10] =	ssyncadd.s32 $0xFFFFFC00  }
0x20: {  	[spmem:s2] =	stream.indirect.scatter.add.f32 [tilespmem:s12], [sflag:$0x1], $0x8, s16, s13, $0xb8;
	[tilespmem:$0x11F40] =	vst v63  }
0x21: {  	s16 =	simm.s32 $0x200;
	_ =	swait.ge [sflag:s10], $0x400  }
.LBB2_2:
0x22: {  	s17 =	sshra.s32 s16, $0x2;
	[sflag:s10] =	ssyncset.done $0x0;
	p0 =	sne.s32 s16, $0x7E00  }
.Ltmp0:
0x23: {  	s17 =	sadd.s32 $0x2000, s17;
	[sflag:s10] =	ssyncadd.s32 $0xFFFFFC00;
	(pc) =	sbr.rel @p0 .LBB2_2-.Ltmp0, $3  }
0x24: {  	[spmem:s2] =	stream.indirect.scatter.add.f32 [tilespmem:s12], [sflag:$0x1], $0x8, s17, s13, $0xb8;
	[tilespmem:$0x11F40] =	vst v63  }
0x25: {  	s16 =	sadd.s32 $0x200, s16;
	_ =	sdelay $0x1  }
0x26: {  	_ =	swait.ge [sflag:s10], $0x400  }
0x27: {  	[sflag:s10] =	ssyncset.done $0x0;
	s15 =	sadd.s32 $0x1, s15  }
0x28: {  	[sflag:s10] =	ssyncadd.s32 $0xFFFFFC00;
	p0 =	sne.s32 s15, s8  }
.Ltmp1:
0x29: {  	[bflag:$0x0] =	sbarrier.arrive $0xFFFF;
	(pc) =	sbr.rel @p0 .LBB2_1-.Ltmp1, $4  }
0x2a: {  	[hbm:s14], [sflag:s6] =	dma.local [spmem:s9], $0x1AE8  }
0x2b: {  	_ =	swait.ge [sflag:s10], $0x1AE8  }
0x2c: {  	[sflag:s10] =	ssyncset.done $0x0  }
0x2d: {  	[sflag:s10] =	ssyncadd.s32 $0xFFFFE518  }
0x2e: {  	_ =	sfence.sel $0x180000  }
0x2f: {  	[bflag:$0x0] =	sbarrier.arrive $0xFFFF  }
0x30: {  	p0 =	sne.s32 s4, $0x0;
	_ =	strace $0x90000062  }
0x31: {  	s0 =	sadd.s32 @!p0 $0x100000, s0;
	[bflag:$0x2] =	sbarrier.arrive $0xFFFF  }
0x32: {  	[sflag:s0] =	ssyncadd.tile.s32 @!p0 $0x1;
	_ =	shalt  }
.Lfunc_end2:
_tile_overlayer_lowered:
.L_overlay_start_2:
0x33: {  	(tag) =	ssettag $0x2  }
0x34: {  	s0 =	rddreg [dreg:$0x0];
	s2 =	stileid.u32  }
0x35: {  	s1 =	rddreg [dreg:$0x1];
	p0 =	sne.s32 s2, $0x0  }
0x36: {  	s3 =	rddreg [dreg:$0x2];
	[bflag:$0x3] =	sbarrier.arrive $0xFFFF;
	s2 =	simm.s32 @!p0 $0x1C01  }
0x37: {  	[timem:s3], [sflag:s2] =	dma.local @!p0 [hbm:s0], s1  }
0x38: {  	s0 =	simm.s32 @!p0 $0x1  }
0x39: {  	_ =	swait.ge @!p0 [sflag:s0], s1  }
0x3a: {  	s1 =	ssub.s32 @!p0 $0x0, s1;
	[sflag:s0] =	ssyncset.done @!p0 $0x0  }
0x3b: {  	[sflag:s0] =	ssyncadd.s32 @!p0 s1  }
0x3c: {  	[bflag:$0x3] =	sbarrier.arrive $0xFFFF  }
0x3d: {  	_ =	shalt  }

// kernel: kernel.25.cloned.1.call-start
scs
__scs_entry_jumppad:
0x0: {  	(pc) =	sbr.rel $0x88, $3  }
0x1: {  	(tag) =	ssettag $0x0;
	lr =	simm.s32 $0x1  }
0x2: {  	[smem:$0x3F8D] =	sst lr;
	_ =	strace $0xD0000000  }
0x3: {  	_ = 	snop  }
0x4: {  	_ = 	snop  }
0x5: {  	_ = 	snop  }
0x6: {  	_ = 	snop  }
0x7: {  	_ = 	snop  }
__scs_overlays_trampoline_lowered:
0x8: {  	[smem:$0x3F9C] =	sst s0  }
0x9: {  	[smem:$0x3F9D] =	sst s1  }
0xa: {  	[smem:$0x3F9E] =	sst s2  }
0xb: {  	[smem:$0x3F9F] =	sst s3  }
0xc: {  	[smem:$0x3FA0] =	sst s4  }
0xd: {  	[smem:$0x3FA1] =	sst s5  }
0xe: {  	[smem:$0x3FA2] =	sst s6  }
0xf: {  	[smem:$0x3FA3] =	sst s7  }
0x10: {  	[smem:$0x3FA4] =	sst s8  }
0x11: {  	[smem:$0x3FA5] =	sst s9;
	s0 =	simm.s32 @!p0 $0x0  }
0x12: {  	s1 =	sld [smem:$0x3F8B];
	s0 =	simm.s32 @p0 $0x1  }
0x13: {  	[smem:$0x3FA6] =	sst s0;
	s0 =	simm.s32 @!p1 $0x0  }
0x14: {  	s2 =	sld [smem:$0x3F8A];
	s0 =	simm.s32 @p1 $0x1  }
0x15: {  	[smem:$0x3FA7] =	sst s0;
	s0 =	simm.s32 @!p2 $0x0  }
0x16: {  	s3 =	sld [smem:$0x3FDB];
	s0 =	simm.s32 @p2 $0x1  }
0x17: {  	s4 =	simm.s32 $0x1BF5;
	[smem:$0x3FA9] =	sst s0  }
0x18: {  	s0 =	sld [smem:$0x3F8C];
	_ =	swait.ge [sflag:s4], $0x0  }
0x19: {  	s7 =	sld [smem:$0x3F8D]  }
0x1a: {  	s8 =	sadd.s32 $0xFFFFE003, lr  }
0x1b: {  	s9 =	sadd.s32 $0xFFFFFEF7, lr;
	s5 =	simm.s32 $0xFFFFFFFF;
	p2 =	slt.u32 s8, $0xFFFFF086  }
0x1c: {  	p1 =	slt.u32 s9, $0xF7A;
	s5 =	simm.s32 @!p2 $0x0  }
0x1d: {  	s5 =	simm.s32 @p1 $0x1;
	p0 =	seq.s32 s7, s2  }
0x1e: {  	s7 =	smul.u32 @!p0 $0xF7A, s2;
	p2 =	seq.s32 @!p0 s5, $0x0  }
0x1f: {  	s9 =	smul.u32 $0xF7A, s1;
	s8 =	simm.s32 @!p0 $0x1BF5;
	p2 =	por !p2, p0  }
0x20: {  	[sflag:s8] =	ssyncset.s32 @!p0 $0xFFFFF086;
	s6 =	sadd.s32 @!p0 s3, s7;
	s7 =	simm.s32 @!p0 $0x108  }
0x21: {  	s3 =	sadd.s32 s3, s9;
	s6 =	sadd.s32 @!p0 $0x88, s6;
	s7 =	simm.s32 @p2 $0x1082  }
0x22: {  	[simem:s7], [sflag:s8] =	dma.local @!p0 [hbm:s6], $0xF7A  }
0x23: {  	s9 =	sor.u32 $0xD0000000, s2;
	s6 =	simm.s32 $0x108;
	_ =	swait.ge @!p0 [sflag:s8], $0x0  }
0x24: {  	s3 =	sadd.s32 $0x88, s3;
	s6 =	simm.s32 @!p1 $0x1082;
	[sflag:s4] =	ssyncset.s32 $0xFFFFF086  }
0x25: {  	[simem:s6], [sflag:s4] =	dma.local [hbm:s3], $0xF7A  }
0x26: {  	[smem:$0x3F8D] =	sst s1;
	(tag) =	ssettag s2;
	_ =	strace s9  }
0x27: {  	s1 =	sld [smem:$0x3F9D]  }
0x28: {  	s2 =	sld [smem:$0x3F9E]  }
0x29: {  	s4 =	sld [smem:$0x3FA0]  }
0x2a: {  	p0 =	seq.s32 s5, $0x0;
	s5 =	sld [smem:$0x3FA1]  }
0x2b: {  	s6 =	sld [smem:$0x3FA2]  }
0x2c: {  	s7 =	sld [smem:$0x3FA3]  }
0x2d: {  	s3 =	simm.s32 $0x108;
	s8 =	sld [smem:$0x3FA4]  }
0x2e: {  	s3 =	simm.s32 @!p0 $0x1082;
	s9 =	sld [smem:$0x3FA5]  }
0x2f: {  	lr =	sadd.s32 s0, s3;
	s0 =	sld [smem:$0x3F9C]  }
0x30: {  	s3 =	sld [smem:$0x3F9F]  }
0x31: {  	[smem:$0x3FA8] =	sst s10  }
0x32: {  	s10 =	sld [smem:$0x3FA6];
	_ =	sdelay $0x3  }
0x33: {  	p0 =	seq.s32 s10, $0x1;
	s10 =	sld [smem:$0x3FA8];
	_ =	sdelay $0x3  }
0x34: {  	[smem:$0x3FA8] =	sst s10  }
0x35: {  	s10 =	sld [smem:$0x3FA7];
	_ =	sdelay $0x3  }
0x36: {  	p1 =	seq.s32 s10, $0x1;
	s10 =	sld [smem:$0x3FA8];
	_ =	sdelay $0x3  }
0x37: {  	[smem:$0x3FA8] =	sst s10  }
0x38: {  	s10 =	sld [smem:$0x3FA9]  }
0x39: {  	_ = 	snop;
	(pc) =	sbr.ind lr, $3  }
0x3a: {  	_ = 	snop  }
0x3b: {  	_ = 	snop  }
0x3c: {  	p2 =	seq.s32 s10, $0x1;
	s10 =	sld [smem:$0x3FA8]  }
0x3d: {  	_ =	shalt  }
0x3e: {  	_ =	shalt  }
0x3f: {  	_ =	shalt  }
0x40: {  	_ =	shalt  }
0x41: {  	_ =	shalt  }
0x42: {  	_ =	shalt  }
0x43: {  	_ =	shalt  }
0x44: {  	_ =	shalt  }
0x45: {  	_ =	shalt  }
0x46: {  	_ =	shalt  }
0x47: {  	_ =	shalt  }
0x48: {  	_ =	shalt  }
0x49: {  	_ =	shalt  }
0x4a: {  	_ =	shalt  }
0x4b: {  	_ =	shalt  }
0x4c: {  	_ =	shalt  }
0x4d: {  	_ =	shalt  }
0x4e: {  	_ =	shalt  }
0x4f: {  	_ =	shalt  }
0x50: {  	_ =	shalt  }
0x51: {  	_ =	shalt  }
0x52: {  	_ =	shalt  }
0x53: {  	_ =	shalt  }
0x54: {  	_ =	shalt  }
0x55: {  	_ =	shalt  }
0x56: {  	_ =	shalt  }
0x57: {  	_ =	shalt  }
0x58: {  	_ =	shalt  }
0x59: {  	_ =	shalt  }
0x5a: {  	_ =	shalt  }
0x5b: {  	_ =	shalt  }
0x5c: {  	_ =	shalt  }
0x5d: {  	_ =	shalt  }
0x5e: {  	_ =	shalt  }
0x5f: {  	_ =	shalt  }
0x60: {  	_ =	shalt  }
0x61: {  	_ =	shalt  }
0x62: {  	_ =	shalt  }
0x63: {  	_ =	shalt  }
0x64: {  	_ =	shalt  }
0x65: {  	_ =	shalt  }
0x66: {  	_ =	shalt  }
0x67: {  	_ =	shalt  }
0x68: {  	_ =	shalt  }
0x69: {  	_ =	shalt  }
0x6a: {  	_ =	shalt  }
0x6b: {  	_ =	shalt  }
0x6c: {  	_ =	shalt  }
0x6d: {  	_ =	shalt  }
0x6e: {  	_ =	shalt  }
0x6f: {  	_ =	shalt  }
0x70: {  	_ =	shalt  }
0x71: {  	_ =	shalt  }
0x72: {  	_ =	shalt  }
0x73: {  	_ =	shalt  }
0x74: {  	_ =	shalt  }
0x75: {  	_ =	shalt  }
0x76: {  	_ =	shalt  }
0x77: {  	_ =	shalt  }
0x78: {  	_ =	shalt  }
0x79: {  	_ =	shalt  }
0x7a: {  	_ =	shalt  }
0x7b: {  	_ =	shalt  }
0x7c: {  	_ =	shalt  }
0x7d: {  	_ =	shalt  }
0x7e: {  	_ =	shalt  }
0x7f: {  	_ =	shalt  }
0x80: {  	_ =	shalt  }
0x81: {  	_ =	shalt  }
0x82: {  	_ =	shalt  }
0x83: {  	_ =	shalt  }
0x84: {  	_ =	shalt  }
0x85: {  	_ =	shalt  }
0x86: {  	_ =	shalt  }
0x87: {  	_ =	shalt  }
.Lfunc_end0:
.L_simem_size_0:
called_computation.2_lowered:
.L_overlay_start_0:
0x88: {  	s2 =	sld [smem:$0x3FD9]  }
0x89: {  	s3 =	sld [smem:$0x3FFE];
	_ =	sdelay $0x1  }
0x8a: {  	s1 =	srdreg.scid  }
0x8b: {  	s0 =	sand.u32 $0x1, s1  }
0x8c: {  	s17 =	sshll.u32 s0, $0xA;
	s2 =	sadd.s32 s3, s2  }
0x8d: {  	s2 =	sadd.s32 s2, s17  }
0x8e: {  	[smem:$0x3FB4] =	sst s2  }
0x8f: {  	_ = 	snop  }
0x90: {  	(tm) =	ssettm $0x1  }
0x91: {  	s18 =	sld [smem:$0x3FFB];
	_ =	sdelay $0x3  }
0x92: {  	_ =	strace s18  }
0x93: {  	s2 =	sld [smem:$0x3FFC];
	_ =	sdelay $0x3  }
0x94: {  	_ =	strace s2  }
0x95: {  	s2 =	sld [smem:$0x3FFD];
	_ =	sdelay $0x3  }
0x96: {  	_ =	strace s2  }
0x97: {  	_ =	strace $0x8FFFFFFF  }
0x98: {  	s19 =	sld [smem:$0x3FDB];
	_ =	sdelay $0x1  }
0x99: {  	s20 =	simm.s32 $_scs_section_size  }
0x9a: {  	s4 =	simm.s32 $_size__tile_overlayer_lowered;
	s5 =	simm.s32 $_tile_overlayer_lowered  }
0x9b: {  	s6 =	simm.s32 $0x1BFF;
	s21 =	sshll.u32 s5, $0x1;
	s3 =	sadd.s32 s20, s19  }
0x9c: {  	s22 =	simm.s32 $0x0;
	s4 =	sshll.u32 s4, $0x1;
	s5 =	sadd.s32 s21, s3  }
0x9d: {  	[timem:s22], [sflag:s6] =	dma.local [hbm:s5], s4  }
0x9e: {  	_ =	swait.ge [sflag:s6], s4  }
0x9f: {  	s4 =	ssub.s32 $0x0, s4;
	[sflag:s6] =	ssyncset.done $0x0  }
0xa0: {  	[sflag:s6] =	ssyncadd.s32 s4;
	_ =	sdelay $0x1  }
0xa1: {  	s23 =	simm.s32 $0x1B8B  }
0xa2: {  	_ =	swait.ge [sflag:s23], $0x1  }
0xa3: {  	[sflag:s23] =	ssyncset.done $0x0  }
0xa4: {  	[sflag:s23] =	ssyncadd.s32 $0xFFFFFFFF  }
0xa5: {  	s4 =	sld [smem:$0x0]  }
0xa6: {  	s5 =	sand.u32 $0xFFFFFFFE, s1  }
0xa7: {  	p0 =	sne.s32 s1, s5  }
0xa8: {  	s5 =	sshll.u32 @p0 s5, $0xE  }
0xa9: {  	s5 =	sadd.s32 @p0 $0x11B8D, s5;
	s6 =	sshll.u32 @p0 s4, $0x11  }
0xaa: {  	s5 =	sor.u32 @p0 s6, s5  }
0xab: {  	[sflag:s5] =	ssyncadd.remote.s32 @p0 $0x1;
	_ =	sdelay $0x1  }
0xac: {  	s5 =	simm.s32 @p0 $0x1B8D  }
0xad: {  	_ =	swait.eq @p0 [sflag:s5], $0x1  }
0xae: {  	[sflag:s5] =	ssyncadd.s32 @p0 $0xFFFFFFFF  }
0xaf: {  	s6 =	sshll.u32 @!p0 s1, $0xE  }
0xb0: {  	s6 =	sor.u32 @!p0 $0x4000, s6;
	s5 =	simm.s32 @!p0 $0x1B8D  }
0xb1: {  	s4 =	sshll.u32 @!p0 s4, $0x11;
	s6 =	sadd.s32 @!p0 $0x11B8D, s6;
	_ =	swait.eq @!p0 [sflag:s5], $0x1  }
0xb2: {  	s4 =	sor.u32 @!p0 s4, s6;
	[sflag:s5] =	ssyncadd.s32 @!p0 $0xFFFFFFFF  }
0xb3: {  	s25 =	simm.s32 $0x1B8E;
	s24 =	sld [smem:$0x3FFE];
	[sflag:s4] =	ssyncadd.remote.s32 @!p0 $0x1  }
0xb4: {  	s26 =	simm.s32 $execute0_lowered;
	[smem:$0x3FD2] =	sst s25  }
0xb5: {  	s5 =	sshll.u32 s26, $0x1;
	_ =	strace $0x8000005B;
	[dreg:$0x1] =	wrdreg $0xFFFFFFFF  }
0xb6: {  	s28 =	simm.s32 $_size_execute0_lowered;
	s3 =	sadd.s32 s3, s5;
	[dreg:$0x0] =	wrdreg $0x0  }
0xb7: {  	s5 =	sshll.u32 s28, $0x1;
	[dreg:$0x2] =	wrdreg s3  }
0xb8: {  	[dreg:$0x3] =	wrdreg s5  }
0xb9: {  	[dreg:$0x4] =	wrdreg $0xC0  }
0xba: {  	_ =	task [dreg:s22], $0x5FFFF  }
0xbb: {  	[dreg:$0x1] =	wrdreg $0xFFFFFFFF  }
0xbc: {  	[dreg:$0x0] =	wrdreg $0x60  }
0xbd: {  	[dreg:$0x2] =	wrdreg s24  }
0xbe: {  	[dreg:$0x3] =	wrdreg $0x88000  }
0xbf: {  	[dreg:$0x4] =	wrdreg $0xC  }
0xc0: {  	_ =	task.clear_ibuf [dreg:s22], $0x5FFFF;
	_ =	strace $0x9000005B  }
0xc1: {  	s29 =	simm.s32 $0xC;
	_ =	strace $0x8000005D  }
0xc2: {  	_ =	swait.ge [sflag:s29], $0x1  }
0xc3: {  	[sflag:s29] =	ssyncadd.s32 $0xFFFFFFFF  }
0xc4: {  	_ =	strace $0x9000005D  }
0xc5: {  	_ =	sfence  }
0xc6: {  	s30 =	sld [smem:$0x0];
	_ =	sdelay $0x2  }
0xc7: {  	s31 =	sshll.u32 s1, $0xD;
	s1 =	sshrl.u32 s1, $0x2  }
0xc8: {  	s4 =	sand.u32 $0x4000, s31;
	s1 =	sadd.s32 s1, s30  }
0xc9: {  	s0 =	sor.u32 s4, s0;
	s1 =	sshll.u32 s1, $0x11  }
0xca: {  	s0 =	sor.u32 s1, s0  }
0xcb: {  	s0 =	sadd.s32 $0x8F2B, s0  }
0xcc: {  	[sflag:s0] =	ssyncadd.remote.s32 $0x1  }
0xcd: {  	_ =	sfence.sel $0xFFFF  }
0xce: {  	[dreg:$0x0] =	wrdreg $0xFFFFFFFF;
	(pc) =	sbr.abs _section_cstart, $3  }
0xcf: {  	[dreg:$0x1] =	wrdreg $0xFFFFFFFF  }
0xd0: {  	_ =	task.clear_ibuf [dreg:s22], $0x2FFFF;
	_ =	strace $0x9FFFFFFF  }
0xd1: {  	(tm) =	ssettm $0x7FFFFFFF  }
tec
execute0_lowered:
.L_overlay_start_1:
0x0: {  	(tag) =	ssettag $0x1  }
0x1: {  	s6 =	rddreg [dreg:$0x0]  }
0x2: {  	s2 =	rddreg [dreg:$0x1];
	s3 =	srdreg.scid  }
0x3: {  	s0 =	rddreg [dreg:$0x2];
	s1 =	stileid.u32  }
0x4: {  	s13 =	simm.s32 $0x80;
	s14 =	simm.s32 $0x1;
	s15 =	simm.s32 $0x7F80  }
0x5: {  	s16 =	simm.s32 $0x8400;
	s7 =	sand.u32 $0x1, s3;
	s3 =	simm.s32 $0x0  }
0x6: {  	s4 =	sshll.u32 s1, $0xC;
	s11 =	smul.u32 $0xC380, s1;
	s12 =	sshll.u32 s1, $0x6  }
0x7: {  	s5 =	sshll.u32 s7, $0xB;
	[smem:$0x7FF] =	sst s3;
	s9 =	smul.u32 $0x18700, s7  }
0x8: {  	s7 =	ssub.s32 $0x2, s7;
	s5 =	sor.u32 s5, s4;
	_ =	strace $0x8000005C  }
0x9: {  	s4 =	sadd.s32 $0x1DDE00, s6;
	s10 =	sshrl.u32 s7, $0x1;
	s31 =	sadd.s32 s11, s2  }
0xa: {  	s18 =	sshrl.u32 s11, $0x3;
	s11 =	simm.s32 $0x2;
	s8 =	sadd.s32 s5, s6  }
0xb: {  	s5 =	sadd.s32 $0x39E00, s6;
	s9 =	sadd.s32 s9, s6;
	s10 =	ssub.s32 s7, s10  }
0xc: {  	s6 =	sor.u32 $0x1C02, s12;
	s12 =	simm.s32 $0x8000;
	s7 =	sadd.s32 $0x116800, s8  }
0xd: {  	s8 =	sadd.s32 $0x106800, s8;
	s17 =	sadd.s32 $0x1EA200, s9;
	s9 =	smax.u32 s10, $0x1  }
0xe: {  	s10 =	sshrl.u32 s31, $0x3;
	s17 =	sadd.s32 s18, s17;
	s18 =	simm.s32 $0x0  }
.LBB2_1:
0xf: {  	[spmem:s10], [sflag:s6] =	dma.local [hbm:s5], $0x1870  }
0x10: {  	_ =	swait.ge [sflag:s11], $0x1870  }
0x11: {  	[sflag:s11] =	ssyncset.done $0x0  }
0x12: {  	[sflag:s11] =	ssyncadd.s32 $0xFFFFE790  }
0x13: {  	[bflag:$0x0] =	sbarrier.arrive $0xFFFF  }
0x14: {  	[tilespmem:s3], [sflag:$0x2] =	stream.linear.gather [hbm4b:s7+s3], $0x4000, $0x38;
	[tilespmem:$0x14B80] =	vst v63  }
0x15: {  	_ =	swait.ge [sflag:s11], $0x4000  }
0x16: {  	[sflag:s11] =	ssyncset.done $0x0  }
0x17: {  	s19 =	simm.s32 $0x4000;
	[sflag:s11] =	ssyncadd.s32 $0xFFFFC000  }
0x18: {  	[tilespmem:s19], [sflag:$0x2] =	stream.linear.gather [hbm4b:s8+s3], $0x4000, $0x38;
	[tilespmem:$0x14B80] =	vst v63  }
0x19: {  	_ =	swait.ge [sflag:s11], $0x4000  }
0x1a: {  	s20 =	simm.s32 $0x400;
	[sflag:s11] =	ssyncset.done $0x0  }
0x1b: {  	s21 =	sand.u32 $0x400, s20;
	[sflag:s11] =	ssyncadd.s32 $0xFFFFC000  }
0x1c: {  	[tilespmem:s12], [sflag:$0x1] =	stream.indirect.gather [hbm4b:s4+s13], $0x8, s3, s13, $0xb8;
	[tilespmem:$0x14B80] =	vst v63  }
0x1d: {  	s21 =	sor.u32 $0x8000, s21  }
0x1e: {  	[tilespmem:s21], [sflag:$0x1] =	stream.indirect.gather [hbm4b:s4+s13], $0x8, s13, s13, $0xb8;
	[tilespmem:$0x14B80] =	vst v63  }
0x1f: {  	_ =	swait.ge [sflag:s14], $0x400  }
0x20: {  	s31 =	sand.u32 $0x400, s3;
	[sflag:s14] =	ssyncset.done $0x0  }
0x21: {  	s22 =	sor.u32 $0x8000, s31;
	s21 =	simm.s32 $0x80;
	[sflag:s14] =	ssyncadd.s32 $0xFFFFFC00  }
.LBB2_2:
0x22: {  	[spmem:s2] =	stream.indirect.scatter.add.f32 [tilespmem:s22], [sflag:$0x2], $0x8, s19, s13, $0xb8;
	[tilespmem:$0x14B80] =	vst v63  }
0x23: {  	s22 =	smov.u32 s20  }
0x24: {  	p0 =	sne.s32 s20, $0x1F800;
	s20 =	sadd.s32 $0x400, s20;
	_ =	swait.ge [sflag:s11], $0x400  }
0x25: {  	s21 =	sadd.s32 $0x80, s21;
	s23 =	sand.u32 $0x400, s20;
	[sflag:s11] =	ssyncset.done $0x0  }
.Ltmp0:
0x26: {  	s23 =	sor.u32 $0x8000, s23;
	[sflag:s11] =	ssyncadd.s32 $0xFFFFFC00;
	(pc) =	sbr.rel @p0 .LBB2_2-.Ltmp0, $4  }
0x27: {  	[tilespmem:s23], [sflag:$0x1] =	stream.indirect.gather [hbm4b:s4+s13], $0x8, s21, s13, $0xb8;
	[tilespmem:$0x14B80] =	vst v63  }
0x28: {  	_ =	swait.ge [sflag:s14], $0x400  }
0x29: {  	s22 =	sand.u32 $0x400, s22;
	[sflag:s14] =	ssyncset.done $0x0  }
0x2a: {  	s19 =	sadd.s32 $0x80, s19;
	s22 =	sor.u32 $0x8000, s22;
	[sflag:s14] =	ssyncadd.s32 $0xFFFFFC00  }
0x2b: {  	[spmem:s2] =	stream.indirect.scatter.add.f32 [tilespmem:s22], [sflag:$0x2], $0x8, s19, s13, $0xb8;
	[tilespmem:$0x14B80] =	vst v63  }
0x2c: {  	_ =	swait.ge [sflag:s11], $0x400  }
0x2d: {  	[sflag:s11] =	ssyncset.done $0x0  }
0x2e: {  	[sflag:s11] =	ssyncadd.s32 $0xFFFFFC00  }
0x2f: {  	_ =	swait.ge [sflag:s14], $0x400  }
0x30: {  	[sflag:s14] =	ssyncset.done $0x0  }
0x31: {  	[sflag:s14] =	ssyncadd.s32 $0xFFFFFC00  }
0x32: {  	[spmem:s2] =	stream.indirect.scatter.add.f32 [tilespmem:s16], [sflag:$0x2], $0x8, s15, s13, $0xb8;
	[tilespmem:$0x14B80] =	vst v63  }
0x33: {  	_ =	swait.ge [sflag:s11], $0x400  }
0x34: {  	s18 =	sadd.s32 $0x1, s18;
	[sflag:s11] =	ssyncset.done $0x0  }
0x35: {  	p0 =	sne.s32 s18, s9;
	[sflag:s11] =	ssyncadd.s32 $0xFFFFFC00  }
.Ltmp1:
0x36: {  	[bflag:$0x0] =	sbarrier.arrive $0xFFFF;
	(pc) =	sbr.rel @p0 .LBB2_1-.Ltmp1, $4  }
0x37: {  	[hbm:s17], [sflag:s6] =	dma.local [spmem:s10], $0x1870  }
0x38: {  	_ =	swait.ge [sflag:s11], $0x1870  }
0x39: {  	[sflag:s11] =	ssyncset.done $0x0  }
0x3a: {  	[sflag:s11] =	ssyncadd.s32 $0xFFFFE790  }
0x3b: {  	_ =	sfence.sel $0x180000  }
0x3c: {  	[bflag:$0x0] =	sbarrier.arrive $0xFFFF  }
0x3d: {  	p0 =	sne.s32 s1, $0x0;
	_ =	strace $0x9000005C  }
0x3e: {  	s0 =	sadd.s32 @!p0 $0x100000, s0;
	[bflag:$0x2] =	sbarrier.arrive $0xFFFF  }
0x3f: {  	[sflag:s0] =	ssyncadd.tile.s32 @!p0 $0x1;
	_ =	shalt  }
.Lfunc_end2:
_tile_overlayer_lowered:
.L_overlay_start_2:
0x40: {  	(tag) =	ssettag $0x2  }
0x41: {  	s0 =	rddreg [dreg:$0x0];
	s2 =	stileid.u32  }
0x42: {  	s1 =	rddreg [dreg:$0x1];
	p0 =	sne.s32 s2, $0x0  }
0x43: {  	s3 =	rddreg [dreg:$0x2];
	[bflag:$0x3] =	sbarrier.arrive $0xFFFF;
	s2 =	simm.s32 @!p0 $0x1C02  }
0x44: {  	[timem:s3], [sflag:s2] =	dma.local @!p0 [hbm:s0], s1  }
0x45: {  	s0 =	simm.s32 @!p0 $0x2  }
0x46: {  	_ =	swait.ge @!p0 [sflag:s0], s1  }
0x47: {  	s1 =	ssub.s32 @!p0 $0x0, s1;
	[sflag:s0] =	ssyncset.done @!p0 $0x0  }
0x48: {  	[sflag:s0] =	ssyncadd.s32 @!p0 s1  }
0x49: {  	[bflag:$0x3] =	sbarrier.arrive $0xFFFF  }
0x4a: {  	_ =	shalt  }

// kernel: kernel.28.cloned.1.call-start
scs
__scs_entry_jumppad:
0x0: {  	(pc) =	sbr.rel $0x88, $3  }
0x1: {  	(tag) =	ssettag $0x0;
	lr =	simm.s32 $0x1  }
0x2: {  	[smem:$0x3F8D] =	sst lr;
	_ =	strace $0xD0000000  }
0x3: {  	_ = 	snop  }
0x4: {  	_ = 	snop  }
0x5: {  	_ = 	snop  }
0x6: {  	_ = 	snop  }
0x7: {  	_ = 	snop  }
__scs_overlays_trampoline_lowered:
0x8: {  	[smem:$0x3F9C] =	sst s0  }
0x9: {  	[smem:$0x3F9D] =	sst s1  }
0xa: {  	[smem:$0x3F9E] =	sst s2  }
0xb: {  	[smem:$0x3F9F] =	sst s3  }
0xc: {  	[smem:$0x3FA0] =	sst s4  }
0xd: {  	[smem:$0x3FA1] =	sst s5  }
0xe: {  	[smem:$0x3FA2] =	sst s6  }
0xf: {  	[smem:$0x3FA3] =	sst s7  }
0x10: {  	[smem:$0x3FA4] =	sst s8  }
0x11: {  	[smem:$0x3FA5] =	sst s9;
	s0 =	simm.s32 @!p0 $0x0  }
0x12: {  	s1 =	sld [smem:$0x3F8B];
	s0 =	simm.s32 @p0 $0x1  }
0x13: {  	[smem:$0x3FA6] =	sst s0;
	s0 =	simm.s32 @!p1 $0x0  }
0x14: {  	s2 =	sld [smem:$0x3F8A];
	s0 =	simm.s32 @p1 $0x1  }
0x15: {  	[smem:$0x3FA7] =	sst s0;
	s0 =	simm.s32 @!p2 $0x0  }
0x16: {  	s3 =	sld [smem:$0x3FDB];
	s0 =	simm.s32 @p2 $0x1  }
0x17: {  	s4 =	simm.s32 $0x1BF5;
	[smem:$0x3FA9] =	sst s0  }
0x18: {  	s0 =	sld [smem:$0x3F8C];
	_ =	swait.ge [sflag:s4], $0x0  }
0x19: {  	s7 =	sld [smem:$0x3F8D]  }
0x1a: {  	s8 =	sadd.s32 $0xFFFFE003, lr  }
0x1b: {  	s9 =	sadd.s32 $0xFFFFFEF7, lr;
	s5 =	simm.s32 $0xFFFFFFFF;
	p2 =	slt.u32 s8, $0xFFFFF086  }
0x1c: {  	p1 =	slt.u32 s9, $0xF7A;
	s5 =	simm.s32 @!p2 $0x0  }
0x1d: {  	s5 =	simm.s32 @p1 $0x1;
	p0 =	seq.s32 s7, s2  }
0x1e: {  	s7 =	smul.u32 @!p0 $0xF7A, s2;
	p2 =	seq.s32 @!p0 s5, $0x0  }
0x1f: {  	s9 =	smul.u32 $0xF7A, s1;
	s8 =	simm.s32 @!p0 $0x1BF5;
	p2 =	por !p2, p0  }
0x20: {  	[sflag:s8] =	ssyncset.s32 @!p0 $0xFFFFF086;
	s6 =	sadd.s32 @!p0 s3, s7;
	s7 =	simm.s32 @!p0 $0x108  }
0x21: {  	s3 =	sadd.s32 s3, s9;
	s6 =	sadd.s32 @!p0 $0x88, s6;
	s7 =	simm.s32 @p2 $0x1082  }
0x22: {  	[simem:s7], [sflag:s8] =	dma.local @!p0 [hbm:s6], $0xF7A  }
0x23: {  	s9 =	sor.u32 $0xD0000000, s2;
	s6 =	simm.s32 $0x108;
	_ =	swait.ge @!p0 [sflag:s8], $0x0  }
0x24: {  	s3 =	sadd.s32 $0x88, s3;
	s6 =	simm.s32 @!p1 $0x1082;
	[sflag:s4] =	ssyncset.s32 $0xFFFFF086  }
0x25: {  	[simem:s6], [sflag:s4] =	dma.local [hbm:s3], $0xF7A  }
0x26: {  	[smem:$0x3F8D] =	sst s1;
	(tag) =	ssettag s2;
	_ =	strace s9  }
0x27: {  	s1 =	sld [smem:$0x3F9D]  }
0x28: {  	s2 =	sld [smem:$0x3F9E]  }
0x29: {  	s4 =	sld [smem:$0x3FA0]  }
0x2a: {  	p0 =	seq.s32 s5, $0x0;
	s5 =	sld [smem:$0x3FA1]  }
0x2b: {  	s6 =	sld [smem:$0x3FA2]  }
0x2c: {  	s7 =	sld [smem:$0x3FA3]  }
0x2d: {  	s3 =	simm.s32 $0x108;
	s8 =	sld [smem:$0x3FA4]  }
0x2e: {  	s3 =	simm.s32 @!p0 $0x1082;
	s9 =	sld [smem:$0x3FA5]  }
0x2f: {  	lr =	sadd.s32 s0, s3;
	s0 =	sld [smem:$0x3F9C]  }
0x30: {  	s3 =	sld [smem:$0x3F9F]  }
0x31: {  	[smem:$0x3FA8] =	sst s10  }
0x32: {  	s10 =	sld [smem:$0x3FA6];
	_ =	sdelay $0x3  }
0x33: {  	p0 =	seq.s32 s10, $0x1;
	s10 =	sld [smem:$0x3FA8];
	_ =	sdelay $0x3  }
0x34: {  	[smem:$0x3FA8] =	sst s10  }
0x35: {  	s10 =	sld [smem:$0x3FA7];
	_ =	sdelay $0x3  }
0x36: {  	p1 =	seq.s32 s10, $0x1;
	s10 =	sld [smem:$0x3FA8];
	_ =	sdelay $0x3  }
0x37: {  	[smem:$0x3FA8] =	sst s10  }
0x38: {  	s10 =	sld [smem:$0x3FA9]  }
0x39: {  	_ = 	snop;
	(pc) =	sbr.ind lr, $3  }
0x3a: {  	_ = 	snop  }
0x3b: {  	_ = 	snop  }
0x3c: {  	p2 =	seq.s32 s10, $0x1;
	s10 =	sld [smem:$0x3FA8]  }
0x3d: {  	_ =	shalt  }
0x3e: {  	_ =	shalt  }
0x3f: {  	_ =	shalt  }
0x40: {  	_ =	shalt  }
0x41: {  	_ =	shalt  }
0x42: {  	_ =	shalt  }
0x43: {  	_ =	shalt  }
0x44: {  	_ =	shalt  }
0x45: {  	_ =	shalt  }
0x46: {  	_ =	shalt  }
0x47: {  	_ =	shalt  }
0x48: {  	_ =	shalt  }
0x49: {  	_ =	shalt  }
0x4a: {  	_ =	shalt  }
0x4b: {  	_ =	shalt  }
0x4c: {  	_ =	shalt  }
0x4d: {  	_ =	shalt  }
0x4e: {  	_ =	shalt  }
0x4f: {  	_ =	shalt  }
0x50: {  	_ =	shalt  }
0x51: {  	_ =	shalt  }
0x52: {  	_ =	shalt  }
0x53: {  	_ =	shalt  }
0x54: {  	_ =	shalt  }
0x55: {  	_ =	shalt  }
0x56: {  	_ =	shalt  }
0x57: {  	_ =	shalt  }
0x58: {  	_ =	shalt  }
0x59: {  	_ =	shalt  }
0x5a: {  	_ =	shalt  }
0x5b: {  	_ =	shalt  }
0x5c: {  	_ =	shalt  }
0x5d: {  	_ =	shalt  }
0x5e: {  	_ =	shalt  }
0x5f: {  	_ =	shalt  }
0x60: {  	_ =	shalt  }
0x61: {  	_ =	shalt  }
0x62: {  	_ =	shalt  }
0x63: {  	_ =	shalt  }
0x64: {  	_ =	shalt  }
0x65: {  	_ =	shalt  }
0x66: {  	_ =	shalt  }
0x67: {  	_ =	shalt  }
0x68: {  	_ =	shalt  }
0x69: {  	_ =	shalt  }
0x6a: {  	_ =	shalt  }
0x6b: {  	_ =	shalt  }
0x6c: {  	_ =	shalt  }
0x6d: {  	_ =	shalt  }
0x6e: {  	_ =	shalt  }
0x6f: {  	_ =	shalt  }
0x70: {  	_ =	shalt  }
0x71: {  	_ =	shalt  }
0x72: {  	_ =	shalt  }
0x73: {  	_ =	shalt  }
0x74: {  	_ =	shalt  }
0x75: {  	_ =	shalt  }
0x76: {  	_ =	shalt  }
0x77: {  	_ =	shalt  }
0x78: {  	_ =	shalt  }
0x79: {  	_ =	shalt  }
0x7a: {  	_ =	shalt  }
0x7b: {  	_ =	shalt  }
0x7c: {  	_ =	shalt  }
0x7d: {  	_ =	shalt  }
0x7e: {  	_ =	shalt  }
0x7f: {  	_ =	shalt  }
0x80: {  	_ =	shalt  }
0x81: {  	_ =	shalt  }
0x82: {  	_ =	shalt  }
0x83: {  	_ =	shalt  }
0x84: {  	_ =	shalt  }
0x85: {  	_ =	shalt  }
0x86: {  	_ =	shalt  }
0x87: {  	_ =	shalt  }
.Lfunc_end0:
.L_simem_size_0:
called_computation.3_lowered:
.L_overlay_start_0:
0x88: {  	s2 =	sld [smem:$0x3FD9]  }
0x89: {  	s3 =	sld [smem:$0x3FFE];
	_ =	sdelay $0x1  }
0x8a: {  	s1 =	srdreg.scid  }
0x8b: {  	s0 =	sand.u32 $0x1, s1  }
0x8c: {  	s17 =	sshll.u32 s0, $0xA;
	s2 =	sadd.s32 s3, s2  }
0x8d: {  	s2 =	sadd.s32 s2, s17  }
0x8e: {  	[smem:$0x3FB4] =	sst s2  }
0x8f: {  	_ = 	snop  }
0x90: {  	(tm) =	ssettm $0x1  }
0x91: {  	s18 =	sld [smem:$0x3FFB];
	_ =	sdelay $0x3  }
0x92: {  	_ =	strace s18  }
0x93: {  	s2 =	sld [smem:$0x3FFC];
	_ =	sdelay $0x3  }
0x94: {  	_ =	strace s2  }
0x95: {  	s2 =	sld [smem:$0x3FFD];
	_ =	sdelay $0x3  }
0x96: {  	_ =	strace s2  }
0x97: {  	_ =	strace $0x8FFFFFFF  }
0x98: {  	s19 =	sld [smem:$0x3FDB];
	_ =	sdelay $0x1  }
0x99: {  	s20 =	simm.s32 $_scs_section_size  }
0x9a: {  	s4 =	simm.s32 $_size__tile_overlayer_lowered;
	s5 =	simm.s32 $_tile_overlayer_lowered  }
0x9b: {  	s6 =	simm.s32 $0x1BFF;
	s21 =	sshll.u32 s5, $0x1;
	s3 =	sadd.s32 s20, s19  }
0x9c: {  	s22 =	simm.s32 $0x0;
	s4 =	sshll.u32 s4, $0x1;
	s5 =	sadd.s32 s21, s3  }
0x9d: {  	[timem:s22], [sflag:s6] =	dma.local [hbm:s5], s4  }
0x9e: {  	_ =	swait.ge [sflag:s6], s4  }
0x9f: {  	s4 =	ssub.s32 $0x0, s4;
	[sflag:s6] =	ssyncset.done $0x0  }
0xa0: {  	[sflag:s6] =	ssyncadd.s32 s4;
	_ =	sdelay $0x1  }
0xa1: {  	s23 =	simm.s32 $0x1B8B  }
0xa2: {  	_ =	swait.ge [sflag:s23], $0x1  }
0xa3: {  	[sflag:s23] =	ssyncset.done $0x0  }
0xa4: {  	[sflag:s23] =	ssyncadd.s32 $0xFFFFFFFF  }
0xa5: {  	s4 =	sld [smem:$0x0]  }
0xa6: {  	s5 =	sand.u32 $0xFFFFFFFE, s1  }
0xa7: {  	p0 =	sne.s32 s1, s5  }
0xa8: {  	s5 =	sshll.u32 @p0 s5, $0xE  }
0xa9: {  	s5 =	sadd.s32 @p0 $0x11B8D, s5;
	s6 =	sshll.u32 @p0 s4, $0x11  }
0xaa: {  	s5 =	sor.u32 @p0 s6, s5  }
0xab: {  	[sflag:s5] =	ssyncadd.remote.s32 @p0 $0x1;
	_ =	sdelay $0x1  }
0xac: {  	s5 =	simm.s32 @p0 $0x1B8D  }
0xad: {  	_ =	swait.eq @p0 [sflag:s5], $0x1  }
0xae: {  	[sflag:s5] =	ssyncadd.s32 @p0 $0xFFFFFFFF  }
0xaf: {  	s6 =	sshll.u32 @!p0 s1, $0xE  }
0xb0: {  	s6 =	sor.u32 @!p0 $0x4000, s6;
	s5 =	simm.s32 @!p0 $0x1B8D  }
0xb1: {  	s4 =	sshll.u32 @!p0 s4, $0x11;
	s6 =	sadd.s32 @!p0 $0x11B8D, s6;
	_ =	swait.eq @!p0 [sflag:s5], $0x1  }
0xb2: {  	s4 =	sor.u32 @!p0 s4, s6;
	[sflag:s5] =	ssyncadd.s32 @!p0 $0xFFFFFFFF  }
0xb3: {  	s25 =	simm.s32 $0x1B8E;
	s24 =	sld [smem:$0x3FFE];
	[sflag:s4] =	ssyncadd.remote.s32 @!p0 $0x1  }
0xb4: {  	s26 =	simm.s32 $execute0_lowered;
	[smem:$0x3FD2] =	sst s25  }
0xb5: {  	s5 =	sshll.u32 s26, $0x1;
	_ =	strace $0x80000058;
	[dreg:$0x1] =	wrdreg $0xFFFFFFFF  }
0xb6: {  	s28 =	simm.s32 $_size_execute0_lowered;
	s3 =	sadd.s32 s3, s5;
	[dreg:$0x0] =	wrdreg $0x0  }
0xb7: {  	s5 =	sshll.u32 s28, $0x1;
	[dreg:$0x2] =	wrdreg s3  }
0xb8: {  	[dreg:$0x3] =	wrdreg s5  }
0xb9: {  	[dreg:$0x4] =	wrdreg $0xC0  }
0xba: {  	_ =	task [dreg:s22], $0x5FFFF  }
0xbb: {  	[dreg:$0x1] =	wrdreg $0xFFFFFFFF  }
0xbc: {  	[dreg:$0x0] =	wrdreg $0x60  }
0xbd: {  	[dreg:$0x2] =	wrdreg s24  }
0xbe: {  	[dreg:$0x3] =	wrdreg $0x88000  }
0xbf: {  	[dreg:$0x4] =	wrdreg $0xD  }
0xc0: {  	_ =	task.clear_ibuf [dreg:s22], $0x5FFFF;
	_ =	strace $0x90000058  }
0xc1: {  	s29 =	simm.s32 $0xD;
	_ =	strace $0x8000005A  }
0xc2: {  	_ =	swait.ge [sflag:s29], $0x1  }
0xc3: {  	[sflag:s29] =	ssyncadd.s32 $0xFFFFFFFF  }
0xc4: {  	_ =	strace $0x9000005A  }
0xc5: {  	_ =	sfence  }
0xc6: {  	s30 =	sld [smem:$0x0];
	_ =	sdelay $0x2  }
0xc7: {  	s31 =	sshll.u32 s1, $0xD;
	s1 =	sshrl.u32 s1, $0x2  }
0xc8: {  	s4 =	sand.u32 $0x4000, s31;
	s1 =	sadd.s32 s1, s30  }
0xc9: {  	s0 =	sor.u32 s4, s0;
	s1 =	sshll.u32 s1, $0x11  }
0xca: {  	s0 =	sor.u32 s1, s0  }
0xcb: {  	s0 =	sadd.s32 $0x8F2B, s0  }
0xcc: {  	[sflag:s0] =	ssyncadd.remote.s32 $0x1  }
0xcd: {  	_ =	sfence.sel $0xFFFF  }
0xce: {  	[dreg:$0x0] =	wrdreg $0xFFFFFFFF;
	(pc) =	sbr.abs _section_cstart, $3  }
0xcf: {  	[dreg:$0x1] =	wrdreg $0xFFFFFFFF  }
0xd0: {  	_ =	task.clear_ibuf [dreg:s22], $0x2FFFF;
	_ =	strace $0x9FFFFFFF  }
0xd1: {  	(tm) =	ssettm $0x7FFFFFFF  }
tec
execute0_lowered:
.L_overlay_start_1:
0x0: {  	(tag) =	ssettag $0x1  }
0x1: {  	s6 =	rddreg [dreg:$0x0]  }
0x2: {  	s2 =	rddreg [dreg:$0x1];
	s3 =	srdreg.scid  }
0x3: {  	s0 =	rddreg [dreg:$0x2];
	s1 =	stileid.u32  }
0x4: {  	s13 =	simm.s32 $0x80;
	s14 =	simm.s32 $0x1;
	s15 =	simm.s32 $0x7F80  }
0x5: {  	s16 =	simm.s32 $0x8400;
	s7 =	sand.u32 $0x1, s3;
	s3 =	simm.s32 $0x0  }
0x6: {  	s4 =	sshll.u32 s1, $0xC;
	s11 =	smul.u32 $0xC380, s1;
	s12 =	sshll.u32 s1, $0x6  }
0x7: {  	s5 =	sshll.u32 s7, $0xB;
	[smem:$0x7FF] =	sst s3;
	s9 =	smul.u32 $0x18700, s7  }
0x8: {  	s7 =	ssub.s32 $0x2, s7;
	s5 =	sor.u32 s5, s4;
	_ =	strace $0x80000059  }
0x9: {  	s4 =	sadd.s32 $0x1A0C00, s6;
	s10 =	sshrl.u32 s7, $0x1;
	s31 =	sadd.s32 s11, s2  }
0xa: {  	s18 =	sshrl.u32 s11, $0x3;
	s11 =	simm.s32 $0x2;
	s8 =	sadd.s32 s5, s6  }
0xb: {  	s5 =	sadd.s32 $0x39E00, s6;
	s9 =	sadd.s32 s9, s6;
	s10 =	ssub.s32 s7, s10  }
0xc: {  	s6 =	sor.u32 $0x1C02, s12;
	s12 =	simm.s32 $0x8000;
	s7 =	sadd.s32 $0x116800, s8  }
0xd: {  	s8 =	sadd.s32 $0x106800, s8;
	s17 =	sadd.s32 $0x1AD000, s9;
	s9 =	smax.u32 s10, $0x1  }
0xe: {  	s10 =	sshrl.u32 s31, $0x3;
	s17 =	sadd.s32 s18, s17;
	s18 =	simm.s32 $0x0  }
.LBB2_1:
0xf: {  	[spmem:s10], [sflag:s6] =	dma.local [hbm:s5], $0x1870  }
0x10: {  	_ =	swait.ge [sflag:s11], $0x1870  }
0x11: {  	[sflag:s11] =	ssyncset.done $0x0  }
0x12: {  	[sflag:s11] =	ssyncadd.s32 $0xFFFFE790  }
0x13: {  	[bflag:$0x0] =	sbarrier.arrive $0xFFFF  }
0x14: {  	[tilespmem:s3], [sflag:$0x2] =	stream.linear.gather [hbm4b:s7+s3], $0x4000, $0x38;
	[tilespmem:$0x14B80] =	vst v63  }
0x15: {  	_ =	swait.ge [sflag:s11], $0x4000  }
0x16: {  	[sflag:s11] =	ssyncset.done $0x0  }
0x17: {  	s19 =	simm.s32 $0x4000;
	[sflag:s11] =	ssyncadd.s32 $0xFFFFC000  }
0x18: {  	[tilespmem:s19], [sflag:$0x2] =	stream.linear.gather [hbm4b:s8+s3], $0x4000, $0x38;
	[tilespmem:$0x14B80] =	vst v63  }
0x19: {  	_ =	swait.ge [sflag:s11], $0x4000  }
0x1a: {  	s20 =	simm.s32 $0x400;
	[sflag:s11] =	ssyncset.done $0x0  }
0x1b: {  	s21 =	sand.u32 $0x400, s20;
	[sflag:s11] =	ssyncadd.s32 $0xFFFFC000  }
0x1c: {  	[tilespmem:s12], [sflag:$0x1] =	stream.indirect.gather [hbm4b:s4+s13], $0x8, s3, s13, $0xb8;
	[tilespmem:$0x14B80] =	vst v63  }
0x1d: {  	s21 =	sor.u32 $0x8000, s21  }
0x1e: {  	[tilespmem:s21], [sflag:$0x1] =	stream.indirect.gather [hbm4b:s4+s13], $0x8, s13, s13, $0xb8;
	[tilespmem:$0x14B80] =	vst v63  }
0x1f: {  	_ =	swait.ge [sflag:s14], $0x400  }
0x20: {  	s31 =	sand.u32 $0x400, s3;
	[sflag:s14] =	ssyncset.done $0x0  }
0x21: {  	s22 =	sor.u32 $0x8000, s31;
	s21 =	simm.s32 $0x80;
	[sflag:s14] =	ssyncadd.s32 $0xFFFFFC00  }
.LBB2_2:
0x22: {  	[spmem:s2] =	stream.indirect.scatter.add.f32 [tilespmem:s22], [sflag:$0x2], $0x8, s19, s13, $0xb8;
	[tilespmem:$0x14B80] =	vst v63  }
0x23: {  	s22 =	smov.u32 s20  }
0x24: {  	p0 =	sne.s32 s20, $0x1F800;
	s20 =	sadd.s32 $0x400, s20;
	_ =	swait.ge [sflag:s11], $0x400  }
0x25: {  	s21 =	sadd.s32 $0x80, s21;
	s23 =	sand.u32 $0x400, s20;
	[sflag:s11] =	ssyncset.done $0x0  }
.Ltmp0:
0x26: {  	s23 =	sor.u32 $0x8000, s23;
	[sflag:s11] =	ssyncadd.s32 $0xFFFFFC00;
	(pc) =	sbr.rel @p0 .LBB2_2-.Ltmp0, $4  }
0x27: {  	[tilespmem:s23], [sflag:$0x1] =	stream.indirect.gather [hbm4b:s4+s13], $0x8, s21, s13, $0xb8;
	[tilespmem:$0x14B80] =	vst v63  }
0x28: {  	_ =	swait.ge [sflag:s14], $0x400  }
0x29: {  	s22 =	sand.u32 $0x400, s22;
	[sflag:s14] =	ssyncset.done $0x0  }
0x2a: {  	s19 =	sadd.s32 $0x80, s19;
	s22 =	sor.u32 $0x8000, s22;
	[sflag:s14] =	ssyncadd.s32 $0xFFFFFC00  }
0x2b: {  	[spmem:s2] =	stream.indirect.scatter.add.f32 [tilespmem:s22], [sflag:$0x2], $0x8, s19, s13, $0xb8;
	[tilespmem:$0x14B80] =	vst v63  }
0x2c: {  	_ =	swait.ge [sflag:s11], $0x400  }
0x2d: {  	[sflag:s11] =	ssyncset.done $0x0  }
0x2e: {  	[sflag:s11] =	ssyncadd.s32 $0xFFFFFC00  }
0x2f: {  	_ =	swait.ge [sflag:s14], $0x400  }
0x30: {  	[sflag:s14] =	ssyncset.done $0x0  }
0x31: {  	[sflag:s14] =	ssyncadd.s32 $0xFFFFFC00  }
0x32: {  	[spmem:s2] =	stream.indirect.scatter.add.f32 [tilespmem:s16], [sflag:$0x2], $0x8, s15, s13, $0xb8;
	[tilespmem:$0x14B80] =	vst v63  }
0x33: {  	_ =	swait.ge [sflag:s11], $0x400  }
0x34: {  	s18 =	sadd.s32 $0x1, s18;
	[sflag:s11] =	ssyncset.done $0x0  }
0x35: {  	p0 =	sne.s32 s18, s9;
	[sflag:s11] =	ssyncadd.s32 $0xFFFFFC00  }
.Ltmp1:
0x36: {  	[bflag:$0x0] =	sbarrier.arrive $0xFFFF;
	(pc) =	sbr.rel @p0 .LBB2_1-.Ltmp1, $4  }
0x37: {  	[hbm:s17], [sflag:s6] =	dma.local [spmem:s10], $0x1870  }
0x38: {  	_ =	swait.ge [sflag:s11], $0x1870  }
0x39: {  	[sflag:s11] =	ssyncset.done $0x0  }
0x3a: {  	[sflag:s11] =	ssyncadd.s32 $0xFFFFE790  }
0x3b: {  	_ =	sfence.sel $0x180000  }
0x3c: {  	[bflag:$0x0] =	sbarrier.arrive $0xFFFF  }
0x3d: {  	p0 =	sne.s32 s1, $0x0;
	_ =	strace $0x90000059  }
0x3e: {  	s0 =	sadd.s32 @!p0 $0x100000, s0;
	[bflag:$0x2] =	sbarrier.arrive $0xFFFF  }
0x3f: {  	[sflag:s0] =	ssyncadd.tile.s32 @!p0 $0x1;
	_ =	shalt  }
.Lfunc_end2:
_tile_overlayer_lowered:
.L_overlay_start_2:
0x40: {  	(tag) =	ssettag $0x2  }
0x41: {  	s0 =	rddreg [dreg:$0x0];
	s2 =	stileid.u32  }
0x42: {  	s1 =	rddreg [dreg:$0x1];
	p0 =	sne.s32 s2, $0x0  }
0x43: {  	s3 =	rddreg [dreg:$0x2];
	[bflag:$0x3] =	sbarrier.arrive $0xFFFF;
	s2 =	simm.s32 @!p0 $0x1C02  }
0x44: {  	[timem:s3], [sflag:s2] =	dma.local @!p0 [hbm:s0], s1  }
0x45: {  	s0 =	simm.s32 @!p0 $0x2  }
0x46: {  	_ =	swait.ge @!p0 [sflag:s0], s1  }
0x47: {  	s1 =	ssub.s32 @!p0 $0x0, s1;
	[sflag:s0] =	ssyncset.done @!p0 $0x0  }
0x48: {  	[sflag:s0] =	ssyncadd.s32 @!p0 s1  }
0x49: {  	[bflag:$0x3] =	sbarrier.arrive $0xFFFF  }
0x4a: {  	_ =	shalt  }

// kernel: kernel.31.cloned.1.call-start
scs
__scs_entry_jumppad:
0x0: {  	(pc) =	sbr.rel $0x88, $3  }
0x1: {  	(tag) =	ssettag $0x0;
	lr =	simm.s32 $0x1  }
0x2: {  	[smem:$0x3F8D] =	sst lr;
	_ =	strace $0xD0000000  }
0x3: {  	_ = 	snop  }
0x4: {  	_ = 	snop  }
0x5: {  	_ = 	snop  }
0x6: {  	_ = 	snop  }
0x7: {  	_ = 	snop  }
__scs_overlays_trampoline_lowered:
0x8: {  	[smem:$0x3F9C] =	sst s0  }
0x9: {  	[smem:$0x3F9D] =	sst s1  }
0xa: {  	[smem:$0x3F9E] =	sst s2  }
0xb: {  	[smem:$0x3F9F] =	sst s3  }
0xc: {  	[smem:$0x3FA0] =	sst s4  }
0xd: {  	[smem:$0x3FA1] =	sst s5  }
0xe: {  	[smem:$0x3FA2] =	sst s6  }
0xf: {  	[smem:$0x3FA3] =	sst s7  }
0x10: {  	[smem:$0x3FA4] =	sst s8  }
0x11: {  	[smem:$0x3FA5] =	sst s9;
	s0 =	simm.s32 @!p0 $0x0  }
0x12: {  	s1 =	sld [smem:$0x3F8B];
	s0 =	simm.s32 @p0 $0x1  }
0x13: {  	[smem:$0x3FA6] =	sst s0;
	s0 =	simm.s32 @!p1 $0x0  }
0x14: {  	s2 =	sld [smem:$0x3F8A];
	s0 =	simm.s32 @p1 $0x1  }
0x15: {  	[smem:$0x3FA7] =	sst s0;
	s0 =	simm.s32 @!p2 $0x0  }
0x16: {  	s3 =	sld [smem:$0x3FDB];
	s0 =	simm.s32 @p2 $0x1  }
0x17: {  	s4 =	simm.s32 $0x1BF5;
	[smem:$0x3FA9] =	sst s0  }
0x18: {  	s0 =	sld [smem:$0x3F8C];
	_ =	swait.ge [sflag:s4], $0x0  }
0x19: {  	s7 =	sld [smem:$0x3F8D]  }
0x1a: {  	s8 =	sadd.s32 $0xFFFFE003, lr  }
0x1b: {  	s9 =	sadd.s32 $0xFFFFFEF7, lr;
	s5 =	simm.s32 $0xFFFFFFFF;
	p2 =	slt.u32 s8, $0xFFFFF086  }
0x1c: {  	p1 =	slt.u32 s9, $0xF7A;
	s5 =	simm.s32 @!p2 $0x0  }
0x1d: {  	s5 =	simm.s32 @p1 $0x1;
	p0 =	seq.s32 s7, s2  }
0x1e: {  	s7 =	smul.u32 @!p0 $0xF7A, s2;
	p2 =	seq.s32 @!p0 s5, $0x0  }
0x1f: {  	s9 =	smul.u32 $0xF7A, s1;
	s8 =	simm.s32 @!p0 $0x1BF5;
	p2 =	por !p2, p0  }
0x20: {  	[sflag:s8] =	ssyncset.s32 @!p0 $0xFFFFF086;
	s6 =	sadd.s32 @!p0 s3, s7;
	s7 =	simm.s32 @!p0 $0x108  }
0x21: {  	s3 =	sadd.s32 s3, s9;
	s6 =	sadd.s32 @!p0 $0x88, s6;
	s7 =	simm.s32 @p2 $0x1082  }
0x22: {  	[simem:s7], [sflag:s8] =	dma.local @!p0 [hbm:s6], $0xF7A  }
0x23: {  	s9 =	sor.u32 $0xD0000000, s2;
	s6 =	simm.s32 $0x108;
	_ =	swait.ge @!p0 [sflag:s8], $0x0  }
0x24: {  	s3 =	sadd.s32 $0x88, s3;
	s6 =	simm.s32 @!p1 $0x1082;
	[sflag:s4] =	ssyncset.s32 $0xFFFFF086  }
0x25: {  	[simem:s6], [sflag:s4] =	dma.local [hbm:s3], $0xF7A  }
0x26: {  	[smem:$0x3F8D] =	sst s1;
	(tag) =	ssettag s2;
	_ =	strace s9  }
0x27: {  	s1 =	sld [smem:$0x3F9D]  }
0x28: {  	s2 =	sld [smem:$0x3F9E]  }
0x29: {  	s4 =	sld [smem:$0x3FA0]  }
0x2a: {  	p0 =	seq.s32 s5, $0x0;
	s5 =	sld [smem:$0x3FA1]  }
0x2b: {  	s6 =	sld [smem:$0x3FA2]  }
0x2c: {  	s7 =	sld [smem:$0x3FA3]  }
0x2d: {  	s3 =	simm.s32 $0x108;
	s8 =	sld [smem:$0x3FA4]  }
0x2e: {  	s3 =	simm.s32 @!p0 $0x1082;
	s9 =	sld [smem:$0x3FA5]  }
0x2f: {  	lr =	sadd.s32 s0, s3;
	s0 =	sld [smem:$0x3F9C]  }
0x30: {  	s3 =	sld [smem:$0x3F9F]  }
0x31: {  	[smem:$0x3FA8] =	sst s10  }
0x32: {  	s10 =	sld [smem:$0x3FA6];
	_ =	sdelay $0x3  }
0x33: {  	p0 =	seq.s32 s10, $0x1;
	s10 =	sld [smem:$0x3FA8];
	_ =	sdelay $0x3  }
0x34: {  	[smem:$0x3FA8] =	sst s10  }
0x35: {  	s10 =	sld [smem:$0x3FA7];
	_ =	sdelay $0x3  }
0x36: {  	p1 =	seq.s32 s10, $0x1;
	s10 =	sld [smem:$0x3FA8];
	_ =	sdelay $0x3  }
0x37: {  	[smem:$0x3FA8] =	sst s10  }
0x38: {  	s10 =	sld [smem:$0x3FA9]  }
0x39: {  	_ = 	snop;
	(pc) =	sbr.ind lr, $3  }
0x3a: {  	_ = 	snop  }
0x3b: {  	_ = 	snop  }
0x3c: {  	p2 =	seq.s32 s10, $0x1;
	s10 =	sld [smem:$0x3FA8]  }
0x3d: {  	_ =	shalt  }
0x3e: {  	_ =	shalt  }
0x3f: {  	_ =	shalt  }
0x40: {  	_ =	shalt  }
0x41: {  	_ =	shalt  }
0x42: {  	_ =	shalt  }
0x43: {  	_ =	shalt  }
0x44: {  	_ =	shalt  }
0x45: {  	_ =	shalt  }
0x46: {  	_ =	shalt  }
0x47: {  	_ =	shalt  }
0x48: {  	_ =	shalt  }
0x49: {  	_ =	shalt  }
0x4a: {  	_ =	shalt  }
0x4b: {  	_ =	shalt  }
0x4c: {  	_ =	shalt  }
0x4d: {  	_ =	shalt  }
0x4e: {  	_ =	shalt  }
0x4f: {  	_ =	shalt  }
0x50: {  	_ =	shalt  }
0x51: {  	_ =	shalt  }
0x52: {  	_ =	shalt  }
0x53: {  	_ =	shalt  }
0x54: {  	_ =	shalt  }
0x55: {  	_ =	shalt  }
0x56: {  	_ =	shalt  }
0x57: {  	_ =	shalt  }
0x58: {  	_ =	shalt  }
0x59: {  	_ =	shalt  }
0x5a: {  	_ =	shalt  }
0x5b: {  	_ =	shalt  }
0x5c: {  	_ =	shalt  }
0x5d: {  	_ =	shalt  }
0x5e: {  	_ =	shalt  }
0x5f: {  	_ =	shalt  }
0x60: {  	_ =	shalt  }
0x61: {  	_ =	shalt  }
0x62: {  	_ =	shalt  }
0x63: {  	_ =	shalt  }
0x64: {  	_ =	shalt  }
0x65: {  	_ =	shalt  }
0x66: {  	_ =	shalt  }
0x67: {  	_ =	shalt  }
0x68: {  	_ =	shalt  }
0x69: {  	_ =	shalt  }
0x6a: {  	_ =	shalt  }
0x6b: {  	_ =	shalt  }
0x6c: {  	_ =	shalt  }
0x6d: {  	_ =	shalt  }
0x6e: {  	_ =	shalt  }
0x6f: {  	_ =	shalt  }
0x70: {  	_ =	shalt  }
0x71: {  	_ =	shalt  }
0x72: {  	_ =	shalt  }
0x73: {  	_ =	shalt  }
0x74: {  	_ =	shalt  }
0x75: {  	_ =	shalt  }
0x76: {  	_ =	shalt  }
0x77: {  	_ =	shalt  }
0x78: {  	_ =	shalt  }
0x79: {  	_ =	shalt  }
0x7a: {  	_ =	shalt  }
0x7b: {  	_ =	shalt  }
0x7c: {  	_ =	shalt  }
0x7d: {  	_ =	shalt  }
0x7e: {  	_ =	shalt  }
0x7f: {  	_ =	shalt  }
0x80: {  	_ =	shalt  }
0x81: {  	_ =	shalt  }
0x82: {  	_ =	shalt  }
0x83: {  	_ =	shalt  }
0x84: {  	_ =	shalt  }
0x85: {  	_ =	shalt  }
0x86: {  	_ =	shalt  }
0x87: {  	_ =	shalt  }
.Lfunc_end0:
.L_simem_size_0:
called_computation.4_lowered:
.L_overlay_start_0:
0x88: {  	s2 =	sld [smem:$0x3FD9]  }
0x89: {  	s3 =	sld [smem:$0x3FFE];
	_ =	sdelay $0x1  }
0x8a: {  	s1 =	srdreg.scid  }
0x8b: {  	s0 =	sand.u32 $0x1, s1  }
0x8c: {  	s17 =	sshll.u32 s0, $0xA;
	s2 =	sadd.s32 s3, s2  }
0x8d: {  	s2 =	sadd.s32 s2, s17  }
0x8e: {  	[smem:$0x3FB4] =	sst s2  }
0x8f: {  	_ = 	snop  }
0x90: {  	(tm) =	ssettm $0x1  }
0x91: {  	s18 =	sld [smem:$0x3FFB];
	_ =	sdelay $0x3  }
0x92: {  	_ =	strace s18  }
0x93: {  	s2 =	sld [smem:$0x3FFC];
	_ =	sdelay $0x3  }
0x94: {  	_ =	strace s2  }
0x95: {  	s2 =	sld [smem:$0x3FFD];
	_ =	sdelay $0x3  }
0x96: {  	_ =	strace s2  }
0x97: {  	_ =	strace $0x8FFFFFFF  }
0x98: {  	s19 =	sld [smem:$0x3FDB];
	_ =	sdelay $0x1  }
0x99: {  	s20 =	simm.s32 $_scs_section_size  }
0x9a: {  	s4 =	simm.s32 $_size__tile_overlayer_lowered;
	s5 =	simm.s32 $_tile_overlayer_lowered  }
0x9b: {  	s6 =	simm.s32 $0x1BFF;
	s21 =	sshll.u32 s5, $0x1;
	s3 =	sadd.s32 s20, s19  }
0x9c: {  	s22 =	simm.s32 $0x0;
	s4 =	sshll.u32 s4, $0x1;
	s5 =	sadd.s32 s21, s3  }
0x9d: {  	[timem:s22], [sflag:s6] =	dma.local [hbm:s5], s4  }
0x9e: {  	_ =	swait.ge [sflag:s6], s4  }
0x9f: {  	s4 =	ssub.s32 $0x0, s4;
	[sflag:s6] =	ssyncset.done $0x0  }
0xa0: {  	[sflag:s6] =	ssyncadd.s32 s4;
	_ =	sdelay $0x1  }
0xa1: {  	s23 =	simm.s32 $0x1B8B  }
0xa2: {  	_ =	swait.ge [sflag:s23], $0x1  }
0xa3: {  	[sflag:s23] =	ssyncset.done $0x0  }
0xa4: {  	[sflag:s23] =	ssyncadd.s32 $0xFFFFFFFF  }
0xa5: {  	s4 =	sld [smem:$0x0]  }
0xa6: {  	s5 =	sand.u32 $0xFFFFFFFE, s1  }
0xa7: {  	p0 =	sne.s32 s1, s5  }
0xa8: {  	s5 =	sshll.u32 @p0 s5, $0xE  }
0xa9: {  	s5 =	sadd.s32 @p0 $0x11B8D, s5;
	s6 =	sshll.u32 @p0 s4, $0x11  }
0xaa: {  	s5 =	sor.u32 @p0 s6, s5  }
0xab: {  	[sflag:s5] =	ssyncadd.remote.s32 @p0 $0x1;
	_ =	sdelay $0x1  }
0xac: {  	s5 =	simm.s32 @p0 $0x1B8D  }
0xad: {  	_ =	swait.eq @p0 [sflag:s5], $0x1  }
0xae: {  	[sflag:s5] =	ssyncadd.s32 @p0 $0xFFFFFFFF  }
0xaf: {  	s6 =	sshll.u32 @!p0 s1, $0xE  }
0xb0: {  	s6 =	sor.u32 @!p0 $0x4000, s6;
	s5 =	simm.s32 @!p0 $0x1B8D  }
0xb1: {  	s4 =	sshll.u32 @!p0 s4, $0x11;
	s6 =	sadd.s32 @!p0 $0x11B8D, s6;
	_ =	swait.eq @!p0 [sflag:s5], $0x1  }
0xb2: {  	s4 =	sor.u32 @!p0 s4, s6;
	[sflag:s5] =	ssyncadd.s32 @!p0 $0xFFFFFFFF  }
0xb3: {  	s25 =	simm.s32 $0x1B8E;
	s24 =	sld [smem:$0x3FFE];
	[sflag:s4] =	ssyncadd.remote.s32 @!p0 $0x1  }
0xb4: {  	s26 =	simm.s32 $execute0_lowered;
	[smem:$0x3FD2] =	sst s25  }
0xb5: {  	s5 =	sshll.u32 s26, $0x1;
	_ =	strace $0x80000055;
	[dreg:$0x1] =	wrdreg $0xFFFFFFFF  }
0xb6: {  	s28 =	simm.s32 $_size_execute0_lowered;
	s3 =	sadd.s32 s3, s5;
	[dreg:$0x0] =	wrdreg $0x0  }
0xb7: {  	s5 =	sshll.u32 s28, $0x1;
	[dreg:$0x2] =	wrdreg s3  }
0xb8: {  	[dreg:$0x3] =	wrdreg s5  }
0xb9: {  	[dreg:$0x4] =	wrdreg $0xC0  }
0xba: {  	_ =	task [dreg:s22], $0x5FFFF  }
0xbb: {  	[dreg:$0x1] =	wrdreg $0xFFFFFFFF  }
0xbc: {  	[dreg:$0x0] =	wrdreg $0x60  }
0xbd: {  	[dreg:$0x2] =	wrdreg s24  }
0xbe: {  	[dreg:$0x3] =	wrdreg $0x88000  }
0xbf: {  	[dreg:$0x4] =	wrdreg $0xE  }
0xc0: {  	_ =	task.clear_ibuf [dreg:s22], $0x5FFFF;
	_ =	strace $0x90000055  }
0xc1: {  	s29 =	simm.s32 $0xE;
	_ =	strace $0x80000057  }
0xc2: {  	_ =	swait.ge [sflag:s29], $0x1  }
0xc3: {  	[sflag:s29] =	ssyncadd.s32 $0xFFFFFFFF  }
0xc4: {  	_ =	strace $0x90000057  }
0xc5: {  	_ =	sfence  }
0xc6: {  	s30 =	sld [smem:$0x0];
	_ =	sdelay $0x2  }
0xc7: {  	s31 =	sshll.u32 s1, $0xD;
	s1 =	sshrl.u32 s1, $0x2  }
0xc8: {  	s4 =	sand.u32 $0x4000, s31;
	s1 =	sadd.s32 s1, s30  }
0xc9: {  	s0 =	sor.u32 s4, s0;
	s1 =	sshll.u32 s1, $0x11  }
0xca: {  	s0 =	sor.u32 s1, s0  }
0xcb: {  	s0 =	sadd.s32 $0x8F2B, s0  }
0xcc: {  	[sflag:s0] =	ssyncadd.remote.s32 $0x1  }
0xcd: {  	_ =	sfence.sel $0xFFFF  }
0xce: {  	[dreg:$0x0] =	wrdreg $0xFFFFFFFF;
	(pc) =	sbr.abs _section_cstart, $3  }
0xcf: {  	[dreg:$0x1] =	wrdreg $0xFFFFFFFF  }
0xd0: {  	_ =	task.clear_ibuf [dreg:s22], $0x2FFFF;
	_ =	strace $0x9FFFFFFF  }
0xd1: {  	(tm) =	ssettm $0x7FFFFFFF  }
tec
execute0_lowered:
.L_overlay_start_1:
0x0: {  	(tag) =	ssettag $0x1  }
0x1: {  	s6 =	rddreg [dreg:$0x0]  }
0x2: {  	s2 =	rddreg [dreg:$0x1];
	s3 =	srdreg.scid  }
0x3: {  	s0 =	rddreg [dreg:$0x2];
	s1 =	stileid.u32  }
0x4: {  	s13 =	simm.s32 $0x80;
	s14 =	simm.s32 $0x1;
	s15 =	simm.s32 $0x7F80  }
0x5: {  	s16 =	simm.s32 $0x8400;
	s7 =	sand.u32 $0x1, s3;
	s3 =	simm.s32 $0x0  }
0x6: {  	s4 =	sshll.u32 s1, $0xC;
	s11 =	smul.u32 $0xC380, s1;
	s12 =	sshll.u32 s1, $0x6  }
0x7: {  	s5 =	sshll.u32 s7, $0xB;
	[smem:$0x7FF] =	sst s3;
	s9 =	smul.u32 $0x18700, s7  }
0x8: {  	s7 =	ssub.s32 $0x2, s7;
	s5 =	sor.u32 s5, s4;
	_ =	strace $0x80000056  }
0x9: {  	s4 =	sadd.s32 $0x163A00, s6;
	s10 =	sshrl.u32 s7, $0x1;
	s31 =	sadd.s32 s11, s2  }
0xa: {  	s18 =	sshrl.u32 s11, $0x3;
	s11 =	simm.s32 $0x2;
	s8 =	sadd.s32 s5, s6  }
0xb: {  	s5 =	sadd.s32 $0x39E00, s6;
	s9 =	sadd.s32 s9, s6;
	s10 =	ssub.s32 s7, s10  }
0xc: {  	s6 =	sor.u32 $0x1C02, s12;
	s12 =	simm.s32 $0x8000;
	s7 =	sadd.s32 $0x116800, s8  }
0xd: {  	s8 =	sadd.s32 $0x106800, s8;
	s17 =	sadd.s32 $0x16FE00, s9;
	s9 =	smax.u32 s10, $0x1  }
0xe: {  	s10 =	sshrl.u32 s31, $0x3;
	s17 =	sadd.s32 s18, s17;
	s18 =	simm.s32 $0x0  }
.LBB2_1:
0xf: {  	[spmem:s10], [sflag:s6] =	dma.local [hbm:s5], $0x1870  }
0x10: {  	_ =	swait.ge [sflag:s11], $0x1870  }
0x11: {  	[sflag:s11] =	ssyncset.done $0x0  }
0x12: {  	[sflag:s11] =	ssyncadd.s32 $0xFFFFE790  }
0x13: {  	[bflag:$0x0] =	sbarrier.arrive $0xFFFF  }
0x14: {  	[tilespmem:s3], [sflag:$0x2] =	stream.linear.gather [hbm4b:s7+s3], $0x4000, $0x38;
	[tilespmem:$0x14B80] =	vst v63  }
0x15: {  	_ =	swait.ge [sflag:s11], $0x4000  }
0x16: {  	[sflag:s11] =	ssyncset.done $0x0  }
0x17: {  	s19 =	simm.s32 $0x4000;
	[sflag:s11] =	ssyncadd.s32 $0xFFFFC000  }
0x18: {  	[tilespmem:s19], [sflag:$0x2] =	stream.linear.gather [hbm4b:s8+s3], $0x4000, $0x38;
	[tilespmem:$0x14B80] =	vst v63  }
0x19: {  	_ =	swait.ge [sflag:s11], $0x4000  }
0x1a: {  	s20 =	simm.s32 $0x400;
	[sflag:s11] =	ssyncset.done $0x0  }
0x1b: {  	s21 =	sand.u32 $0x400, s20;
	[sflag:s11] =	ssyncadd.s32 $0xFFFFC000  }
0x1c: {  	[tilespmem:s12], [sflag:$0x1] =	stream.indirect.gather [hbm4b:s4+s13], $0x8, s3, s13, $0xb8;
	[tilespmem:$0x14B80] =	vst v63  }
0x1d: {  	s21 =	sor.u32 $0x8000, s21  }
0x1e: {  	[tilespmem:s21], [sflag:$0x1] =	stream.indirect.gather [hbm4b:s4+s13], $0x8, s13, s13, $0xb8;
	[tilespmem:$0x14B80] =	vst v63  }
0x1f: {  	_ =	swait.ge [sflag:s14], $0x400  }
0x20: {  	s31 =	sand.u32 $0x400, s3;
	[sflag:s14] =	ssyncset.done $0x0  }
0x21: {  	s22 =	sor.u32 $0x8000, s31;
	s21 =	simm.s32 $0x80;
	[sflag:s14] =	ssyncadd.s32 $0xFFFFFC00  }
.LBB2_2:
0x22: {  	[spmem:s2] =	stream.indirect.scatter.add.f32 [tilespmem:s22], [sflag:$0x2], $0x8, s19, s13, $0xb8;
	[tilespmem:$0x14B80] =	vst v63  }
0x23: {  	s22 =	smov.u32 s20  }
0x24: {  	p0 =	sne.s32 s20, $0x1F800;
	s20 =	sadd.s32 $0x400, s20;
	_ =	swait.ge [sflag:s11], $0x400  }
0x25: {  	s21 =	sadd.s32 $0x80, s21;
	s23 =	sand.u32 $0x400, s20;
	[sflag:s11] =	ssyncset.done $0x0  }
.Ltmp0:
0x26: {  	s23 =	sor.u32 $0x8000, s23;
	[sflag:s11] =	ssyncadd.s32 $0xFFFFFC00;
	(pc) =	sbr.rel @p0 .LBB2_2-.Ltmp0, $4  }
0x27: {  	[tilespmem:s23], [sflag:$0x1] =	stream.indirect.gather [hbm4b:s4+s13], $0x8, s21, s13, $0xb8;
	[tilespmem:$0x14B80] =	vst v63  }
0x28: {  	_ =	swait.ge [sflag:s14], $0x400  }
0x29: {  	s22 =	sand.u32 $0x400, s22;
	[sflag:s14] =	ssyncset.done $0x0  }
0x2a: {  	s19 =	sadd.s32 $0x80, s19;
	s22 =	sor.u32 $0x8000, s22;
	[sflag:s14] =	ssyncadd.s32 $0xFFFFFC00  }
0x2b: {  	[spmem:s2] =	stream.indirect.scatter.add.f32 [tilespmem:s22], [sflag:$0x2], $0x8, s19, s13, $0xb8;
	[tilespmem:$0x14B80] =	vst v63  }
0x2c: {  	_ =	swait.ge [sflag:s11], $0x400  }
0x2d: {  	[sflag:s11] =	ssyncset.done $0x0  }
0x2e: {  	[sflag:s11] =	ssyncadd.s32 $0xFFFFFC00  }
0x2f: {  	_ =	swait.ge [sflag:s14], $0x400  }
0x30: {  	[sflag:s14] =	ssyncset.done $0x0  }
0x31: {  	[sflag:s14] =	ssyncadd.s32 $0xFFFFFC00  }
0x32: {  	[spmem:s2] =	stream.indirect.scatter.add.f32 [tilespmem:s16], [sflag:$0x2], $0x8, s15, s13, $0xb8;
	[tilespmem:$0x14B80] =	vst v63  }
0x33: {  	_ =	swait.ge [sflag:s11], $0x400  }
0x34: {  	s18 =	sadd.s32 $0x1, s18;
	[sflag:s11] =	ssyncset.done $0x0  }
0x35: {  	p0 =	sne.s32 s18, s9;
	[sflag:s11] =	ssyncadd.s32 $0xFFFFFC00  }
.Ltmp1:
0x36: {  	[bflag:$0x0] =	sbarrier.arrive $0xFFFF;
	(pc) =	sbr.rel @p0 .LBB2_1-.Ltmp1, $4  }
0x37: {  	[hbm:s17], [sflag:s6] =	dma.local [spmem:s10], $0x1870  }
0x38: {  	_ =	swait.ge [sflag:s11], $0x1870  }
0x39: {  	[sflag:s11] =	ssyncset.done $0x0  }
0x3a: {  	[sflag:s11] =	ssyncadd.s32 $0xFFFFE790  }
0x3b: {  	_ =	sfence.sel $0x180000  }
0x3c: {  	[bflag:$0x0] =	sbarrier.arrive $0xFFFF  }
0x3d: {  	p0 =	sne.s32 s1, $0x0;
	_ =	strace $0x90000056  }
0x3e: {  	s0 =	sadd.s32 @!p0 $0x100000, s0;
	[bflag:$0x2] =	sbarrier.arrive $0xFFFF  }
0x3f: {  	[sflag:s0] =	ssyncadd.tile.s32 @!p0 $0x1;
	_ =	shalt  }
.Lfunc_end2:
_tile_overlayer_lowered:
.L_overlay_start_2:
0x40: {  	(tag) =	ssettag $0x2  }
0x41: {  	s0 =	rddreg [dreg:$0x0];
	s2 =	stileid.u32  }
0x42: {  	s1 =	rddreg [dreg:$0x1];
	p0 =	sne.s32 s2, $0x0  }
0x43: {  	s3 =	rddreg [dreg:$0x2];
	[bflag:$0x3] =	sbarrier.arrive $0xFFFF;
	s2 =	simm.s32 @!p0 $0x1C02  }
0x44: {  	[timem:s3], [sflag:s2] =	dma.local @!p0 [hbm:s0], s1  }
0x45: {  	s0 =	simm.s32 @!p0 $0x2  }
0x46: {  	_ =	swait.ge @!p0 [sflag:s0], s1  }
0x47: {  	s1 =	ssub.s32 @!p0 $0x0, s1;
	[sflag:s0] =	ssyncset.done @!p0 $0x0  }
0x48: {  	[sflag:s0] =	ssyncadd.s32 @!p0 s1  }
0x49: {  	[bflag:$0x3] =	sbarrier.arrive $0xFFFF  }
0x4a: {  	_ =	shalt  }

// kernel: kernel.34.cloned.1.call-start
scs
__scs_entry_jumppad:
0x0: {  	(pc) =	sbr.rel $0x88, $3  }
0x1: {  	(tag) =	ssettag $0x0;
	lr =	simm.s32 $0x1  }
0x2: {  	[smem:$0x3F8D] =	sst lr;
	_ =	strace $0xD0000000  }
0x3: {  	_ = 	snop  }
0x4: {  	_ = 	snop  }
0x5: {  	_ = 	snop  }
0x6: {  	_ = 	snop  }
0x7: {  	_ = 	snop  }
__scs_overlays_trampoline_lowered:
0x8: {  	[smem:$0x3F9C] =	sst s0  }
0x9: {  	[smem:$0x3F9D] =	sst s1  }
0xa: {  	[smem:$0x3F9E] =	sst s2  }
0xb: {  	[smem:$0x3F9F] =	sst s3  }
0xc: {  	[smem:$0x3FA0] =	sst s4  }
0xd: {  	[smem:$0x3FA1] =	sst s5  }
0xe: {  	[smem:$0x3FA2] =	sst s6  }
0xf: {  	[smem:$0x3FA3] =	sst s7  }
0x10: {  	[smem:$0x3FA4] =	sst s8  }
0x11: {  	[smem:$0x3FA5] =	sst s9;
	s0 =	simm.s32 @!p0 $0x0  }
0x12: {  	s1 =	sld [smem:$0x3F8B];
	s0 =	simm.s32 @p0 $0x1  }
0x13: {  	[smem:$0x3FA6] =	sst s0;
	s0 =	simm.s32 @!p1 $0x0  }
0x14: {  	s2 =	sld [smem:$0x3F8A];
	s0 =	simm.s32 @p1 $0x1  }
0x15: {  	[smem:$0x3FA7] =	sst s0;
	s0 =	simm.s32 @!p2 $0x0  }
0x16: {  	s3 =	sld [smem:$0x3FDB];
	s0 =	simm.s32 @p2 $0x1  }
0x17: {  	s4 =	simm.s32 $0x1BF5;
	[smem:$0x3FA9] =	sst s0  }
0x18: {  	s0 =	sld [smem:$0x3F8C];
	_ =	swait.ge [sflag:s4], $0x0  }
0x19: {  	s7 =	sld [smem:$0x3F8D]  }
0x1a: {  	s8 =	sadd.s32 $0xFFFFE003, lr  }
0x1b: {  	s9 =	sadd.s32 $0xFFFFFEF7, lr;
	s5 =	simm.s32 $0xFFFFFFFF;
	p2 =	slt.u32 s8, $0xFFFFF086  }
0x1c: {  	p1 =	slt.u32 s9, $0xF7A;
	s5 =	simm.s32 @!p2 $0x0  }
0x1d: {  	s5 =	simm.s32 @p1 $0x1;
	p0 =	seq.s32 s7, s2  }
0x1e: {  	s7 =	smul.u32 @!p0 $0xF7A, s2;
	p2 =	seq.s32 @!p0 s5, $0x0  }
0x1f: {  	s9 =	smul.u32 $0xF7A, s1;
	s8 =	simm.s32 @!p0 $0x1BF5;
	p2 =	por !p2, p0  }
0x20: {  	[sflag:s8] =	ssyncset.s32 @!p0 $0xFFFFF086;
	s6 =	sadd.s32 @!p0 s3, s7;
	s7 =	simm.s32 @!p0 $0x108  }
0x21: {  	s3 =	sadd.s32 s3, s9;
	s6 =	sadd.s32 @!p0 $0x88, s6;
	s7 =	simm.s32 @p2 $0x1082  }
0x22: {  	[simem:s7], [sflag:s8] =	dma.local @!p0 [hbm:s6], $0xF7A  }
0x23: {  	s9 =	sor.u32 $0xD0000000, s2;
	s6 =	simm.s32 $0x108;
	_ =	swait.ge @!p0 [sflag:s8], $0x0  }
0x24: {  	s3 =	sadd.s32 $0x88, s3;
	s6 =	simm.s32 @!p1 $0x1082;
	[sflag:s4] =	ssyncset.s32 $0xFFFFF086  }
0x25: {  	[simem:s6], [sflag:s4] =	dma.local [hbm:s3], $0xF7A  }
0x26: {  	[smem:$0x3F8D] =	sst s1;
	(tag) =	ssettag s2;
	_ =	strace s9  }
0x27: {  	s1 =	sld [smem:$0x3F9D]  }
0x28: {  	s2 =	sld [smem:$0x3F9E]  }
0x29: {  	s4 =	sld [smem:$0x3FA0]  }
0x2a: {  	p0 =	seq.s32 s5, $0x0;
	s5 =	sld [smem:$0x3FA1]  }
0x2b: {  	s6 =	sld [smem:$0x3FA2]  }
0x2c: {  	s7 =	sld [smem:$0x3FA3]  }
0x2d: {  	s3 =	simm.s32 $0x108;
	s8 =	sld [smem:$0x3FA4]  }
0x2e: {  	s3 =	simm.s32 @!p0 $0x1082;
	s9 =	sld [smem:$0x3FA5]  }
0x2f: {  	lr =	sadd.s32 s0, s3;
	s0 =	sld [smem:$0x3F9C]  }
0x30: {  	s3 =	sld [smem:$0x3F9F]  }
0x31: {  	[smem:$0x3FA8] =	sst s10  }
0x32: {  	s10 =	sld [smem:$0x3FA6];
	_ =	sdelay $0x3  }
0x33: {  	p0 =	seq.s32 s10, $0x1;
	s10 =	sld [smem:$0x3FA8];
	_ =	sdelay $0x3  }
0x34: {  	[smem:$0x3FA8] =	sst s10  }
0x35: {  	s10 =	sld [smem:$0x3FA7];
	_ =	sdelay $0x3  }
0x36: {  	p1 =	seq.s32 s10, $0x1;
	s10 =	sld [smem:$0x3FA8];
	_ =	sdelay $0x3  }
0x37: {  	[smem:$0x3FA8] =	sst s10  }
0x38: {  	s10 =	sld [smem:$0x3FA9]  }
0x39: {  	_ = 	snop;
	(pc) =	sbr.ind lr, $3  }
0x3a: {  	_ = 	snop  }
0x3b: {  	_ = 	snop  }
0x3c: {  	p2 =	seq.s32 s10, $0x1;
	s10 =	sld [smem:$0x3FA8]  }
0x3d: {  	_ =	shalt  }
0x3e: {  	_ =	shalt  }
0x3f: {  	_ =	shalt  }
0x40: {  	_ =	shalt  }
0x41: {  	_ =	shalt  }
0x42: {  	_ =	shalt  }
0x43: {  	_ =	shalt  }
0x44: {  	_ =	shalt  }
0x45: {  	_ =	shalt  }
0x46: {  	_ =	shalt  }
0x47: {  	_ =	shalt  }
0x48: {  	_ =	shalt  }
0x49: {  	_ =	shalt  }
0x4a: {  	_ =	shalt  }
0x4b: {  	_ =	shalt  }
0x4c: {  	_ =	shalt  }
0x4d: {  	_ =	shalt  }
0x4e: {  	_ =	shalt  }
0x4f: {  	_ =	shalt  }
0x50: {  	_ =	shalt  }
0x51: {  	_ =	shalt  }
0x52: {  	_ =	shalt  }
0x53: {  	_ =	shalt  }
0x54: {  	_ =	shalt  }
0x55: {  	_ =	shalt  }
0x56: {  	_ =	shalt  }
0x57: {  	_ =	shalt  }
0x58: {  	_ =	shalt  }
0x59: {  	_ =	shalt  }
0x5a: {  	_ =	shalt  }
0x5b: {  	_ =	shalt  }
0x5c: {  	_ =	shalt  }
0x5d: {  	_ =	shalt  }
0x5e: {  	_ =	shalt  }
0x5f: {  	_ =	shalt  }
0x60: {  	_ =	shalt  }
0x61: {  	_ =	shalt  }
0x62: {  	_ =	shalt  }
0x63: {  	_ =	shalt  }
0x64: {  	_ =	shalt  }
0x65: {  	_ =	shalt  }
0x66: {  	_ =	shalt  }
0x67: {  	_ =	shalt  }
0x68: {  	_ =	shalt  }
0x69: {  	_ =	shalt  }
0x6a: {  	_ =	shalt  }
0x6b: {  	_ =	shalt  }
0x6c: {  	_ =	shalt  }
0x6d: {  	_ =	shalt  }
0x6e: {  	_ =	shalt  }
0x6f: {  	_ =	shalt  }
0x70: {  	_ =	shalt  }
0x71: {  	_ =	shalt  }
0x72: {  	_ =	shalt  }
0x73: {  	_ =	shalt  }
0x74: {  	_ =	shalt  }
0x75: {  	_ =	shalt  }
0x76: {  	_ =	shalt  }
0x77: {  	_ =	shalt  }
0x78: {  	_ =	shalt  }
0x79: {  	_ =	shalt  }
0x7a: {  	_ =	shalt  }
0x7b: {  	_ =	shalt  }
0x7c: {  	_ =	shalt  }
0x7d: {  	_ =	shalt  }
0x7e: {  	_ =	shalt  }
0x7f: {  	_ =	shalt  }
0x80: {  	_ =	shalt  }
0x81: {  	_ =	shalt  }
0x82: {  	_ =	shalt  }
0x83: {  	_ =	shalt  }
0x84: {  	_ =	shalt  }
0x85: {  	_ =	shalt  }
0x86: {  	_ =	shalt  }
0x87: {  	_ =	shalt  }
.Lfunc_end0:
.L_simem_size_0:
called_computation.5_lowered:
.L_overlay_start_0:
0x88: {  	s2 =	sld [smem:$0x3FD9]  }
0x89: {  	s3 =	sld [smem:$0x3FFE];
	_ =	sdelay $0x1  }
0x8a: {  	s1 =	srdreg.scid  }
0x8b: {  	s0 =	sand.u32 $0x1, s1  }
0x8c: {  	s17 =	sshll.u32 s0, $0xA;
	s2 =	sadd.s32 s3, s2  }
0x8d: {  	s2 =	sadd.s32 s2, s17  }
0x8e: {  	[smem:$0x3FB4] =	sst s2  }
0x8f: {  	_ = 	snop  }
0x90: {  	(tm) =	ssettm $0x1  }
0x91: {  	s18 =	sld [smem:$0x3FFB];
	_ =	sdelay $0x3  }
0x92: {  	_ =	strace s18  }
0x93: {  	s2 =	sld [smem:$0x3FFC];
	_ =	sdelay $0x3  }
0x94: {  	_ =	strace s2  }
0x95: {  	s2 =	sld [smem:$0x3FFD];
	_ =	sdelay $0x3  }
0x96: {  	_ =	strace s2  }
0x97: {  	_ =	strace $0x8FFFFFFF  }
0x98: {  	s19 =	sld [smem:$0x3FDB];
	_ =	sdelay $0x1  }
0x99: {  	s20 =	simm.s32 $_scs_section_size  }
0x9a: {  	s4 =	simm.s32 $_size__tile_overlayer_lowered;
	s5 =	simm.s32 $_tile_overlayer_lowered  }
0x9b: {  	s6 =	simm.s32 $0x1BFF;
	s21 =	sshll.u32 s5, $0x1;
	s3 =	sadd.s32 s20, s19  }
0x9c: {  	s22 =	simm.s32 $0x0;
	s4 =	sshll.u32 s4, $0x1;
	s5 =	sadd.s32 s21, s3  }
0x9d: {  	[timem:s22], [sflag:s6] =	dma.local [hbm:s5], s4  }
0x9e: {  	_ =	swait.ge [sflag:s6], s4  }
0x9f: {  	s4 =	ssub.s32 $0x0, s4;
	[sflag:s6] =	ssyncset.done $0x0  }
0xa0: {  	[sflag:s6] =	ssyncadd.s32 s4;
	_ =	sdelay $0x1  }
0xa1: {  	s23 =	simm.s32 $0x1B8B  }
0xa2: {  	_ =	swait.ge [sflag:s23], $0x1  }
0xa3: {  	[sflag:s23] =	ssyncset.done $0x0  }
0xa4: {  	[sflag:s23] =	ssyncadd.s32 $0xFFFFFFFF  }
0xa5: {  	s4 =	sld [smem:$0x0]  }
0xa6: {  	s5 =	sand.u32 $0xFFFFFFFE, s1  }
0xa7: {  	p0 =	sne.s32 s1, s5  }
0xa8: {  	s5 =	sshll.u32 @p0 s5, $0xE  }
0xa9: {  	s5 =	sadd.s32 @p0 $0x11B8D, s5;
	s6 =	sshll.u32 @p0 s4, $0x11  }
0xaa: {  	s5 =	sor.u32 @p0 s6, s5  }
0xab: {  	[sflag:s5] =	ssyncadd.remote.s32 @p0 $0x1;
	_ =	sdelay $0x1  }
0xac: {  	s5 =	simm.s32 @p0 $0x1B8D  }
0xad: {  	_ =	swait.eq @p0 [sflag:s5], $0x1  }
0xae: {  	[sflag:s5] =	ssyncadd.s32 @p0 $0xFFFFFFFF  }
0xaf: {  	s6 =	sshll.u32 @!p0 s1, $0xE  }
0xb0: {  	s6 =	sor.u32 @!p0 $0x4000, s6;
	s5 =	simm.s32 @!p0 $0x1B8D  }
0xb1: {  	s4 =	sshll.u32 @!p0 s4, $0x11;
	s6 =	sadd.s32 @!p0 $0x11B8D, s6;
	_ =	swait.eq @!p0 [sflag:s5], $0x1  }
0xb2: {  	s4 =	sor.u32 @!p0 s4, s6;
	[sflag:s5] =	ssyncadd.s32 @!p0 $0xFFFFFFFF  }
0xb3: {  	s25 =	simm.s32 $0x1B8E;
	s24 =	sld [smem:$0x3FFE];
	[sflag:s4] =	ssyncadd.remote.s32 @!p0 $0x1  }
0xb4: {  	s26 =	simm.s32 $execute0_lowered;
	[smem:$0x3FD2] =	sst s25  }
0xb5: {  	s5 =	sshll.u32 s26, $0x1;
	_ =	strace $0x80000052;
	[dreg:$0x1] =	wrdreg $0xFFFFFFFF  }
0xb6: {  	s28 =	simm.s32 $_size_execute0_lowered;
	s3 =	sadd.s32 s3, s5;
	[dreg:$0x0] =	wrdreg $0x0  }
0xb7: {  	s5 =	sshll.u32 s28, $0x1;
	[dreg:$0x2] =	wrdreg s3  }
0xb8: {  	[dreg:$0x3] =	wrdreg s5  }
0xb9: {  	[dreg:$0x4] =	wrdreg $0xC0  }
0xba: {  	_ =	task [dreg:s22], $0x5FFFF  }
0xbb: {  	[dreg:$0x1] =	wrdreg $0xFFFFFFFF  }
0xbc: {  	[dreg:$0x0] =	wrdreg $0x60  }
0xbd: {  	[dreg:$0x2] =	wrdreg s24  }
0xbe: {  	[dreg:$0x3] =	wrdreg $0x88000  }
0xbf: {  	[dreg:$0x4] =	wrdreg $0xF  }
0xc0: {  	_ =	task.clear_ibuf [dreg:s22], $0x5FFFF;
	_ =	strace $0x90000052  }
0xc1: {  	s29 =	simm.s32 $0xF;
	_ =	strace $0x80000054  }
0xc2: {  	_ =	swait.ge [sflag:s29], $0x1  }
0xc3: {  	[sflag:s29] =	ssyncadd.s32 $0xFFFFFFFF  }
0xc4: {  	_ =	strace $0x90000054  }
0xc5: {  	_ =	sfence  }
0xc6: {  	s30 =	sld [smem:$0x0];
	_ =	sdelay $0x2  }
0xc7: {  	s31 =	sshll.u32 s1, $0xD;
	s1 =	sshrl.u32 s1, $0x2  }
0xc8: {  	s4 =	sand.u32 $0x4000, s31;
	s1 =	sadd.s32 s1, s30  }
0xc9: {  	s0 =	sor.u32 s4, s0;
	s1 =	sshll.u32 s1, $0x11  }
0xca: {  	s0 =	sor.u32 s1, s0  }
0xcb: {  	s0 =	sadd.s32 $0x8F2B, s0  }
0xcc: {  	[sflag:s0] =	ssyncadd.remote.s32 $0x1  }
0xcd: {  	_ =	sfence.sel $0xFFFF  }
0xce: {  	[dreg:$0x0] =	wrdreg $0xFFFFFFFF;
	(pc) =	sbr.abs _section_cstart, $3  }
0xcf: {  	[dreg:$0x1] =	wrdreg $0xFFFFFFFF  }
0xd0: {  	_ =	task.clear_ibuf [dreg:s22], $0x2FFFF;
	_ =	strace $0x9FFFFFFF  }
0xd1: {  	(tm) =	ssettm $0x7FFFFFFF  }
tec
execute0_lowered:
.L_overlay_start_1:
0x0: {  	(tag) =	ssettag $0x1  }
0x1: {  	s6 =	rddreg [dreg:$0x0]  }
0x2: {  	s2 =	rddreg [dreg:$0x1];
	s3 =	srdreg.scid  }
0x3: {  	s0 =	rddreg [dreg:$0x2];
	s1 =	stileid.u32  }
0x4: {  	s13 =	simm.s32 $0x80;
	s14 =	simm.s32 $0x1;
	s15 =	simm.s32 $0x7F80  }
0x5: {  	s16 =	simm.s32 $0x8400;
	s7 =	sand.u32 $0x1, s3;
	s3 =	simm.s32 $0x0  }
0x6: {  	s4 =	sshll.u32 s1, $0xC;
	s11 =	smul.u32 $0xC380, s1;
	s12 =	sshll.u32 s1, $0x6  }
0x7: {  	s5 =	sshll.u32 s7, $0xB;
	[smem:$0x7FF] =	sst s3;
	s9 =	smul.u32 $0x18700, s7  }
0x8: {  	s7 =	ssub.s32 $0x2, s7;
	s5 =	sor.u32 s5, s4;
	_ =	strace $0x80000053  }
0x9: {  	s4 =	sadd.s32 $0x126800, s6;
	s10 =	sshrl.u32 s7, $0x1;
	s31 =	sadd.s32 s11, s2  }
0xa: {  	s18 =	sshrl.u32 s11, $0x3;
	s11 =	simm.s32 $0x2;
	s8 =	sadd.s32 s5, s6  }
0xb: {  	s5 =	sadd.s32 $0x39E00, s6;
	s9 =	sadd.s32 s9, s6;
	s10 =	ssub.s32 s7, s10  }
0xc: {  	s6 =	sor.u32 $0x1C02, s12;
	s12 =	simm.s32 $0x8000;
	s7 =	sadd.s32 $0x116800, s8  }
0xd: {  	s8 =	sadd.s32 $0x106800, s8;
	s17 =	sadd.s32 $0x132C00, s9;
	s9 =	smax.u32 s10, $0x1  }
0xe: {  	s10 =	sshrl.u32 s31, $0x3;
	s17 =	sadd.s32 s18, s17;
	s18 =	simm.s32 $0x0  }
.LBB2_1:
0xf: {  	[spmem:s10], [sflag:s6] =	dma.local [hbm:s5], $0x1870  }
0x10: {  	_ =	swait.ge [sflag:s11], $0x1870  }
0x11: {  	[sflag:s11] =	ssyncset.done $0x0  }
0x12: {  	[sflag:s11] =	ssyncadd.s32 $0xFFFFE790  }
0x13: {  	[bflag:$0x0] =	sbarrier.arrive $0xFFFF  }
0x14: {  	[tilespmem:s3], [sflag:$0x2] =	stream.linear.gather [hbm4b:s7+s3], $0x4000, $0x38;
	[tilespmem:$0x14B80] =	vst v63  }
0x15: {  	_ =	swait.ge [sflag:s11], $0x4000  }
0x16: {  	[sflag:s11] =	ssyncset.done $0x0  }
0x17: {  	s19 =	simm.s32 $0x4000;
	[sflag:s11] =	ssyncadd.s32 $0xFFFFC000  }
0x18: {  	[tilespmem:s19], [sflag:$0x2] =	stream.linear.gather [hbm4b:s8+s3], $0x4000, $0x38;
	[tilespmem:$0x14B80] =	vst v63  }
0x19: {  	_ =	swait.ge [sflag:s11], $0x4000  }
0x1a: {  	s20 =	simm.s32 $0x400;
	[sflag:s11] =	ssyncset.done $0x0  }
0x1b: {  	s21 =	sand.u32 $0x400, s20;
	[sflag:s11] =	ssyncadd.s32 $0xFFFFC000  }
0x1c: {  	[tilespmem:s12], [sflag:$0x1] =	stream.indirect.gather [hbm4b:s4+s13], $0x8, s3, s13, $0xb8;
	[tilespmem:$0x14B80] =	vst v63  }
0x1d: {  	s21 =	sor.u32 $0x8000, s21  }
0x1e: {  	[tilespmem:s21], [sflag:$0x1] =	stream.indirect.gather [hbm4b:s4+s13], $0x8, s13, s13, $0xb8;
	[tilespmem:$0x14B80] =	vst v63  }
0x1f: {  	_ =	swait.ge [sflag:s14], $0x400  }
0x20: {  	s31 =	sand.u32 $0x400, s3;
	[sflag:s14] =	ssyncset.done $0x0  }
0x21: {  	s22 =	sor.u32 $0x8000, s31;
	s21 =	simm.s32 $0x80;
	[sflag:s14] =	ssyncadd.s32 $0xFFFFFC00  }
.LBB2_2:
0x22: {  	[spmem:s2] =	stream.indirect.scatter.add.f32 [tilespmem:s22], [sflag:$0x2], $0x8, s19, s13, $0xb8;
	[tilespmem:$0x14B80] =	vst v63  }
0x23: {  	s22 =	smov.u32 s20  }
0x24: {  	p0 =	sne.s32 s20, $0x1F800;
	s20 =	sadd.s32 $0x400, s20;
	_ =	swait.ge [sflag:s11], $0x400  }
0x25: {  	s21 =	sadd.s32 $0x80, s21;
	s23 =	sand.u32 $0x400, s20;
	[sflag:s11] =	ssyncset.done $0x0  }
.Ltmp0:
0x26: {  	s23 =	sor.u32 $0x8000, s23;
	[sflag:s11] =	ssyncadd.s32 $0xFFFFFC00;
	(pc) =	sbr.rel @p0 .LBB2_2-.Ltmp0, $4  }
0x27: {  	[tilespmem:s23], [sflag:$0x1] =	stream.indirect.gather [hbm4b:s4+s13], $0x8, s21, s13, $0xb8;
	[tilespmem:$0x14B80] =	vst v63  }
0x28: {  	_ =	swait.ge [sflag:s14], $0x400  }
0x29: {  	s22 =	sand.u32 $0x400, s22;
	[sflag:s14] =	ssyncset.done $0x0  }
0x2a: {  	s19 =	sadd.s32 $0x80, s19;
	s22 =	sor.u32 $0x8000, s22;
	[sflag:s14] =	ssyncadd.s32 $0xFFFFFC00  }
0x2b: {  	[spmem:s2] =	stream.indirect.scatter.add.f32 [tilespmem:s22], [sflag:$0x2], $0x8, s19, s13, $0xb8;
	[tilespmem:$0x14B80] =	vst v63  }
0x2c: {  	_ =	swait.ge [sflag:s11], $0x400  }
0x2d: {  	[sflag:s11] =	ssyncset.done $0x0  }
0x2e: {  	[sflag:s11] =	ssyncadd.s32 $0xFFFFFC00  }
0x2f: {  	_ =	swait.ge [sflag:s14], $0x400  }
0x30: {  	[sflag:s14] =	ssyncset.done $0x0  }
0x31: {  	[sflag:s14] =	ssyncadd.s32 $0xFFFFFC00  }
0x32: {  	[spmem:s2] =	stream.indirect.scatter.add.f32 [tilespmem:s16], [sflag:$0x2], $0x8, s15, s13, $0xb8;
	[tilespmem:$0x14B80] =	vst v63  }
0x33: {  	_ =	swait.ge [sflag:s11], $0x400  }
0x34: {  	s18 =	sadd.s32 $0x1, s18;
	[sflag:s11] =	ssyncset.done $0x0  }
0x35: {  	p0 =	sne.s32 s18, s9;
	[sflag:s11] =	ssyncadd.s32 $0xFFFFFC00  }
.Ltmp1:
0x36: {  	[bflag:$0x0] =	sbarrier.arrive $0xFFFF;
	(pc) =	sbr.rel @p0 .LBB2_1-.Ltmp1, $4  }
0x37: {  	[hbm:s17], [sflag:s6] =	dma.local [spmem:s10], $0x1870  }
0x38: {  	_ =	swait.ge [sflag:s11], $0x1870  }
0x39: {  	[sflag:s11] =	ssyncset.done $0x0  }
0x3a: {  	[sflag:s11] =	ssyncadd.s32 $0xFFFFE790  }
0x3b: {  	_ =	sfence.sel $0x180000  }
0x3c: {  	[bflag:$0x0] =	sbarrier.arrive $0xFFFF  }
0x3d: {  	p0 =	sne.s32 s1, $0x0;
	_ =	strace $0x90000053  }
0x3e: {  	s0 =	sadd.s32 @!p0 $0x100000, s0;
	[bflag:$0x2] =	sbarrier.arrive $0xFFFF  }
0x3f: {  	[sflag:s0] =	ssyncadd.tile.s32 @!p0 $0x1;
	_ =	shalt  }
.Lfunc_end2:
_tile_overlayer_lowered:
.L_overlay_start_2:
0x40: {  	(tag) =	ssettag $0x2  }
0x41: {  	s0 =	rddreg [dreg:$0x0];
	s2 =	stileid.u32  }
0x42: {  	s1 =	rddreg [dreg:$0x1];
	p0 =	sne.s32 s2, $0x0  }
0x43: {  	s3 =	rddreg [dreg:$0x2];
	[bflag:$0x3] =	sbarrier.arrive $0xFFFF;
	s2 =	simm.s32 @!p0 $0x1C02  }
0x44: {  	[timem:s3], [sflag:s2] =	dma.local @!p0 [hbm:s0], s1  }
0x45: {  	s0 =	simm.s32 @!p0 $0x2  }
0x46: {  	_ =	swait.ge @!p0 [sflag:s0], s1  }
0x47: {  	s1 =	ssub.s32 @!p0 $0x0, s1;
	[sflag:s0] =	ssyncset.done @!p0 $0x0  }
0x48: {  	[sflag:s0] =	ssyncadd.s32 @!p0 s1  }
0x49: {  	[bflag:$0x3] =	sbarrier.arrive $0xFFFF  }
0x4a: {  	_ =	shalt  }

// kernel: kernel.37.cloned.1.call-start
scs
__scs_entry_jumppad:
0x0: {  	(pc) =	sbr.rel $0x88, $3  }
0x1: {  	(tag) =	ssettag $0x0;
	lr =	simm.s32 $0x1  }
0x2: {  	[smem:$0x3F8D] =	sst lr;
	_ =	strace $0xD0000000  }
0x3: {  	_ = 	snop  }
0x4: {  	_ = 	snop  }
0x5: {  	_ = 	snop  }
0x6: {  	_ = 	snop  }
0x7: {  	_ = 	snop  }
__scs_overlays_trampoline_lowered:
0x8: {  	[smem:$0x3F9C] =	sst s0  }
0x9: {  	[smem:$0x3F9D] =	sst s1  }
0xa: {  	[smem:$0x3F9E] =	sst s2  }
0xb: {  	[smem:$0x3F9F] =	sst s3  }
0xc: {  	[smem:$0x3FA0] =	sst s4  }
0xd: {  	[smem:$0x3FA1] =	sst s5  }
0xe: {  	[smem:$0x3FA2] =	sst s6  }
0xf: {  	[smem:$0x3FA3] =	sst s7  }
0x10: {  	[smem:$0x3FA4] =	sst s8  }
0x11: {  	[smem:$0x3FA5] =	sst s9;
	s0 =	simm.s32 @!p0 $0x0  }
0x12: {  	s1 =	sld [smem:$0x3F8B];
	s0 =	simm.s32 @p0 $0x1  }
0x13: {  	[smem:$0x3FA6] =	sst s0;
	s0 =	simm.s32 @!p1 $0x0  }
0x14: {  	s2 =	sld [smem:$0x3F8A];
	s0 =	simm.s32 @p1 $0x1  }
0x15: {  	[smem:$0x3FA7] =	sst s0;
	s0 =	simm.s32 @!p2 $0x0  }
0x16: {  	s3 =	sld [smem:$0x3FDB];
	s0 =	simm.s32 @p2 $0x1  }
0x17: {  	s4 =	simm.s32 $0x1BF5;
	[smem:$0x3FA9] =	sst s0  }
0x18: {  	s0 =	sld [smem:$0x3F8C];
	_ =	swait.ge [sflag:s4], $0x0  }
0x19: {  	s7 =	sld [smem:$0x3F8D]  }
0x1a: {  	s8 =	sadd.s32 $0xFFFFE003, lr  }
0x1b: {  	s9 =	sadd.s32 $0xFFFFFEF7, lr;
	s5 =	simm.s32 $0xFFFFFFFF;
	p2 =	slt.u32 s8, $0xFFFFF086  }
0x1c: {  	p1 =	slt.u32 s9, $0xF7A;
	s5 =	simm.s32 @!p2 $0x0  }
0x1d: {  	s5 =	simm.s32 @p1 $0x1;
	p0 =	seq.s32 s7, s2  }
0x1e: {  	s7 =	smul.u32 @!p0 $0xF7A, s2;
	p2 =	seq.s32 @!p0 s5, $0x0  }
0x1f: {  	s9 =	smul.u32 $0xF7A, s1;
	s8 =	simm.s32 @!p0 $0x1BF5;
	p2 =	por !p2, p0  }
0x20: {  	[sflag:s8] =	ssyncset.s32 @!p0 $0xFFFFF086;
	s6 =	sadd.s32 @!p0 s3, s7;
	s7 =	simm.s32 @!p0 $0x108  }
0x21: {  	s3 =	sadd.s32 s3, s9;
	s6 =	sadd.s32 @!p0 $0x88, s6;
	s7 =	simm.s32 @p2 $0x1082  }
0x22: {  	[simem:s7], [sflag:s8] =	dma.local @!p0 [hbm:s6], $0xF7A  }
0x23: {  	s9 =	sor.u32 $0xD0000000, s2;
	s6 =	simm.s32 $0x108;
	_ =	swait.ge @!p0 [sflag:s8], $0x0  }
0x24: {  	s3 =	sadd.s32 $0x88, s3;
	s6 =	simm.s32 @!p1 $0x1082;
	[sflag:s4] =	ssyncset.s32 $0xFFFFF086  }
0x25: {  	[simem:s6], [sflag:s4] =	dma.local [hbm:s3], $0xF7A  }
0x26: {  	[smem:$0x3F8D] =	sst s1;
	(tag) =	ssettag s2;
	_ =	strace s9  }
0x27: {  	s1 =	sld [smem:$0x3F9D]  }
0x28: {  	s2 =	sld [smem:$0x3F9E]  }
0x29: {  	s4 =	sld [smem:$0x3FA0]  }
0x2a: {  	p0 =	seq.s32 s5, $0x0;
	s5 =	sld [smem:$0x3FA1]  }
0x2b: {  	s6 =	sld [smem:$0x3FA2]  }
0x2c: {  	s7 =	sld [smem:$0x3FA3]  }
0x2d: {  	s3 =	simm.s32 $0x108;
	s8 =	sld [smem:$0x3FA4]  }
0x2e: {  	s3 =	simm.s32 @!p0 $0x1082;
	s9 =	sld [smem:$0x3FA5]  }
0x2f: {  	lr =	sadd.s32 s0, s3;
	s0 =	sld [smem:$0x3F9C]  }
0x30: {  	s3 =	sld [smem:$0x3F9F]  }
0x31: {  	[smem:$0x3FA8] =	sst s10  }
0x32: {  	s10 =	sld [smem:$0x3FA6];
	_ =	sdelay $0x3  }
0x33: {  	p0 =	seq.s32 s10, $0x1;
	s10 =	sld [smem:$0x3FA8];
	_ =	sdelay $0x3  }
0x34: {  	[smem:$0x3FA8] =	sst s10  }
0x35: {  	s10 =	sld [smem:$0x3FA7];
	_ =	sdelay $0x3  }
0x36: {  	p1 =	seq.s32 s10, $0x1;
	s10 =	sld [smem:$0x3FA8];
	_ =	sdelay $0x3  }
0x37: {  	[smem:$0x3FA8] =	sst s10  }
0x38: {  	s10 =	sld [smem:$0x3FA9]  }
0x39: {  	_ = 	snop;
	(pc) =	sbr.ind lr, $3  }
0x3a: {  	_ = 	snop  }
0x3b: {  	_ = 	snop  }
0x3c: {  	p2 =	seq.s32 s10, $0x1;
	s10 =	sld [smem:$0x3FA8]  }
0x3d: {  	_ =	shalt  }
0x3e: {  	_ =	shalt  }
0x3f: {  	_ =	shalt  }
0x40: {  	_ =	shalt  }
0x41: {  	_ =	shalt  }
0x42: {  	_ =	shalt  }
0x43: {  	_ =	shalt  }
0x44: {  	_ =	shalt  }
0x45: {  	_ =	shalt  }
0x46: {  	_ =	shalt  }
0x47: {  	_ =	shalt  }
0x48: {  	_ =	shalt  }
0x49: {  	_ =	shalt  }
0x4a: {  	_ =	shalt  }
0x4b: {  	_ =	shalt  }
0x4c: {  	_ =	shalt  }
0x4d: {  	_ =	shalt  }
0x4e: {  	_ =	shalt  }
0x4f: {  	_ =	shalt  }
0x50: {  	_ =	shalt  }
0x51: {  	_ =	shalt  }
0x52: {  	_ =	shalt  }
0x53: {  	_ =	shalt  }
0x54: {  	_ =	shalt  }
0x55: {  	_ =	shalt  }
0x56: {  	_ =	shalt  }
0x57: {  	_ =	shalt  }
0x58: {  	_ =	shalt  }
0x59: {  	_ =	shalt  }
0x5a: {  	_ =	shalt  }
0x5b: {  	_ =	shalt  }
0x5c: {  	_ =	shalt  }
0x5d: {  	_ =	shalt  }
0x5e: {  	_ =	shalt  }
0x5f: {  	_ =	shalt  }
0x60: {  	_ =	shalt  }
0x61: {  	_ =	shalt  }
0x62: {  	_ =	shalt  }
0x63: {  	_ =	shalt  }
0x64: {  	_ =	shalt  }
0x65: {  	_ =	shalt  }
0x66: {  	_ =	shalt  }
0x67: {  	_ =	shalt  }
0x68: {  	_ =	shalt  }
0x69: {  	_ =	shalt  }
0x6a: {  	_ =	shalt  }
0x6b: {  	_ =	shalt  }
0x6c: {  	_ =	shalt  }
0x6d: {  	_ =	shalt  }
0x6e: {  	_ =	shalt  }
0x6f: {  	_ =	shalt  }
0x70: {  	_ =	shalt  }
0x71: {  	_ =	shalt  }
0x72: {  	_ =	shalt  }
0x73: {  	_ =	shalt  }
0x74: {  	_ =	shalt  }
0x75: {  	_ =	shalt  }
0x76: {  	_ =	shalt  }
0x77: {  	_ =	shalt  }
0x78: {  	_ =	shalt  }
0x79: {  	_ =	shalt  }
0x7a: {  	_ =	shalt  }
0x7b: {  	_ =	shalt  }
0x7c: {  	_ =	shalt  }
0x7d: {  	_ =	shalt  }
0x7e: {  	_ =	shalt  }
0x7f: {  	_ =	shalt  }
0x80: {  	_ =	shalt  }
0x81: {  	_ =	shalt  }
0x82: {  	_ =	shalt  }
0x83: {  	_ =	shalt  }
0x84: {  	_ =	shalt  }
0x85: {  	_ =	shalt  }
0x86: {  	_ =	shalt  }
0x87: {  	_ =	shalt  }
.Lfunc_end0:
.L_simem_size_0:
called_computation.6_lowered:
.L_overlay_start_0:
0x88: {  	s2 =	sld [smem:$0x3FD9]  }
0x89: {  	s3 =	sld [smem:$0x3FFE];
	_ =	sdelay $0x1  }
0x8a: {  	s1 =	srdreg.scid  }
0x8b: {  	s0 =	sand.u32 $0x1, s1  }
0x8c: {  	s17 =	sshll.u32 s0, $0xA;
	s2 =	sadd.s32 s3, s2  }
0x8d: {  	s2 =	sadd.s32 s2, s17  }
0x8e: {  	[smem:$0x3FB4] =	sst s2  }
0x8f: {  	_ = 	snop  }
0x90: {  	(tm) =	ssettm $0x1  }
0x91: {  	s18 =	sld [smem:$0x3FFB];
	_ =	sdelay $0x3  }
0x92: {  	_ =	strace s18  }
0x93: {  	s2 =	sld [smem:$0x3FFC];
	_ =	sdelay $0x3  }
0x94: {  	_ =	strace s2  }
0x95: {  	s2 =	sld [smem:$0x3FFD];
	_ =	sdelay $0x3  }
0x96: {  	_ =	strace s2  }
0x97: {  	_ =	strace $0x8FFFFFFF  }
0x98: {  	s19 =	sld [smem:$0x3FDB];
	_ =	sdelay $0x1  }
0x99: {  	s20 =	simm.s32 $_scs_section_size  }
0x9a: {  	s4 =	simm.s32 $_size__tile_overlayer_lowered;
	s5 =	simm.s32 $_tile_overlayer_lowered  }
0x9b: {  	s6 =	simm.s32 $0x1BFF;
	s21 =	sshll.u32 s5, $0x1;
	s3 =	sadd.s32 s20, s19  }
0x9c: {  	s22 =	simm.s32 $0x0;
	s4 =	sshll.u32 s4, $0x1;
	s5 =	sadd.s32 s21, s3  }
0x9d: {  	[timem:s22], [sflag:s6] =	dma.local [hbm:s5], s4  }
0x9e: {  	_ =	swait.ge [sflag:s6], s4  }
0x9f: {  	s4 =	ssub.s32 $0x0, s4;
	[sflag:s6] =	ssyncset.done $0x0  }
0xa0: {  	[sflag:s6] =	ssyncadd.s32 s4;
	_ =	sdelay $0x1  }
0xa1: {  	s23 =	simm.s32 $0x1B8B  }
0xa2: {  	_ =	swait.ge [sflag:s23], $0x1  }
0xa3: {  	[sflag:s23] =	ssyncset.done $0x0  }
0xa4: {  	[sflag:s23] =	ssyncadd.s32 $0xFFFFFFFF  }
0xa5: {  	s4 =	sld [smem:$0x0]  }
0xa6: {  	s5 =	sand.u32 $0xFFFFFFFE, s1  }
0xa7: {  	p0 =	sne.s32 s1, s5  }
0xa8: {  	s5 =	sshll.u32 @p0 s5, $0xE  }
0xa9: {  	s5 =	sadd.s32 @p0 $0x11B8D, s5;
	s6 =	sshll.u32 @p0 s4, $0x11  }
0xaa: {  	s5 =	sor.u32 @p0 s6, s5  }
0xab: {  	[sflag:s5] =	ssyncadd.remote.s32 @p0 $0x1;
	_ =	sdelay $0x1  }
0xac: {  	s5 =	simm.s32 @p0 $0x1B8D  }
0xad: {  	_ =	swait.eq @p0 [sflag:s5], $0x1  }
0xae: {  	[sflag:s5] =	ssyncadd.s32 @p0 $0xFFFFFFFF  }
0xaf: {  	s6 =	sshll.u32 @!p0 s1, $0xE  }
0xb0: {  	s6 =	sor.u32 @!p0 $0x4000, s6;
	s5 =	simm.s32 @!p0 $0x1B8D  }
0xb1: {  	s4 =	sshll.u32 @!p0 s4, $0x11;
	s6 =	sadd.s32 @!p0 $0x11B8D, s6;
	_ =	swait.eq @!p0 [sflag:s5], $0x1  }
0xb2: {  	s4 =	sor.u32 @!p0 s4, s6;
	[sflag:s5] =	ssyncadd.s32 @!p0 $0xFFFFFFFF  }
0xb3: {  	s25 =	simm.s32 $0x1B8E;
	s24 =	sld [smem:$0x3FFE];
	[sflag:s4] =	ssyncadd.remote.s32 @!p0 $0x1  }
0xb4: {  	s26 =	simm.s32 $execute0_lowered;
	[smem:$0x3FD2] =	sst s25  }
0xb5: {  	s5 =	sshll.u32 s26, $0x1;
	_ =	strace $0x8000004F;
	[dreg:$0x1] =	wrdreg $0xFFFFFFFF  }
0xb6: {  	s28 =	simm.s32 $_size_execute0_lowered;
	s3 =	sadd.s32 s3, s5;
	[dreg:$0x0] =	wrdreg $0x0  }
0xb7: {  	s5 =	sshll.u32 s28, $0x1;
	[dreg:$0x2] =	wrdreg s3  }
0xb8: {  	[dreg:$0x3] =	wrdreg s5  }
0xb9: {  	[dreg:$0x4] =	wrdreg $0xC0  }
0xba: {  	_ =	task [dreg:s22], $0x5FFFF  }
0xbb: {  	[dreg:$0x1] =	wrdreg $0xFFFFFFFF  }
0xbc: {  	[dreg:$0x0] =	wrdreg $0x60  }
0xbd: {  	[dreg:$0x2] =	wrdreg s24  }
0xbe: {  	[dreg:$0x3] =	wrdreg $0x28000  }
0xbf: {  	[dreg:$0x4] =	wrdreg $0x10  }
0xc0: {  	_ =	task.clear_ibuf [dreg:s22], $0x5FFFF;
	_ =	strace $0x9000004F  }
0xc1: {  	s29 =	simm.s32 $0x10;
	_ =	strace $0x80000051  }
0xc2: {  	_ =	swait.ge [sflag:s29], $0x1  }
0xc3: {  	[sflag:s29] =	ssyncadd.s32 $0xFFFFFFFF  }
0xc4: {  	_ =	strace $0x90000051  }
0xc5: {  	_ =	sfence  }
0xc6: {  	s30 =	sld [smem:$0x0];
	_ =	sdelay $0x2  }
0xc7: {  	s31 =	sshll.u32 s1, $0xD;
	s1 =	sshrl.u32 s1, $0x2  }
0xc8: {  	s4 =	sand.u32 $0x4000, s31;
	s1 =	sadd.s32 s1, s30  }
0xc9: {  	s0 =	sor.u32 s4, s0;
	s1 =	sshll.u32 s1, $0x11  }
0xca: {  	s0 =	sor.u32 s1, s0  }
0xcb: {  	s0 =	sadd.s32 $0x8F2B, s0  }
0xcc: {  	[sflag:s0] =	ssyncadd.remote.s32 $0x1  }
0xcd: {  	_ =	sfence.sel $0xFFFF  }
0xce: {  	[dreg:$0x0] =	wrdreg $0xFFFFFFFF;
	(pc) =	sbr.abs _section_cstart, $3  }
0xcf: {  	[dreg:$0x1] =	wrdreg $0xFFFFFFFF  }
0xd0: {  	_ =	task.clear_ibuf [dreg:s22], $0x2FFFF;
	_ =	strace $0x9FFFFFFF  }
0xd1: {  	(tm) =	ssettm $0x7FFFFFFF  }
tec
execute0_lowered:
.L_overlay_start_1:
0x0: {  	(tag) =	ssettag $0x1  }
0x1: {  	s6 =	rddreg [dreg:$0x0]  }
0x2: {  	s1 =	rddreg [dreg:$0x1]  }
0x3: {  	s0 =	rddreg [dreg:$0x2];
	s3 =	simm.s32 $0x0;
	s4 =	srdreg.scid  }
0x4: {  	s2 =	stileid.u32;
	s14 =	simm.s32 $0x1;
	s15 =	simm.s32 $0x1F80  }
0x5: {  	s16 =	simm.s32 $0x2400;
	[smem:$0x7FF] =	sst s3;
	s5 =	sand.u32 $0x1, s4  }
0x6: {  	s7 =	sshll.u32 s2, $0xA;
	s4 =	sadd.s32 $0xD3200, s6;
	s10 =	smul.u32 $0xC380, s2  }
0x7: {  	s31 =	sshll.u32 s2, $0x6;
	_ =	strace $0x80000050;
	s8 =	sshll.u32 s5, $0x9  }
0x8: {  	s28 =	smul.u32 $0x18700, s5;
	s29 =	ssub.s32 $0x2, s5;
	s5 =	sadd.s32 $0x39E00, s6  }
0x9: {  	s7 =	sor.u32 s8, s7;
	s30 =	sshrl.u32 s29, $0x1;
	s13 =	sadd.s32 s10, s1  }
0xa: {  	s18 =	sshrl.u32 s10, $0x3;
	s9 =	sadd.s32 s7, s6;
	s11 =	sadd.s32 s28, s6  }
0xb: {  	s12 =	ssub.s32 s29, s30;
	s6 =	sor.u32 $0x1C02, s31;
	s10 =	sshrl.u32 s13, $0x3  }
0xc: {  	s13 =	simm.s32 $0x80;
	s7 =	sadd.s32 $0x35E00, s9;
	s8 =	sadd.s32 $0x31E00, s9  }
0xd: {  	s17 =	sadd.s32 $0xD5A00, s11;
	s9 =	smax.u32 s12, $0x1;
	s11 =	simm.s32 $0x2  }
0xe: {  	s12 =	simm.s32 $0x2000;
	s17 =	sadd.s32 s18, s17;
	s18 =	simm.s32 $0x0  }
.LBB2_1:
0xf: {  	[spmem:s10], [sflag:s6] =	dma.local [hbm:s5], $0x1870  }
0x10: {  	_ =	swait.ge [sflag:s11], $0x1870  }
0x11: {  	[sflag:s11] =	ssyncset.done $0x0  }
0x12: {  	[sflag:s11] =	ssyncadd.s32 $0xFFFFE790  }
0x13: {  	[bflag:$0x0] =	sbarrier.arrive $0xFFFF  }
0x14: {  	[tilespmem:s3], [sflag:$0x2] =	stream.linear.gather [hbm4b:s7+s3], $0x1000, $0x38;
	[tilespmem:$0xEB80] =	vst v63  }
0x15: {  	_ =	swait.ge [sflag:s11], $0x1000  }
0x16: {  	[sflag:s11] =	ssyncset.done $0x0  }
0x17: {  	s19 =	simm.s32 $0x1000;
	[sflag:s11] =	ssyncadd.s32 $0xFFFFF000  }
0x18: {  	[tilespmem:s19], [sflag:$0x2] =	stream.linear.gather [hbm4b:s8+s3], $0x1000, $0x38;
	[tilespmem:$0xEB80] =	vst v63  }
0x19: {  	_ =	swait.ge [sflag:s11], $0x1000  }
0x1a: {  	s20 =	simm.s32 $0x400;
	[sflag:s11] =	ssyncset.done $0x0  }
0x1b: {  	s21 =	sand.u32 $0x400, s20;
	[sflag:s11] =	ssyncadd.s32 $0xFFFFF000  }
0x1c: {  	[tilespmem:s12], [sflag:$0x1] =	stream.indirect.gather [hbm4b:s4+s13], $0x8, s3, s13, $0xb8;
	[tilespmem:$0xEB80] =	vst v63  }
0x1d: {  	s21 =	sor.u32 $0x2000, s21  }
0x1e: {  	[tilespmem:s21], [sflag:$0x1] =	stream.indirect.gather [hbm4b:s4+s13], $0x8, s13, s13, $0xb8;
	[tilespmem:$0xEB80] =	vst v63  }
0x1f: {  	_ =	swait.ge [sflag:s14], $0x400  }
0x20: {  	s31 =	sand.u32 $0x400, s3;
	[sflag:s14] =	ssyncset.done $0x0  }
0x21: {  	s22 =	sor.u32 $0x2000, s31;
	s21 =	simm.s32 $0x80;
	[sflag:s14] =	ssyncadd.s32 $0xFFFFFC00  }
.LBB2_2:
0x22: {  	[spmem:s1] =	stream.indirect.scatter.add.f32 [tilespmem:s22], [sflag:$0x2], $0x8, s19, s13, $0xb8;
	[tilespmem:$0xEB80] =	vst v63  }
0x23: {  	s22 =	smov.u32 s20  }
0x24: {  	p0 =	sne.s32 s20, $0x7800;
	s20 =	sadd.s32 $0x400, s20;
	_ =	swait.ge [sflag:s11], $0x400  }
0x25: {  	s21 =	sadd.s32 $0x80, s21;
	s23 =	sand.u32 $0x400, s20;
	[sflag:s11] =	ssyncset.done $0x0  }
.Ltmp0:
0x26: {  	s23 =	sor.u32 $0x2000, s23;
	[sflag:s11] =	ssyncadd.s32 $0xFFFFFC00;
	(pc) =	sbr.rel @p0 .LBB2_2-.Ltmp0, $4  }
0x27: {  	[tilespmem:s23], [sflag:$0x1] =	stream.indirect.gather [hbm4b:s4+s13], $0x8, s21, s13, $0xb8;
	[tilespmem:$0xEB80] =	vst v63  }
0x28: {  	_ =	swait.ge [sflag:s14], $0x400  }
0x29: {  	s22 =	sand.u32 $0x400, s22;
	[sflag:s14] =	ssyncset.done $0x0  }
0x2a: {  	s19 =	sadd.s32 $0x80, s19;
	s22 =	sor.u32 $0x2000, s22;
	[sflag:s14] =	ssyncadd.s32 $0xFFFFFC00  }
0x2b: {  	[spmem:s1] =	stream.indirect.scatter.add.f32 [tilespmem:s22], [sflag:$0x2], $0x8, s19, s13, $0xb8;
	[tilespmem:$0xEB80] =	vst v63  }
0x2c: {  	_ =	swait.ge [sflag:s11], $0x400  }
0x2d: {  	[sflag:s11] =	ssyncset.done $0x0  }
0x2e: {  	[sflag:s11] =	ssyncadd.s32 $0xFFFFFC00  }
0x2f: {  	_ =	swait.ge [sflag:s14], $0x400  }
0x30: {  	[sflag:s14] =	ssyncset.done $0x0  }
0x31: {  	[sflag:s14] =	ssyncadd.s32 $0xFFFFFC00  }
0x32: {  	[spmem:s1] =	stream.indirect.scatter.add.f32 [tilespmem:s16], [sflag:$0x2], $0x8, s15, s13, $0xb8;
	[tilespmem:$0xEB80] =	vst v63  }
0x33: {  	_ =	swait.ge [sflag:s11], $0x400  }
0x34: {  	s18 =	sadd.s32 $0x1, s18;
	[sflag:s11] =	ssyncset.done $0x0  }
0x35: {  	p0 =	sne.s32 s18, s9;
	[sflag:s11] =	ssyncadd.s32 $0xFFFFFC00  }
.Ltmp1:
0x36: {  	[bflag:$0x0] =	sbarrier.arrive $0xFFFF;
	(pc) =	sbr.rel @p0 .LBB2_1-.Ltmp1, $4  }
0x37: {  	[hbm:s17], [sflag:s6] =	dma.local [spmem:s10], $0x1870  }
0x38: {  	_ =	swait.ge [sflag:s11], $0x1870  }
0x39: {  	[sflag:s11] =	ssyncset.done $0x0  }
0x3a: {  	[sflag:s11] =	ssyncadd.s32 $0xFFFFE790  }
0x3b: {  	_ =	sfence.sel $0x180000  }
0x3c: {  	[bflag:$0x0] =	sbarrier.arrive $0xFFFF  }
0x3d: {  	p0 =	sne.s32 s2, $0x0;
	_ =	strace $0x90000050  }
0x3e: {  	s0 =	sadd.s32 @!p0 $0x100000, s0;
	[bflag:$0x2] =	sbarrier.arrive $0xFFFF  }
0x3f: {  	[sflag:s0] =	ssyncadd.tile.s32 @!p0 $0x1;
	_ =	shalt  }
.Lfunc_end2:
_tile_overlayer_lowered:
.L_overlay_start_2:
0x40: {  	(tag) =	ssettag $0x2  }
0x41: {  	s0 =	rddreg [dreg:$0x0];
	s2 =	stileid.u32  }
0x42: {  	s1 =	rddreg [dreg:$0x1];
	p0 =	sne.s32 s2, $0x0  }
0x43: {  	s3 =	rddreg [dreg:$0x2];
	[bflag:$0x3] =	sbarrier.arrive $0xFFFF;
	s2 =	simm.s32 @!p0 $0x1C02  }
0x44: {  	[timem:s3], [sflag:s2] =	dma.local @!p0 [hbm:s0], s1  }
0x45: {  	s0 =	simm.s32 @!p0 $0x2  }
0x46: {  	_ =	swait.ge @!p0 [sflag:s0], s1  }
0x47: {  	s1 =	ssub.s32 @!p0 $0x0, s1;
	[sflag:s0] =	ssyncset.done @!p0 $0x0  }
0x48: {  	[sflag:s0] =	ssyncadd.s32 @!p0 s1  }
0x49: {  	[bflag:$0x3] =	sbarrier.arrive $0xFFFF  }
0x4a: {  	_ =	shalt  }

// kernel: kernel.40.cloned.1.call-start
scs
__scs_entry_jumppad:
0x0: {  	(pc) =	sbr.rel $0x88, $3  }
0x1: {  	(tag) =	ssettag $0x0;
	lr =	simm.s32 $0x1  }
0x2: {  	[smem:$0x3F8D] =	sst lr;
	_ =	strace $0xD0000000  }
0x3: {  	_ = 	snop  }
0x4: {  	_ = 	snop  }
0x5: {  	_ = 	snop  }
0x6: {  	_ = 	snop  }
0x7: {  	_ = 	snop  }
__scs_overlays_trampoline_lowered:
0x8: {  	[smem:$0x3F9C] =	sst s0  }
0x9: {  	[smem:$0x3F9D] =	sst s1  }
0xa: {  	[smem:$0x3F9E] =	sst s2  }
0xb: {  	[smem:$0x3F9F] =	sst s3  }
0xc: {  	[smem:$0x3FA0] =	sst s4  }
0xd: {  	[smem:$0x3FA1] =	sst s5  }
0xe: {  	[smem:$0x3FA2] =	sst s6  }
0xf: {  	[smem:$0x3FA3] =	sst s7  }
0x10: {  	[smem:$0x3FA4] =	sst s8  }
0x11: {  	[smem:$0x3FA5] =	sst s9;
	s0 =	simm.s32 @!p0 $0x0  }
0x12: {  	s1 =	sld [smem:$0x3F8B];
	s0 =	simm.s32 @p0 $0x1  }
0x13: {  	[smem:$0x3FA6] =	sst s0;
	s0 =	simm.s32 @!p1 $0x0  }
0x14: {  	s2 =	sld [smem:$0x3F8A];
	s0 =	simm.s32 @p1 $0x1  }
0x15: {  	[smem:$0x3FA7] =	sst s0;
	s0 =	simm.s32 @!p2 $0x0  }
0x16: {  	s3 =	sld [smem:$0x3FDB];
	s0 =	simm.s32 @p2 $0x1  }
0x17: {  	s4 =	simm.s32 $0x1BF5;
	[smem:$0x3FA9] =	sst s0  }
0x18: {  	s0 =	sld [smem:$0x3F8C];
	_ =	swait.ge [sflag:s4], $0x0  }
0x19: {  	s7 =	sld [smem:$0x3F8D]  }
0x1a: {  	s8 =	sadd.s32 $0xFFFFE003, lr  }
0x1b: {  	s9 =	sadd.s32 $0xFFFFFEF7, lr;
	s5 =	simm.s32 $0xFFFFFFFF;
	p2 =	slt.u32 s8, $0xFFFFF086  }
0x1c: {  	p1 =	slt.u32 s9, $0xF7A;
	s5 =	simm.s32 @!p2 $0x0  }
0x1d: {  	s5 =	simm.s32 @p1 $0x1;
	p0 =	seq.s32 s7, s2  }
0x1e: {  	s7 =	smul.u32 @!p0 $0xF7A, s2;
	p2 =	seq.s32 @!p0 s5, $0x0  }
0x1f: {  	s9 =	smul.u32 $0xF7A, s1;
	s8 =	simm.s32 @!p0 $0x1BF5;
	p2 =	por !p2, p0  }
0x20: {  	[sflag:s8] =	ssyncset.s32 @!p0 $0xFFFFF086;
	s6 =	sadd.s32 @!p0 s3, s7;
	s7 =	simm.s32 @!p0 $0x108  }
0x21: {  	s3 =	sadd.s32 s3, s9;
	s6 =	sadd.s32 @!p0 $0x88, s6;
	s7 =	simm.s32 @p2 $0x1082  }
0x22: {  	[simem:s7], [sflag:s8] =	dma.local @!p0 [hbm:s6], $0xF7A  }
0x23: {  	s9 =	sor.u32 $0xD0000000, s2;
	s6 =	simm.s32 $0x108;
	_ =	swait.ge @!p0 [sflag:s8], $0x0  }
0x24: {  	s3 =	sadd.s32 $0x88, s3;
	s6 =	simm.s32 @!p1 $0x1082;
	[sflag:s4] =	ssyncset.s32 $0xFFFFF086  }
0x25: {  	[simem:s6], [sflag:s4] =	dma.local [hbm:s3], $0xF7A  }
0x26: {  	[smem:$0x3F8D] =	sst s1;
	(tag) =	ssettag s2;
	_ =	strace s9  }
0x27: {  	s1 =	sld [smem:$0x3F9D]  }
0x28: {  	s2 =	sld [smem:$0x3F9E]  }
0x29: {  	s4 =	sld [smem:$0x3FA0]  }
0x2a: {  	p0 =	seq.s32 s5, $0x0;
	s5 =	sld [smem:$0x3FA1]  }
0x2b: {  	s6 =	sld [smem:$0x3FA2]  }
0x2c: {  	s7 =	sld [smem:$0x3FA3]  }
0x2d: {  	s3 =	simm.s32 $0x108;
	s8 =	sld [smem:$0x3FA4]  }
0x2e: {  	s3 =	simm.s32 @!p0 $0x1082;
	s9 =	sld [smem:$0x3FA5]  }
0x2f: {  	lr =	sadd.s32 s0, s3;
	s0 =	sld [smem:$0x3F9C]  }
0x30: {  	s3 =	sld [smem:$0x3F9F]  }
0x31: {  	[smem:$0x3FA8] =	sst s10  }
0x32: {  	s10 =	sld [smem:$0x3FA6];
	_ =	sdelay $0x3  }
0x33: {  	p0 =	seq.s32 s10, $0x1;
	s10 =	sld [smem:$0x3FA8];
	_ =	sdelay $0x3  }
0x34: {  	[smem:$0x3FA8] =	sst s10  }
0x35: {  	s10 =	sld [smem:$0x3FA7];
	_ =	sdelay $0x3  }
0x36: {  	p1 =	seq.s32 s10, $0x1;
	s10 =	sld [smem:$0x3FA8];
	_ =	sdelay $0x3  }
0x37: {  	[smem:$0x3FA8] =	sst s10  }
0x38: {  	s10 =	sld [smem:$0x3FA9]  }
0x39: {  	_ = 	snop;
	(pc) =	sbr.ind lr, $3  }
0x3a: {  	_ = 	snop  }
0x3b: {  	_ = 	snop  }
0x3c: {  	p2 =	seq.s32 s10, $0x1;
	s10 =	sld [smem:$0x3FA8]  }
0x3d: {  	_ =	shalt  }
0x3e: {  	_ =	shalt  }
0x3f: {  	_ =	shalt  }
0x40: {  	_ =	shalt  }
0x41: {  	_ =	shalt  }
0x42: {  	_ =	shalt  }
0x43: {  	_ =	shalt  }
0x44: {  	_ =	shalt  }
0x45: {  	_ =	shalt  }
0x46: {  	_ =	shalt  }
0x47: {  	_ =	shalt  }
0x48: {  	_ =	shalt  }
0x49: {  	_ =	shalt  }
0x4a: {  	_ =	shalt  }
0x4b: {  	_ =	shalt  }
0x4c: {  	_ =	shalt  }
0x4d: {  	_ =	shalt  }
0x4e: {  	_ =	shalt  }
0x4f: {  	_ =	shalt  }
0x50: {  	_ =	shalt  }
0x51: {  	_ =	shalt  }
0x52: {  	_ =	shalt  }
0x53: {  	_ =	shalt  }
0x54: {  	_ =	shalt  }
0x55: {  	_ =	shalt  }
0x56: {  	_ =	shalt  }
0x57: {  	_ =	shalt  }
0x58: {  	_ =	shalt  }
0x59: {  	_ =	shalt  }
0x5a: {  	_ =	shalt  }
0x5b: {  	_ =	shalt  }
0x5c: {  	_ =	shalt  }
0x5d: {  	_ =	shalt  }
0x5e: {  	_ =	shalt  }
0x5f: {  	_ =	shalt  }
0x60: {  	_ =	shalt  }
0x61: {  	_ =	shalt  }
0x62: {  	_ =	shalt  }
0x63: {  	_ =	shalt  }
0x64: {  	_ =	shalt  }
0x65: {  	_ =	shalt  }
0x66: {  	_ =	shalt  }
0x67: {  	_ =	shalt  }
0x68: {  	_ =	shalt  }
0x69: {  	_ =	shalt  }
0x6a: {  	_ =	shalt  }
0x6b: {  	_ =	shalt  }
0x6c: {  	_ =	shalt  }
0x6d: {  	_ =	shalt  }
0x6e: {  	_ =	shalt  }
0x6f: {  	_ =	shalt  }
0x70: {  	_ =	shalt  }
0x71: {  	_ =	shalt  }
0x72: {  	_ =	shalt  }
0x73: {  	_ =	shalt  }
0x74: {  	_ =	shalt  }
0x75: {  	_ =	shalt  }
0x76: {  	_ =	shalt  }
0x77: {  	_ =	shalt  }
0x78: {  	_ =	shalt  }
0x79: {  	_ =	shalt  }
0x7a: {  	_ =	shalt  }
0x7b: {  	_ =	shalt  }
0x7c: {  	_ =	shalt  }
0x7d: {  	_ =	shalt  }
0x7e: {  	_ =	shalt  }
0x7f: {  	_ =	shalt  }
0x80: {  	_ =	shalt  }
0x81: {  	_ =	shalt  }
0x82: {  	_ =	shalt  }
0x83: {  	_ =	shalt  }
0x84: {  	_ =	shalt  }
0x85: {  	_ =	shalt  }
0x86: {  	_ =	shalt  }
0x87: {  	_ =	shalt  }
.Lfunc_end0:
.L_simem_size_0:
called_computation.7_lowered:
.L_overlay_start_0:
0x88: {  	s2 =	sld [smem:$0x3FD9]  }
0x89: {  	s3 =	sld [smem:$0x3FFE];
	_ =	sdelay $0x1  }
0x8a: {  	s1 =	srdreg.scid  }
0x8b: {  	s0 =	sand.u32 $0x1, s1  }
0x8c: {  	s17 =	sshll.u32 s0, $0xA;
	s2 =	sadd.s32 s3, s2  }
0x8d: {  	s2 =	sadd.s32 s2, s17  }
0x8e: {  	[smem:$0x3FB4] =	sst s2  }
0x8f: {  	_ = 	snop  }
0x90: {  	(tm) =	ssettm $0x1  }
0x91: {  	s18 =	sld [smem:$0x3FFB];
	_ =	sdelay $0x3  }
0x92: {  	_ =	strace s18  }
0x93: {  	s2 =	sld [smem:$0x3FFC];
	_ =	sdelay $0x3  }
0x94: {  	_ =	strace s2  }
0x95: {  	s2 =	sld [smem:$0x3FFD];
	_ =	sdelay $0x3  }
0x96: {  	_ =	strace s2  }
0x97: {  	_ =	strace $0x8FFFFFFF  }
0x98: {  	s19 =	sld [smem:$0x3FDB];
	_ =	sdelay $0x1  }
0x99: {  	s20 =	simm.s32 $_scs_section_size  }
0x9a: {  	s4 =	simm.s32 $_size__tile_overlayer_lowered;
	s5 =	simm.s32 $_tile_overlayer_lowered  }
0x9b: {  	s6 =	simm.s32 $0x1BFF;
	s21 =	sshll.u32 s5, $0x1;
	s3 =	sadd.s32 s20, s19  }
0x9c: {  	s22 =	simm.s32 $0x0;
	s4 =	sshll.u32 s4, $0x1;
	s5 =	sadd.s32 s21, s3  }
0x9d: {  	[timem:s22], [sflag:s6] =	dma.local [hbm:s5], s4  }
0x9e: {  	_ =	swait.ge [sflag:s6], s4  }
0x9f: {  	s4 =	ssub.s32 $0x0, s4;
	[sflag:s6] =	ssyncset.done $0x0  }
0xa0: {  	[sflag:s6] =	ssyncadd.s32 s4;
	_ =	sdelay $0x1  }
0xa1: {  	s23 =	simm.s32 $0x1B8B  }
0xa2: {  	_ =	swait.ge [sflag:s23], $0x1  }
0xa3: {  	[sflag:s23] =	ssyncset.done $0x0  }
0xa4: {  	[sflag:s23] =	ssyncadd.s32 $0xFFFFFFFF  }
0xa5: {  	s4 =	sld [smem:$0x0]  }
0xa6: {  	s5 =	sand.u32 $0xFFFFFFFE, s1  }
0xa7: {  	p0 =	sne.s32 s1, s5  }
0xa8: {  	s5 =	sshll.u32 @p0 s5, $0xE  }
0xa9: {  	s5 =	sadd.s32 @p0 $0x11B8D, s5;
	s6 =	sshll.u32 @p0 s4, $0x11  }
0xaa: {  	s5 =	sor.u32 @p0 s6, s5  }
0xab: {  	[sflag:s5] =	ssyncadd.remote.s32 @p0 $0x1;
	_ =	sdelay $0x1  }
0xac: {  	s5 =	simm.s32 @p0 $0x1B8D  }
0xad: {  	_ =	swait.eq @p0 [sflag:s5], $0x1  }
0xae: {  	[sflag:s5] =	ssyncadd.s32 @p0 $0xFFFFFFFF  }
0xaf: {  	s6 =	sshll.u32 @!p0 s1, $0xE  }
0xb0: {  	s6 =	sor.u32 @!p0 $0x4000, s6;
	s5 =	simm.s32 @!p0 $0x1B8D  }
0xb1: {  	s4 =	sshll.u32 @!p0 s4, $0x11;
	s6 =	sadd.s32 @!p0 $0x11B8D, s6;
	_ =	swait.eq @!p0 [sflag:s5], $0x1  }
0xb2: {  	s4 =	sor.u32 @!p0 s4, s6;
	[sflag:s5] =	ssyncadd.s32 @!p0 $0xFFFFFFFF  }
0xb3: {  	s25 =	simm.s32 $0x1B8E;
	s24 =	sld [smem:$0x3FFE];
	[sflag:s4] =	ssyncadd.remote.s32 @!p0 $0x1  }
0xb4: {  	s26 =	simm.s32 $execute0_lowered;
	[smem:$0x3FD2] =	sst s25  }
0xb5: {  	s5 =	sshll.u32 s26, $0x1;
	_ =	strace $0x8000004C;
	[dreg:$0x1] =	wrdreg $0xFFFFFFFF  }
0xb6: {  	s28 =	simm.s32 $_size_execute0_lowered;
	s3 =	sadd.s32 s3, s5;
	[dreg:$0x0] =	wrdreg $0x0  }
0xb7: {  	s5 =	sshll.u32 s28, $0x1;
	[dreg:$0x2] =	wrdreg s3  }
0xb8: {  	[dreg:$0x3] =	wrdreg s5  }
0xb9: {  	[dreg:$0x4] =	wrdreg $0xC0  }
0xba: {  	_ =	task [dreg:s22], $0x5FFFF  }
0xbb: {  	[dreg:$0x1] =	wrdreg $0xFFFFFFFF  }
0xbc: {  	[dreg:$0x0] =	wrdreg $0x60  }
0xbd: {  	[dreg:$0x2] =	wrdreg s24  }
0xbe: {  	[dreg:$0x3] =	wrdreg $0x28000  }
0xbf: {  	[dreg:$0x4] =	wrdreg $0x11  }
0xc0: {  	_ =	task.clear_ibuf [dreg:s22], $0x5FFFF;
	_ =	strace $0x9000004C  }
0xc1: {  	s29 =	simm.s32 $0x11;
	_ =	strace $0x8000004E  }
0xc2: {  	_ =	swait.ge [sflag:s29], $0x1  }
0xc3: {  	[sflag:s29] =	ssyncadd.s32 $0xFFFFFFFF  }
0xc4: {  	_ =	strace $0x9000004E  }
0xc5: {  	_ =	sfence  }
0xc6: {  	s30 =	sld [smem:$0x0];
	_ =	sdelay $0x2  }
0xc7: {  	s31 =	sshll.u32 s1, $0xD;
	s1 =	sshrl.u32 s1, $0x2  }
0xc8: {  	s4 =	sand.u32 $0x4000, s31;
	s1 =	sadd.s32 s1, s30  }
0xc9: {  	s0 =	sor.u32 s4, s0;
	s1 =	sshll.u32 s1, $0x11  }
0xca: {  	s0 =	sor.u32 s1, s0  }
0xcb: {  	s0 =	sadd.s32 $0x8F2B, s0  }
0xcc: {  	[sflag:s0] =	ssyncadd.remote.s32 $0x1  }
0xcd: {  	_ =	sfence.sel $0xFFFF  }
0xce: {  	[dreg:$0x0] =	wrdreg $0xFFFFFFFF;
	(pc) =	sbr.abs _section_cstart, $3  }
0xcf: {  	[dreg:$0x1] =	wrdreg $0xFFFFFFFF  }
0xd0: {  	_ =	task.clear_ibuf [dreg:s22], $0x2FFFF;
	_ =	strace $0x9FFFFFFF  }
0xd1: {  	(tm) =	ssettm $0x7FFFFFFF  }
tec
execute0_lowered:
.L_overlay_start_1:
0x0: {  	(tag) =	ssettag $0x1  }
0x1: {  	s6 =	rddreg [dreg:$0x0]  }
0x2: {  	s1 =	rddreg [dreg:$0x1]  }
0x3: {  	s0 =	rddreg [dreg:$0x2];
	s3 =	simm.s32 $0x0;
	s4 =	srdreg.scid  }
0x4: {  	s2 =	stileid.u32;
	s14 =	simm.s32 $0x1;
	s15 =	simm.s32 $0x1F80  }
0x5: {  	s16 =	simm.s32 $0x2400;
	[smem:$0x7FF] =	sst s3;
	s5 =	sand.u32 $0x1, s4  }
0x6: {  	s7 =	sshll.u32 s2, $0xA;
	s4 =	sadd.s32 $0x9FC00, s6;
	s10 =	smul.u32 $0xC380, s2  }
0x7: {  	s31 =	sshll.u32 s2, $0x6;
	_ =	strace $0x8000004D;
	s8 =	sshll.u32 s5, $0x9  }
0x8: {  	s28 =	smul.u32 $0x18700, s5;
	s29 =	ssub.s32 $0x2, s5;
	s5 =	sadd.s32 $0x39E00, s6  }
0x9: {  	s7 =	sor.u32 s8, s7;
	s30 =	sshrl.u32 s29, $0x1;
	s13 =	sadd.s32 s10, s1  }
0xa: {  	s18 =	sshrl.u32 s10, $0x3;
	s9 =	sadd.s32 s7, s6;
	s11 =	sadd.s32 s28, s6  }
0xb: {  	s12 =	ssub.s32 s29, s30;
	s6 =	sor.u32 $0x1C02, s31;
	s10 =	sshrl.u32 s13, $0x3  }
0xc: {  	s13 =	simm.s32 $0x80;
	s7 =	sadd.s32 $0x35E00, s9;
	s8 =	sadd.s32 $0x31E00, s9  }
0xd: {  	s17 =	sadd.s32 $0xA2400, s11;
	s9 =	smax.u32 s12, $0x1;
	s11 =	simm.s32 $0x2  }
0xe: {  	s12 =	simm.s32 $0x2000;
	s17 =	sadd.s32 s18, s17;
	s18 =	simm.s32 $0x0  }
.LBB2_1:
0xf: {  	[spmem:s10], [sflag:s6] =	dma.local [hbm:s5], $0x1870  }
0x10: {  	_ =	swait.ge [sflag:s11], $0x1870  }
0x11: {  	[sflag:s11] =	ssyncset.done $0x0  }
0x12: {  	[sflag:s11] =	ssyncadd.s32 $0xFFFFE790  }
0x13: {  	[bflag:$0x0] =	sbarrier.arrive $0xFFFF  }
0x14: {  	[tilespmem:s3], [sflag:$0x2] =	stream.linear.gather [hbm4b:s7+s3], $0x1000, $0x38;
	[tilespmem:$0xEB80] =	vst v63  }
0x15: {  	_ =	swait.ge [sflag:s11], $0x1000  }
0x16: {  	[sflag:s11] =	ssyncset.done $0x0  }
0x17: {  	s19 =	simm.s32 $0x1000;
	[sflag:s11] =	ssyncadd.s32 $0xFFFFF000  }
0x18: {  	[tilespmem:s19], [sflag:$0x2] =	stream.linear.gather [hbm4b:s8+s3], $0x1000, $0x38;
	[tilespmem:$0xEB80] =	vst v63  }
0x19: {  	_ =	swait.ge [sflag:s11], $0x1000  }
0x1a: {  	s20 =	simm.s32 $0x400;
	[sflag:s11] =	ssyncset.done $0x0  }
0x1b: {  	s21 =	sand.u32 $0x400, s20;
	[sflag:s11] =	ssyncadd.s32 $0xFFFFF000  }
0x1c: {  	[tilespmem:s12], [sflag:$0x1] =	stream.indirect.gather [hbm4b:s4+s13], $0x8, s3, s13, $0xb8;
	[tilespmem:$0xEB80] =	vst v63  }
0x1d: {  	s21 =	sor.u32 $0x2000, s21  }
0x1e: {  	[tilespmem:s21], [sflag:$0x1] =	stream.indirect.gather [hbm4b:s4+s13], $0x8, s13, s13, $0xb8;
	[tilespmem:$0xEB80] =	vst v63  }
0x1f: {  	_ =	swait.ge [sflag:s14], $0x400  }
0x20: {  	s31 =	sand.u32 $0x400, s3;
	[sflag:s14] =	ssyncset.done $0x0  }
0x21: {  	s22 =	sor.u32 $0x2000, s31;
	s21 =	simm.s32 $0x80;
	[sflag:s14] =	ssyncadd.s32 $0xFFFFFC00  }
.LBB2_2:
0x22: {  	[spmem:s1] =	stream.indirect.scatter.add.f32 [tilespmem:s22], [sflag:$0x2], $0x8, s19, s13, $0xb8;
	[tilespmem:$0xEB80] =	vst v63  }
0x23: {  	s22 =	smov.u32 s20  }
0x24: {  	p0 =	sne.s32 s20, $0x7800;
	s20 =	sadd.s32 $0x400, s20;
	_ =	swait.ge [sflag:s11], $0x400  }
0x25: {  	s21 =	sadd.s32 $0x80, s21;
	s23 =	sand.u32 $0x400, s20;
	[sflag:s11] =	ssyncset.done $0x0  }
.Ltmp0:
0x26: {  	s23 =	sor.u32 $0x2000, s23;
	[sflag:s11] =	ssyncadd.s32 $0xFFFFFC00;
	(pc) =	sbr.rel @p0 .LBB2_2-.Ltmp0, $4  }
0x27: {  	[tilespmem:s23], [sflag:$0x1] =	stream.indirect.gather [hbm4b:s4+s13], $0x8, s21, s13, $0xb8;
	[tilespmem:$0xEB80] =	vst v63  }
0x28: {  	_ =	swait.ge [sflag:s14], $0x400  }
0x29: {  	s22 =	sand.u32 $0x400, s22;
	[sflag:s14] =	ssyncset.done $0x0  }
0x2a: {  	s19 =	sadd.s32 $0x80, s19;
	s22 =	sor.u32 $0x2000, s22;
	[sflag:s14] =	ssyncadd.s32 $0xFFFFFC00  }
0x2b: {  	[spmem:s1] =	stream.indirect.scatter.add.f32 [tilespmem:s22], [sflag:$0x2], $0x8, s19, s13, $0xb8;
	[tilespmem:$0xEB80] =	vst v63  }
0x2c: {  	_ =	swait.ge [sflag:s11], $0x400  }
0x2d: {  	[sflag:s11] =	ssyncset.done $0x0  }
0x2e: {  	[sflag:s11] =	ssyncadd.s32 $0xFFFFFC00  }
0x2f: {  	_ =	swait.ge [sflag:s14], $0x400  }
0x30: {  	[sflag:s14] =	ssyncset.done $0x0  }
0x31: {  	[sflag:s14] =	ssyncadd.s32 $0xFFFFFC00  }
0x32: {  	[spmem:s1] =	stream.indirect.scatter.add.f32 [tilespmem:s16], [sflag:$0x2], $0x8, s15, s13, $0xb8;
	[tilespmem:$0xEB80] =	vst v63  }
0x33: {  	_ =	swait.ge [sflag:s11], $0x400  }
0x34: {  	s18 =	sadd.s32 $0x1, s18;
	[sflag:s11] =	ssyncset.done $0x0  }
0x35: {  	p0 =	sne.s32 s18, s9;
	[sflag:s11] =	ssyncadd.s32 $0xFFFFFC00  }
.Ltmp1:
0x36: {  	[bflag:$0x0] =	sbarrier.arrive $0xFFFF;
	(pc) =	sbr.rel @p0 .LBB2_1-.Ltmp1, $4  }
0x37: {  	[hbm:s17], [sflag:s6] =	dma.local [spmem:s10], $0x1870  }
0x38: {  	_ =	swait.ge [sflag:s11], $0x1870  }
0x39: {  	[sflag:s11] =	ssyncset.done $0x0  }
0x3a: {  	[sflag:s11] =	ssyncadd.s32 $0xFFFFE790  }
0x3b: {  	_ =	sfence.sel $0x180000  }
0x3c: {  	[bflag:$0x0] =	sbarrier.arrive $0xFFFF  }
0x3d: {  	p0 =	sne.s32 s2, $0x0;
	_ =	strace $0x9000004D  }
0x3e: {  	s0 =	sadd.s32 @!p0 $0x100000, s0;
	[bflag:$0x2] =	sbarrier.arrive $0xFFFF  }
0x3f: {  	[sflag:s0] =	ssyncadd.tile.s32 @!p0 $0x1;
	_ =	shalt  }
.Lfunc_end2:
_tile_overlayer_lowered:
.L_overlay_start_2:
0x40: {  	(tag) =	ssettag $0x2  }
0x41: {  	s0 =	rddreg [dreg:$0x0];
	s2 =	stileid.u32  }
0x42: {  	s1 =	rddreg [dreg:$0x1];
	p0 =	sne.s32 s2, $0x0  }
0x43: {  	s3 =	rddreg [dreg:$0x2];
	[bflag:$0x3] =	sbarrier.arrive $0xFFFF;
	s2 =	simm.s32 @!p0 $0x1C02  }
0x44: {  	[timem:s3], [sflag:s2] =	dma.local @!p0 [hbm:s0], s1  }
0x45: {  	s0 =	simm.s32 @!p0 $0x2  }
0x46: {  	_ =	swait.ge @!p0 [sflag:s0], s1  }
0x47: {  	s1 =	ssub.s32 @!p0 $0x0, s1;
	[sflag:s0] =	ssyncset.done @!p0 $0x0  }
0x48: {  	[sflag:s0] =	ssyncadd.s32 @!p0 s1  }
0x49: {  	[bflag:$0x3] =	sbarrier.arrive $0xFFFF  }
0x4a: {  	_ =	shalt  }

// kernel: kernel.43.cloned.1.call-start
scs
__scs_entry_jumppad:
0x0: {  	(pc) =	sbr.rel $0x88, $3  }
0x1: {  	(tag) =	ssettag $0x0;
	lr =	simm.s32 $0x1  }
0x2: {  	[smem:$0x3F8D] =	sst lr;
	_ =	strace $0xD0000000  }
0x3: {  	_ = 	snop  }
0x4: {  	_ = 	snop  }
0x5: {  	_ = 	snop  }
0x6: {  	_ = 	snop  }
0x7: {  	_ = 	snop  }
__scs_overlays_trampoline_lowered:
0x8: {  	[smem:$0x3F9C] =	sst s0  }
0x9: {  	[smem:$0x3F9D] =	sst s1  }
0xa: {  	[smem:$0x3F9E] =	sst s2  }
0xb: {  	[smem:$0x3F9F] =	sst s3  }
0xc: {  	[smem:$0x3FA0] =	sst s4  }
0xd: {  	[smem:$0x3FA1] =	sst s5  }
0xe: {  	[smem:$0x3FA2] =	sst s6  }
0xf: {  	[smem:$0x3FA3] =	sst s7  }
0x10: {  	[smem:$0x3FA4] =	sst s8  }
0x11: {  	[smem:$0x3FA5] =	sst s9;
	s0 =	simm.s32 @!p0 $0x0  }
0x12: {  	s1 =	sld [smem:$0x3F8B];
	s0 =	simm.s32 @p0 $0x1  }
0x13: {  	[smem:$0x3FA6] =	sst s0;
	s0 =	simm.s32 @!p1 $0x0  }
0x14: {  	s2 =	sld [smem:$0x3F8A];
	s0 =	simm.s32 @p1 $0x1  }
0x15: {  	[smem:$0x3FA7] =	sst s0;
	s0 =	simm.s32 @!p2 $0x0  }
0x16: {  	s3 =	sld [smem:$0x3FDB];
	s0 =	simm.s32 @p2 $0x1  }
0x17: {  	s4 =	simm.s32 $0x1BF5;
	[smem:$0x3FA9] =	sst s0  }
0x18: {  	s0 =	sld [smem:$0x3F8C];
	_ =	swait.ge [sflag:s4], $0x0  }
0x19: {  	s7 =	sld [smem:$0x3F8D]  }
0x1a: {  	s8 =	sadd.s32 $0xFFFFE003, lr  }
0x1b: {  	s9 =	sadd.s32 $0xFFFFFEF7, lr;
	s5 =	simm.s32 $0xFFFFFFFF;
	p2 =	slt.u32 s8, $0xFFFFF086  }
0x1c: {  	p1 =	slt.u32 s9, $0xF7A;
	s5 =	simm.s32 @!p2 $0x0  }
0x1d: {  	s5 =	simm.s32 @p1 $0x1;
	p0 =	seq.s32 s7, s2  }
0x1e: {  	s7 =	smul.u32 @!p0 $0xF7A, s2;
	p2 =	seq.s32 @!p0 s5, $0x0  }
0x1f: {  	s9 =	smul.u32 $0xF7A, s1;
	s8 =	simm.s32 @!p0 $0x1BF5;
	p2 =	por !p2, p0  }
0x20: {  	[sflag:s8] =	ssyncset.s32 @!p0 $0xFFFFF086;
	s6 =	sadd.s32 @!p0 s3, s7;
	s7 =	simm.s32 @!p0 $0x108  }
0x21: {  	s3 =	sadd.s32 s3, s9;
	s6 =	sadd.s32 @!p0 $0x88, s6;
	s7 =	simm.s32 @p2 $0x1082  }
0x22: {  	[simem:s7], [sflag:s8] =	dma.local @!p0 [hbm:s6], $0xF7A  }
0x23: {  	s9 =	sor.u32 $0xD0000000, s2;
	s6 =	simm.s32 $0x108;
	_ =	swait.ge @!p0 [sflag:s8], $0x0  }
0x24: {  	s3 =	sadd.s32 $0x88, s3;
	s6 =	simm.s32 @!p1 $0x1082;
	[sflag:s4] =	ssyncset.s32 $0xFFFFF086  }
0x25: {  	[simem:s6], [sflag:s4] =	dma.local [hbm:s3], $0xF7A  }
0x26: {  	[smem:$0x3F8D] =	sst s1;
	(tag) =	ssettag s2;
	_ =	strace s9  }
0x27: {  	s1 =	sld [smem:$0x3F9D]  }
0x28: {  	s2 =	sld [smem:$0x3F9E]  }
0x29: {  	s4 =	sld [smem:$0x3FA0]  }
0x2a: {  	p0 =	seq.s32 s5, $0x0;
	s5 =	sld [smem:$0x3FA1]  }
0x2b: {  	s6 =	sld [smem:$0x3FA2]  }
0x2c: {  	s7 =	sld [smem:$0x3FA3]  }
0x2d: {  	s3 =	simm.s32 $0x108;
	s8 =	sld [smem:$0x3FA4]  }
0x2e: {  	s3 =	simm.s32 @!p0 $0x1082;
	s9 =	sld [smem:$0x3FA5]  }
0x2f: {  	lr =	sadd.s32 s0, s3;
	s0 =	sld [smem:$0x3F9C]  }
0x30: {  	s3 =	sld [smem:$0x3F9F]  }
0x31: {  	[smem:$0x3FA8] =	sst s10  }
0x32: {  	s10 =	sld [smem:$0x3FA6];
	_ =	sdelay $0x3  }
0x33: {  	p0 =	seq.s32 s10, $0x1;
	s10 =	sld [smem:$0x3FA8];
	_ =	sdelay $0x3  }
0x34: {  	[smem:$0x3FA8] =	sst s10  }
0x35: {  	s10 =	sld [smem:$0x3FA7];
	_ =	sdelay $0x3  }
0x36: {  	p1 =	seq.s32 s10, $0x1;
	s10 =	sld [smem:$0x3FA8];
	_ =	sdelay $0x3  }
0x37: {  	[smem:$0x3FA8] =	sst s10  }
0x38: {  	s10 =	sld [smem:$0x3FA9]  }
0x39: {  	_ = 	snop;
	(pc) =	sbr.ind lr, $3  }
0x3a: {  	_ = 	snop  }
0x3b: {  	_ = 	snop  }
0x3c: {  	p2 =	seq.s32 s10, $0x1;
	s10 =	sld [smem:$0x3FA8]  }
0x3d: {  	_ =	shalt  }
0x3e: {  	_ =	shalt  }
0x3f: {  	_ =	shalt  }
0x40: {  	_ =	shalt  }
0x41: {  	_ =	shalt  }
0x42: {  	_ =	shalt  }
0x43: {  	_ =	shalt  }
0x44: {  	_ =	shalt  }
0x45: {  	_ =	shalt  }
0x46: {  	_ =	shalt  }
0x47: {  	_ =	shalt  }
0x48: {  	_ =	shalt  }
0x49: {  	_ =	shalt  }
0x4a: {  	_ =	shalt  }
0x4b: {  	_ =	shalt  }
0x4c: {  	_ =	shalt  }
0x4d: {  	_ =	shalt  }
0x4e: {  	_ =	shalt  }
0x4f: {  	_ =	shalt  }
0x50: {  	_ =	shalt  }
0x51: {  	_ =	shalt  }
0x52: {  	_ =	shalt  }
0x53: {  	_ =	shalt  }
0x54: {  	_ =	shalt  }
0x55: {  	_ =	shalt  }
0x56: {  	_ =	shalt  }
0x57: {  	_ =	shalt  }
0x58: {  	_ =	shalt  }
0x59: {  	_ =	shalt  }
0x5a: {  	_ =	shalt  }
0x5b: {  	_ =	shalt  }
0x5c: {  	_ =	shalt  }
0x5d: {  	_ =	shalt  }
0x5e: {  	_ =	shalt  }
0x5f: {  	_ =	shalt  }
0x60: {  	_ =	shalt  }
0x61: {  	_ =	shalt  }
0x62: {  	_ =	shalt  }
0x63: {  	_ =	shalt  }
0x64: {  	_ =	shalt  }
0x65: {  	_ =	shalt  }
0x66: {  	_ =	shalt  }
0x67: {  	_ =	shalt  }
0x68: {  	_ =	shalt  }
0x69: {  	_ =	shalt  }
0x6a: {  	_ =	shalt  }
0x6b: {  	_ =	shalt  }
0x6c: {  	_ =	shalt  }
0x6d: {  	_ =	shalt  }
0x6e: {  	_ =	shalt  }
0x6f: {  	_ =	shalt  }
0x70: {  	_ =	shalt  }
0x71: {  	_ =	shalt  }
0x72: {  	_ =	shalt  }
0x73: {  	_ =	shalt  }
0x74: {  	_ =	shalt  }
0x75: {  	_ =	shalt  }
0x76: {  	_ =	shalt  }
0x77: {  	_ =	shalt  }
0x78: {  	_ =	shalt  }
0x79: {  	_ =	shalt  }
0x7a: {  	_ =	shalt  }
0x7b: {  	_ =	shalt  }
0x7c: {  	_ =	shalt  }
0x7d: {  	_ =	shalt  }
0x7e: {  	_ =	shalt  }
0x7f: {  	_ =	shalt  }
0x80: {  	_ =	shalt  }
0x81: {  	_ =	shalt  }
0x82: {  	_ =	shalt  }
0x83: {  	_ =	shalt  }
0x84: {  	_ =	shalt  }
0x85: {  	_ =	shalt  }
0x86: {  	_ =	shalt  }
0x87: {  	_ =	shalt  }
.Lfunc_end0:
.L_simem_size_0:
called_computation.8_lowered:
.L_overlay_start_0:
0x88: {  	s2 =	sld [smem:$0x3FD9]  }
0x89: {  	s3 =	sld [smem:$0x3FFE];
	_ =	sdelay $0x1  }
0x8a: {  	s1 =	srdreg.scid  }
0x8b: {  	s0 =	sand.u32 $0x1, s1  }
0x8c: {  	s17 =	sshll.u32 s0, $0xA;
	s2 =	sadd.s32 s3, s2  }
0x8d: {  	s2 =	sadd.s32 s2, s17  }
0x8e: {  	[smem:$0x3FB4] =	sst s2  }
0x8f: {  	_ = 	snop  }
0x90: {  	(tm) =	ssettm $0x1  }
0x91: {  	s18 =	sld [smem:$0x3FFB];
	_ =	sdelay $0x3  }
0x92: {  	_ =	strace s18  }
0x93: {  	s2 =	sld [smem:$0x3FFC];
	_ =	sdelay $0x3  }
0x94: {  	_ =	strace s2  }
0x95: {  	s2 =	sld [smem:$0x3FFD];
	_ =	sdelay $0x3  }
0x96: {  	_ =	strace s2  }
0x97: {  	_ =	strace $0x8FFFFFFF  }
0x98: {  	s19 =	sld [smem:$0x3FDB];
	_ =	sdelay $0x1  }
0x99: {  	s20 =	simm.s32 $_scs_section_size  }
0x9a: {  	s4 =	simm.s32 $_size__tile_overlayer_lowered;
	s5 =	simm.s32 $_tile_overlayer_lowered  }
0x9b: {  	s6 =	simm.s32 $0x1BFF;
	s21 =	sshll.u32 s5, $0x1;
	s3 =	sadd.s32 s20, s19  }
0x9c: {  	s22 =	simm.s32 $0x0;
	s4 =	sshll.u32 s4, $0x1;
	s5 =	sadd.s32 s21, s3  }
0x9d: {  	[timem:s22], [sflag:s6] =	dma.local [hbm:s5], s4  }
0x9e: {  	_ =	swait.ge [sflag:s6], s4  }
0x9f: {  	s4 =	ssub.s32 $0x0, s4;
	[sflag:s6] =	ssyncset.done $0x0  }
0xa0: {  	[sflag:s6] =	ssyncadd.s32 s4;
	_ =	sdelay $0x1  }
0xa1: {  	s23 =	simm.s32 $0x1B8B  }
0xa2: {  	_ =	swait.ge [sflag:s23], $0x1  }
0xa3: {  	[sflag:s23] =	ssyncset.done $0x0  }
0xa4: {  	[sflag:s23] =	ssyncadd.s32 $0xFFFFFFFF  }
0xa5: {  	s4 =	sld [smem:$0x0]  }
0xa6: {  	s5 =	sand.u32 $0xFFFFFFFE, s1  }
0xa7: {  	p0 =	sne.s32 s1, s5  }
0xa8: {  	s5 =	sshll.u32 @p0 s5, $0xE  }
0xa9: {  	s5 =	sadd.s32 @p0 $0x11B8D, s5;
	s6 =	sshll.u32 @p0 s4, $0x11  }
0xaa: {  	s5 =	sor.u32 @p0 s6, s5  }
0xab: {  	[sflag:s5] =	ssyncadd.remote.s32 @p0 $0x1;
	_ =	sdelay $0x1  }
0xac: {  	s5 =	simm.s32 @p0 $0x1B8D  }
0xad: {  	_ =	swait.eq @p0 [sflag:s5], $0x1  }
0xae: {  	[sflag:s5] =	ssyncadd.s32 @p0 $0xFFFFFFFF  }
0xaf: {  	s6 =	sshll.u32 @!p0 s1, $0xE  }
0xb0: {  	s6 =	sor.u32 @!p0 $0x4000, s6;
	s5 =	simm.s32 @!p0 $0x1B8D  }
0xb1: {  	s4 =	sshll.u32 @!p0 s4, $0x11;
	s6 =	sadd.s32 @!p0 $0x11B8D, s6;
	_ =	swait.eq @!p0 [sflag:s5], $0x1  }
0xb2: {  	s4 =	sor.u32 @!p0 s4, s6;
	[sflag:s5] =	ssyncadd.s32 @!p0 $0xFFFFFFFF  }
0xb3: {  	s25 =	simm.s32 $0x1B8E;
	s24 =	sld [smem:$0x3FFE];
	[sflag:s4] =	ssyncadd.remote.s32 @!p0 $0x1  }
0xb4: {  	s26 =	simm.s32 $execute0_lowered;
	[smem:$0x3FD2] =	sst s25  }
0xb5: {  	s5 =	sshll.u32 s26, $0x1;
	_ =	strace $0x80000049;
	[dreg:$0x1] =	wrdreg $0xFFFFFFFF  }
0xb6: {  	s28 =	simm.s32 $_size_execute0_lowered;
	s3 =	sadd.s32 s3, s5;
	[dreg:$0x0] =	wrdreg $0x0  }
0xb7: {  	s5 =	sshll.u32 s28, $0x1;
	[dreg:$0x2] =	wrdreg s3  }
0xb8: {  	[dreg:$0x3] =	wrdreg s5  }
0xb9: {  	[dreg:$0x4] =	wrdreg $0xC0  }
0xba: {  	_ =	task [dreg:s22], $0x5FFFF  }
0xbb: {  	[dreg:$0x1] =	wrdreg $0xFFFFFFFF  }
0xbc: {  	[dreg:$0x0] =	wrdreg $0x60  }
0xbd: {  	[dreg:$0x2] =	wrdreg s24  }
0xbe: {  	[dreg:$0x3] =	wrdreg $0x28000  }
0xbf: {  	[dreg:$0x4] =	wrdreg $0x12  }
0xc0: {  	_ =	task.clear_ibuf [dreg:s22], $0x5FFFF;
	_ =	strace $0x90000049  }
0xc1: {  	s29 =	simm.s32 $0x12;
	_ =	strace $0x8000004B  }
0xc2: {  	_ =	swait.ge [sflag:s29], $0x1  }
0xc3: {  	[sflag:s29] =	ssyncadd.s32 $0xFFFFFFFF  }
0xc4: {  	_ =	strace $0x9000004B  }
0xc5: {  	_ =	sfence  }
0xc6: {  	s30 =	sld [smem:$0x0];
	_ =	sdelay $0x2  }
0xc7: {  	s31 =	sshll.u32 s1, $0xD;
	s1 =	sshrl.u32 s1, $0x2  }
0xc8: {  	s4 =	sand.u32 $0x4000, s31;
	s1 =	sadd.s32 s1, s30  }
0xc9: {  	s0 =	sor.u32 s4, s0;
	s1 =	sshll.u32 s1, $0x11  }
0xca: {  	s0 =	sor.u32 s1, s0  }
0xcb: {  	s0 =	sadd.s32 $0x8F2B, s0  }
0xcc: {  	[sflag:s0] =	ssyncadd.remote.s32 $0x1  }
0xcd: {  	_ =	sfence.sel $0xFFFF  }
0xce: {  	[dreg:$0x0] =	wrdreg $0xFFFFFFFF;
	(pc) =	sbr.abs _section_cstart, $3  }
0xcf: {  	[dreg:$0x1] =	wrdreg $0xFFFFFFFF  }
0xd0: {  	_ =	task.clear_ibuf [dreg:s22], $0x2FFFF;
	_ =	strace $0x9FFFFFFF  }
0xd1: {  	(tm) =	ssettm $0x7FFFFFFF  }
tec
execute0_lowered:
.L_overlay_start_1:
0x0: {  	(tag) =	ssettag $0x1  }
0x1: {  	s6 =	rddreg [dreg:$0x0]  }
0x2: {  	s1 =	rddreg [dreg:$0x1]  }
0x3: {  	s0 =	rddreg [dreg:$0x2];
	s3 =	simm.s32 $0x0;
	s4 =	srdreg.scid  }
0x4: {  	s2 =	stileid.u32;
	s14 =	simm.s32 $0x1;
	s15 =	simm.s32 $0x1F80  }
0x5: {  	s16 =	simm.s32 $0x2400;
	[smem:$0x7FF] =	sst s3;
	s5 =	sand.u32 $0x1, s4  }
0x6: {  	s7 =	sshll.u32 s2, $0xA;
	s4 =	sadd.s32 $0x6C600, s6;
	s10 =	smul.u32 $0xC380, s2  }
0x7: {  	s31 =	sshll.u32 s2, $0x6;
	_ =	strace $0x8000004A;
	s8 =	sshll.u32 s5, $0x9  }
0x8: {  	s28 =	smul.u32 $0x18700, s5;
	s29 =	ssub.s32 $0x2, s5;
	s5 =	sadd.s32 $0x39E00, s6  }
0x9: {  	s7 =	sor.u32 s8, s7;
	s30 =	sshrl.u32 s29, $0x1;
	s13 =	sadd.s32 s10, s1  }
0xa: {  	s18 =	sshrl.u32 s10, $0x3;
	s9 =	sadd.s32 s7, s6;
	s11 =	sadd.s32 s28, s6  }
0xb: {  	s12 =	ssub.s32 s29, s30;
	s6 =	sor.u32 $0x1C02, s31;
	s10 =	sshrl.u32 s13, $0x3  }
0xc: {  	s13 =	simm.s32 $0x80;
	s7 =	sadd.s32 $0x35E00, s9;
	s8 =	sadd.s32 $0x31E00, s9  }
0xd: {  	s17 =	sadd.s32 $0x6EE00, s11;
	s9 =	smax.u32 s12, $0x1;
	s11 =	simm.s32 $0x2  }
0xe: {  	s12 =	simm.s32 $0x2000;
	s17 =	sadd.s32 s18, s17;
	s18 =	simm.s32 $0x0  }
.LBB2_1:
0xf: {  	[spmem:s10], [sflag:s6] =	dma.local [hbm:s5], $0x1870  }
0x10: {  	_ =	swait.ge [sflag:s11], $0x1870  }
0x11: {  	[sflag:s11] =	ssyncset.done $0x0  }
0x12: {  	[sflag:s11] =	ssyncadd.s32 $0xFFFFE790  }
0x13: {  	[bflag:$0x0] =	sbarrier.arrive $0xFFFF  }
0x14: {  	[tilespmem:s3], [sflag:$0x2] =	stream.linear.gather [hbm4b:s7+s3], $0x1000, $0x38;
	[tilespmem:$0xEB80] =	vst v63  }
0x15: {  	_ =	swait.ge [sflag:s11], $0x1000  }
0x16: {  	[sflag:s11] =	ssyncset.done $0x0  }
0x17: {  	s19 =	simm.s32 $0x1000;
	[sflag:s11] =	ssyncadd.s32 $0xFFFFF000  }
0x18: {  	[tilespmem:s19], [sflag:$0x2] =	stream.linear.gather [hbm4b:s8+s3], $0x1000, $0x38;
	[tilespmem:$0xEB80] =	vst v63  }
0x19: {  	_ =	swait.ge [sflag:s11], $0x1000  }
0x1a: {  	s20 =	simm.s32 $0x400;
	[sflag:s11] =	ssyncset.done $0x0  }
0x1b: {  	s21 =	sand.u32 $0x400, s20;
	[sflag:s11] =	ssyncadd.s32 $0xFFFFF000  }
0x1c: {  	[tilespmem:s12], [sflag:$0x1] =	stream.indirect.gather [hbm4b:s4+s13], $0x8, s3, s13, $0xb8;
	[tilespmem:$0xEB80] =	vst v63  }
0x1d: {  	s21 =	sor.u32 $0x2000, s21  }
0x1e: {  	[tilespmem:s21], [sflag:$0x1] =	stream.indirect.gather [hbm4b:s4+s13], $0x8, s13, s13, $0xb8;
	[tilespmem:$0xEB80] =	vst v63  }
0x1f: {  	_ =	swait.ge [sflag:s14], $0x400  }
0x20: {  	s31 =	sand.u32 $0x400, s3;
	[sflag:s14] =	ssyncset.done $0x0  }
0x21: {  	s22 =	sor.u32 $0x2000, s31;
	s21 =	simm.s32 $0x80;
	[sflag:s14] =	ssyncadd.s32 $0xFFFFFC00  }
.LBB2_2:
0x22: {  	[spmem:s1] =	stream.indirect.scatter.add.f32 [tilespmem:s22], [sflag:$0x2], $0x8, s19, s13, $0xb8;
	[tilespmem:$0xEB80] =	vst v63  }
0x23: {  	s22 =	smov.u32 s20  }
0x24: {  	p0 =	sne.s32 s20, $0x7800;
	s20 =	sadd.s32 $0x400, s20;
	_ =	swait.ge [sflag:s11], $0x400  }
0x25: {  	s21 =	sadd.s32 $0x80, s21;
	s23 =	sand.u32 $0x400, s20;
	[sflag:s11] =	ssyncset.done $0x0  }
.Ltmp0:
0x26: {  	s23 =	sor.u32 $0x2000, s23;
	[sflag:s11] =	ssyncadd.s32 $0xFFFFFC00;
	(pc) =	sbr.rel @p0 .LBB2_2-.Ltmp0, $4  }
0x27: {  	[tilespmem:s23], [sflag:$0x1] =	stream.indirect.gather [hbm4b:s4+s13], $0x8, s21, s13, $0xb8;
	[tilespmem:$0xEB80] =	vst v63  }
0x28: {  	_ =	swait.ge [sflag:s14], $0x400  }
0x29: {  	s22 =	sand.u32 $0x400, s22;
	[sflag:s14] =	ssyncset.done $0x0  }
0x2a: {  	s19 =	sadd.s32 $0x80, s19;
	s22 =	sor.u32 $0x2000, s22;
	[sflag:s14] =	ssyncadd.s32 $0xFFFFFC00  }
0x2b: {  	[spmem:s1] =	stream.indirect.scatter.add.f32 [tilespmem:s22], [sflag:$0x2], $0x8, s19, s13, $0xb8;
	[tilespmem:$0xEB80] =	vst v63  }
0x2c: {  	_ =	swait.ge [sflag:s11], $0x400  }
0x2d: {  	[sflag:s11] =	ssyncset.done $0x0  }
0x2e: {  	[sflag:s11] =	ssyncadd.s32 $0xFFFFFC00  }
0x2f: {  	_ =	swait.ge [sflag:s14], $0x400  }
0x30: {  	[sflag:s14] =	ssyncset.done $0x0  }
0x31: {  	[sflag:s14] =	ssyncadd.s32 $0xFFFFFC00  }
0x32: {  	[spmem:s1] =	stream.indirect.scatter.add.f32 [tilespmem:s16], [sflag:$0x2], $0x8, s15, s13, $0xb8;
	[tilespmem:$0xEB80] =	vst v63  }
0x33: {  	_ =	swait.ge [sflag:s11], $0x400  }
0x34: {  	s18 =	sadd.s32 $0x1, s18;
	[sflag:s11] =	ssyncset.done $0x0  }
0x35: {  	p0 =	sne.s32 s18, s9;
	[sflag:s11] =	ssyncadd.s32 $0xFFFFFC00  }
.Ltmp1:
0x36: {  	[bflag:$0x0] =	sbarrier.arrive $0xFFFF;
	(pc) =	sbr.rel @p0 .LBB2_1-.Ltmp1, $4  }
0x37: {  	[hbm:s17], [sflag:s6] =	dma.local [spmem:s10], $0x1870  }
0x38: {  	_ =	swait.ge [sflag:s11], $0x1870  }
0x39: {  	[sflag:s11] =	ssyncset.done $0x0  }
0x3a: {  	[sflag:s11] =	ssyncadd.s32 $0xFFFFE790  }
0x3b: {  	_ =	sfence.sel $0x180000  }
0x3c: {  	[bflag:$0x0] =	sbarrier.arrive $0xFFFF  }
0x3d: {  	p0 =	sne.s32 s2, $0x0;
	_ =	strace $0x9000004A  }
0x3e: {  	s0 =	sadd.s32 @!p0 $0x100000, s0;
	[bflag:$0x2] =	sbarrier.arrive $0xFFFF  }
0x3f: {  	[sflag:s0] =	ssyncadd.tile.s32 @!p0 $0x1;
	_ =	shalt  }
.Lfunc_end2:
_tile_overlayer_lowered:
.L_overlay_start_2:
0x40: {  	(tag) =	ssettag $0x2  }
0x41: {  	s0 =	rddreg [dreg:$0x0];
	s2 =	stileid.u32  }
0x42: {  	s1 =	rddreg [dreg:$0x1];
	p0 =	sne.s32 s2, $0x0  }
0x43: {  	s3 =	rddreg [dreg:$0x2];
	[bflag:$0x3] =	sbarrier.arrive $0xFFFF;
	s2 =	simm.s32 @!p0 $0x1C02  }
0x44: {  	[timem:s3], [sflag:s2] =	dma.local @!p0 [hbm:s0], s1  }
0x45: {  	s0 =	simm.s32 @!p0 $0x2  }
0x46: {  	_ =	swait.ge @!p0 [sflag:s0], s1  }
0x47: {  	s1 =	ssub.s32 @!p0 $0x0, s1;
	[sflag:s0] =	ssyncset.done @!p0 $0x0  }
0x48: {  	[sflag:s0] =	ssyncadd.s32 @!p0 s1  }
0x49: {  	[bflag:$0x3] =	sbarrier.arrive $0xFFFF  }
0x4a: {  	_ =	shalt  }

// kernel: kernel.46.cloned.1.call-start
scs
__scs_entry_jumppad:
0x0: {  	(pc) =	sbr.rel $0x88, $3  }
0x1: {  	(tag) =	ssettag $0x0;
	lr =	simm.s32 $0x1  }
0x2: {  	[smem:$0x3F8D] =	sst lr;
	_ =	strace $0xD0000000  }
0x3: {  	_ = 	snop  }
0x4: {  	_ = 	snop  }
0x5: {  	_ = 	snop  }
0x6: {  	_ = 	snop  }
0x7: {  	_ = 	snop  }
__scs_overlays_trampoline_lowered:
0x8: {  	[smem:$0x3F9C] =	sst s0  }
0x9: {  	[smem:$0x3F9D] =	sst s1  }
0xa: {  	[smem:$0x3F9E] =	sst s2  }
0xb: {  	[smem:$0x3F9F] =	sst s3  }
0xc: {  	[smem:$0x3FA0] =	sst s4  }
0xd: {  	[smem:$0x3FA1] =	sst s5  }
0xe: {  	[smem:$0x3FA2] =	sst s6  }
0xf: {  	[smem:$0x3FA3] =	sst s7  }
0x10: {  	[smem:$0x3FA4] =	sst s8  }
0x11: {  	[smem:$0x3FA5] =	sst s9;
	s0 =	simm.s32 @!p0 $0x0  }
0x12: {  	s1 =	sld [smem:$0x3F8B];
	s0 =	simm.s32 @p0 $0x1  }
0x13: {  	[smem:$0x3FA6] =	sst s0;
	s0 =	simm.s32 @!p1 $0x0  }
0x14: {  	s2 =	sld [smem:$0x3F8A];
	s0 =	simm.s32 @p1 $0x1  }
0x15: {  	[smem:$0x3FA7] =	sst s0;
	s0 =	simm.s32 @!p2 $0x0  }
0x16: {  	s3 =	sld [smem:$0x3FDB];
	s0 =	simm.s32 @p2 $0x1  }
0x17: {  	s4 =	simm.s32 $0x1BF5;
	[smem:$0x3FA9] =	sst s0  }
0x18: {  	s0 =	sld [smem:$0x3F8C];
	_ =	swait.ge [sflag:s4], $0x0  }
0x19: {  	s7 =	sld [smem:$0x3F8D]  }
0x1a: {  	s8 =	sadd.s32 $0xFFFFE003, lr  }
0x1b: {  	s9 =	sadd.s32 $0xFFFFFEF7, lr;
	s5 =	simm.s32 $0xFFFFFFFF;
	p2 =	slt.u32 s8, $0xFFFFF086  }
0x1c: {  	p1 =	slt.u32 s9, $0xF7A;
	s5 =	simm.s32 @!p2 $0x0  }
0x1d: {  	s5 =	simm.s32 @p1 $0x1;
	p0 =	seq.s32 s7, s2  }
0x1e: {  	s7 =	smul.u32 @!p0 $0xF7A, s2;
	p2 =	seq.s32 @!p0 s5, $0x0  }
0x1f: {  	s9 =	smul.u32 $0xF7A, s1;
	s8 =	simm.s32 @!p0 $0x1BF5;
	p2 =	por !p2, p0  }
0x20: {  	[sflag:s8] =	ssyncset.s32 @!p0 $0xFFFFF086;
	s6 =	sadd.s32 @!p0 s3, s7;
	s7 =	simm.s32 @!p0 $0x108  }
0x21: {  	s3 =	sadd.s32 s3, s9;
	s6 =	sadd.s32 @!p0 $0x88, s6;
	s7 =	simm.s32 @p2 $0x1082  }
0x22: {  	[simem:s7], [sflag:s8] =	dma.local @!p0 [hbm:s6], $0xF7A  }
0x23: {  	s9 =	sor.u32 $0xD0000000, s2;
	s6 =	simm.s32 $0x108;
	_ =	swait.ge @!p0 [sflag:s8], $0x0  }
0x24: {  	s3 =	sadd.s32 $0x88, s3;
	s6 =	simm.s32 @!p1 $0x1082;
	[sflag:s4] =	ssyncset.s32 $0xFFFFF086  }
0x25: {  	[simem:s6], [sflag:s4] =	dma.local [hbm:s3], $0xF7A  }
0x26: {  	[smem:$0x3F8D] =	sst s1;
	(tag) =	ssettag s2;
	_ =	strace s9  }
0x27: {  	s1 =	sld [smem:$0x3F9D]  }
0x28: {  	s2 =	sld [smem:$0x3F9E]  }
0x29: {  	s4 =	sld [smem:$0x3FA0]  }
0x2a: {  	p0 =	seq.s32 s5, $0x0;
	s5 =	sld [smem:$0x3FA1]  }
0x2b: {  	s6 =	sld [smem:$0x3FA2]  }
0x2c: {  	s7 =	sld [smem:$0x3FA3]  }
0x2d: {  	s3 =	simm.s32 $0x108;
	s8 =	sld [smem:$0x3FA4]  }
0x2e: {  	s3 =	simm.s32 @!p0 $0x1082;
	s9 =	sld [smem:$0x3FA5]  }
0x2f: {  	lr =	sadd.s32 s0, s3;
	s0 =	sld [smem:$0x3F9C]  }
0x30: {  	s3 =	sld [smem:$0x3F9F]  }
0x31: {  	[smem:$0x3FA8] =	sst s10  }
0x32: {  	s10 =	sld [smem:$0x3FA6];
	_ =	sdelay $0x3  }
0x33: {  	p0 =	seq.s32 s10, $0x1;
	s10 =	sld [smem:$0x3FA8];
	_ =	sdelay $0x3  }
0x34: {  	[smem:$0x3FA8] =	sst s10  }
0x35: {  	s10 =	sld [smem:$0x3FA7];
	_ =	sdelay $0x3  }
0x36: {  	p1 =	seq.s32 s10, $0x1;
	s10 =	sld [smem:$0x3FA8];
	_ =	sdelay $0x3  }
0x37: {  	[smem:$0x3FA8] =	sst s10  }
0x38: {  	s10 =	sld [smem:$0x3FA9]  }
0x39: {  	_ = 	snop;
	(pc) =	sbr.ind lr, $3  }
0x3a: {  	_ = 	snop  }
0x3b: {  	_ = 	snop  }
0x3c: {  	p2 =	seq.s32 s10, $0x1;
	s10 =	sld [smem:$0x3FA8]  }
0x3d: {  	_ =	shalt  }
0x3e: {  	_ =	shalt  }
0x3f: {  	_ =	shalt  }
0x40: {  	_ =	shalt  }
0x41: {  	_ =	shalt  }
0x42: {  	_ =	shalt  }
0x43: {  	_ =	shalt  }
0x44: {  	_ =	shalt  }
0x45: {  	_ =	shalt  }
0x46: {  	_ =	shalt  }
0x47: {  	_ =	shalt  }
0x48: {  	_ =	shalt  }
0x49: {  	_ =	shalt  }
0x4a: {  	_ =	shalt  }
0x4b: {  	_ =	shalt  }
0x4c: {  	_ =	shalt  }
0x4d: {  	_ =	shalt  }
0x4e: {  	_ =	shalt  }
0x4f: {  	_ =	shalt  }
0x50: {  	_ =	shalt  }
0x51: {  	_ =	shalt  }
0x52: {  	_ =	shalt  }
0x53: {  	_ =	shalt  }
0x54: {  	_ =	shalt  }
0x55: {  	_ =	shalt  }
0x56: {  	_ =	shalt  }
0x57: {  	_ =	shalt  }
0x58: {  	_ =	shalt  }
0x59: {  	_ =	shalt  }
0x5a: {  	_ =	shalt  }
0x5b: {  	_ =	shalt  }
0x5c: {  	_ =	shalt  }
0x5d: {  	_ =	shalt  }
0x5e: {  	_ =	shalt  }
0x5f: {  	_ =	shalt  }
0x60: {  	_ =	shalt  }
0x61: {  	_ =	shalt  }
0x62: {  	_ =	shalt  }
0x63: {  	_ =	shalt  }
0x64: {  	_ =	shalt  }
0x65: {  	_ =	shalt  }
0x66: {  	_ =	shalt  }
0x67: {  	_ =	shalt  }
0x68: {  	_ =	shalt  }
0x69: {  	_ =	shalt  }
0x6a: {  	_ =	shalt  }
0x6b: {  	_ =	shalt  }
0x6c: {  	_ =	shalt  }
0x6d: {  	_ =	shalt  }
0x6e: {  	_ =	shalt  }
0x6f: {  	_ =	shalt  }
0x70: {  	_ =	shalt  }
0x71: {  	_ =	shalt  }
0x72: {  	_ =	shalt  }
0x73: {  	_ =	shalt  }
0x74: {  	_ =	shalt  }
0x75: {  	_ =	shalt  }
0x76: {  	_ =	shalt  }
0x77: {  	_ =	shalt  }
0x78: {  	_ =	shalt  }
0x79: {  	_ =	shalt  }
0x7a: {  	_ =	shalt  }
0x7b: {  	_ =	shalt  }
0x7c: {  	_ =	shalt  }
0x7d: {  	_ =	shalt  }
0x7e: {  	_ =	shalt  }
0x7f: {  	_ =	shalt  }
0x80: {  	_ =	shalt  }
0x81: {  	_ =	shalt  }
0x82: {  	_ =	shalt  }
0x83: {  	_ =	shalt  }
0x84: {  	_ =	shalt  }
0x85: {  	_ =	shalt  }
0x86: {  	_ =	shalt  }
0x87: {  	_ =	shalt  }
.Lfunc_end0:
.L_simem_size_0:
called_computation.9_lowered:
.L_overlay_start_0:
0x88: {  	s2 =	sld [smem:$0x3FD9]  }
0x89: {  	s3 =	sld [smem:$0x3FFE];
	_ =	sdelay $0x1  }
0x8a: {  	s1 =	srdreg.scid  }
0x8b: {  	s0 =	sand.u32 $0x1, s1  }
0x8c: {  	s16 =	sshll.u32 s0, $0xA;
	s2 =	sadd.s32 s3, s2  }
0x8d: {  	s2 =	sadd.s32 s2, s16  }
0x8e: {  	[smem:$0x3FB4] =	sst s2  }
0x8f: {  	_ = 	snop  }
0x90: {  	(tm) =	ssettm $0x1  }
0x91: {  	s17 =	sld [smem:$0x3FFB];
	_ =	sdelay $0x3  }
0x92: {  	_ =	strace s17  }
0x93: {  	s2 =	sld [smem:$0x3FFC];
	_ =	sdelay $0x3  }
0x94: {  	_ =	strace s2  }
0x95: {  	s2 =	sld [smem:$0x3FFD];
	_ =	sdelay $0x3  }
0x96: {  	_ =	strace s2  }
0x97: {  	_ =	strace $0x8FFFFFFF  }
0x98: {  	s18 =	sld [smem:$0x3FDB];
	_ =	sdelay $0x1  }
0x99: {  	s19 =	simm.s32 $_scs_section_size  }
0x9a: {  	s4 =	simm.s32 $_size__tile_overlayer_lowered;
	s5 =	simm.s32 $_tile_overlayer_lowered  }
0x9b: {  	s22 =	simm.s32 $0x1BFF;
	s21 =	sshll.u32 s5, $0x1;
	s2 =	sadd.s32 s19, s18  }
0x9c: {  	s6 =	simm.s32 $0x0;
	s20 =	sshll.u32 s4, $0x1;
	s4 =	sadd.s32 s21, s2  }
0x9d: {  	[timem:s6], [sflag:s22] =	dma.local [hbm:s4], s20  }
0x9e: {  	_ =	swait.ge [sflag:s22], s20  }
0x9f: {  	s3 =	ssub.s32 $0x0, s20;
	[sflag:s22] =	ssyncset.done $0x0  }
0xa0: {  	[sflag:s22] =	ssyncadd.s32 s3;
	_ =	sdelay $0x1  }
0xa1: {  	s23 =	simm.s32 $0x1B8B  }
0xa2: {  	_ =	swait.ge [sflag:s23], $0x1  }
0xa3: {  	[sflag:s23] =	ssyncset.done $0x0  }
0xa4: {  	s25 =	simm.s32 $0x1B8E;
	s24 =	sld [smem:$0x3FFE];
	[sflag:s23] =	ssyncadd.s32 $0xFFFFFFFF  }
0xa5: {  	s26 =	simm.s32 $execute0_lowered;
	[smem:$0x3FD2] =	sst s25  }
0xa6: {  	s4 =	sshll.u32 s26, $0x1;
	_ =	strace $0x80000046;
	[dreg:$0x1] =	wrdreg $0xFFFFFFFF  }
0xa7: {  	s28 =	simm.s32 $_size_execute0_lowered;
	s2 =	sadd.s32 s2, s4;
	[dreg:$0x0] =	wrdreg $0x0  }
0xa8: {  	s4 =	sshll.u32 s28, $0x1;
	[dreg:$0x2] =	wrdreg s2  }
0xa9: {  	[dreg:$0x3] =	wrdreg s4  }
0xaa: {  	[dreg:$0x4] =	wrdreg $0xC0  }
0xab: {  	_ =	task [dreg:s6], $0x5FFFF  }
0xac: {  	[dreg:$0x1] =	wrdreg $0xFFFFFFFF  }
0xad: {  	[dreg:$0x0] =	wrdreg $0x60  }
0xae: {  	[dreg:$0x2] =	wrdreg s24  }
0xaf: {  	[dreg:$0x3] =	wrdreg $0x28000  }
0xb0: {  	[dreg:$0x4] =	wrdreg $0x13  }
0xb1: {  	_ =	task.clear_ibuf [dreg:s6], $0x5FFFF;
	_ =	strace $0x90000046  }
0xb2: {  	s29 =	simm.s32 $0x13;
	_ =	strace $0x80000048  }
0xb3: {  	_ =	swait.ge [sflag:s29], $0x1  }
0xb4: {  	[sflag:s29] =	ssyncadd.s32 $0xFFFFFFFF  }
0xb5: {  	_ =	strace $0x90000048  }
0xb6: {  	_ =	sfence  }
0xb7: {  	s30 =	sld [smem:$0x0];
	_ =	sdelay $0x2  }
0xb8: {  	s31 =	sshll.u32 s1, $0xD;
	s1 =	sshrl.u32 s1, $0x2  }
0xb9: {  	s3 =	sand.u32 $0x4000, s31;
	s1 =	sadd.s32 s1, s30  }
0xba: {  	s0 =	sor.u32 s3, s0;
	s1 =	sshll.u32 s1, $0x11  }
0xbb: {  	s0 =	sor.u32 s1, s0  }
0xbc: {  	s0 =	sadd.s32 $0x8F2B, s0  }
0xbd: {  	[sflag:s0] =	ssyncadd.remote.s32 $0x1  }
0xbe: {  	_ =	sfence.sel $0xFFFF  }
0xbf: {  	[dreg:$0x0] =	wrdreg $0xFFFFFFFF;
	(pc) =	sbr.abs _section_cstart, $3  }
0xc0: {  	[dreg:$0x1] =	wrdreg $0xFFFFFFFF  }
0xc1: {  	_ =	task.clear_ibuf [dreg:s6], $0x2FFFF;
	_ =	strace $0x9FFFFFFF  }
0xc2: {  	(tm) =	ssettm $0x7FFFFFFF  }
0xc3: {  	_ =	shalt  }
tec
execute0_lowered:
.L_overlay_start_1:
0x0: {  	(tag) =	ssettag $0x1  }
0x1: {  	s6 =	rddreg [dreg:$0x0]  }
0x2: {  	s1 =	rddreg [dreg:$0x1]  }
0x3: {  	s0 =	rddreg [dreg:$0x2];
	s3 =	simm.s32 $0x0;
	s4 =	srdreg.scid  }
0x4: {  	s2 =	stileid.u32;
	s14 =	simm.s32 $0x1;
	s15 =	simm.s32 $0x1F80  }
0x5: {  	s16 =	simm.s32 $0x2400;
	[smem:$0x7FF] =	sst s3;
	s5 =	sand.u32 $0x1, s4  }
0x6: {  	s7 =	sshll.u32 s2, $0xA;
	s4 =	sadd.s32 $0x2F600, s6;
	s10 =	smul.u32 $0xC380, s2  }
0x7: {  	s31 =	sshll.u32 s2, $0x6;
	_ =	strace $0x80000047;
	s8 =	sshll.u32 s5, $0x9  }
0x8: {  	s28 =	smul.u32 $0x18700, s5;
	s29 =	ssub.s32 $0x2, s5;
	s5 =	sadd.s32 $0x39E00, s6  }
0x9: {  	s7 =	sor.u32 s8, s7;
	s30 =	sshrl.u32 s29, $0x1;
	s13 =	sadd.s32 s10, s1  }
0xa: {  	s18 =	sshrl.u32 s10, $0x3;
	s9 =	sadd.s32 s7, s6;
	s11 =	sadd.s32 s28, s6  }
0xb: {  	s12 =	ssub.s32 s29, s30;
	s6 =	sor.u32 $0x1C02, s31;
	s10 =	sshrl.u32 s13, $0x3  }
0xc: {  	s13 =	simm.s32 $0x80;
	s7 =	sadd.s32 $0x35E00, s9;
	s8 =	sadd.s32 $0x31E00, s9  }
0xd: {  	s17 =	sadd.s32 $0x3B800, s11;
	s9 =	smax.u32 s12, $0x1;
	s11 =	simm.s32 $0x2  }
0xe: {  	s12 =	simm.s32 $0x2000;
	s17 =	sadd.s32 s18, s17;
	s18 =	simm.s32 $0x0  }
.LBB2_1:
0xf: {  	[spmem:s10], [sflag:s6] =	dma.local [hbm:s5], $0x1870  }
0x10: {  	_ =	swait.ge [sflag:s11], $0x1870  }
0x11: {  	[sflag:s11] =	ssyncset.done $0x0  }
0x12: {  	[sflag:s11] =	ssyncadd.s32 $0xFFFFE790  }
0x13: {  	[bflag:$0x0] =	sbarrier.arrive $0xFFFF  }
0x14: {  	[tilespmem:s3], [sflag:$0x2] =	stream.linear.gather [hbm4b:s7+s3], $0x1000, $0x38;
	[tilespmem:$0xEB80] =	vst v63  }
0x15: {  	_ =	swait.ge [sflag:s11], $0x1000  }
0x16: {  	[sflag:s11] =	ssyncset.done $0x0  }
0x17: {  	s19 =	simm.s32 $0x1000;
	[sflag:s11] =	ssyncadd.s32 $0xFFFFF000  }
0x18: {  	[tilespmem:s19], [sflag:$0x2] =	stream.linear.gather [hbm4b:s8+s3], $0x1000, $0x38;
	[tilespmem:$0xEB80] =	vst v63  }
0x19: {  	_ =	swait.ge [sflag:s11], $0x1000  }
0x1a: {  	s20 =	simm.s32 $0x400;
	[sflag:s11] =	ssyncset.done $0x0  }
0x1b: {  	s21 =	sand.u32 $0x400, s20;
	[sflag:s11] =	ssyncadd.s32 $0xFFFFF000  }
0x1c: {  	[tilespmem:s12], [sflag:$0x1] =	stream.indirect.gather [hbm4b:s4+s13], $0x8, s3, s13, $0xb8;
	[tilespmem:$0xEB80] =	vst v63  }
0x1d: {  	s21 =	sor.u32 $0x2000, s21  }
0x1e: {  	[tilespmem:s21], [sflag:$0x1] =	stream.indirect.gather [hbm4b:s4+s13], $0x8, s13, s13, $0xb8;
	[tilespmem:$0xEB80] =	vst v63  }
0x1f: {  	_ =	swait.ge [sflag:s14], $0x400  }
0x20: {  	s31 =	sand.u32 $0x400, s3;
	[sflag:s14] =	ssyncset.done $0x0  }
0x21: {  	s22 =	sor.u32 $0x2000, s31;
	s21 =	simm.s32 $0x80;
	[sflag:s14] =	ssyncadd.s32 $0xFFFFFC00  }
.LBB2_2:
0x22: {  	[spmem:s1] =	stream.indirect.scatter.add.f32 [tilespmem:s22], [sflag:$0x2], $0x8, s19, s13, $0xb8;
	[tilespmem:$0xEB80] =	vst v63  }
0x23: {  	s22 =	smov.u32 s20  }
0x24: {  	p0 =	sne.s32 s20, $0x7800;
	s20 =	sadd.s32 $0x400, s20;
	_ =	swait.ge [sflag:s11], $0x400  }
0x25: {  	s21 =	sadd.s32 $0x80, s21;
	s23 =	sand.u32 $0x400, s20;
	[sflag:s11] =	ssyncset.done $0x0  }
.Ltmp0:
0x26: {  	s23 =	sor.u32 $0x2000, s23;
	[sflag:s11] =	ssyncadd.s32 $0xFFFFFC00;
	(pc) =	sbr.rel @p0 .LBB2_2-.Ltmp0, $4  }
0x27: {  	[tilespmem:s23], [sflag:$0x1] =	stream.indirect.gather [hbm4b:s4+s13], $0x8, s21, s13, $0xb8;
	[tilespmem:$0xEB80] =	vst v63  }
0x28: {  	_ =	swait.ge [sflag:s14], $0x400  }
0x29: {  	s22 =	sand.u32 $0x400, s22;
	[sflag:s14] =	ssyncset.done $0x0  }
0x2a: {  	s19 =	sadd.s32 $0x80, s19;
	s22 =	sor.u32 $0x2000, s22;
	[sflag:s14] =	ssyncadd.s32 $0xFFFFFC00  }
0x2b: {  	[spmem:s1] =	stream.indirect.scatter.add.f32 [tilespmem:s22], [sflag:$0x2], $0x8, s19, s13, $0xb8;
	[tilespmem:$0xEB80] =	vst v63  }
0x2c: {  	_ =	swait.ge [sflag:s11], $0x400  }
0x2d: {  	[sflag:s11] =	ssyncset.done $0x0  }
0x2e: {  	[sflag:s11] =	ssyncadd.s32 $0xFFFFFC00  }
0x2f: {  	_ =	swait.ge [sflag:s14], $0x400  }
0x30: {  	[sflag:s14] =	ssyncset.done $0x0  }
0x31: {  	[sflag:s14] =	ssyncadd.s32 $0xFFFFFC00  }
0x32: {  	[spmem:s1] =	stream.indirect.scatter.add.f32 [tilespmem:s16], [sflag:$0x2], $0x8, s15, s13, $0xb8;
	[tilespmem:$0xEB80] =	vst v63  }
0x33: {  	_ =	swait.ge [sflag:s11], $0x400  }
0x34: {  	s18 =	sadd.s32 $0x1, s18;
	[sflag:s11] =	ssyncset.done $0x0  }
0x35: {  	p0 =	sne.s32 s18, s9;
	[sflag:s11] =	ssyncadd.s32 $0xFFFFFC00  }
.Ltmp1:
0x36: {  	[bflag:$0x0] =	sbarrier.arrive $0xFFFF;
	(pc) =	sbr.rel @p0 .LBB2_1-.Ltmp1, $4  }
0x37: {  	[hbm:s17], [sflag:s6] =	dma.local [spmem:s10], $0x1870  }
0x38: {  	_ =	swait.ge [sflag:s11], $0x1870  }
0x39: {  	[sflag:s11] =	ssyncset.done $0x0  }
0x3a: {  	[sflag:s11] =	ssyncadd.s32 $0xFFFFE790  }
0x3b: {  	_ =	sfence.sel $0x180000  }
0x3c: {  	[bflag:$0x0] =	sbarrier.arrive $0xFFFF  }
0x3d: {  	p0 =	sne.s32 s2, $0x0;
	_ =	strace $0x90000047  }
0x3e: {  	s0 =	sadd.s32 @!p0 $0x100000, s0;
	[bflag:$0x2] =	sbarrier.arrive $0xFFFF  }
0x3f: {  	[sflag:s0] =	ssyncadd.tile.s32 @!p0 $0x1;
	_ =	shalt  }
.Lfunc_end2:
_tile_overlayer_lowered:
.L_overlay_start_2:
0x40: {  	(tag) =	ssettag $0x2  }
0x41: {  	s0 =	rddreg [dreg:$0x0];
	s2 =	stileid.u32  }
0x42: {  	s1 =	rddreg [dreg:$0x1];
	p0 =	sne.s32 s2, $0x0  }
0x43: {  	s3 =	rddreg [dreg:$0x2];
	[bflag:$0x3] =	sbarrier.arrive $0xFFFF;
	s2 =	simm.s32 @!p0 $0x1C02  }
0x44: {  	[timem:s3], [sflag:s2] =	dma.local @!p0 [hbm:s0], s1  }
0x45: {  	s0 =	simm.s32 @!p0 $0x2  }
0x46: {  	_ =	swait.ge @!p0 [sflag:s0], s1  }
0x47: {  	s1 =	ssub.s32 @!p0 $0x0, s1;
	[sflag:s0] =	ssyncset.done @!p0 $0x0  }
0x48: {  	[sflag:s0] =	ssyncadd.s32 @!p0 s1  }
0x49: {  	[bflag:$0x3] =	sbarrier.arrive $0xFFFF  }
0x4a: {  	_ =	shalt  }

// kernel: kernel.49.cloned.1.call-start
scs
__scs_entry_jumppad:
0x0: {  	(pc) =	sbr.rel $0x88, $3  }
0x1: {  	(tag) =	ssettag $0x0;
	lr =	simm.s32 $0x1  }
0x2: {  	[smem:$0x3F8D] =	sst lr;
	_ =	strace $0xD0000000  }
0x3: {  	_ = 	snop  }
0x4: {  	_ = 	snop  }
0x5: {  	_ = 	snop  }
0x6: {  	_ = 	snop  }
0x7: {  	_ = 	snop  }
__scs_overlays_trampoline_lowered:
0x8: {  	[smem:$0x3F9C] =	sst s0  }
0x9: {  	[smem:$0x3F9D] =	sst s1  }
0xa: {  	[smem:$0x3F9E] =	sst s2  }
0xb: {  	[smem:$0x3F9F] =	sst s3  }
0xc: {  	[smem:$0x3FA0] =	sst s4  }
0xd: {  	[smem:$0x3FA1] =	sst s5  }
0xe: {  	[smem:$0x3FA2] =	sst s6  }
0xf: {  	[smem:$0x3FA3] =	sst s7  }
0x10: {  	[smem:$0x3FA4] =	sst s8  }
0x11: {  	[smem:$0x3FA5] =	sst s9;
	s0 =	simm.s32 @!p0 $0x0  }
0x12: {  	s1 =	sld [smem:$0x3F8B];
	s0 =	simm.s32 @p0 $0x1  }
0x13: {  	[smem:$0x3FA6] =	sst s0;
	s0 =	simm.s32 @!p1 $0x0  }
0x14: {  	s2 =	sld [smem:$0x3F8A];
	s0 =	simm.s32 @p1 $0x1  }
0x15: {  	[smem:$0x3FA7] =	sst s0;
	s0 =	simm.s32 @!p2 $0x0  }
0x16: {  	s3 =	sld [smem:$0x3FDB];
	s0 =	simm.s32 @p2 $0x1  }
0x17: {  	s4 =	simm.s32 $0x1BF5;
	[smem:$0x3FA9] =	sst s0  }
0x18: {  	s0 =	sld [smem:$0x3F8C];
	_ =	swait.ge [sflag:s4], $0x0  }
0x19: {  	s7 =	sld [smem:$0x3F8D]  }
0x1a: {  	s8 =	sadd.s32 $0xFFFFE003, lr  }
0x1b: {  	s9 =	sadd.s32 $0xFFFFFEF7, lr;
	s5 =	simm.s32 $0xFFFFFFFF;
	p2 =	slt.u32 s8, $0xFFFFF086  }
0x1c: {  	p1 =	slt.u32 s9, $0xF7A;
	s5 =	simm.s32 @!p2 $0x0  }
0x1d: {  	s5 =	simm.s32 @p1 $0x1;
	p0 =	seq.s32 s7, s2  }
0x1e: {  	s7 =	smul.u32 @!p0 $0xF7A, s2;
	p2 =	seq.s32 @!p0 s5, $0x0  }
0x1f: {  	s9 =	smul.u32 $0xF7A, s1;
	s8 =	simm.s32 @!p0 $0x1BF5;
	p2 =	por !p2, p0  }
0x20: {  	[sflag:s8] =	ssyncset.s32 @!p0 $0xFFFFF086;
	s6 =	sadd.s32 @!p0 s3, s7;
	s7 =	simm.s32 @!p0 $0x108  }
0x21: {  	s3 =	sadd.s32 s3, s9;
	s6 =	sadd.s32 @!p0 $0x88, s6;
	s7 =	simm.s32 @p2 $0x1082  }
0x22: {  	[simem:s7], [sflag:s8] =	dma.local @!p0 [hbm:s6], $0xF7A  }
0x23: {  	s9 =	sor.u32 $0xD0000000, s2;
	s6 =	simm.s32 $0x108;
	_ =	swait.ge @!p0 [sflag:s8], $0x0  }
0x24: {  	s3 =	sadd.s32 $0x88, s3;
	s6 =	simm.s32 @!p1 $0x1082;
	[sflag:s4] =	ssyncset.s32 $0xFFFFF086  }
0x25: {  	[simem:s6], [sflag:s4] =	dma.local [hbm:s3], $0xF7A  }
0x26: {  	[smem:$0x3F8D] =	sst s1;
	(tag) =	ssettag s2;
	_ =	strace s9  }
0x27: {  	s1 =	sld [smem:$0x3F9D]  }
0x28: {  	s2 =	sld [smem:$0x3F9E]  }
0x29: {  	s4 =	sld [smem:$0x3FA0]  }
0x2a: {  	p0 =	seq.s32 s5, $0x0;
	s5 =	sld [smem:$0x3FA1]  }
0x2b: {  	s6 =	sld [smem:$0x3FA2]  }
0x2c: {  	s7 =	sld [smem:$0x3FA3]  }
0x2d: {  	s3 =	simm.s32 $0x108;
	s8 =	sld [smem:$0x3FA4]  }
0x2e: {  	s3 =	simm.s32 @!p0 $0x1082;
	s9 =	sld [smem:$0x3FA5]  }
0x2f: {  	lr =	sadd.s32 s0, s3;
	s0 =	sld [smem:$0x3F9C]  }
0x30: {  	s3 =	sld [smem:$0x3F9F]  }
0x31: {  	[smem:$0x3FA8] =	sst s10  }
0x32: {  	s10 =	sld [smem:$0x3FA6];
	_ =	sdelay $0x3  }
0x33: {  	p0 =	seq.s32 s10, $0x1;
	s10 =	sld [smem:$0x3FA8];
	_ =	sdelay $0x3  }
0x34: {  	[smem:$0x3FA8] =	sst s10  }
0x35: {  	s10 =	sld [smem:$0x3FA7];
	_ =	sdelay $0x3  }
0x36: {  	p1 =	seq.s32 s10, $0x1;
	s10 =	sld [smem:$0x3FA8];
	_ =	sdelay $0x3  }
0x37: {  	[smem:$0x3FA8] =	sst s10  }
0x38: {  	s10 =	sld [smem:$0x3FA9]  }
0x39: {  	_ = 	snop;
	(pc) =	sbr.ind lr, $3  }
0x3a: {  	_ = 	snop  }
0x3b: {  	_ = 	snop  }
0x3c: {  	p2 =	seq.s32 s10, $0x1;
	s10 =	sld [smem:$0x3FA8]  }
0x3d: {  	_ =	shalt  }
0x3e: {  	_ =	shalt  }
0x3f: {  	_ =	shalt  }
0x40: {  	_ =	shalt  }
0x41: {  	_ =	shalt  }
0x42: {  	_ =	shalt  }
0x43: {  	_ =	shalt  }
0x44: {  	_ =	shalt  }
0x45: {  	_ =	shalt  }
0x46: {  	_ =	shalt  }
0x47: {  	_ =	shalt  }
0x48: {  	_ =	shalt  }
0x49: {  	_ =	shalt  }
0x4a: {  	_ =	shalt  }
0x4b: {  	_ =	shalt  }
0x4c: {  	_ =	shalt  }
0x4d: {  	_ =	shalt  }
0x4e: {  	_ =	shalt  }
0x4f: {  	_ =	shalt  }
0x50: {  	_ =	shalt  }
0x51: {  	_ =	shalt  }
0x52: {  	_ =	shalt  }
0x53: {  	_ =	shalt  }
0x54: {  	_ =	shalt  }
0x55: {  	_ =	shalt  }
0x56: {  	_ =	shalt  }
0x57: {  	_ =	shalt  }
0x58: {  	_ =	shalt  }
0x59: {  	_ =	shalt  }
0x5a: {  	_ =	shalt  }
0x5b: {  	_ =	shalt  }
0x5c: {  	_ =	shalt  }
0x5d: {  	_ =	shalt  }
0x5e: {  	_ =	shalt  }
0x5f: {  	_ =	shalt  }
0x60: {  	_ =	shalt  }
0x61: {  	_ =	shalt  }
0x62: {  	_ =	shalt  }
0x63: {  	_ =	shalt  }
0x64: {  	_ =	shalt  }
0x65: {  	_ =	shalt  }
0x66: {  	_ =	shalt  }
0x67: {  	_ =	shalt  }
0x68: {  	_ =	shalt  }
0x69: {  	_ =	shalt  }
0x6a: {  	_ =	shalt  }
0x6b: {  	_ =	shalt  }
0x6c: {  	_ =	shalt  }
0x6d: {  	_ =	shalt  }
0x6e: {  	_ =	shalt  }
0x6f: {  	_ =	shalt  }
0x70: {  	_ =	shalt  }
0x71: {  	_ =	shalt  }
0x72: {  	_ =	shalt  }
0x73: {  	_ =	shalt  }
0x74: {  	_ =	shalt  }
0x75: {  	_ =	shalt  }
0x76: {  	_ =	shalt  }
0x77: {  	_ =	shalt  }
0x78: {  	_ =	shalt  }
0x79: {  	_ =	shalt  }
0x7a: {  	_ =	shalt  }
0x7b: {  	_ =	shalt  }
0x7c: {  	_ =	shalt  }
0x7d: {  	_ =	shalt  }
0x7e: {  	_ =	shalt  }
0x7f: {  	_ =	shalt  }
0x80: {  	_ =	shalt  }
0x81: {  	_ =	shalt  }
0x82: {  	_ =	shalt  }
0x83: {  	_ =	shalt  }
0x84: {  	_ =	shalt  }
0x85: {  	_ =	shalt  }
0x86: {  	_ =	shalt  }
0x87: {  	_ =	shalt  }
.Lfunc_end0:
.L_simem_size_0:
called_computation.10_lowered:
.L_overlay_start_0:
0x88: {  	s2 =	sld [smem:$0x3FD9]  }
0x89: {  	s3 =	sld [smem:$0x3FFE];
	_ =	sdelay $0x1  }
0x8a: {  	s1 =	srdreg.scid  }
0x8b: {  	s0 =	sand.u32 $0x1, s1  }
0x8c: {  	s17 =	sshll.u32 s0, $0xA;
	s2 =	sadd.s32 s3, s2  }
0x8d: {  	s2 =	sadd.s32 s2, s17  }
0x8e: {  	[smem:$0x3FB4] =	sst s2  }
0x8f: {  	_ = 	snop  }
0x90: {  	(tm) =	ssettm $0x1  }
0x91: {  	s18 =	sld [smem:$0x3FFB];
	_ =	sdelay $0x3  }
0x92: {  	_ =	strace s18  }
0x93: {  	s2 =	sld [smem:$0x3FFC];
	_ =	sdelay $0x3  }
0x94: {  	_ =	strace s2  }
0x95: {  	s2 =	sld [smem:$0x3FFD];
	_ =	sdelay $0x3  }
0x96: {  	_ =	strace s2  }
0x97: {  	_ =	strace $0x8FFFFFFF  }
0x98: {  	s19 =	sld [smem:$0x3FDB];
	_ =	sdelay $0x1  }
0x99: {  	s20 =	simm.s32 $_scs_section_size  }
0x9a: {  	s4 =	simm.s32 $_size__tile_overlayer_lowered;
	s5 =	simm.s32 $_tile_overlayer_lowered  }
0x9b: {  	s6 =	simm.s32 $0x1BFF;
	s21 =	sshll.u32 s5, $0x1;
	s3 =	sadd.s32 s20, s19  }
0x9c: {  	s22 =	simm.s32 $0x0;
	s4 =	sshll.u32 s4, $0x1;
	s5 =	sadd.s32 s21, s3  }
0x9d: {  	[timem:s22], [sflag:s6] =	dma.local [hbm:s5], s4  }
0x9e: {  	_ =	swait.ge [sflag:s6], s4  }
0x9f: {  	s4 =	ssub.s32 $0x0, s4;
	[sflag:s6] =	ssyncset.done $0x0  }
0xa0: {  	[sflag:s6] =	ssyncadd.s32 s4;
	_ =	sdelay $0x1  }
0xa1: {  	s23 =	simm.s32 $0x1B8B  }
0xa2: {  	_ =	swait.ge [sflag:s23], $0x1  }
0xa3: {  	[sflag:s23] =	ssyncset.done $0x0  }
0xa4: {  	[sflag:s23] =	ssyncadd.s32 $0xFFFFFFFF  }
0xa5: {  	s4 =	sld [smem:$0x0]  }
0xa6: {  	s5 =	sand.u32 $0xFFFFFFFE, s1  }
0xa7: {  	p0 =	sne.s32 s1, s5  }
0xa8: {  	s5 =	sshll.u32 @p0 s5, $0xE  }
0xa9: {  	s5 =	sadd.s32 @p0 $0x11B8D, s5;
	s6 =	sshll.u32 @p0 s4, $0x11  }
0xaa: {  	s5 =	sor.u32 @p0 s6, s5  }
0xab: {  	[sflag:s5] =	ssyncadd.remote.s32 @p0 $0x1;
	_ =	sdelay $0x1  }
0xac: {  	s5 =	simm.s32 @p0 $0x1B8D  }
0xad: {  	_ =	swait.eq @p0 [sflag:s5], $0x1  }
0xae: {  	[sflag:s5] =	ssyncadd.s32 @p0 $0xFFFFFFFF  }
0xaf: {  	s6 =	sshll.u32 @!p0 s1, $0xE  }
0xb0: {  	s6 =	sor.u32 @!p0 $0x4000, s6;
	s5 =	simm.s32 @!p0 $0x1B8D  }
0xb1: {  	s4 =	sshll.u32 @!p0 s4, $0x11;
	s6 =	sadd.s32 @!p0 $0x11B8D, s6;
	_ =	swait.eq @!p0 [sflag:s5], $0x1  }
0xb2: {  	s4 =	sor.u32 @!p0 s4, s6;
	[sflag:s5] =	ssyncadd.s32 @!p0 $0xFFFFFFFF  }
0xb3: {  	s25 =	simm.s32 $0x1B8E;
	s24 =	sld [smem:$0x3FFE];
	[sflag:s4] =	ssyncadd.remote.s32 @!p0 $0x1  }
0xb4: {  	s26 =	simm.s32 $execute0_lowered;
	[smem:$0x3FD2] =	sst s25  }
0xb5: {  	s5 =	sshll.u32 s26, $0x1;
	_ =	strace $0x80000064;
	[dreg:$0x1] =	wrdreg $0xFFFFFFFF  }
0xb6: {  	s28 =	simm.s32 $_size_execute0_lowered;
	s3 =	sadd.s32 s3, s5;
	[dreg:$0x0] =	wrdreg $0x0  }
0xb7: {  	s5 =	sshll.u32 s28, $0x1;
	[dreg:$0x2] =	wrdreg s3  }
0xb8: {  	[dreg:$0x3] =	wrdreg s5  }
0xb9: {  	[dreg:$0x4] =	wrdreg $0xC0  }
0xba: {  	_ =	task [dreg:s22], $0x5FFFF  }
0xbb: {  	[dreg:$0x1] =	wrdreg $0xFFFFFFFF  }
0xbc: {  	[dreg:$0x0] =	wrdreg $0x60  }
0xbd: {  	[dreg:$0x2] =	wrdreg s24  }
0xbe: {  	[dreg:$0x3] =	wrdreg $0x40000  }
0xbf: {  	[dreg:$0x4] =	wrdreg $0x9  }
0xc0: {  	_ =	task.clear_ibuf [dreg:s22], $0x5FFFF;
	_ =	strace $0x90000064  }
0xc1: {  	s29 =	simm.s32 $0x9;
	_ =	strace $0x80000066  }
0xc2: {  	_ =	swait.ge [sflag:s29], $0x1  }
0xc3: {  	[sflag:s29] =	ssyncadd.s32 $0xFFFFFFFF  }
0xc4: {  	_ =	strace $0x90000066  }
0xc5: {  	_ =	sfence  }
0xc6: {  	s30 =	sld [smem:$0x0];
	_ =	sdelay $0x2  }
0xc7: {  	s31 =	sshll.u32 s1, $0xD;
	s1 =	sshrl.u32 s1, $0x2  }
0xc8: {  	s4 =	sand.u32 $0x4000, s31;
	s1 =	sadd.s32 s1, s30  }
0xc9: {  	s0 =	sor.u32 s4, s0;
	s1 =	sshll.u32 s1, $0x11  }
0xca: {  	s0 =	sor.u32 s1, s0  }
0xcb: {  	s0 =	sadd.s32 $0x8F2B, s0  }
0xcc: {  	[sflag:s0] =	ssyncadd.remote.s32 $0x1  }
0xcd: {  	_ =	sfence.sel $0xFFFF  }
0xce: {  	[dreg:$0x0] =	wrdreg $0xFFFFFFFF;
	(pc) =	sbr.abs _section_cstart, $3  }
0xcf: {  	[dreg:$0x1] =	wrdreg $0xFFFFFFFF  }
0xd0: {  	_ =	task.clear_ibuf [dreg:s22], $0x2FFFF;
	_ =	strace $0x9FFFFFFF  }
0xd1: {  	(tm) =	ssettm $0x7FFFFFFF  }
tec
execute0_lowered:
.L_overlay_start_1:
0x0: {  	(tag) =	ssettag $0x1  }
0x1: {  	s6 =	rddreg [dreg:$0x0]  }
0x2: {  	s2 =	rddreg [dreg:$0x1];
	s3 =	srdreg.scid  }
0x3: {  	s0 =	rddreg [dreg:$0x2];
	s1 =	stileid.u32  }
0x4: {  	s13 =	simm.s32 $0x80;
	s14 =	simm.s32 $0x1;
	s15 =	simm.s32 $0x1F80  }
0x5: {  	s16 =	simm.s32 $0x3000;
	s7 =	sand.u32 $0x1, s3;
	s3 =	simm.s32 $0x0  }
0x6: {  	s4 =	sshll.u32 s1, $0xA;
	s11 =	smul.u32 $0x4F00, s1;
	s12 =	sshll.u32 s1, $0x6  }
0x7: {  	s5 =	sshll.u32 s7, $0x9;
	[smem:$0x7FF] =	sst s3;
	s9 =	smul.u32 $0x9E00, s7  }
0x8: {  	s7 =	ssub.s32 $0x2, s7;
	s5 =	sor.u32 s5, s4;
	_ =	strace $0x80000065  }
0x9: {  	s4 =	sadd.s32 $0x291C00, s6;
	s10 =	sshrl.u32 s7, $0x1;
	s31 =	sadd.s32 s11, s2  }
0xa: {  	s18 =	sshrl.u32 s11, $0x3;
	s11 =	simm.s32 $0x2;
	s8 =	sadd.s32 s5, s6  }
0xb: {  	s5 =	sadd.s32 $0x6E00, s6;
	s9 =	sadd.s32 s9, s6;
	s10 =	ssub.s32 s7, s10  }
0xc: {  	s6 =	sor.u32 $0x1C02, s12;
	s12 =	simm.s32 $0x2000;
	s7 =	sadd.s32 $0x28DC00, s8  }
0xd: {  	s8 =	sadd.s32 $0x24BE00, s8;
	s17 =	sadd.s32 $0x2F3800, s9;
	s9 =	smax.u32 s10, $0x1  }
0xe: {  	s10 =	sshrl.u32 s31, $0x3;
	s17 =	sadd.s32 s18, s17;
	s18 =	simm.s32 $0x0  }
.LBB2_1:
0xf: {  	[spmem:s10], [sflag:s6] =	dma.local [hbm:s5], $0x9E0  }
0x10: {  	_ =	swait.ge [sflag:s11], $0x9E0  }
0x11: {  	[sflag:s11] =	ssyncset.done $0x0  }
0x12: {  	[sflag:s11] =	ssyncadd.s32 $0xFFFFF620  }
0x13: {  	[bflag:$0x0] =	sbarrier.arrive $0xFFFF  }
0x14: {  	[tilespmem:s3], [sflag:$0x2] =	stream.linear.gather [hbm4b:s7+s3], $0x1000, $0x38;
	[tilespmem:$0x8F00] =	vst v63  }
0x15: {  	_ =	swait.ge [sflag:s11], $0x1000  }
0x16: {  	[sflag:s11] =	ssyncset.done $0x0  }
0x17: {  	s19 =	simm.s32 $0x1000;
	[sflag:s11] =	ssyncadd.s32 $0xFFFFF000  }
0x18: {  	[tilespmem:s19], [sflag:$0x2] =	stream.linear.gather [hbm4b:s8+s3], $0x1000, $0x38;
	[tilespmem:$0x8F00] =	vst v63  }
0x19: {  	_ =	swait.ge [sflag:s11], $0x1000  }
0x1a: {  	s20 =	simm.s32 $0x1000;
	[sflag:s11] =	ssyncset.done $0x0  }
0x1b: {  	s21 =	sand.u32 $0x1000, s20;
	[sflag:s11] =	ssyncadd.s32 $0xFFFFF000  }
0x1c: {  	[tilespmem:s12], [sflag:$0x1] =	stream.indirect.gather [hbm4b:s4+s13], $0x20, s3, s13, $0xb8;
	[tilespmem:$0x8F00] =	vst v63  }
0x1d: {  	s21 =	sor.u32 $0x2000, s21  }
0x1e: {  	[tilespmem:s21], [sflag:$0x1] =	stream.indirect.gather [hbm4b:s4+s13], $0x20, s13, s13, $0xb8;
	[tilespmem:$0x8F00] =	vst v63  }
0x1f: {  	_ =	swait.ge [sflag:s14], $0x1000  }
0x20: {  	s31 =	sand.u32 $0x1000, s3;
	[sflag:s14] =	ssyncset.done $0x0  }
0x21: {  	s22 =	sor.u32 $0x2000, s31;
	s21 =	simm.s32 $0x80;
	[sflag:s14] =	ssyncadd.s32 $0xFFFFF000  }
.LBB2_2:
0x22: {  	[spmem:s2] =	stream.indirect.scatter.add.f32 [tilespmem:s22], [sflag:$0x2], $0x20, s19, s13, $0xb8;
	[tilespmem:$0x8F00] =	vst v63  }
0x23: {  	s22 =	smov.u32 s20  }
0x24: {  	p0 =	sne.s32 s20, $0x1E000;
	s20 =	sadd.s32 $0x1000, s20;
	_ =	swait.ge [sflag:s11], $0x1000  }
0x25: {  	s21 =	sadd.s32 $0x80, s21;
	s23 =	sand.u32 $0x1000, s20;
	[sflag:s11] =	ssyncset.done $0x0  }
.Ltmp0:
0x26: {  	s23 =	sor.u32 $0x2000, s23;
	[sflag:s11] =	ssyncadd.s32 $0xFFFFF000;
	(pc) =	sbr.rel @p0 .LBB2_2-.Ltmp0, $4  }
0x27: {  	[tilespmem:s23], [sflag:$0x1] =	stream.indirect.gather [hbm4b:s4+s13], $0x20, s21, s13, $0xb8;
	[tilespmem:$0x8F00] =	vst v63  }
0x28: {  	_ =	swait.ge [sflag:s14], $0x1000  }
0x29: {  	s22 =	sand.u32 $0x1000, s22;
	[sflag:s14] =	ssyncset.done $0x0  }
0x2a: {  	s19 =	sadd.s32 $0x80, s19;
	s22 =	sor.u32 $0x2000, s22;
	[sflag:s14] =	ssyncadd.s32 $0xFFFFF000  }
0x2b: {  	[spmem:s2] =	stream.indirect.scatter.add.f32 [tilespmem:s22], [sflag:$0x2], $0x20, s19, s13, $0xb8;
	[tilespmem:$0x8F00] =	vst v63  }
0x2c: {  	_ =	swait.ge [sflag:s11], $0x1000  }
0x2d: {  	[sflag:s11] =	ssyncset.done $0x0  }
0x2e: {  	[sflag:s11] =	ssyncadd.s32 $0xFFFFF000  }
0x2f: {  	_ =	swait.ge [sflag:s14], $0x1000  }
0x30: {  	[sflag:s14] =	ssyncset.done $0x0  }
0x31: {  	[sflag:s14] =	ssyncadd.s32 $0xFFFFF000  }
0x32: {  	[spmem:s2] =	stream.indirect.scatter.add.f32 [tilespmem:s16], [sflag:$0x2], $0x20, s15, s13, $0xb8;
	[tilespmem:$0x8F00] =	vst v63  }
0x33: {  	_ =	swait.ge [sflag:s11], $0x1000  }
0x34: {  	s18 =	sadd.s32 $0x1, s18;
	[sflag:s11] =	ssyncset.done $0x0  }
0x35: {  	p0 =	sne.s32 s18, s9;
	[sflag:s11] =	ssyncadd.s32 $0xFFFFF000  }
.Ltmp1:
0x36: {  	[bflag:$0x0] =	sbarrier.arrive $0xFFFF;
	(pc) =	sbr.rel @p0 .LBB2_1-.Ltmp1, $4  }
0x37: {  	[hbm:s17], [sflag:s6] =	dma.local [spmem:s10], $0x9E0  }
0x38: {  	_ =	swait.ge [sflag:s11], $0x9E0  }
0x39: {  	[sflag:s11] =	ssyncset.done $0x0  }
0x3a: {  	[sflag:s11] =	ssyncadd.s32 $0xFFFFF620  }
0x3b: {  	_ =	sfence.sel $0x180000  }
0x3c: {  	[bflag:$0x0] =	sbarrier.arrive $0xFFFF  }
0x3d: {  	p0 =	sne.s32 s1, $0x0;
	_ =	strace $0x90000065  }
0x3e: {  	s0 =	sadd.s32 @!p0 $0x100000, s0;
	[bflag:$0x2] =	sbarrier.arrive $0xFFFF  }
0x3f: {  	[sflag:s0] =	ssyncadd.tile.s32 @!p0 $0x1;
	_ =	shalt  }
.Lfunc_end2:
_tile_overlayer_lowered:
.L_overlay_start_2:
0x40: {  	(tag) =	ssettag $0x2  }
0x41: {  	s0 =	rddreg [dreg:$0x0];
	s2 =	stileid.u32  }
0x42: {  	s1 =	rddreg [dreg:$0x1];
	p0 =	sne.s32 s2, $0x0  }
0x43: {  	s3 =	rddreg [dreg:$0x2];
	[bflag:$0x3] =	sbarrier.arrive $0xFFFF;
	s2 =	simm.s32 @!p0 $0x1C02  }
0x44: {  	[timem:s3], [sflag:s2] =	dma.local @!p0 [hbm:s0], s1  }
0x45: {  	s0 =	simm.s32 @!p0 $0x2  }
0x46: {  	_ =	swait.ge @!p0 [sflag:s0], s1  }
0x47: {  	s1 =	ssub.s32 @!p0 $0x0, s1;
	[sflag:s0] =	ssyncset.done @!p0 $0x0  }
0x48: {  	[sflag:s0] =	ssyncadd.s32 @!p0 s1  }
0x49: {  	[bflag:$0x3] =	sbarrier.arrive $0xFFFF  }
0x4a: {  	_ =	shalt  }

// kernel: kernel.52.cloned.1.call-start
scs
__scs_entry_jumppad:
0x0: {  	(pc) =	sbr.rel $0x88, $3  }
0x1: {  	(tag) =	ssettag $0x0;
	lr =	simm.s32 $0x1  }
0x2: {  	[smem:$0x3F8D] =	sst lr;
	_ =	strace $0xD0000000  }
0x3: {  	_ = 	snop  }
0x4: {  	_ = 	snop  }
0x5: {  	_ = 	snop  }
0x6: {  	_ = 	snop  }
0x7: {  	_ = 	snop  }
__scs_overlays_trampoline_lowered:
0x8: {  	[smem:$0x3F9C] =	sst s0  }
0x9: {  	[smem:$0x3F9D] =	sst s1  }
0xa: {  	[smem:$0x3F9E] =	sst s2  }
0xb: {  	[smem:$0x3F9F] =	sst s3  }
0xc: {  	[smem:$0x3FA0] =	sst s4  }
0xd: {  	[smem:$0x3FA1] =	sst s5  }
0xe: {  	[smem:$0x3FA2] =	sst s6  }
0xf: {  	[smem:$0x3FA3] =	sst s7  }
0x10: {  	[smem:$0x3FA4] =	sst s8  }
0x11: {  	[smem:$0x3FA5] =	sst s9;
	s0 =	simm.s32 @!p0 $0x0  }
0x12: {  	s1 =	sld [smem:$0x3F8B];
	s0 =	simm.s32 @p0 $0x1  }
0x13: {  	[smem:$0x3FA6] =	sst s0;
	s0 =	simm.s32 @!p1 $0x0  }
0x14: {  	s2 =	sld [smem:$0x3F8A];
	s0 =	simm.s32 @p1 $0x1  }
0x15: {  	[smem:$0x3FA7] =	sst s0;
	s0 =	simm.s32 @!p2 $0x0  }
0x16: {  	s3 =	sld [smem:$0x3FDB];
	s0 =	simm.s32 @p2 $0x1  }
0x17: {  	s4 =	simm.s32 $0x1BF5;
	[smem:$0x3FA9] =	sst s0  }
0x18: {  	s0 =	sld [smem:$0x3F8C];
	_ =	swait.ge [sflag:s4], $0x0  }
0x19: {  	s7 =	sld [smem:$0x3F8D]  }
0x1a: {  	s8 =	sadd.s32 $0xFFFFE003, lr  }
0x1b: {  	s9 =	sadd.s32 $0xFFFFFEF7, lr;
	s5 =	simm.s32 $0xFFFFFFFF;
	p2 =	slt.u32 s8, $0xFFFFF086  }
0x1c: {  	p1 =	slt.u32 s9, $0xF7A;
	s5 =	simm.s32 @!p2 $0x0  }
0x1d: {  	s5 =	simm.s32 @p1 $0x1;
	p0 =	seq.s32 s7, s2  }
0x1e: {  	s7 =	smul.u32 @!p0 $0xF7A, s2;
	p2 =	seq.s32 @!p0 s5, $0x0  }
0x1f: {  	s9 =	smul.u32 $0xF7A, s1;
	s8 =	simm.s32 @!p0 $0x1BF5;
	p2 =	por !p2, p0  }
0x20: {  	[sflag:s8] =	ssyncset.s32 @!p0 $0xFFFFF086;
	s6 =	sadd.s32 @!p0 s3, s7;
	s7 =	simm.s32 @!p0 $0x108  }
0x21: {  	s3 =	sadd.s32 s3, s9;
	s6 =	sadd.s32 @!p0 $0x88, s6;
	s7 =	simm.s32 @p2 $0x1082  }
0x22: {  	[simem:s7], [sflag:s8] =	dma.local @!p0 [hbm:s6], $0xF7A  }
0x23: {  	s9 =	sor.u32 $0xD0000000, s2;
	s6 =	simm.s32 $0x108;
	_ =	swait.ge @!p0 [sflag:s8], $0x0  }
0x24: {  	s3 =	sadd.s32 $0x88, s3;
	s6 =	simm.s32 @!p1 $0x1082;
	[sflag:s4] =	ssyncset.s32 $0xFFFFF086  }
0x25: {  	[simem:s6], [sflag:s4] =	dma.local [hbm:s3], $0xF7A  }
0x26: {  	[smem:$0x3F8D] =	sst s1;
	(tag) =	ssettag s2;
	_ =	strace s9  }
0x27: {  	s1 =	sld [smem:$0x3F9D]  }
0x28: {  	s2 =	sld [smem:$0x3F9E]  }
0x29: {  	s4 =	sld [smem:$0x3FA0]  }
0x2a: {  	p0 =	seq.s32 s5, $0x0;
	s5 =	sld [smem:$0x3FA1]  }
0x2b: {  	s6 =	sld [smem:$0x3FA2]  }
0x2c: {  	s7 =	sld [smem:$0x3FA3]  }
0x2d: {  	s3 =	simm.s32 $0x108;
	s8 =	sld [smem:$0x3FA4]  }
0x2e: {  	s3 =	simm.s32 @!p0 $0x1082;
	s9 =	sld [smem:$0x3FA5]  }
0x2f: {  	lr =	sadd.s32 s0, s3;
	s0 =	sld [smem:$0x3F9C]  }
0x30: {  	s3 =	sld [smem:$0x3F9F]  }
0x31: {  	[smem:$0x3FA8] =	sst s10  }
0x32: {  	s10 =	sld [smem:$0x3FA6];
	_ =	sdelay $0x3  }
0x33: {  	p0 =	seq.s32 s10, $0x1;
	s10 =	sld [smem:$0x3FA8];
	_ =	sdelay $0x3  }
0x34: {  	[smem:$0x3FA8] =	sst s10  }
0x35: {  	s10 =	sld [smem:$0x3FA7];
	_ =	sdelay $0x3  }
0x36: {  	p1 =	seq.s32 s10, $0x1;
	s10 =	sld [smem:$0x3FA8];
	_ =	sdelay $0x3  }
0x37: {  	[smem:$0x3FA8] =	sst s10  }
0x38: {  	s10 =	sld [smem:$0x3FA9]  }
0x39: {  	_ = 	snop;
	(pc) =	sbr.ind lr, $3  }
0x3a: {  	_ = 	snop  }
0x3b: {  	_ = 	snop  }
0x3c: {  	p2 =	seq.s32 s10, $0x1;
	s10 =	sld [smem:$0x3FA8]  }
0x3d: {  	_ =	shalt  }
0x3e: {  	_ =	shalt  }
0x3f: {  	_ =	shalt  }
0x40: {  	_ =	shalt  }
0x41: {  	_ =	shalt  }
0x42: {  	_ =	shalt  }
0x43: {  	_ =	shalt  }
0x44: {  	_ =	shalt  }
0x45: {  	_ =	shalt  }
0x46: {  	_ =	shalt  }
0x47: {  	_ =	shalt  }
0x48: {  	_ =	shalt  }
0x49: {  	_ =	shalt  }
0x4a: {  	_ =	shalt  }
0x4b: {  	_ =	shalt  }
0x4c: {  	_ =	shalt  }
0x4d: {  	_ =	shalt  }
0x4e: {  	_ =	shalt  }
0x4f: {  	_ =	shalt  }
0x50: {  	_ =	shalt  }
0x51: {  	_ =	shalt  }
0x52: {  	_ =	shalt  }
0x53: {  	_ =	shalt  }
0x54: {  	_ =	shalt  }
0x55: {  	_ =	shalt  }
0x56: {  	_ =	shalt  }
0x57: {  	_ =	shalt  }
0x58: {  	_ =	shalt  }
0x59: {  	_ =	shalt  }
0x5a: {  	_ =	shalt  }
0x5b: {  	_ =	shalt  }
0x5c: {  	_ =	shalt  }
0x5d: {  	_ =	shalt  }
0x5e: {  	_ =	shalt  }
0x5f: {  	_ =	shalt  }
0x60: {  	_ =	shalt  }
0x61: {  	_ =	shalt  }
0x62: {  	_ =	shalt  }
0x63: {  	_ =	shalt  }
0x64: {  	_ =	shalt  }
0x65: {  	_ =	shalt  }
0x66: {  	_ =	shalt  }
0x67: {  	_ =	shalt  }
0x68: {  	_ =	shalt  }
0x69: {  	_ =	shalt  }
0x6a: {  	_ =	shalt  }
0x6b: {  	_ =	shalt  }
0x6c: {  	_ =	shalt  }
0x6d: {  	_ =	shalt  }
0x6e: {  	_ =	shalt  }
0x6f: {  	_ =	shalt  }
0x70: {  	_ =	shalt  }
0x71: {  	_ =	shalt  }
0x72: {  	_ =	shalt  }
0x73: {  	_ =	shalt  }
0x74: {  	_ =	shalt  }
0x75: {  	_ =	shalt  }
0x76: {  	_ =	shalt  }
0x77: {  	_ =	shalt  }
0x78: {  	_ =	shalt  }
0x79: {  	_ =	shalt  }
0x7a: {  	_ =	shalt  }
0x7b: {  	_ =	shalt  }
0x7c: {  	_ =	shalt  }
0x7d: {  	_ =	shalt  }
0x7e: {  	_ =	shalt  }
0x7f: {  	_ =	shalt  }
0x80: {  	_ =	shalt  }
0x81: {  	_ =	shalt  }
0x82: {  	_ =	shalt  }
0x83: {  	_ =	shalt  }
0x84: {  	_ =	shalt  }
0x85: {  	_ =	shalt  }
0x86: {  	_ =	shalt  }
0x87: {  	_ =	shalt  }
.Lfunc_end0:
.L_simem_size_0:
called_computation.11_lowered:
.L_overlay_start_0:
0x88: {  	s2 =	sld [smem:$0x3FD9]  }
0x89: {  	s3 =	sld [smem:$0x3FFE];
	_ =	sdelay $0x1  }
0x8a: {  	s1 =	srdreg.scid  }
0x8b: {  	s0 =	sand.u32 $0x1, s1  }
0x8c: {  	s17 =	sshll.u32 s0, $0xA;
	s2 =	sadd.s32 s3, s2  }
0x8d: {  	s2 =	sadd.s32 s2, s17  }
0x8e: {  	[smem:$0x3FB4] =	sst s2  }
0x8f: {  	_ = 	snop  }
0x90: {  	(tm) =	ssettm $0x1  }
0x91: {  	s18 =	sld [smem:$0x3FFB];
	_ =	sdelay $0x3  }
0x92: {  	_ =	strace s18  }
0x93: {  	s2 =	sld [smem:$0x3FFC];
	_ =	sdelay $0x3  }
0x94: {  	_ =	strace s2  }
0x95: {  	s2 =	sld [smem:$0x3FFD];
	_ =	sdelay $0x3  }
0x96: {  	_ =	strace s2  }
0x97: {  	_ =	strace $0x8FFFFFFF  }
0x98: {  	s19 =	sld [smem:$0x3FDB];
	_ =	sdelay $0x1  }
0x99: {  	s20 =	simm.s32 $_scs_section_size  }
0x9a: {  	s4 =	simm.s32 $_size__tile_overlayer_lowered;
	s5 =	simm.s32 $_tile_overlayer_lowered  }
0x9b: {  	s6 =	simm.s32 $0x1BFF;
	s21 =	sshll.u32 s5, $0x1;
	s3 =	sadd.s32 s20, s19  }
0x9c: {  	s22 =	simm.s32 $0x0;
	s4 =	sshll.u32 s4, $0x1;
	s5 =	sadd.s32 s21, s3  }
0x9d: {  	[timem:s22], [sflag:s6] =	dma.local [hbm:s5], s4  }
0x9e: {  	_ =	swait.ge [sflag:s6], s4  }
0x9f: {  	s4 =	ssub.s32 $0x0, s4;
	[sflag:s6] =	ssyncset.done $0x0  }
0xa0: {  	[sflag:s6] =	ssyncadd.s32 s4;
	_ =	sdelay $0x1  }
0xa1: {  	s23 =	simm.s32 $0x1B8B  }
0xa2: {  	_ =	swait.ge [sflag:s23], $0x1  }
0xa3: {  	[sflag:s23] =	ssyncset.done $0x0  }
0xa4: {  	[sflag:s23] =	ssyncadd.s32 $0xFFFFFFFF  }
0xa5: {  	s4 =	sld [smem:$0x0]  }
0xa6: {  	s5 =	sand.u32 $0xFFFFFFFE, s1  }
0xa7: {  	p0 =	sne.s32 s1, s5  }
0xa8: {  	s5 =	sshll.u32 @p0 s5, $0xE  }
0xa9: {  	s5 =	sadd.s32 @p0 $0x11B8D, s5;
	s6 =	sshll.u32 @p0 s4, $0x11  }
0xaa: {  	s5 =	sor.u32 @p0 s6, s5  }
0xab: {  	[sflag:s5] =	ssyncadd.remote.s32 @p0 $0x1;
	_ =	sdelay $0x1  }
0xac: {  	s5 =	simm.s32 @p0 $0x1B8D  }
0xad: {  	_ =	swait.eq @p0 [sflag:s5], $0x1  }
0xae: {  	[sflag:s5] =	ssyncadd.s32 @p0 $0xFFFFFFFF  }
0xaf: {  	s6 =	sshll.u32 @!p0 s1, $0xE  }
0xb0: {  	s6 =	sor.u32 @!p0 $0x4000, s6;
	s5 =	simm.s32 @!p0 $0x1B8D  }
0xb1: {  	s4 =	sshll.u32 @!p0 s4, $0x11;
	s6 =	sadd.s32 @!p0 $0x11B8D, s6;
	_ =	swait.eq @!p0 [sflag:s5], $0x1  }
0xb2: {  	s4 =	sor.u32 @!p0 s4, s6;
	[sflag:s5] =	ssyncadd.s32 @!p0 $0xFFFFFFFF  }
0xb3: {  	s25 =	simm.s32 $0x1B8E;
	s24 =	sld [smem:$0x3FFE];
	[sflag:s4] =	ssyncadd.remote.s32 @!p0 $0x1  }
0xb4: {  	s26 =	simm.s32 $execute0_lowered;
	[smem:$0x3FD2] =	sst s25  }
0xb5: {  	s5 =	sshll.u32 s26, $0x1;
	_ =	strace $0x80000067;
	[dreg:$0x1] =	wrdreg $0xFFFFFFFF  }
0xb6: {  	s28 =	simm.s32 $_size_execute0_lowered;
	s3 =	sadd.s32 s3, s5;
	[dreg:$0x0] =	wrdreg $0x0  }
0xb7: {  	s5 =	sshll.u32 s28, $0x1;
	[dreg:$0x2] =	wrdreg s3  }
0xb8: {  	[dreg:$0x3] =	wrdreg s5  }
0xb9: {  	[dreg:$0x4] =	wrdreg $0xC0  }
0xba: {  	_ =	task [dreg:s22], $0x5FFFF  }
0xbb: {  	[dreg:$0x1] =	wrdreg $0xFFFFFFFF  }
0xbc: {  	[dreg:$0x0] =	wrdreg $0x60  }
0xbd: {  	[dreg:$0x2] =	wrdreg s24  }
0xbe: {  	[dreg:$0x3] =	wrdreg $0x40000  }
0xbf: {  	[dreg:$0x4] =	wrdreg $0xA  }
0xc0: {  	_ =	task.clear_ibuf [dreg:s22], $0x5FFFF;
	_ =	strace $0x90000067  }
0xc1: {  	s29 =	simm.s32 $0xA;
	_ =	strace $0x80000069  }
0xc2: {  	_ =	swait.ge [sflag:s29], $0x1  }
0xc3: {  	[sflag:s29] =	ssyncadd.s32 $0xFFFFFFFF  }
0xc4: {  	_ =	strace $0x90000069  }
0xc5: {  	_ =	sfence  }
0xc6: {  	s30 =	sld [smem:$0x0];
	_ =	sdelay $0x2  }
0xc7: {  	s31 =	sshll.u32 s1, $0xD;
	s1 =	sshrl.u32 s1, $0x2  }
0xc8: {  	s4 =	sand.u32 $0x4000, s31;
	s1 =	sadd.s32 s1, s30  }
0xc9: {  	s0 =	sor.u32 s4, s0;
	s1 =	sshll.u32 s1, $0x11  }
0xca: {  	s0 =	sor.u32 s1, s0  }
0xcb: {  	s0 =	sadd.s32 $0x8F2B, s0  }
0xcc: {  	[sflag:s0] =	ssyncadd.remote.s32 $0x1  }
0xcd: {  	_ =	sfence.sel $0xFFFF  }
0xce: {  	[dreg:$0x0] =	wrdreg $0xFFFFFFFF;
	(pc) =	sbr.abs _section_cstart, $3  }
0xcf: {  	[dreg:$0x1] =	wrdreg $0xFFFFFFFF  }
0xd0: {  	_ =	task.clear_ibuf [dreg:s22], $0x2FFFF;
	_ =	strace $0x9FFFFFFF  }
0xd1: {  	(tm) =	ssettm $0x7FFFFFFF  }
tec
execute0_lowered:
.L_overlay_start_1:
0x0: {  	(tag) =	ssettag $0x1  }
0x1: {  	s6 =	rddreg [dreg:$0x0]  }
0x2: {  	s2 =	rddreg [dreg:$0x1];
	s3 =	srdreg.scid  }
0x3: {  	s0 =	rddreg [dreg:$0x2];
	s1 =	stileid.u32  }
0x4: {  	s13 =	simm.s32 $0x80;
	s14 =	simm.s32 $0x1;
	s15 =	simm.s32 $0x1F80  }
0x5: {  	s16 =	simm.s32 $0x3000;
	s7 =	sand.u32 $0x1, s3;
	s3 =	simm.s32 $0x0  }
0x6: {  	s4 =	sshll.u32 s1, $0xA;
	s11 =	smul.u32 $0x4F00, s1;
	s12 =	sshll.u32 s1, $0x6  }
0x7: {  	s5 =	sshll.u32 s7, $0x9;
	[smem:$0x7FF] =	sst s3;
	s9 =	smul.u32 $0x9E00, s7  }
0x8: {  	s7 =	ssub.s32 $0x2, s7;
	s5 =	sor.u32 s5, s4;
	_ =	strace $0x80000068  }
0x9: {  	s4 =	sadd.s32 $0x2F600, s6;
	s10 =	sshrl.u32 s7, $0x1;
	s31 =	sadd.s32 s11, s2  }
0xa: {  	s18 =	sshrl.u32 s11, $0x3;
	s11 =	simm.s32 $0x2;
	s8 =	sadd.s32 s5, s6  }
0xb: {  	s5 =	sadd.s32 $0x6E00, s6;
	s9 =	sadd.s32 s9, s6;
	s10 =	ssub.s32 s7, s10  }
0xc: {  	s6 =	sor.u32 $0x1C02, s12;
	s12 =	simm.s32 $0x2000;
	s7 =	sadd.s32 $0x28DC00, s8  }
0xd: {  	s8 =	sadd.s32 $0x24BE00, s8;
	s17 =	sadd.s32 $0x24FE00, s9;
	s9 =	smax.u32 s10, $0x1  }
0xe: {  	s10 =	sshrl.u32 s31, $0x3;
	s17 =	sadd.s32 s18, s17;
	s18 =	simm.s32 $0x0  }
.LBB2_1:
0xf: {  	[spmem:s10], [sflag:s6] =	dma.local [hbm:s5], $0x9E0  }
0x10: {  	_ =	swait.ge [sflag:s11], $0x9E0  }
0x11: {  	[sflag:s11] =	ssyncset.done $0x0  }
0x12: {  	[sflag:s11] =	ssyncadd.s32 $0xFFFFF620  }
0x13: {  	[bflag:$0x0] =	sbarrier.arrive $0xFFFF  }
0x14: {  	[tilespmem:s3], [sflag:$0x2] =	stream.linear.gather [hbm4b:s7+s3], $0x1000, $0x38;
	[tilespmem:$0x8F00] =	vst v63  }
0x15: {  	_ =	swait.ge [sflag:s11], $0x1000  }
0x16: {  	[sflag:s11] =	ssyncset.done $0x0  }
0x17: {  	s19 =	simm.s32 $0x1000;
	[sflag:s11] =	ssyncadd.s32 $0xFFFFF000  }
0x18: {  	[tilespmem:s19], [sflag:$0x2] =	stream.linear.gather [hbm4b:s8+s3], $0x1000, $0x38;
	[tilespmem:$0x8F00] =	vst v63  }
0x19: {  	_ =	swait.ge [sflag:s11], $0x1000  }
0x1a: {  	s20 =	simm.s32 $0x1000;
	[sflag:s11] =	ssyncset.done $0x0  }
0x1b: {  	s21 =	sand.u32 $0x1000, s20;
	[sflag:s11] =	ssyncadd.s32 $0xFFFFF000  }
0x1c: {  	[tilespmem:s12], [sflag:$0x1] =	stream.indirect.gather [hbm4b:s4+s13], $0x20, s3, s13, $0xb8;
	[tilespmem:$0x8F00] =	vst v63  }
0x1d: {  	s21 =	sor.u32 $0x2000, s21  }
0x1e: {  	[tilespmem:s21], [sflag:$0x1] =	stream.indirect.gather [hbm4b:s4+s13], $0x20, s13, s13, $0xb8;
	[tilespmem:$0x8F00] =	vst v63  }
0x1f: {  	_ =	swait.ge [sflag:s14], $0x1000  }
0x20: {  	s31 =	sand.u32 $0x1000, s3;
	[sflag:s14] =	ssyncset.done $0x0  }
0x21: {  	s22 =	sor.u32 $0x2000, s31;
	s21 =	simm.s32 $0x80;
	[sflag:s14] =	ssyncadd.s32 $0xFFFFF000  }
.LBB2_2:
0x22: {  	[spmem:s2] =	stream.indirect.scatter.add.f32 [tilespmem:s22], [sflag:$0x2], $0x20, s19, s13, $0xb8;
	[tilespmem:$0x8F00] =	vst v63  }
0x23: {  	s22 =	smov.u32 s20  }
0x24: {  	p0 =	sne.s32 s20, $0x1E000;
	s20 =	sadd.s32 $0x1000, s20;
	_ =	swait.ge [sflag:s11], $0x1000  }
0x25: {  	s21 =	sadd.s32 $0x80, s21;
	s23 =	sand.u32 $0x1000, s20;
	[sflag:s11] =	ssyncset.done $0x0  }
.Ltmp0:
0x26: {  	s23 =	sor.u32 $0x2000, s23;
	[sflag:s11] =	ssyncadd.s32 $0xFFFFF000;
	(pc) =	sbr.rel @p0 .LBB2_2-.Ltmp0, $4  }
0x27: {  	[tilespmem:s23], [sflag:$0x1] =	stream.indirect.gather [hbm4b:s4+s13], $0x20, s21, s13, $0xb8;
	[tilespmem:$0x8F00] =	vst v63  }
0x28: {  	_ =	swait.ge [sflag:s14], $0x1000  }
0x29: {  	s22 =	sand.u32 $0x1000, s22;
	[sflag:s14] =	ssyncset.done $0x0  }
0x2a: {  	s19 =	sadd.s32 $0x80, s19;
	s22 =	sor.u32 $0x2000, s22;
	[sflag:s14] =	ssyncadd.s32 $0xFFFFF000  }
0x2b: {  	[spmem:s2] =	stream.indirect.scatter.add.f32 [tilespmem:s22], [sflag:$0x2], $0x20, s19, s13, $0xb8;
	[tilespmem:$0x8F00] =	vst v63  }
0x2c: {  	_ =	swait.ge [sflag:s11], $0x1000  }
0x2d: {  	[sflag:s11] =	ssyncset.done $0x0  }
0x2e: {  	[sflag:s11] =	ssyncadd.s32 $0xFFFFF000  }
0x2f: {  	_ =	swait.ge [sflag:s14], $0x1000  }
0x30: {  	[sflag:s14] =	ssyncset.done $0x0  }
0x31: {  	[sflag:s14] =	ssyncadd.s32 $0xFFFFF000  }
0x32: {  	[spmem:s2] =	stream.indirect.scatter.add.f32 [tilespmem:s16], [sflag:$0x2], $0x20, s15, s13, $0xb8;
	[tilespmem:$0x8F00] =	vst v63  }
0x33: {  	_ =	swait.ge [sflag:s11], $0x1000  }
0x34: {  	s18 =	sadd.s32 $0x1, s18;
	[sflag:s11] =	ssyncset.done $0x0  }
0x35: {  	p0 =	sne.s32 s18, s9;
	[sflag:s11] =	ssyncadd.s32 $0xFFFFF000  }
.Ltmp1:
0x36: {  	[bflag:$0x0] =	sbarrier.arrive $0xFFFF;
	(pc) =	sbr.rel @p0 .LBB2_1-.Ltmp1, $4  }
0x37: {  	[hbm:s17], [sflag:s6] =	dma.local [spmem:s10], $0x9E0  }
0x38: {  	_ =	swait.ge [sflag:s11], $0x9E0  }
0x39: {  	[sflag:s11] =	ssyncset.done $0x0  }
0x3a: {  	[sflag:s11] =	ssyncadd.s32 $0xFFFFF620  }
0x3b: {  	_ =	sfence.sel $0x180000  }
0x3c: {  	[bflag:$0x0] =	sbarrier.arrive $0xFFFF  }
0x3d: {  	p0 =	sne.s32 s1, $0x0;
	_ =	strace $0x90000068  }
0x3e: {  	s0 =	sadd.s32 @!p0 $0x100000, s0;
	[bflag:$0x2] =	sbarrier.arrive $0xFFFF  }
0x3f: {  	[sflag:s0] =	ssyncadd.tile.s32 @!p0 $0x1;
	_ =	shalt  }
.Lfunc_end2:
_tile_overlayer_lowered:
.L_overlay_start_2:
0x40: {  	(tag) =	ssettag $0x2  }
0x41: {  	s0 =	rddreg [dreg:$0x0];
	s2 =	stileid.u32  }
0x42: {  	s1 =	rddreg [dreg:$0x1];
	p0 =	sne.s32 s2, $0x0  }
0x43: {  	s3 =	rddreg [dreg:$0x2];
	[bflag:$0x3] =	sbarrier.arrive $0xFFFF;
	s2 =	simm.s32 @!p0 $0x1C02  }
0x44: {  	[timem:s3], [sflag:s2] =	dma.local @!p0 [hbm:s0], s1  }
0x45: {  	s0 =	simm.s32 @!p0 $0x2  }
0x46: {  	_ =	swait.ge @!p0 [sflag:s0], s1  }
0x47: {  	s1 =	ssub.s32 @!p0 $0x0, s1;
	[sflag:s0] =	ssyncset.done @!p0 $0x0  }
0x48: {  	[sflag:s0] =	ssyncadd.s32 @!p0 s1  }
0x49: {  	[bflag:$0x3] =	sbarrier.arrive $0xFFFF  }
0x4a: {  	_ =	shalt  }

</sc_bundles>
